<compile_context>
chip_gen: v7x
topology: tpu7x:2x2x1
jax: 0.10.2.dev20260603
libtpu: 0.0.44.dev20260713+nightly
codegen_flags: <defaults>
</compile_context>

<pallas_src>
import functools
import jax
import jax.numpy as jnp
from jax import lax
from jax.experimental import pallas as pl
from jax.experimental.pallas import tpu as pltpu
from jax.experimental.pallas import tpu_sc as plsc

N_USER = 10000
N_ITEM = 10000
NN = N_USER + N_ITEM
E = 320000
D = 128

NC = 2
NS = 16
L = 16

CHUNK = 128
SUP = 16
ACC_PAD = 10240
DEG_PAD = 20480

def _sc_kernel(out_type, scratch_types, **kw):
    def deco(f):
        @functools.lru_cache(maxsize=None)
        def build():
            mesh = plsc.VectorSubcoreMesh(core_axis_name="c", subcore_axis_name="s")
            return pl.kernel(f, out_type=out_type, mesh=mesh,
                             scratch_types=scratch_types, **kw)

        @functools.wraps(f)
        def call(*args):
            return build()(*args)

        return call
    return deco


def _wid():
    return lax.axis_index("s"), lax.axis_index("c")


EPT_DEG = 655360 // NS
RPT_DEG = EPT_DEG // CHUNK


@_sc_kernel(
    out_type=jax.ShapeDtypeStruct((2, DEG_PAD), jnp.float32),
    scratch_types=[
        pltpu.VMEM_SHARED((DEG_PAD,), jnp.float32),
        pltpu.VMEM((2, SUP, CHUNK), jnp.int32),
        pltpu.VMEM((CHUNK,), jnp.float32),
        pltpu.VMEM((1280,), jnp.float32),
        pltpu.SemaphoreType.DMA,
        pltpu.SemaphoreType.DMA,
    ],
)
def _k1_degrees(idx_hbm, out_hbm, acc, idxb, ones_v, zbuf, sem, sem_i):
    s, c = _wid()

    def fill1(i, _):
        ones_v[pl.ds(i * L, L)] = jnp.ones((L,), jnp.float32)
        return 0

    lax.fori_loop(0, CHUNK // L, fill1, 0)

    def fillz(i, _):
        zbuf[pl.ds(i * L, L)] = jnp.zeros((L,), jnp.float32)
        return 0

    lax.fori_loop(0, 1280 // L, fillz, 0)

    pltpu.sync_copy(zbuf, acc.at[pl.ds(s * 1280, 1280)])
    plsc.subcore_barrier()

    nsup = RPT_DEG // SUP
    pltpu.sync_copy(idx_hbm.at[c, pl.ds(s * RPT_DEG, SUP), :], idxb.at[0])

    def sup_body(g, _):
        slot = lax.rem(g, 2)
        nxt = jnp.minimum(g + 1, nsup - 1)
        pf = pltpu.async_copy(idx_hbm.at[c, pl.ds(s * RPT_DEG + nxt * SUP, SUP), :],
                              idxb.at[1 - slot], sem_i)
        cps = []
        for j in range(SUP):
            cps.append(pltpu.async_copy(ones_v, acc.at[idxb.at[slot, j]],
                                        sem, add=True))
        for cp in cps:
            cp.wait()
        pf.wait()
        return 0

    lax.fori_loop(0, nsup, sup_body, 0)
    plsc.subcore_barrier()

    pltpu.sync_copy(acc.at[pl.ds(s * 1280, 1280)], zbuf)
    pltpu.sync_copy(zbuf, out_hbm.at[c, pl.ds(s * 1280, 1280)])


EPT_SPMM = 327680 // NS
RPT_SPMM = EPT_SPMM // CHUNK


@_sc_kernel(
    out_type=jax.ShapeDtypeStruct((NN, D), jnp.float32),
    scratch_types=[
        pltpu.VMEM_SHARED((ACC_PAD, D), jnp.float32),
        pltpu.VMEM((2, 8, CHUNK), jnp.int32),
        pltpu.VMEM((2, 8, CHUNK), jnp.int32),
        pltpu.VMEM((2, CHUNK, D), jnp.float32),
        pltpu.SemaphoreType.DMA,
        pltpu.SemaphoreType.DMA,
        pltpu.SemaphoreType.DMA,
    ],
)
def _k2_spmm(table_hbm, sidx_hbm, didx_hbm, zz_hbm, out_hbm,
             acc, sidxb, didxb, rows, sem_g, sem_s, sem_i):
    s, c = _wid()
    NB = 2

    pltpu.sync_copy(zz_hbm, rows.at[0])
    for k in range(ACC_PAD // NS // CHUNK):
        pltpu.sync_copy(rows.at[0], acc.at[pl.ds(s * (ACC_PAD // NS) + k * CHUNK, CHUNK), :])
    plsc.subcore_barrier()

    SUPK = 8
    nsup = RPT_SPMM // SUPK

    pltpu.sync_copy(sidx_hbm.at[c, pl.ds(s * RPT_SPMM, SUPK), :], sidxb.at[0])
    pltpu.sync_copy(didx_hbm.at[c, pl.ds(s * RPT_SPMM, SUPK), :], didxb.at[0])

    def sup_body(g, _):
        slot = lax.rem(g, 2)
        nxt = jnp.minimum(g + 1, nsup - 1)
        r1 = s * RPT_SPMM + nxt * SUPK
        pfs = pltpu.async_copy(sidx_hbm.at[c, pl.ds(r1, SUPK), :],
                               sidxb.at[1 - slot], sem_i)
        pfd = pltpu.async_copy(didx_hbm.at[c, pl.ds(r1, SUPK), :],
                               didxb.at[1 - slot], sem_i)

        LAG = 1
        gd = [None] * SUPK
        sd = [None] * SUPK
        for t in range(SUPK + LAG):
            if t < SUPK:
                if t >= NB:
                    sd[t - NB].wait()
                gd[t] = pltpu.async_copy(table_hbm.at[sidxb.at[slot, t]],
                                         rows.at[t % NB], sem_g)
            if t >= LAG and t - LAG < SUPK:
                j = t - LAG
                gd[j].wait()
                sd[j] = pltpu.async_copy(rows.at[j % NB],
                                         acc.at[didxb.at[slot, j]],
                                         sem_s, add=True)
        for j in range(SUPK - NB, SUPK):
            sd[j].wait()
        pfs.wait()
        pfd.wait()
        return 0

    lax.fori_loop(0, nsup, sup_body, 0)
    plsc.subcore_barrier()

    for k in range(5):
        r = (s + NS * k) * CHUNK

        @pl.when(r < 9984)
        def _():
            pltpu.sync_copy(acc.at[pl.ds(r, CHUNK), :], rows.at[0])
            pltpu.sync_copy(rows.at[0], out_hbm.at[pl.ds(c * N_USER + r, CHUNK), :])

    @pl.when(s == 15)
    def _():
        pltpu.sync_copy(acc.at[pl.ds(9984, 16), :], rows.at[1, pl.ds(0, 16), :])
        pltpu.sync_copy(rows.at[1, pl.ds(0, 16), :],
                        out_hbm.at[pl.ds(c * N_USER + 9984, 16), :])


@_sc_kernel(
    out_type=jax.ShapeDtypeStruct((NN,), jnp.float32),
    scratch_types=[
        pltpu.VMEM_SHARED((ACC_PAD,), jnp.float32),
        pltpu.VMEM((RPT_SPMM, CHUNK), jnp.int32),
        pltpu.VMEM((RPT_SPMM, CHUNK), jnp.int32),
        pltpu.VMEM((2, 8, CHUNK), jnp.float32),
        pltpu.VMEM((2000,), jnp.float32),
        pltpu.VMEM((2000,), jnp.float32),
        pltpu.VMEM((2000,), jnp.float32),
        pltpu.SemaphoreType.DMA,
        pltpu.SemaphoreType.DMA,
    ],
)
def _k3_scalar_spmm(nt_hbm, sidx_hbm, didx_hbm, self_hbm, invd_hbm, out_hbm,
                    acc, sidxv, didxv, vals, segb, selfb, invb, sem_g, sem_s):
    s, c = _wid()

    def fillz(i, _):
        segb[pl.ds(i * L, L)] = jnp.zeros((L,), jnp.float32)
        return 0

    lax.fori_loop(0, 2000 // L, fillz, 0)
    pltpu.sync_copy(segb.at[pl.ds(0, 640)], acc.at[pl.ds(s * 640, 640)])
    pltpu.sync_copy(sidx_hbm.at[c, pl.ds(s * RPT_SPMM, RPT_SPMM), :], sidxv)
    pltpu.sync_copy(didx_hbm.at[c, pl.ds(s * RPT_SPMM, RPT_SPMM), :], didxv)
    plsc.subcore_barrier()

    SUPK = 8
    nsup = RPT_SPMM // SUPK

    def gfire(g, slot):
        return [pltpu.async_copy(nt_hbm.at[sidxv.at[g * SUPK + j]],
                                 vals.at[slot, j], sem_g)
                for j in range(SUPK)]

    def sfire(g, slot):
        return [pltpu.async_copy(vals.at[slot, j], acc.at[didxv.at[g * SUPK + j]],
                                 sem_s, add=True)
                for j in range(SUPK)]

    def sup_body(m, _):
        ga = gfire(2 * m, 0)
        for d in ga:
            d.wait()
        sa = sfire(2 * m, 0)
        gb = gfire(2 * m + 1, 1)
        for d in sa:
            d.wait()
        for d in gb:
            d.wait()
        sb = sfire(2 * m + 1, 1)
        for d in sb:
            d.wait()
        return 0

    lax.fori_loop(0, nsup // 2, sup_body, 0)
    plsc.subcore_barrier()

    @pl.when(s < 5)
    def _():
        base = c * N_USER + s * 2000
        pltpu.sync_copy(acc.at[pl.ds(s * 2000, 2000)], segb)
        pltpu.sync_copy(self_hbm.at[pl.ds(base, 2000)], selfb)
        pltpu.sync_copy(invd_hbm.at[pl.ds(base, 2000)], invb)

        def fuse(i, _):
            ii = pl.ds(i * L, L)
            segb[ii] = selfb[ii] + segb[ii] * invb[ii]
            return 0

        lax.fori_loop(0, 2000 // L, fuse, 0)
        pltpu.sync_copy(segb, out_hbm.at[pl.ds(base, 2000)])


EPT_PRED = E // (NC * NS)


@_sc_kernel(
    out_type=jax.ShapeDtypeStruct((E,), jnp.float32),
    scratch_types=[
        pltpu.VMEM((NN,), jnp.float32),
        pltpu.VMEM((EPT_PRED,), jnp.int32),
        pltpu.VMEM((EPT_PRED,), jnp.int32),
        pltpu.VMEM((EPT_PRED,), jnp.float32),
    ],
    compiler_params=pltpu.CompilerParams(needs_layout_passes=False),
)
def _k4_score(stab_hbm, src_hbm, dst_hbm, out_hbm, stab_v, sidx_v, didx_v, out_v):
    s, c = _wid()
    wid = s * NC + c
    base = wid * EPT_PRED
    pltpu.sync_copy(stab_hbm, stab_v)
    pltpu.sync_copy(src_hbm.at[pl.ds(base, EPT_PRED)], sidx_v)
    pltpu.sync_copy(dst_hbm.at[pl.ds(base, EPT_PRED)], didx_v)

    def body(i, _):
        ii = pl.ds(i * L, L)
        a = plsc.load_gather(stab_v, [sidx_v[ii]])
        b = plsc.load_gather(stab_v, [didx_v[ii] + N_USER])
        g = a + b
        out_v[ii] = 1.0 / (1.0 + jnp.exp(-g))
        return 0

    lax.fori_loop(0, EPT_PRED // L, body, 0)
    pltpu.sync_copy(out_v, out_hbm.at[pl.ds(base, EPT_PRED)])


TC_B = 2000


def _tc1_body(ufeat_ref, ifeat_ref, deg_ref, wu_ref, wi_ref, out_ref):
    pid = pl.program_id(0)
    is_user = pid < (N_USER // TC_B)
    rs = lax.rsqrt(jnp.maximum(deg_ref[...], 1.0))
    x = jnp.where(is_user, ufeat_ref[...], ifeat_ref[...]) * rs
    w = jnp.where(is_user, wu_ref[...], wi_ref[...])
    out_ref[...] = jnp.dot(x, w, preferred_element_type=jnp.float32)


def _tc1(user_feat, item_feat, dego2d, W1c, W1cb):
    grid = NN // TC_B
    nu = N_USER // TC_B
    return pl.pallas_call(
        _tc1_body,
        grid=(grid,),
        in_specs=[
            pl.BlockSpec((TC_B, D), lambda i: (jnp.minimum(i, nu - 1), 0)),
            pl.BlockSpec((TC_B, D), lambda i: (jnp.maximum(i - nu, 0), 0)),
            pl.BlockSpec((TC_B, 1), lambda i: (i, 0)),
            pl.BlockSpec((D, D), lambda i: (0, 0)),
            pl.BlockSpec((D, D), lambda i: (0, 0)),
        ],
        out_specs=pl.BlockSpec((TC_B, D), lambda i: (i, 0)),
        out_shape=jax.ShapeDtypeStruct((NN, D), jnp.float32),
    )(user_feat, item_feat, dego2d, W1c, W1cb)


def _tc2_body(agg_ref, din_ref, b1c_ref, b1cb_ref, ws2c_ref, wn2c_ref,
              ws2cb_ref, wn2cb_ref, b2c_ref, b2cb_ref, wm_ref, bm_ref,
              nt_ref, self_ref, invd_ref):
    pid = pl.program_id(0)
    is_user = pid < 5
    d = jnp.maximum(din_ref[...], 1.0)
    bias = jnp.where(is_user, b1cb_ref[...], b1c_ref[...])
    h = jax.nn.relu(agg_ref[...] * lax.rsqrt(d) + bias)
    wmu = wm_ref[0:D, :]
    wmv = wm_ref[D:2 * D, :]
    wn = jnp.where(is_user,
                   jnp.dot(wn2c_ref[...], wmv, preferred_element_type=jnp.float32),
                   jnp.dot(wn2cb_ref[...], wmu, preferred_element_type=jnp.float32))
    ws = jnp.where(is_user,
                   jnp.dot(ws2cb_ref[...], wmu, preferred_element_type=jnp.float32),
                   jnp.dot(ws2c_ref[...], wmv, preferred_element_type=jnp.float32))
    cc = jnp.where(is_user,
                   jnp.dot(b2cb_ref[...], wmu, preferred_element_type=jnp.float32),
                   jnp.dot(b2c_ref[...], wmv, preferred_element_type=jnp.float32)
                   + bm_ref[...])
    nt_ref[...] = jnp.dot(h, wn, preferred_element_type=jnp.float32)
    self_ref[...] = jnp.dot(h, ws, preferred_element_type=jnp.float32) + cc
    invd_ref[...] = 1.0 / d


def _tc2(agg1, din2d, b1c, b1cb, Ws2c, Wn2c, Ws2cb, Wn2cb, b2c, b2cb, Wm, bm):
    grid = NN // TC_B
    full = lambda i: (0, 0)
    return pl.pallas_call(
        _tc2_body,
        grid=(grid,),
        in_specs=[
            pl.BlockSpec((TC_B, D), lambda i: (i, 0)),
            pl.BlockSpec((TC_B, 1), lambda i: (i, 0)),
            pl.BlockSpec((1, D), full),
            pl.BlockSpec((1, D), full),
            pl.BlockSpec((D, D), full),
            pl.BlockSpec((D, D), full),
            pl.BlockSpec((D, D), full),
            pl.BlockSpec((D, D), full),
            pl.BlockSpec((1, D), full),
            pl.BlockSpec((1, D), full),
            pl.BlockSpec((2 * D, 1), full),
            pl.BlockSpec((1, 1), full),
        ],
        out_specs=[
            pl.BlockSpec((TC_B, 1), lambda i: (i, 0)),
            pl.BlockSpec((TC_B, 1), lambda i: (i, 0)),
            pl.BlockSpec((TC_B, 1), lambda i: (i, 0)),
        ],
        out_shape=[
            jax.ShapeDtypeStruct((NN, 1), jnp.float32),
            jax.ShapeDtypeStruct((NN, 1), jnp.float32),
            jax.ShapeDtypeStruct((NN, 1), jnp.float32),
        ],
    )(agg1, din2d, b1c, b1cb, Ws2c, Wn2c, Ws2cb, Wn2cb, b2c, b2cb, Wm, bm)


def kernel(user_feat, item_feat, click_src, click_dst, cb_src, cb_dst,
           W1c, b1c, W1cb, b1cb, Ws2c, Wn2c, b2c, Ws2cb, Wn2cb, b2cb, Wm, bm):
    i32 = jnp.int32
    click_src = click_src.astype(i32)
    click_dst = click_dst.astype(i32)
    cb_src = cb_src.astype(i32)
    cb_dst = cb_dst.astype(i32)

    npad_deg = NS * EPT_DEG - 2 * E
    padd = (jnp.arange(npad_deg, dtype=i32) % 480) + NN
    deg_idx = jnp.stack([
        jnp.concatenate([click_src, cb_dst + N_USER, padd]),
        jnp.concatenate([click_dst, cb_src + N_USER, padd]),
    ]).reshape(2, NS * RPT_DEG, CHUNK)

    npad = NS * EPT_SPMM - E
    pad_src = jnp.arange(npad, dtype=i32) % N_USER
    pad_dst = (jnp.arange(npad, dtype=i32) % 240) + N_USER
    src_idx = jnp.stack([
        jnp.concatenate([cb_src + N_USER, pad_src + N_USER]),
        jnp.concatenate([click_src, pad_src]),
    ]).reshape(2, NS * RPT_SPMM, CHUNK)
    dst_idx = jnp.stack([
        jnp.concatenate([cb_dst, pad_dst]),
        jnp.concatenate([click_dst, pad_dst]),
    ]).reshape(2, NS * RPT_SPMM, CHUNK)

    degs = _k1_degrees(deg_idx)
    dego2d = jnp.concatenate([degs[0, :N_USER], degs[1, N_USER:NN]]).reshape(NN, 1)
    din2d = jnp.concatenate([degs[0, N_USER:NN], degs[1, :N_USER]]).reshape(NN, 1)

    table1 = _tc1(user_feat, item_feat, dego2d, W1c, W1cb)
    zz = jnp.zeros((CHUNK, D), jnp.float32)
    agg1 = _k2_spmm(table1, src_idx, dst_idx, zz)

    nt2d, self2d, invd2d = _tc2(agg1, din2d,
                                b1c.reshape(1, D), b1cb.reshape(1, D),
                                Ws2c, Wn2c, Ws2cb, Wn2cb,
                                b2c.reshape(1, D), b2cb.reshape(1, D),
                                Wm, bm.reshape(1, 1))

    stab = _k3_scalar_spmm(nt2d.reshape(NN), src_idx, dst_idx,
                           self2d.reshape(NN), invd2d.reshape(NN))

    score = _k4_score(stab, click_src, click_dst)
    return score.reshape(E, 1)

# --- scband reference (transcript-rebuilt; emitter-appended) ---
"""Pipeline reference for scband-model-26886495273163 (READ-ONLY COPY).

The authoritative reference and input builder live on the scoring server;
editing this copy changes nothing except your own understanding.
"""

import jax, jax.numpy as jnp
import numpy as np

N_USER = 10000
N_ITEM = 10000
E = 320000
D_IN = 128
D_HID = 128
D_OUT = 1


def graph_conv(h_src, src, dst, n_dst, W, b):
    # DGL GraphConv with norm='both' on a bipartite relation
    n_src = h_src.shape[0]
    deg_out = jnp.clip(jnp.bincount(src, length=n_src), 1).astype(h_src.dtype)
    deg_in = jnp.clip(jnp.bincount(dst, length=n_dst), 1).astype(h_src.dtype)
    x = h_src * (deg_out[:, None] ** -0.5)
    x = x @ W
    agg = jax.ops.segment_sum(x[src], dst, num_segments=n_dst)
    return agg * (deg_in[:, None] ** -0.5) + b


def sage_conv(h_src, h_dst, src, dst, W_self, W_neigh, b):
    # DGL SAGEConv, aggregator_type='mean', bipartite relation
    n_dst = h_dst.shape[0]
    deg_in = jnp.clip(jnp.bincount(dst, length=n_dst), 1).astype(h_src.dtype)
    m = jax.ops.segment_sum(h_src[src], dst, num_segments=n_dst) / deg_in[:, None]
    return h_dst @ W_self + m @ W_neigh + b


def setup_inputs(seed: int = 0) -> dict:
    key = jax.random.key(seed)
    ks = jax.random.split(key, 20)
    inp = {}
    inp['user_feat'] = jax.random.normal(ks[0], (N_USER, D_IN), dtype=jnp.float32)
    inp['item_feat'] = jax.random.normal(ks[1], (N_ITEM, D_IN), dtype=jnp.float32)
    inp['click_src'] = jax.random.randint(ks[2], (E,), 0, N_USER)
    inp['click_dst'] = jax.random.randint(ks[3], (E,), 0, N_ITEM)
    inp['cb_src'] = jax.random.randint(ks[4], (E,), 0, N_ITEM)
    inp['cb_dst'] = jax.random.randint(ks[5], (E,), 0, N_USER)
    s1 = 1.0 / np.sqrt(D_IN)
    s2 = 1.0 / np.sqrt(D_HID)
    s3 = 1.0 / np.sqrt(2 * D_HID)
    inp['W1c'] = jax.random.uniform(ks[6], (D_IN, D_HID), minval=-s1, maxval=s1, dtype=jnp.float32)
    inp['b1c'] = jnp.zeros((D_HID,), dtype=jnp.float32)
    inp['W1cb'] = jax.random.uniform(ks[7], (D_IN, D_HID), minval=-s1, maxval=s1, dtype=jnp.float32)
    inp['b1cb'] = jnp.zeros((D_HID,), dtype=jnp.float32)
    inp['Ws2c'] = jax.random.uniform(ks[8], (D_HID, D_HID), minval=-s2, maxval=s2, dtype=jnp.float32)
    inp['Wn2c'] = jax.random.uniform(ks[9], (D_HID, D_HID), minval=-s2, maxval=s2, dtype=jnp.float32)
    inp['b2c'] = jnp.zeros((D_HID,), dtype=jnp.float32)
    inp['Ws2cb'] = jax.random.uniform(ks[10], (D_HID, D_HID), minval=-s2, maxval=s2, dtype=jnp.float32)
    inp['Wn2cb'] = jax.random.uniform(ks[11], (D_HID, D_HID), minval=-s2, maxval=s2, dtype=jnp.float32)
    inp['b2cb'] = jnp.zeros((D_HID,), dtype=jnp.float32)
    inp['Wm'] = jax.random.uniform(ks[12], (2 * D_HID, D_OUT), minval=-s3, maxval=s3, dtype=jnp.float32)
    inp['bm'] = jnp.zeros((D_OUT,), dtype=jnp.float32)
    return inp


def reference(user_feat, item_feat, click_src, click_dst, cb_src, cb_dst,
              W1c, b1c, W1cb, b1cb, Ws2c, Wn2c, b2c, Ws2cb, Wn2cb, b2cb, Wm, bm):
    # conv1: HeteroGraphConv(GraphConv) with sum aggregate
    h_item = graph_conv(user_feat, click_src, click_dst, N_ITEM, W1c, b1c)
    h_user = graph_conv(item_feat, cb_src, cb_dst, N_USER, W1cb, b1cb)
    h_item = jax.nn.relu(h_item)
    h_user = jax.nn.relu(h_user)
    # conv2: HeteroGraphConv(SAGEConv mean)
    h_item2 = sage_conv(h_user, h_item, click_src, click_dst, Ws2c, Wn2c, b2c)
    h_user2 = sage_conv(h_item, h_user, cb_src, cb_dst, Ws2cb, Wn2cb, b2cb)
    # MLPPredictor on etype='click' edges: score = W([h_u ; h_v])
    h_u = h_user2[click_src]
    h_v = h_item2[click_dst]
    score = jnp.concatenate([h_u, h_v], axis=1) @ Wm + bm
    return jax.nn.sigmoid(score)

if __name__ == "__main__":
    import jax
    _d = setup_inputs()
    print(jax.jit(kernel)(*tuple(_d.values())))

</pallas_src>

<mosaic_0001>
#map = affine_map<(d0, d1) -> (0, 0)>
#map1 = affine_map<(d0, d1) -> (0, 0, 0)>
module attributes {stable_mosaic.version = 14 : i64} {
  func.func @_k2_spmm(%arg0: i32, %arg1: i32, %arg2: memref<20000x128xf32, #tpu.memory_space<hbm>>, %arg3: memref<2x2560x128xi32, #tpu.memory_space<hbm>>, %arg4: memref<2x2560x128xi32, #tpu.memory_space<hbm>>, %arg5: memref<128x128xf32, #tpu.memory_space<hbm>>, %arg6: memref<20000x128xf32, #tpu.memory_space<hbm>>, %arg7: memref<10240x128xf32, #tpu.memory_space<vmem_shared>>, %arg8: memref<2x8x128xi32, #tpu.memory_space<vmem>>, %arg9: memref<2x8x128xi32, #tpu.memory_space<vmem>>, %arg10: memref<2x128x128xf32, #tpu.memory_space<vmem>>, %arg11: memref<!tpu.dma_semaphore, #tpu.memory_space<semaphore_mem>>, %arg12: memref<!tpu.dma_semaphore, #tpu.memory_space<semaphore_mem>>, %arg13: memref<!tpu.dma_semaphore, #tpu.memory_space<semaphore_mem>>) attributes {dimension_semantics = [#tpu.dimension_semantics<core_parallel>, #tpu.dimension_semantics<subcore_parallel>], iteration_bounds = array<i64: 2, 16>, scalar_prefetch = 0 : i64, scratch_operands = 7 : i64, tpu.core_type = #tpu.core_type<sc_vector_subcore>, window_params = [{transform_indices = #map}, {transform_indices = #map1}, {transform_indices = #map1}, {transform_indices = #map}, {transform_indices = #map}]} {
    %run_scoped3A = arith.constant 0 : i32
    "tpu.region"() ({
      %run_scoped3A_82 = tpu.sem_alloc : memref<!tpu.dma_semaphore, #tpu.memory_space<semaphore_mem>>
      %dma_start3A = arith.constant 0 : i32
      %dma_start3A_83 = arith.constant 0 : i32
      %dma_start3A_84 = tpu.memref_slice %arg10[%run_scoped3A, %dma_start3A, %dma_start3A_83] : memref<2x128x128xf32, #tpu.memory_space<vmem>> -> memref<1x128x128xf32, #tpu.memory_space<vmem>>
      %dma_start3A_85 = tpu.memref_squeeze %dma_start3A_84 : memref<1x128x128xf32, #tpu.memory_space<vmem>> -> memref<128x128xf32, #tpu.memory_space<vmem>>
      %dma_start3A_86 = arith.constant 0 : i32
      %dma_start3A_87 = arith.constant 0 : i32
      %dma_start3A_88 = tpu.memref_slice %arg10[%run_scoped3A, %dma_start3A_86, %dma_start3A_87] : memref<2x128x128xf32, #tpu.memory_space<vmem>> -> memref<1x128x128xf32, #tpu.memory_space<vmem>>
      %dma_start3A_89 = tpu.memref_squeeze %dma_start3A_88 : memref<1x128x128xf32, #tpu.memory_space<vmem>> -> memref<128x128xf32, #tpu.memory_space<vmem>>
      tpu.enqueue_dma source(%arg5 : memref<128x128xf32, #tpu.memory_space<hbm>>) target(%dma_start3A_89 : memref<128x128xf32, #tpu.memory_space<vmem>>) target_semaphore(%run_scoped3A_82 : memref<!tpu.dma_semaphore, #tpu.memory_space<semaphore_mem>>)
      %dma_wait3A = arith.constant 0 : i32
      %dma_wait3A_90 = arith.constant 0 : i32
      %dma_wait3A_91 = tpu.memref_slice %arg10[%run_scoped3A, %dma_wait3A, %dma_wait3A_90] : memref<2x128x128xf32, #tpu.memory_space<vmem>> -> memref<1x128x128xf32, #tpu.memory_space<vmem>>
      %dma_wait3A_92 = tpu.memref_squeeze %dma_wait3A_91 : memref<1x128x128xf32, #tpu.memory_space<vmem>> -> memref<128x128xf32, #tpu.memory_space<vmem>>
      %dma_wait3A_93 = arith.constant 0 : i32
      %dma_wait3A_94 = arith.constant 0 : i32
      %dma_wait3A_95 = tpu.memref_slice %arg10[%run_scoped3A, %dma_wait3A_93, %dma_wait3A_94] : memref<2x128x128xf32, #tpu.memory_space<vmem>> -> memref<1x128x128xf32, #tpu.memory_space<vmem>>
      %dma_wait3A_96 = tpu.memref_squeeze %dma_wait3A_95 : memref<1x128x128xf32, #tpu.memory_space<vmem>> -> memref<128x128xf32, #tpu.memory_space<vmem>>
      tpu.wait_dma2 semaphore(%run_scoped3A_82 : memref<!tpu.dma_semaphore, #tpu.memory_space<semaphore_mem>>) src(%arg5 : memref<128x128xf32, #tpu.memory_space<hbm>>) dst(%dma_wait3A_96 : memref<128x128xf32, #tpu.memory_space<vmem>>)
      tpu.yield
    }) : () -> ()
    %mul3A = arith.constant 640 : i32
    %mul3A_0 = arith.muli %arg1, %mul3A : i32
    %add3A = arith.constant 0 : i32
    %add3A_1 = arith.addi %mul3A_0, %add3A : i32
    %run_scoped3A_2 = arith.constant 0 : i32
    "tpu.region"() ({
      %run_scoped3A_82 = tpu.sem_alloc : memref<!tpu.dma_semaphore, #tpu.memory_space<semaphore_mem>>
      %dma_start3A = arith.constant 0 : i32
      %dma_start3A_83 = arith.constant 0 : i32
      %dma_start3A_84 = tpu.memref_slice %arg10[%run_scoped3A_2, %dma_start3A, %dma_start3A_83] : memref<2x128x128xf32, #tpu.memory_space<vmem>> -> memref<1x128x128xf32, #tpu.memory_space<vmem>>
      %dma_start3A_85 = tpu.memref_squeeze %dma_start3A_84 : memref<1x128x128xf32, #tpu.memory_space<vmem>> -> memref<128x128xf32, #tpu.memory_space<vmem>>
      %dma_start3A_86 = arith.constant 0 : i32
      %dma_start3A_87 = tpu.memref_slice %arg7[%add3A_1, %dma_start3A_86] : memref<10240x128xf32, #tpu.memory_space<vmem_shared>> -> memref<128x128xf32, #tpu.memory_space<vmem_shared>>
      %dma_start3A_88 = arith.constant 0 : i32
      %dma_start3A_89 = tpu.memref_slice %arg7[%add3A_1, %dma_start3A_88] : memref<10240x128xf32, #tpu.memory_space<vmem_shared>> -> memref<128x128xf32, #tpu.memory_space<vmem_shared>>
      %dma_start3A_90 = arith.constant 0 : i32
      %dma_start3A_91 = arith.constant 0 : i32
      %dma_start3A_92 = tpu.memref_slice %arg10[%run_scoped3A_2, %dma_start3A_90, %dma_start3A_91] : memref<2x128x128xf32, #tpu.memory_space<vmem>> -> memref<1x128x128xf32, #tpu.memory_space<vmem>>
      %dma_start3A_93 = tpu.memref_squeeze %dma_start3A_92 : memref<1x128x128xf32, #tpu.memory_space<vmem>> -> memref<128x128xf32, #tpu.memory_space<vmem>>
      tpu.enqueue_dma source(%dma_start3A_93 : memref<128x128xf32, #tpu.memory_space<vmem>>) target(%dma_start3A_89 : memref<128x128xf32, #tpu.memory_space<vmem_shared>>) target_semaphore(%run_scoped3A_82 : memref<!tpu.dma_semaphore, #tpu.memory_space<semaphore_mem>>)
      %dma_wait3A = arith.constant 0 : i32
      %dma_wait3A_94 = arith.constant 0 : i32
      %dma_wait3A_95 = tpu.memref_slice %arg10[%run_scoped3A_2, %dma_wait3A, %dma_wait3A_94] : memref<2x128x128xf32, #tpu.memory_space<vmem>> -> memref<1x128x128xf32, #tpu.memory_space<vmem>>
      %dma_wait3A_96 = tpu.memref_squeeze %dma_wait3A_95 : memref<1x128x128xf32, #tpu.memory_space<vmem>> -> memref<128x128xf32, #tpu.memory_space<vmem>>
      %dma_wait3A_97 = arith.constant 0 : i32
      %dma_wait3A_98 = tpu.memref_slice %arg7[%add3A_1, %dma_wait3A_97] : memref<10240x128xf32, #tpu.memory_space<vmem_shared>> -> memref<128x128xf32, #tpu.memory_space<vmem_shared>>
      %dma_wait3A_99 = arith.constant 0 : i32
      %dma_wait3A_100 = tpu.memref_slice %arg7[%add3A_1, %dma_wait3A_99] : memref<10240x128xf32, #tpu.memory_space<vmem_shared>> -> memref<128x128xf32, #tpu.memory_space<vmem_shared>>
      %dma_wait3A_101 = arith.constant 0 : i32
      %dma_wait3A_102 = arith.constant 0 : i32
      %dma_wait3A_103 = tpu.memref_slice %arg10[%run_scoped3A_2, %dma_wait3A_101, %dma_wait3A_102] : memref<2x128x128xf32, #tpu.memory_space<vmem>> -> memref<1x128x128xf32, #tpu.memory_space<vmem>>
      %dma_wait3A_104 = tpu.memref_squeeze %dma_wait3A_103 : memref<1x128x128xf32, #tpu.memory_space<vmem>> -> memref<128x128xf32, #tpu.memory_space<vmem>>
      tpu.wait_dma2 semaphore(%run_scoped3A_82 : memref<!tpu.dma_semaphore, #tpu.memory_space<semaphore_mem>>) src(%dma_wait3A_104 : memref<128x128xf32, #tpu.memory_space<vmem>>) dst(%dma_wait3A_100 : memref<128x128xf32, #tpu.memory_space<vmem_shared>>)
      tpu.yield
    }) : () -> ()
    %mul3A_3 = arith.constant 640 : i32
    %mul3A_4 = arith.muli %arg1, %mul3A_3 : i32
    %add3A_5 = arith.constant 128 : i32
    %add3A_6 = arith.addi %mul3A_4, %add3A_5 : i32
    %run_scoped3A_7 = arith.constant 0 : i32
    "tpu.region"() ({
      %run_scoped3A_82 = tpu.sem_alloc : memref<!tpu.dma_semaphore, #tpu.memory_space<semaphore_mem>>
      %dma_start3A = arith.constant 0 : i32
      %dma_start3A_83 = arith.constant 0 : i32
      %dma_start3A_84 = tpu.memref_slice %arg10[%run_scoped3A_7, %dma_start3A, %dma_start3A_83] : memref<2x128x128xf32, #tpu.memory_space<vmem>> -> memref<1x128x128xf32, #tpu.memory_space<vmem>>
      %dma_start3A_85 = tpu.memref_squeeze %dma_start3A_84 : memref<1x128x128xf32, #tpu.memory_space<vmem>> -> memref<128x128xf32, #tpu.memory_space<vmem>>
      %dma_start3A_86 = arith.constant 0 : i32
      %dma_start3A_87 = tpu.memref_slice %arg7[%add3A_6, %dma_start3A_86] : memref<10240x128xf32, #tpu.memory_space<vmem_shared>> -> memref<128x128xf32, #tpu.memory_space<vmem_shared>>
      %dma_start3A_88 = arith.constant 0 : i32
      %dma_start3A_89 = tpu.memref_slice %arg7[%add3A_6, %dma_start3A_88] : memref<10240x128xf32, #tpu.memory_space<vmem_shared>> -> memref<128x128xf32, #tpu.memory_space<vmem_shared>>
      %dma_start3A_90 = arith.constant 0 : i32
      %dma_start3A_91 = arith.constant 0 : i32
      %dma_start3A_92 = tpu.memref_slice %arg10[%run_scoped3A_7, %dma_start3A_90, %dma_start3A_91] : memref<2x128x128xf32, #tpu.memory_space<vmem>> -> memref<1x128x128xf32, #tpu.memory_space<vmem>>
      %dma_start3A_93 = tpu.memref_squeeze %dma_start3A_92 : memref<1x128x128xf32, #tpu.memory_space<vmem>> -> memref<128x128xf32, #tpu.memory_space<vmem>>
      tpu.enqueue_dma source(%dma_start3A_93 : memref<128x128xf32, #tpu.memory_space<vmem>>) target(%dma_start3A_89 : memref<128x128xf32, #tpu.memory_space<vmem_shared>>) target_semaphore(%run_scoped3A_82 : memref<!tpu.dma_semaphore, #tpu.memory_space<semaphore_mem>>)
      %dma_wait3A = arith.constant 0 : i32
      %dma_wait3A_94 = arith.constant 0 : i32
      %dma_wait3A_95 = tpu.memref_slice %arg10[%run_scoped3A_7, %dma_wait3A, %dma_wait3A_94] : memref<2x128x128xf32, #tpu.memory_space<vmem>> -> memref<1x128x128xf32, #tpu.memory_space<vmem>>
      %dma_wait3A_96 = tpu.memref_squeeze %dma_wait3A_95 : memref<1x128x128xf32, #tpu.memory_space<vmem>> -> memref<128x128xf32, #tpu.memory_space<vmem>>
      %dma_wait3A_97 = arith.constant 0 : i32
      %dma_wait3A_98 = tpu.memref_slice %arg7[%add3A_6, %dma_wait3A_97] : memref<10240x128xf32, #tpu.memory_space<vmem_shared>> -> memref<128x128xf32, #tpu.memory_space<vmem_shared>>
      %dma_wait3A_99 = arith.constant 0 : i32
      %dma_wait3A_100 = tpu.memref_slice %arg7[%add3A_6, %dma_wait3A_99] : memref<10240x128xf32, #tpu.memory_space<vmem_shared>> -> memref<128x128xf32, #tpu.memory_space<vmem_shared>>
      %dma_wait3A_101 = arith.constant 0 : i32
      %dma_wait3A_102 = arith.constant 0 : i32
      %dma_wait3A_103 = tpu.memref_slice %arg10[%run_scoped3A_7, %dma_wait3A_101, %dma_wait3A_102] : memref<2x128x128xf32, #tpu.memory_space<vmem>> -> memref<1x128x128xf32, #tpu.memory_space<vmem>>
      %dma_wait3A_104 = tpu.memref_squeeze %dma_wait3A_103 : memref<1x128x128xf32, #tpu.memory_space<vmem>> -> memref<128x128xf32, #tpu.memory_space<vmem>>
      tpu.wait_dma2 semaphore(%run_scoped3A_82 : memref<!tpu.dma_semaphore, #tpu.memory_space<semaphore_mem>>) src(%dma_wait3A_104 : memref<128x128xf32, #tpu.memory_space<vmem>>) dst(%dma_wait3A_100 : memref<128x128xf32, #tpu.memory_space<vmem_shared>>)
      tpu.yield
    }) : () -> ()
    %mul3A_8 = arith.constant 640 : i32
    %mul3A_9 = arith.muli %arg1, %mul3A_8 : i32
    %add3A_10 = arith.constant 256 : i32
    %add3A_11 = arith.addi %mul3A_9, %add3A_10 : i32
    %run_scoped3A_12 = arith.constant 0 : i32
    "tpu.region"() ({
      %run_scoped3A_82 = tpu.sem_alloc : memref<!tpu.dma_semaphore, #tpu.memory_space<semaphore_mem>>
      %dma_start3A = arith.constant 0 : i32
      %dma_start3A_83 = arith.constant 0 : i32
      %dma_start3A_84 = tpu.memref_slice %arg10[%run_scoped3A_12, %dma_start3A, %dma_start3A_83] : memref<2x128x128xf32, #tpu.memory_space<vmem>> -> memref<1x128x128xf32, #tpu.memory_space<vmem>>
      %dma_start3A_85 = tpu.memref_squeeze %dma_start3A_84 : memref<1x128x128xf32, #tpu.memory_space<vmem>> -> memref<128x128xf32, #tpu.memory_space<vmem>>
      %dma_start3A_86 = arith.constant 0 : i32
      %dma_start3A_87 = tpu.memref_slice %arg7[%add3A_11, %dma_start3A_86] : memref<10240x128xf32, #tpu.memory_space<vmem_shared>> -> memref<128x128xf32, #tpu.memory_space<vmem_shared>>
      %dma_start3A_88 = arith.constant 0 : i32
      %dma_start3A_89 = tpu.memref_slice %arg7[%add3A_11, %dma_start3A_88] : memref<10240x128xf32, #tpu.memory_space<vmem_shared>> -> memref<128x128xf32, #tpu.memory_space<vmem_shared>>
      %dma_start3A_90 = arith.constant 0 : i32
      %dma_start3A_91 = arith.constant 0 : i32
      %dma_start3A_92 = tpu.memref_slice %arg10[%run_scoped3A_12, %dma_start3A_90, %dma_start3A_91] : memref<2x128x128xf32, #tpu.memory_space<vmem>> -> memref<1x128x128xf32, #tpu.memory_space<vmem>>
      %dma_start3A_93 = tpu.memref_squeeze %dma_start3A_92 : memref<1x128x128xf32, #tpu.memory_space<vmem>> -> memref<128x128xf32, #tpu.memory_space<vmem>>
      tpu.enqueue_dma source(%dma_start3A_93 : memref<128x128xf32, #tpu.memory_space<vmem>>) target(%dma_start3A_89 : memref<128x128xf32, #tpu.memory_space<vmem_shared>>) target_semaphore(%run_scoped3A_82 : memref<!tpu.dma_semaphore, #tpu.memory_space<semaphore_mem>>)
      %dma_wait3A = arith.constant 0 : i32
      %dma_wait3A_94 = arith.constant 0 : i32
      %dma_wait3A_95 = tpu.memref_slice %arg10[%run_scoped3A_12, %dma_wait3A, %dma_wait3A_94] : memref<2x128x128xf32, #tpu.memory_space<vmem>> -> memref<1x128x128xf32, #tpu.memory_space<vmem>>
      %dma_wait3A_96 = tpu.memref_squeeze %dma_wait3A_95 : memref<1x128x128xf32, #tpu.memory_space<vmem>> -> memref<128x128xf32, #tpu.memory_space<vmem>>
      %dma_wait3A_97 = arith.constant 0 : i32
      %dma_wait3A_98 = tpu.memref_slice %arg7[%add3A_11, %dma_wait3A_97] : memref<10240x128xf32, #tpu.memory_space<vmem_shared>> -> memref<128x128xf32, #tpu.memory_space<vmem_shared>>
      %dma_wait3A_99 = arith.constant 0 : i32
      %dma_wait3A_100 = tpu.memref_slice %arg7[%add3A_11, %dma_wait3A_99] : memref<10240x128xf32, #tpu.memory_space<vmem_shared>> -> memref<128x128xf32, #tpu.memory_space<vmem_shared>>
      %dma_wait3A_101 = arith.constant 0 : i32
      %dma_wait3A_102 = arith.constant 0 : i32
      %dma_wait3A_103 = tpu.memref_slice %arg10[%run_scoped3A_12, %dma_wait3A_101, %dma_wait3A_102] : memref<2x128x128xf32, #tpu.memory_space<vmem>> -> memref<1x128x128xf32, #tpu.memory_space<vmem>>
      %dma_wait3A_104 = tpu.memref_squeeze %dma_wait3A_103 : memref<1x128x128xf32, #tpu.memory_space<vmem>> -> memref<128x128xf32, #tpu.memory_space<vmem>>
      tpu.wait_dma2 semaphore(%run_scoped3A_82 : memref<!tpu.dma_semaphore, #tpu.memory_space<semaphore_mem>>) src(%dma_wait3A_104 : memref<128x128xf32, #tpu.memory_space<vmem>>) dst(%dma_wait3A_100 : memref<128x128xf32, #tpu.memory_space<vmem_shared>>)
      tpu.yield
    }) : () -> ()
    %mul3A_13 = arith.constant 640 : i32
    %mul3A_14 = arith.muli %arg1, %mul3A_13 : i32
    %add3A_15 = arith.constant 384 : i32
    %add3A_16 = arith.addi %mul3A_14, %add3A_15 : i32
    %run_scoped3A_17 = arith.constant 0 : i32
    "tpu.region"() ({
      %run_scoped3A_82 = tpu.sem_alloc : memref<!tpu.dma_semaphore, #tpu.memory_space<semaphore_mem>>
      %dma_start3A = arith.constant 0 : i32
      %dma_start3A_83 = arith.constant 0 : i32
      %dma_start3A_84 = tpu.memref_slice %arg10[%run_scoped3A_17, %dma_start3A, %dma_start3A_83] : memref<2x128x128xf32, #tpu.memory_space<vmem>> -> memref<1x128x128xf32, #tpu.memory_space<vmem>>
      %dma_start3A_85 = tpu.memref_squeeze %dma_start3A_84 : memref<1x128x128xf32, #tpu.memory_space<vmem>> -> memref<128x128xf32, #tpu.memory_space<vmem>>
      %dma_start3A_86 = arith.constant 0 : i32
      %dma_start3A_87 = tpu.memref_slice %arg7[%add3A_16, %dma_start3A_86] : memref<10240x128xf32, #tpu.memory_space<vmem_shared>> -> memref<128x128xf32, #tpu.memory_space<vmem_shared>>
      %dma_start3A_88 = arith.constant 0 : i32
      %dma_start3A_89 = tpu.memref_slice %arg7[%add3A_16, %dma_start3A_88] : memref<10240x128xf32, #tpu.memory_space<vmem_shared>> -> memref<128x128xf32, #tpu.memory_space<vmem_shared>>
      %dma_start3A_90 = arith.constant 0 : i32
      %dma_start3A_91 = arith.constant 0 : i32
      %dma_start3A_92 = tpu.memref_slice %arg10[%run_scoped3A_17, %dma_start3A_90, %dma_start3A_91] : memref<2x128x128xf32, #tpu.memory_space<vmem>> -> memref<1x128x128xf32, #tpu.memory_space<vmem>>
      %dma_start3A_93 = tpu.memref_squeeze %dma_start3A_92 : memref<1x128x128xf32, #tpu.memory_space<vmem>> -> memref<128x128xf32, #tpu.memory_space<vmem>>
      tpu.enqueue_dma source(%dma_start3A_93 : memref<128x128xf32, #tpu.memory_space<vmem>>) target(%dma_start3A_89 : memref<128x128xf32, #tpu.memory_space<vmem_shared>>) target_semaphore(%run_scoped3A_82 : memref<!tpu.dma_semaphore, #tpu.memory_space<semaphore_mem>>)
      %dma_wait3A = arith.constant 0 : i32
      %dma_wait3A_94 = arith.constant 0 : i32
      %dma_wait3A_95 = tpu.memref_slice %arg10[%run_scoped3A_17, %dma_wait3A, %dma_wait3A_94] : memref<2x128x128xf32, #tpu.memory_space<vmem>> -> memref<1x128x128xf32, #tpu.memory_space<vmem>>
      %dma_wait3A_96 = tpu.memref_squeeze %dma_wait3A_95 : memref<1x128x128xf32, #tpu.memory_space<vmem>> -> memref<128x128xf32, #tpu.memory_space<vmem>>
      %dma_wait3A_97 = arith.constant 0 : i32
      %dma_wait3A_98 = tpu.memref_slice %arg7[%add3A_16, %dma_wait3A_97] : memref<10240x128xf32, #tpu.memory_space<vmem_shared>> -> memref<128x128xf32, #tpu.memory_space<vmem_shared>>
      %dma_wait3A_99 = arith.constant 0 : i32
      %dma_wait3A_100 = tpu.memref_slice %arg7[%add3A_16, %dma_wait3A_99] : memref<10240x128xf32, #tpu.memory_space<vmem_shared>> -> memref<128x128xf32, #tpu.memory_space<vmem_shared>>
      %dma_wait3A_101 = arith.constant 0 : i32
      %dma_wait3A_102 = arith.constant 0 : i32
      %dma_wait3A_103 = tpu.memref_slice %arg10[%run_scoped3A_17, %dma_wait3A_101, %dma_wait3A_102] : memref<2x128x128xf32, #tpu.memory_space<vmem>> -> memref<1x128x128xf32, #tpu.memory_space<vmem>>
      %dma_wait3A_104 = tpu.memref_squeeze %dma_wait3A_103 : memref<1x128x128xf32, #tpu.memory_space<vmem>> -> memref<128x128xf32, #tpu.memory_space<vmem>>
      tpu.wait_dma2 semaphore(%run_scoped3A_82 : memref<!tpu.dma_semaphore, #tpu.memory_space<semaphore_mem>>) src(%dma_wait3A_104 : memref<128x128xf32, #tpu.memory_space<vmem>>) dst(%dma_wait3A_100 : memref<128x128xf32, #tpu.memory_space<vmem_shared>>)
      tpu.yield
    }) : () -> ()
    %mul3A_18 = arith.constant 640 : i32
    %mul3A_19 = arith.muli %arg1, %mul3A_18 : i32
    %add3A_20 = arith.constant 512 : i32
    %add3A_21 = arith.addi %mul3A_19, %add3A_20 : i32
    %run_scoped3A_22 = arith.constant 0 : i32
    "tpu.region"() ({
      %run_scoped3A_82 = tpu.sem_alloc : memref<!tpu.dma_semaphore, #tpu.memory_space<semaphore_mem>>
      %dma_start3A = arith.constant 0 : i32
      %dma_start3A_83 = arith.constant 0 : i32
      %dma_start3A_84 = tpu.memref_slice %arg10[%run_scoped3A_22, %dma_start3A, %dma_start3A_83] : memref<2x128x128xf32, #tpu.memory_space<vmem>> -> memref<1x128x128xf32, #tpu.memory_space<vmem>>
      %dma_start3A_85 = tpu.memref_squeeze %dma_start3A_84 : memref<1x128x128xf32, #tpu.memory_space<vmem>> -> memref<128x128xf32, #tpu.memory_space<vmem>>
      %dma_start3A_86 = arith.constant 0 : i32
      %dma_start3A_87 = tpu.memref_slice %arg7[%add3A_21, %dma_start3A_86] : memref<10240x128xf32, #tpu.memory_space<vmem_shared>> -> memref<128x128xf32, #tpu.memory_space<vmem_shared>>
      %dma_start3A_88 = arith.constant 0 : i32
      %dma_start3A_89 = tpu.memref_slice %arg7[%add3A_21, %dma_start3A_88] : memref<10240x128xf32, #tpu.memory_space<vmem_shared>> -> memref<128x128xf32, #tpu.memory_space<vmem_shared>>
      %dma_start3A_90 = arith.constant 0 : i32
      %dma_start3A_91 = arith.constant 0 : i32
      %dma_start3A_92 = tpu.memref_slice %arg10[%run_scoped3A_22, %dma_start3A_90, %dma_start3A_91] : memref<2x128x128xf32, #tpu.memory_space<vmem>> -> memref<1x128x128xf32, #tpu.memory_space<vmem>>
      %dma_start3A_93 = tpu.memref_squeeze %dma_start3A_92 : memref<1x128x128xf32, #tpu.memory_space<vmem>> -> memref<128x128xf32, #tpu.memory_space<vmem>>
      tpu.enqueue_dma source(%dma_start3A_93 : memref<128x128xf32, #tpu.memory_space<vmem>>) target(%dma_start3A_89 : memref<128x128xf32, #tpu.memory_space<vmem_shared>>) target_semaphore(%run_scoped3A_82 : memref<!tpu.dma_semaphore, #tpu.memory_space<semaphore_mem>>)
      %dma_wait3A = arith.constant 0 : i32
      %dma_wait3A_94 = arith.constant 0 : i32
      %dma_wait3A_95 = tpu.memref_slice %arg10[%run_scoped3A_22, %dma_wait3A, %dma_wait3A_94] : memref<2x128x128xf32, #tpu.memory_space<vmem>> -> memref<1x128x128xf32, #tpu.memory_space<vmem>>
      %dma_wait3A_96 = tpu.memref_squeeze %dma_wait3A_95 : memref<1x128x128xf32, #tpu.memory_space<vmem>> -> memref<128x128xf32, #tpu.memory_space<vmem>>
      %dma_wait3A_97 = arith.constant 0 : i32
      %dma_wait3A_98 = tpu.memref_slice %arg7[%add3A_21, %dma_wait3A_97] : memref<10240x128xf32, #tpu.memory_space<vmem_shared>> -> memref<128x128xf32, #tpu.memory_space<vmem_shared>>
      %dma_wait3A_99 = arith.constant 0 : i32
      %dma_wait3A_100 = tpu.memref_slice %arg7[%add3A_21, %dma_wait3A_99] : memref<10240x128xf32, #tpu.memory_space<vmem_shared>> -> memref<128x128xf32, #tpu.memory_space<vmem_shared>>
      %dma_wait3A_101 = arith.constant 0 : i32
      %dma_wait3A_102 = arith.constant 0 : i32
      %dma_wait3A_103 = tpu.memref_slice %arg10[%run_scoped3A_22, %dma_wait3A_101, %dma_wait3A_102] : memref<2x128x128xf32, #tpu.memory_space<vmem>> -> memref<1x128x128xf32, #tpu.memory_space<vmem>>
      %dma_wait3A_104 = tpu.memref_squeeze %dma_wait3A_103 : memref<1x128x128xf32, #tpu.memory_space<vmem>> -> memref<128x128xf32, #tpu.memory_space<vmem>>
      tpu.wait_dma2 semaphore(%run_scoped3A_82 : memref<!tpu.dma_semaphore, #tpu.memory_space<semaphore_mem>>) src(%dma_wait3A_104 : memref<128x128xf32, #tpu.memory_space<vmem>>) dst(%dma_wait3A_100 : memref<128x128xf32, #tpu.memory_space<vmem_shared>>)
      tpu.yield
    }) : () -> ()
    %barrier3A = arith.constant 0 : index
    tpu.barrier barrier_id(%barrier3A)
    %mul3A_23 = arith.constant 160 : i32
    %mul3A_24 = arith.muli %arg1, %mul3A_23 : i32
    %run_scoped3A_25 = arith.constant 0 : i32
    "tpu.region"() ({
      %run_scoped3A_82 = tpu.sem_alloc : memref<!tpu.dma_semaphore, #tpu.memory_space<semaphore_mem>>
      %dma_start3A = arith.constant 0 : i32
      %dma_start3A_83 = arith.constant 0 : i32
      %dma_start3A_84 = tpu.memref_slice %arg8[%run_scoped3A_25, %dma_start3A, %dma_start3A_83] : memref<2x8x128xi32, #tpu.memory_space<vmem>> -> memref<1x8x128xi32, #tpu.memory_space<vmem>>
      %dma_start3A_85 = tpu.memref_squeeze %dma_start3A_84 : memref<1x8x128xi32, #tpu.memory_space<vmem>> -> memref<8x128xi32, #tpu.memory_space<vmem>>
      %dma_start3A_86 = arith.constant 0 : i32
      %dma_start3A_87 = tpu.memref_slice %arg3[%arg0, %mul3A_24, %dma_start3A_86] : memref<2x2560x128xi32, #tpu.memory_space<hbm>> -> memref<1x8x128xi32, #tpu.memory_space<hbm>>
      %dma_start3A_88 = tpu.memref_squeeze %dma_start3A_87 : memref<1x8x128xi32, #tpu.memory_space<hbm>> -> memref<8x128xi32, #tpu.memory_space<hbm>>
      %dma_start3A_89 = arith.constant 0 : i32
      %dma_start3A_90 = arith.constant 0 : i32
      %dma_start3A_91 = tpu.memref_slice %arg8[%run_scoped3A_25, %dma_start3A_89, %dma_start3A_90] : memref<2x8x128xi32, #tpu.memory_space<vmem>> -> memref<1x8x128xi32, #tpu.memory_space<vmem>>
      %dma_start3A_92 = tpu.memref_squeeze %dma_start3A_91 : memref<1x8x128xi32, #tpu.memory_space<vmem>> -> memref<8x128xi32, #tpu.memory_space<vmem>>
      %dma_start3A_93 = arith.constant 0 : i32
      %dma_start3A_94 = tpu.memref_slice %arg3[%arg0, %mul3A_24, %dma_start3A_93] : memref<2x2560x128xi32, #tpu.memory_space<hbm>> -> memref<1x8x128xi32, #tpu.memory_space<hbm>>
      %dma_start3A_95 = tpu.memref_squeeze %dma_start3A_94 : memref<1x8x128xi32, #tpu.memory_space<hbm>> -> memref<8x128xi32, #tpu.memory_space<hbm>>
      tpu.enqueue_dma source(%dma_start3A_95 : memref<8x128xi32, #tpu.memory_space<hbm>>) target(%dma_start3A_92 : memref<8x128xi32, #tpu.memory_space<vmem>>) target_semaphore(%run_scoped3A_82 : memref<!tpu.dma_semaphore, #tpu.memory_space<semaphore_mem>>)
      %dma_wait3A = arith.constant 0 : i32
      %dma_wait3A_96 = arith.constant 0 : i32
      %dma_wait3A_97 = tpu.memref_slice %arg8[%run_scoped3A_25, %dma_wait3A, %dma_wait3A_96] : memref<2x8x128xi32, #tpu.memory_space<vmem>> -> memref<1x8x128xi32, #tpu.memory_space<vmem>>
      %dma_wait3A_98 = tpu.memref_squeeze %dma_wait3A_97 : memref<1x8x128xi32, #tpu.memory_space<vmem>> -> memref<8x128xi32, #tpu.memory_space<vmem>>
      %dma_wait3A_99 = arith.constant 0 : i32
      %dma_wait3A_100 = tpu.memref_slice %arg3[%arg0, %mul3A_24, %dma_wait3A_99] : memref<2x2560x128xi32, #tpu.memory_space<hbm>> -> memref<1x8x128xi32, #tpu.memory_space<hbm>>
      %dma_wait3A_101 = tpu.memref_squeeze %dma_wait3A_100 : memref<1x8x128xi32, #tpu.memory_space<hbm>> -> memref<8x128xi32, #tpu.memory_space<hbm>>
      %dma_wait3A_102 = arith.constant 0 : i32
      %dma_wait3A_103 = arith.constant 0 : i32
      %dma_wait3A_104 = tpu.memref_slice %arg8[%run_scoped3A_25, %dma_wait3A_102, %dma_wait3A_103] : memref<2x8x128xi32, #tpu.memory_space<vmem>> -> memref<1x8x128xi32, #tpu.memory_space<vmem>>
      %dma_wait3A_105 = tpu.memref_squeeze %dma_wait3A_104 : memref<1x8x128xi32, #tpu.memory_space<vmem>> -> memref<8x128xi32, #tpu.memory_space<vmem>>
      %dma_wait3A_106 = arith.constant 0 : i32
      %dma_wait3A_107 = tpu.memref_slice %arg3[%arg0, %mul3A_24, %dma_wait3A_106] : memref<2x2560x128xi32, #tpu.memory_space<hbm>> -> memref<1x8x128xi32, #tpu.memory_space<hbm>>
      %dma_wait3A_108 = tpu.memref_squeeze %dma_wait3A_107 : memref<1x8x128xi32, #tpu.memory_space<hbm>> -> memref<8x128xi32, #tpu.memory_space<hbm>>
      tpu.wait_dma2 semaphore(%run_scoped3A_82 : memref<!tpu.dma_semaphore, #tpu.memory_space<semaphore_mem>>) src(%dma_wait3A_108 : memref<8x128xi32, #tpu.memory_space<hbm>>) dst(%dma_wait3A_105 : memref<8x128xi32, #tpu.memory_space<vmem>>)
      tpu.yield
    }) : () -> ()
    %mul3A_26 = arith.constant 160 : i32
    %mul3A_27 = arith.muli %arg1, %mul3A_26 : i32
    %run_scoped3A_28 = arith.constant 0 : i32
    "tpu.region"() ({
      %run_scoped3A_82 = tpu.sem_alloc : memref<!tpu.dma_semaphore, #tpu.memory_space<semaphore_mem>>
      %dma_start3A = arith.constant 0 : i32
      %dma_start3A_83 = arith.constant 0 : i32
      %dma_start3A_84 = tpu.memref_slice %arg9[%run_scoped3A_28, %dma_start3A, %dma_start3A_83] : memref<2x8x128xi32, #tpu.memory_space<vmem>> -> memref<1x8x128xi32, #tpu.memory_space<vmem>>
      %dma_start3A_85 = tpu.memref_squeeze %dma_start3A_84 : memref<1x8x128xi32, #tpu.memory_space<vmem>> -> memref<8x128xi32, #tpu.memory_space<vmem>>
      %dma_start3A_86 = arith.constant 0 : i32
      %dma_start3A_87 = tpu.memref_slice %arg4[%arg0, %mul3A_27, %dma_start3A_86] : memref<2x2560x128xi32, #tpu.memory_space<hbm>> -> memref<1x8x128xi32, #tpu.memory_space<hbm>>
      %dma_start3A_88 = tpu.memref_squeeze %dma_start3A_87 : memref<1x8x128xi32, #tpu.memory_space<hbm>> -> memref<8x128xi32, #tpu.memory_space<hbm>>
      %dma_start3A_89 = arith.constant 0 : i32
      %dma_start3A_90 = arith.constant 0 : i32
      %dma_start3A_91 = tpu.memref_slice %arg9[%run_scoped3A_28, %dma_start3A_89, %dma_start3A_90] : memref<2x8x128xi32, #tpu.memory_space<vmem>> -> memref<1x8x128xi32, #tpu.memory_space<vmem>>
      %dma_start3A_92 = tpu.memref_squeeze %dma_start3A_91 : memref<1x8x128xi32, #tpu.memory_space<vmem>> -> memref<8x128xi32, #tpu.memory_space<vmem>>
      %dma_start3A_93 = arith.constant 0 : i32
      %dma_start3A_94 = tpu.memref_slice %arg4[%arg0, %mul3A_27, %dma_start3A_93] : memref<2x2560x128xi32, #tpu.memory_space<hbm>> -> memref<1x8x128xi32, #tpu.memory_space<hbm>>
      %dma_start3A_95 = tpu.memref_squeeze %dma_start3A_94 : memref<1x8x128xi32, #tpu.memory_space<hbm>> -> memref<8x128xi32, #tpu.memory_space<hbm>>
      tpu.enqueue_dma source(%dma_start3A_95 : memref<8x128xi32, #tpu.memory_space<hbm>>) target(%dma_start3A_92 : memref<8x128xi32, #tpu.memory_space<vmem>>) target_semaphore(%run_scoped3A_82 : memref<!tpu.dma_semaphore, #tpu.memory_space<semaphore_mem>>)
      %dma_wait3A = arith.constant 0 : i32
      %dma_wait3A_96 = arith.constant 0 : i32
      %dma_wait3A_97 = tpu.memref_slice %arg9[%run_scoped3A_28, %dma_wait3A, %dma_wait3A_96] : memref<2x8x128xi32, #tpu.memory_space<vmem>> -> memref<1x8x128xi32, #tpu.memory_space<vmem>>
      %dma_wait3A_98 = tpu.memref_squeeze %dma_wait3A_97 : memref<1x8x128xi32, #tpu.memory_space<vmem>> -> memref<8x128xi32, #tpu.memory_space<vmem>>
      %dma_wait3A_99 = arith.constant 0 : i32
      %dma_wait3A_100 = tpu.memref_slice %arg4[%arg0, %mul3A_27, %dma_wait3A_99] : memref<2x2560x128xi32, #tpu.memory_space<hbm>> -> memref<1x8x128xi32, #tpu.memory_space<hbm>>
      %dma_wait3A_101 = tpu.memref_squeeze %dma_wait3A_100 : memref<1x8x128xi32, #tpu.memory_space<hbm>> -> memref<8x128xi32, #tpu.memory_space<hbm>>
      %dma_wait3A_102 = arith.constant 0 : i32
      %dma_wait3A_103 = arith.constant 0 : i32
      %dma_wait3A_104 = tpu.memref_slice %arg9[%run_scoped3A_28, %dma_wait3A_102, %dma_wait3A_103] : memref<2x8x128xi32, #tpu.memory_space<vmem>> -> memref<1x8x128xi32, #tpu.memory_space<vmem>>
      %dma_wait3A_105 = tpu.memref_squeeze %dma_wait3A_104 : memref<1x8x128xi32, #tpu.memory_space<vmem>> -> memref<8x128xi32, #tpu.memory_space<vmem>>
      %dma_wait3A_106 = arith.constant 0 : i32
      %dma_wait3A_107 = tpu.memref_slice %arg4[%arg0, %mul3A_27, %dma_wait3A_106] : memref<2x2560x128xi32, #tpu.memory_space<hbm>> -> memref<1x8x128xi32, #tpu.memory_space<hbm>>
      %dma_wait3A_108 = tpu.memref_squeeze %dma_wait3A_107 : memref<1x8x128xi32, #tpu.memory_space<hbm>> -> memref<8x128xi32, #tpu.memory_space<hbm>>
      tpu.wait_dma2 semaphore(%run_scoped3A_82 : memref<!tpu.dma_semaphore, #tpu.memory_space<semaphore_mem>>) src(%dma_wait3A_108 : memref<8x128xi32, #tpu.memory_space<hbm>>) dst(%dma_wait3A_105 : memref<8x128xi32, #tpu.memory_space<vmem>>)
      tpu.yield
    }) : () -> ()
    %scan3A = arith.constant 0 : i32
    %scan3A_29 = arith.constant 0 : i32
    %scan3A_30 = arith.constant 20 : i32
    %scan3A_31 = arith.addi %scan3A_29, %scan3A_30 : i32
    %scan3A_32 = arith.constant 1 : i32
    %scan3A_33 = scf.for %scan3A_82 = %scan3A_29 to %scan3A_31 step %scan3A_32 iter_args(%scan3A_83 = %scan3A) -> (i32)  : i32 {
      %rem3A = arith.constant 2 : i32
      %rem3A_84 = arith.remsi %scan3A_82, %rem3A : i32
      %add3A_85 = arith.constant 1 : i32
      %add3A_86 = arith.addi %scan3A_82, %add3A_85 : i32
      %min3A = arith.constant 19 : i32
      %min3A_87 = arith.minsi %add3A_86, %min3A : i32
      %mul3A_88 = arith.constant 160 : i32
      %mul3A_89 = arith.muli %arg1, %mul3A_88 : i32
      %mul3A_90 = arith.constant 8 : i32
      %mul3A_91 = arith.muli %min3A_87, %mul3A_90 : i32
      %add3A_92 = arith.addi %mul3A_89, %mul3A_91 : i32
      %sub3A = arith.constant 1 : i32
      %sub3A_93 = arith.subi %sub3A, %rem3A_84 : i32
      %dma_start3A = arith.constant 0 : i32
      %dma_start3A_94 = arith.constant 0 : i32
      %dma_start3A_95 = tpu.memref_slice %arg8[%sub3A_93, %dma_start3A, %dma_start3A_94] : memref<2x8x128xi32, #tpu.memory_space<vmem>> -> memref<1x8x128xi32, #tpu.memory_space<vmem>>
      %dma_start3A_96 = tpu.memref_squeeze %dma_start3A_95 : memref<1x8x128xi32, #tpu.memory_space<vmem>> -> memref<8x128xi32, #tpu.memory_space<vmem>>
      %dma_start3A_97 = arith.constant 0 : i32
      %dma_start3A_98 = tpu.memref_slice %arg3[%arg0, %add3A_92, %dma_start3A_97] : memref<2x2560x128xi32, #tpu.memory_space<hbm>> -> memref<1x8x128xi32, #tpu.memory_space<hbm>>
      %dma_start3A_99 = tpu.memref_squeeze %dma_start3A_98 : memref<1x8x128xi32, #tpu.memory_space<hbm>> -> memref<8x128xi32, #tpu.memory_space<hbm>>
      %dma_start3A_100 = arith.constant 0 : i32
      %dma_start3A_101 = arith.constant 0 : i32
      %dma_start3A_102 = tpu.memref_slice %arg8[%sub3A_93, %dma_start3A_100, %dma_start3A_101] : memref<2x8x128xi32, #tpu.memory_space<vmem>> -> memref<1x8x128xi32, #tpu.memory_space<vmem>>
      %dma_start3A_103 = tpu.memref_squeeze %dma_start3A_102 : memref<1x8x128xi32, #tpu.memory_space<vmem>> -> memref<8x128xi32, #tpu.memory_space<vmem>>
      %dma_start3A_104 = arith.constant 0 : i32
      %dma_start3A_105 = tpu.memref_slice %arg3[%arg0, %add3A_92, %dma_start3A_104] : memref<2x2560x128xi32, #tpu.memory_space<hbm>> -> memref<1x8x128xi32, #tpu.memory_space<hbm>>
      %dma_start3A_106 = tpu.memref_squeeze %dma_start3A_105 : memref<1x8x128xi32, #tpu.memory_space<hbm>> -> memref<8x128xi32, #tpu.memory_space<hbm>>
      tpu.enqueue_dma source(%dma_start3A_106 : memref<8x128xi32, #tpu.memory_space<hbm>>) target(%dma_start3A_103 : memref<8x128xi32, #tpu.memory_space<vmem>>) target_semaphore(%arg13 : memref<!tpu.dma_semaphore, #tpu.memory_space<semaphore_mem>>)
      %sub3A_107 = arith.constant 1 : i32
      %sub3A_108 = arith.subi %sub3A_107, %rem3A_84 : i32
      %dma_start3A_109 = arith.constant 0 : i32
      %dma_start3A_110 = arith.constant 0 : i32
      %dma_start3A_111 = tpu.memref_slice %arg9[%sub3A_108, %dma_start3A_109, %dma_start3A_110] : memref<2x8x128xi32, #tpu.memory_space<vmem>> -> memref<1x8x128xi32, #tpu.memory_space<vmem>>
      %dma_start3A_112 = tpu.memref_squeeze %dma_start3A_111 : memref<1x8x128xi32, #tpu.memory_space<vmem>> -> memref<8x128xi32, #tpu.memory_space<vmem>>
      %dma_start3A_113 = arith.constant 0 : i32
      %dma_start3A_114 = tpu.memref_slice %arg4[%arg0, %add3A_92, %dma_start3A_113] : memref<2x2560x128xi32, #tpu.memory_space<hbm>> -> memref<1x8x128xi32, #tpu.memory_space<hbm>>
      %dma_start3A_115 = tpu.memref_squeeze %dma_start3A_114 : memref<1x8x128xi32, #tpu.memory_space<hbm>> -> memref<8x128xi32, #tpu.memory_space<hbm>>
      %dma_start3A_116 = arith.constant 0 : i32
      %dma_start3A_117 = arith.constant 0 : i32
      %dma_start3A_118 = tpu.memref_slice %arg9[%sub3A_108, %dma_start3A_116, %dma_start3A_117] : memref<2x8x128xi32, #tpu.memory_space<vmem>> -> memref<1x8x128xi32, #tpu.memory_space<vmem>>
      %dma_start3A_119 = tpu.memref_squeeze %dma_start3A_118 : memref<1x8x128xi32, #tpu.memory_space<vmem>> -> memref<8x128xi32, #tpu.memory_space<vmem>>
      %dma_start3A_120 = arith.constant 0 : i32
      %dma_start3A_121 = tpu.memref_slice %arg4[%arg0, %add3A_92, %dma_start3A_120] : memref<2x2560x128xi32, #tpu.memory_space<hbm>> -> memref<1x8x128xi32, #tpu.memory_space<hbm>>
      %dma_start3A_122 = tpu.memref_squeeze %dma_start3A_121 : memref<1x8x128xi32, #tpu.memory_space<hbm>> -> memref<8x128xi32, #tpu.memory_space<hbm>>
      tpu.enqueue_dma source(%dma_start3A_122 : memref<8x128xi32, #tpu.memory_space<hbm>>) target(%dma_start3A_119 : memref<8x128xi32, #tpu.memory_space<vmem>>) target_semaphore(%arg13 : memref<!tpu.dma_semaphore, #tpu.memory_space<semaphore_mem>>)
      %dma_start3A_123 = arith.constant 0 : i32
      %dma_start3A_124 = arith.constant 0 : i32
      %dma_start3A_125 = arith.constant 0 : i32
      %dma_start3A_126 = arith.constant 0 : i32
      %dma_start3A_127 = tpu.memref_slice %arg10[%dma_start3A_124, %dma_start3A_125, %dma_start3A_126] : memref<2x128x128xf32, #tpu.memory_space<vmem>> -> memref<1x128x128xf32, #tpu.memory_space<vmem>>
      %dma_start3A_128 = tpu.memref_squeeze %dma_start3A_127 : memref<1x128x128xf32, #tpu.memory_space<vmem>> -> memref<128x128xf32, #tpu.memory_space<vmem>>
      %dma_start3A_129 = arith.constant 0 : i32
      %dma_start3A_130 = tpu.memref_slice %arg8[%rem3A_84, %dma_start3A_123, %dma_start3A_129] : memref<2x8x128xi32, #tpu.memory_space<vmem>> -> memref<1x1x128xi32, #tpu.memory_space<vmem>>
      %dma_start3A_131 = tpu.memref_squeeze %dma_start3A_130 : memref<1x1x128xi32, #tpu.memory_space<vmem>> -> memref<128xi32, #tpu.memory_space<vmem>>
      %dma_start3A_132 = arith.constant 0 : i32
      %dma_start3A_133 = arith.constant 0 : i32
      %dma_start3A_134 = tpu.memref_slice %arg2[%dma_start3A_132, %dma_start3A_133] : memref<20000x128xf32, #tpu.memory_space<hbm>> -> memref<20000x128xf32, #tpu.memory_space<hbm>>
      tpu.enqueue_indirect_dma source(%dma_start3A_134 : memref<20000x128xf32, #tpu.memory_space<hbm>>) target(%dma_start3A_128 : memref<128x128xf32, #tpu.memory_space<vmem>>) offsets(%dma_start3A_131 : memref<128xi32, #tpu.memory_space<vmem>>) semaphore(%arg11 : memref<!tpu.dma_semaphore, #tpu.memory_space<semaphore_mem>>)
      %dma_start3A_135 = arith.constant 1 : i32
      %dma_start3A_136 = arith.constant 1 : i32
      %dma_start3A_137 = arith.constant 0 : i32
      %dma_start3A_138 = arith.constant 0 : i32
      %dma_start3A_139 = tpu.memref_slice %arg10[%dma_start3A_136, %dma_start3A_137, %dma_start3A_138] : memref<2x128x128xf32, #tpu.memory_space<vmem>> -> memref<1x128x128xf32, #tpu.memory_space<vmem>>
      %dma_start3A_140 = tpu.memref_squeeze %dma_start3A_139 : memref<1x128x128xf32, #tpu.memory_space<vmem>> -> memref<128x128xf32, #tpu.memory_space<vmem>>
      %dma_start3A_141 = arith.constant 0 : i32
      %dma_start3A_142 = tpu.memref_slice %arg8[%rem3A_84, %dma_start3A_135, %dma_start3A_141] : memref<2x8x128xi32, #tpu.memory_space<vmem>> -> memref<1x1x128xi32, #tpu.memory_space<vmem>>
      %dma_start3A_143 = tpu.memref_squeeze %dma_start3A_142 : memref<1x1x128xi32, #tpu.memory_space<vmem>> -> memref<128xi32, #tpu.memory_space<vmem>>
      %dma_start3A_144 = arith.constant 0 : i32
      %dma_start3A_145 = arith.constant 0 : i32
      %dma_start3A_146 = tpu.memref_slice %arg2[%dma_start3A_144, %dma_start3A_145] : memref<20000x128xf32, #tpu.memory_space<hbm>> -> memref<20000x128xf32, #tpu.memory_space<hbm>>
      tpu.enqueue_indirect_dma source(%dma_start3A_146 : memref<20000x128xf32, #tpu.memory_space<hbm>>) target(%dma_start3A_140 : memref<128x128xf32, #tpu.memory_space<vmem>>) offsets(%dma_start3A_143 : memref<128xi32, #tpu.memory_space<vmem>>) semaphore(%arg11 : memref<!tpu.dma_semaphore, #tpu.memory_space<semaphore_mem>>)
      %dma_wait3A = arith.constant 0 : i32
      %dma_wait3A_147 = arith.constant 0 : i32
      %dma_wait3A_148 = arith.constant 0 : i32
      %dma_wait3A_149 = arith.constant 0 : i32
      %dma_wait3A_150 = tpu.memref_slice %arg10[%dma_wait3A_147, %dma_wait3A_148, %dma_wait3A_149] : memref<2x128x128xf32, #tpu.memory_space<vmem>> -> memref<1x128x128xf32, #tpu.memory_space<vmem>>
      %dma_wait3A_151 = tpu.memref_squeeze %dma_wait3A_150 : memref<1x128x128xf32, #tpu.memory_space<vmem>> -> memref<128x128xf32, #tpu.memory_space<vmem>>
      %dma_wait3A_152 = arith.constant 0 : i32
      %dma_wait3A_153 = tpu.memref_slice %arg8[%rem3A_84, %dma_wait3A, %dma_wait3A_152] : memref<2x8x128xi32, #tpu.memory_space<vmem>> -> memref<1x1x128xi32, #tpu.memory_space<vmem>>
      %dma_wait3A_154 = tpu.memref_squeeze %dma_wait3A_153 : memref<1x1x128xi32, #tpu.memory_space<vmem>> -> memref<128xi32, #tpu.memory_space<vmem>>
      %dma_wait3A_155 = arith.constant 0 : i32
      %dma_wait3A_156 = arith.constant 0 : i32
      %dma_wait3A_157 = tpu.memref_slice %arg2[%dma_wait3A_155, %dma_wait3A_156] : memref<20000x128xf32, #tpu.memory_space<hbm>> -> memref<20000x128xf32, #tpu.memory_space<hbm>>
      tpu.wait_indirect_dma semaphore(%arg11 : memref<!tpu.dma_semaphore, #tpu.memory_space<semaphore_mem>>) src(%dma_wait3A_157 : memref<20000x128xf32, #tpu.memory_space<hbm>>) dst(%dma_wait3A_151 : memref<128x128xf32, #tpu.memory_space<vmem>>)
      %dma_start3A_158 = arith.constant 0 : i32
      %dma_start3A_159 = arith.constant 0 : i32
      %dma_start3A_160 = arith.constant 0 : i32
      %dma_start3A_161 = arith.constant 0 : i32
      %dma_start3A_162 = tpu.memref_slice %arg10[%dma_start3A_158, %dma_start3A_160, %dma_start3A_161] : memref<2x128x128xf32, #tpu.memory_space<vmem>> -> memref<1x128x128xf32, #tpu.memory_space<vmem>>
      %dma_start3A_163 = tpu.memref_squeeze %dma_start3A_162 : memref<1x128x128xf32, #tpu.memory_space<vmem>> -> memref<128x128xf32, #tpu.memory_space<vmem>>
      %dma_start3A_164 = arith.constant 0 : i32
      %dma_start3A_165 = tpu.memref_slice %arg9[%rem3A_84, %dma_start3A_159, %dma_start3A_164] : memref<2x8x128xi32, #tpu.memory_space<vmem>> -> memref<1x1x128xi32, #tpu.memory_space<vmem>>
      %dma_start3A_166 = tpu.memref_squeeze %dma_start3A_165 : memref<1x1x128xi32, #tpu.memory_space<vmem>> -> memref<128xi32, #tpu.memory_space<vmem>>
      %dma_start3A_167 = arith.constant 0 : i32
      %dma_start3A_168 = arith.constant 0 : i32
      %dma_start3A_169 = tpu.memref_slice %arg7[%dma_start3A_167, %dma_start3A_168] : memref<10240x128xf32, #tpu.memory_space<vmem_shared>> -> memref<10240x128xf32, #tpu.memory_space<vmem_shared>>
      tpu.enqueue_indirect_dma source(%dma_start3A_163 : memref<128x128xf32, #tpu.memory_space<vmem>>) target(%dma_start3A_169 : memref<10240x128xf32, #tpu.memory_space<vmem_shared>>) offsets(%dma_start3A_166 : memref<128xi32, #tpu.memory_space<vmem>>) semaphore(%arg12 : memref<!tpu.dma_semaphore, #tpu.memory_space<semaphore_mem>>) {add = true}
      %dma_wait3A_170 = arith.constant 0 : i32
      %dma_wait3A_171 = arith.constant 0 : i32
      %dma_wait3A_172 = arith.constant 0 : i32
      %dma_wait3A_173 = arith.constant 0 : i32
      %dma_wait3A_174 = tpu.memref_slice %arg10[%dma_wait3A_170, %dma_wait3A_172, %dma_wait3A_173] : memref<2x128x128xf32, #tpu.memory_space<vmem>> -> memref<1x128x128xf32, #tpu.memory_space<vmem>>
      %dma_wait3A_175 = tpu.memref_squeeze %dma_wait3A_174 : memref<1x128x128xf32, #tpu.memory_space<vmem>> -> memref<128x128xf32, #tpu.memory_space<vmem>>
      %dma_wait3A_176 = arith.constant 0 : i32
      %dma_wait3A_177 = tpu.memref_slice %arg9[%rem3A_84, %dma_wait3A_171, %dma_wait3A_176] : memref<2x8x128xi32, #tpu.memory_space<vmem>> -> memref<1x1x128xi32, #tpu.memory_space<vmem>>
      %dma_wait3A_178 = tpu.memref_squeeze %dma_wait3A_177 : memref<1x1x128xi32, #tpu.memory_space<vmem>> -> memref<128xi32, #tpu.memory_space<vmem>>
      %dma_wait3A_179 = arith.constant 0 : i32
      %dma_wait3A_180 = arith.constant 0 : i32
      %dma_wait3A_181 = tpu.memref_slice %arg7[%dma_wait3A_179, %dma_wait3A_180] : memref<10240x128xf32, #tpu.memory_space<vmem_shared>> -> memref<10240x128xf32, #tpu.memory_space<vmem_shared>>
      tpu.wait_indirect_dma semaphore(%arg12 : memref<!tpu.dma_semaphore, #tpu.memory_space<semaphore_mem>>) src(%dma_wait3A_175 : memref<128x128xf32, #tpu.memory_space<vmem>>) dst(%dma_wait3A_181 : memref<10240x128xf32, #tpu.memory_space<vmem_shared>>)
      %dma_start3A_182 = arith.constant 2 : i32
      %dma_start3A_183 = arith.constant 0 : i32
      %dma_start3A_184 = arith.constant 0 : i32
      %dma_start3A_185 = arith.constant 0 : i32
      %dma_start3A_186 = tpu.memref_slice %arg10[%dma_start3A_183, %dma_start3A_184, %dma_start3A_185] : memref<2x128x128xf32, #tpu.memory_space<vmem>> -> memref<1x128x128xf32, #tpu.memory_space<vmem>>
      %dma_start3A_187 = tpu.memref_squeeze %dma_start3A_186 : memref<1x128x128xf32, #tpu.memory_space<vmem>> -> memref<128x128xf32, #tpu.memory_space<vmem>>
      %dma_start3A_188 = arith.constant 0 : i32
      %dma_start3A_189 = tpu.memref_slice %arg8[%rem3A_84, %dma_start3A_182, %dma_start3A_188] : memref<2x8x128xi32, #tpu.memory_space<vmem>> -> memref<1x1x128xi32, #tpu.memory_space<vmem>>
      %dma_start3A_190 = tpu.memref_squeeze %dma_start3A_189 : memref<1x1x128xi32, #tpu.memory_space<vmem>> -> memref<128xi32, #tpu.memory_space<vmem>>
      %dma_start3A_191 = arith.constant 0 : i32
      %dma_start3A_192 = arith.constant 0 : i32
      %dma_start3A_193 = tpu.memref_slice %arg2[%dma_start3A_191, %dma_start3A_192] : memref<20000x128xf32, #tpu.memory_space<hbm>> -> memref<20000x128xf32, #tpu.memory_space<hbm>>
      tpu.enqueue_indirect_dma source(%dma_start3A_193 : memref<20000x128xf32, #tpu.memory_space<hbm>>) target(%dma_start3A_187 : memref<128x128xf32, #tpu.memory_space<vmem>>) offsets(%dma_start3A_190 : memref<128xi32, #tpu.memory_space<vmem>>) semaphore(%arg11 : memref<!tpu.dma_semaphore, #tpu.memory_space<semaphore_mem>>)
      %dma_wait3A_194 = arith.constant 1 : i32
      %dma_wait3A_195 = arith.constant 1 : i32
      %dma_wait3A_196 = arith.constant 0 : i32
      %dma_wait3A_197 = arith.constant 0 : i32
      %dma_wait3A_198 = tpu.memref_slice %arg10[%dma_wait3A_195, %dma_wait3A_196, %dma_wait3A_197] : memref<2x128x128xf32, #tpu.memory_space<vmem>> -> memref<1x128x128xf32, #tpu.memory_space<vmem>>
      %dma_wait3A_199 = tpu.memref_squeeze %dma_wait3A_198 : memref<1x128x128xf32, #tpu.memory_space<vmem>> -> memref<128x128xf32, #tpu.memory_space<vmem>>
      %dma_wait3A_200 = arith.constant 0 : i32
      %dma_wait3A_201 = tpu.memref_slice %arg8[%rem3A_84, %dma_wait3A_194, %dma_wait3A_200] : memref<2x8x128xi32, #tpu.memory_space<vmem>> -> memref<1x1x128xi32, #tpu.memory_space<vmem>>
      %dma_wait3A_202 = tpu.memref_squeeze %dma_wait3A_201 : memref<1x1x128xi32, #tpu.memory_space<vmem>> -> memref<128xi32, #tpu.memory_space<vmem>>
      %dma_wait3A_203 = arith.constant 0 : i32
      %dma_wait3A_204 = arith.constant 0 : i32
      %dma_wait3A_205 = tpu.memref_slice %arg2[%dma_wait3A_203, %dma_wait3A_204] : memref<20000x128xf32, #tpu.memory_space<hbm>> -> memref<20000x128xf32, #tpu.memory_space<hbm>>
      tpu.wait_indirect_dma semaphore(%arg11 : memref<!tpu.dma_semaphore, #tpu.memory_space<semaphore_mem>>) src(%dma_wait3A_205 : memref<20000x128xf32, #tpu.memory_space<hbm>>) dst(%dma_wait3A_199 : memref<128x128xf32, #tpu.memory_space<vmem>>)
      %dma_start3A_206 = arith.constant 1 : i32
      %dma_start3A_207 = arith.constant 1 : i32
      %dma_start3A_208 = arith.constant 0 : i32
      %dma_start3A_209 = arith.constant 0 : i32
      %dma_start3A_210 = tpu.memref_slice %arg10[%dma_start3A_206, %dma_start3A_208, %dma_start3A_209] : memref<2x128x128xf32, #tpu.memory_space<vmem>> -> memref<1x128x128xf32, #tpu.memory_space<vmem>>
      %dma_start3A_211 = tpu.memref_squeeze %dma_start3A_210 : memref<1x128x128xf32, #tpu.memory_space<vmem>> -> memref<128x128xf32, #tpu.memory_space<vmem>>
      %dma_start3A_212 = arith.constant 0 : i32
      %dma_start3A_213 = tpu.memref_slice %arg9[%rem3A_84, %dma_start3A_207, %dma_start3A_212] : memref<2x8x128xi32, #tpu.memory_space<vmem>> -> memref<1x1x128xi32, #tpu.memory_space<vmem>>
      %dma_start3A_214 = tpu.memref_squeeze %dma_start3A_213 : memref<1x1x128xi32, #tpu.memory_space<vmem>> -> memref<128xi32, #tpu.memory_space<vmem>>
      %dma_start3A_215 = arith.constant 0 : i32
      %dma_start3A_216 = arith.constant 0 : i32
      %dma_start3A_217 = tpu.memref_slice %arg7[%dma_start3A_215, %dma_start3A_216] : memref<10240x128xf32, #tpu.memory_space<vmem_shared>> -> memref<10240x128xf32, #tpu.memory_space<vmem_shared>>
      tpu.enqueue_indirect_dma source(%dma_start3A_211 : memref<128x128xf32, #tpu.memory_space<vmem>>) target(%dma_start3A_217 : memref<10240x128xf32, #tpu.memory_space<vmem_shared>>) offsets(%dma_start3A_214 : memref<128xi32, #tpu.memory_space<vmem>>) semaphore(%arg12 : memref<!tpu.dma_semaphore, #tpu.memory_space<semaphore_mem>>) {add = true}
      %dma_wait3A_218 = arith.constant 1 : i32
      %dma_wait3A_219 = arith.constant 1 : i32
      %dma_wait3A_220 = arith.constant 0 : i32
      %dma_wait3A_221 = arith.constant 0 : i32
      %dma_wait3A_222 = tpu.memref_slice %arg10[%dma_wait3A_218, %dma_wait3A_220, %dma_wait3A_221] : memref<2x128x128xf32, #tpu.memory_space<vmem>> -> memref<1x128x128xf32, #tpu.memory_space<vmem>>
      %dma_wait3A_223 = tpu.memref_squeeze %dma_wait3A_222 : memref<1x128x128xf32, #tpu.memory_space<vmem>> -> memref<128x128xf32, #tpu.memory_space<vmem>>
      %dma_wait3A_224 = arith.constant 0 : i32
      %dma_wait3A_225 = tpu.memref_slice %arg9[%rem3A_84, %dma_wait3A_219, %dma_wait3A_224] : memref<2x8x128xi32, #tpu.memory_space<vmem>> -> memref<1x1x128xi32, #tpu.memory_space<vmem>>
      %dma_wait3A_226 = tpu.memref_squeeze %dma_wait3A_225 : memref<1x1x128xi32, #tpu.memory_space<vmem>> -> memref<128xi32, #tpu.memory_space<vmem>>
      %dma_wait3A_227 = arith.constant 0 : i32
      %dma_wait3A_228 = arith.constant 0 : i32
      %dma_wait3A_229 = tpu.memref_slice %arg7[%dma_wait3A_227, %dma_wait3A_228] : memref<10240x128xf32, #tpu.memory_space<vmem_shared>> -> memref<10240x128xf32, #tpu.memory_space<vmem_shared>>
      tpu.wait_indirect_dma semaphore(%arg12 : memref<!tpu.dma_semaphore, #tpu.memory_space<semaphore_mem>>) src(%dma_wait3A_223 : memref<128x128xf32, #tpu.memory_space<vmem>>) dst(%dma_wait3A_229 : memref<10240x128xf32, #tpu.memory_space<vmem_shared>>)
      %dma_start3A_230 = arith.constant 3 : i32
      %dma_start3A_231 = arith.constant 1 : i32
      %dma_start3A_232 = arith.constant 0 : i32
      %dma_start3A_233 = arith.constant 0 : i32
      %dma_start3A_234 = tpu.memref_slice %arg10[%dma_start3A_231, %dma_start3A_232, %dma_start3A_233] : memref<2x128x128xf32, #tpu.memory_space<vmem>> -> memref<1x128x128xf32, #tpu.memory_space<vmem>>
      %dma_start3A_235 = tpu.memref_squeeze %dma_start3A_234 : memref<1x128x128xf32, #tpu.memory_space<vmem>> -> memref<128x128xf32, #tpu.memory_space<vmem>>
      %dma_start3A_236 = arith.constant 0 : i32
      %dma_start3A_237 = tpu.memref_slice %arg8[%rem3A_84, %dma_start3A_230, %dma_start3A_236] : memref<2x8x128xi32, #tpu.memory_space<vmem>> -> memref<1x1x128xi32, #tpu.memory_space<vmem>>
      %dma_start3A_238 = tpu.memref_squeeze %dma_start3A_237 : memref<1x1x128xi32, #tpu.memory_space<vmem>> -> memref<128xi32, #tpu.memory_space<vmem>>
      %dma_start3A_239 = arith.constant 0 : i32
      %dma_start3A_240 = arith.constant 0 : i32
      %dma_start3A_241 = tpu.memref_slice %arg2[%dma_start3A_239, %dma_start3A_240] : memref<20000x128xf32, #tpu.memory_space<hbm>> -> memref<20000x128xf32, #tpu.memory_space<hbm>>
      tpu.enqueue_indirect_dma source(%dma_start3A_241 : memref<20000x128xf32, #tpu.memory_space<hbm>>) target(%dma_start3A_235 : memref<128x128xf32, #tpu.memory_space<vmem>>) offsets(%dma_start3A_238 : memref<128xi32, #tpu.memory_space<vmem>>) semaphore(%arg11 : memref<!tpu.dma_semaphore, #tpu.memory_space<semaphore_mem>>)
      %dma_wait3A_242 = arith.constant 2 : i32
      %dma_wait3A_243 = arith.constant 0 : i32
      %dma_wait3A_244 = arith.constant 0 : i32
      %dma_wait3A_245 = arith.constant 0 : i32
      %dma_wait3A_246 = tpu.memref_slice %arg10[%dma_wait3A_243, %dma_wait3A_244, %dma_wait3A_245] : memref<2x128x128xf32, #tpu.memory_space<vmem>> -> memref<1x128x128xf32, #tpu.memory_space<vmem>>
      %dma_wait3A_247 = tpu.memref_squeeze %dma_wait3A_246 : memref<1x128x128xf32, #tpu.memory_space<vmem>> -> memref<128x128xf32, #tpu.memory_space<vmem>>
      %dma_wait3A_248 = arith.constant 0 : i32
      %dma_wait3A_249 = tpu.memref_slice %arg8[%rem3A_84, %dma_wait3A_242, %dma_wait3A_248] : memref<2x8x128xi32, #tpu.memory_space<vmem>> -> memref<1x1x128xi32, #tpu.memory_space<vmem>>
      %dma_wait3A_250 = tpu.memref_squeeze %dma_wait3A_249 : memref<1x1x128xi32, #tpu.memory_space<vmem>> -> memref<128xi32, #tpu.memory_space<vmem>>
      %dma_wait3A_251 = arith.constant 0 : i32
      %dma_wait3A_252 = arith.constant 0 : i32
      %dma_wait3A_253 = tpu.memref_slice %arg2[%dma_wait3A_251, %dma_wait3A_252] : memref<20000x128xf32, #tpu.memory_space<hbm>> -> memref<20000x128xf32, #tpu.memory_space<hbm>>
      tpu.wait_indirect_dma semaphore(%arg11 : memref<!tpu.dma_semaphore, #tpu.memory_space<semaphore_mem>>) src(%dma_wait3A_253 : memref<20000x128xf32, #tpu.memory_space<hbm>>) dst(%dma_wait3A_247 : memref<128x128xf32, #tpu.memory_space<vmem>>)
      %dma_start3A_254 = arith.constant 0 : i32
      %dma_start3A_255 = arith.constant 2 : i32
      %dma_start3A_256 = arith.constant 0 : i32
      %dma_start3A_257 = arith.constant 0 : i32
      %dma_start3A_258 = tpu.memref_slice %arg10[%dma_start3A_254, %dma_start3A_256, %dma_start3A_257] : memref<2x128x128xf32, #tpu.memory_space<vmem>> -> memref<1x128x128xf32, #tpu.memory_space<vmem>>
      %dma_start3A_259 = tpu.memref_squeeze %dma_start3A_258 : memref<1x128x128xf32, #tpu.memory_space<vmem>> -> memref<128x128xf32, #tpu.memory_space<vmem>>
      %dma_start3A_260 = arith.constant 0 : i32
      %dma_start3A_261 = tpu.memref_slice %arg9[%rem3A_84, %dma_start3A_255, %dma_start3A_260] : memref<2x8x128xi32, #tpu.memory_space<vmem>> -> memref<1x1x128xi32, #tpu.memory_space<vmem>>
      %dma_start3A_262 = tpu.memref_squeeze %dma_start3A_261 : memref<1x1x128xi32, #tpu.memory_space<vmem>> -> memref<128xi32, #tpu.memory_space<vmem>>
      %dma_start3A_263 = arith.constant 0 : i32
      %dma_start3A_264 = arith.constant 0 : i32
      %dma_start3A_265 = tpu.memref_slice %arg7[%dma_start3A_263, %dma_start3A_264] : memref<10240x128xf32, #tpu.memory_space<vmem_shared>> -> memref<10240x128xf32, #tpu.memory_space<vmem_shared>>
      tpu.enqueue_indirect_dma source(%dma_start3A_259 : memref<128x128xf32, #tpu.memory_space<vmem>>) target(%dma_start3A_265 : memref<10240x128xf32, #tpu.memory_space<vmem_shared>>) offsets(%dma_start3A_262 : memref<128xi32, #tpu.memory_space<vmem>>) semaphore(%arg12 : memref<!tpu.dma_semaphore, #tpu.memory_space<semaphore_mem>>) {add = true}
      %dma_wait3A_266 = arith.constant 0 : i32
      %dma_wait3A_267 = arith.constant 2 : i32
      %dma_wait3A_268 = arith.constant 0 : i32
      %dma_wait3A_269 = arith.constant 0 : i32
      %dma_wait3A_270 = tpu.memref_slice %arg10[%dma_wait3A_266, %dma_wait3A_268, %dma_wait3A_269] : memref<2x128x128xf32, #tpu.memory_space<vmem>> -> memref<1x128x128xf32, #tpu.memory_space<vmem>>
      %dma_wait3A_271 = tpu.memref_squeeze %dma_wait3A_270 : memref<1x128x128xf32, #tpu.memory_space<vmem>> -> memref<128x128xf32, #tpu.memory_space<vmem>>
      %dma_wait3A_272 = arith.constant 0 : i32
      %dma_wait3A_273 = tpu.memref_slice %arg9[%rem3A_84, %dma_wait3A_267, %dma_wait3A_272] : memref<2x8x128xi32, #tpu.memory_space<vmem>> -> memref<1x1x128xi32, #tpu.memory_space<vmem>>
      %dma_wait3A_274 = tpu.memref_squeeze %dma_wait3A_273 : memref<1x1x128xi32, #tpu.memory_space<vmem>> -> memref<128xi32, #tpu.memory_space<vmem>>
      %dma_wait3A_275 = arith.constant 0 : i32
      %dma_wait3A_276 = arith.constant 0 : i32
      %dma_wait3A_277 = tpu.memref_slice %arg7[%dma_wait3A_275, %dma_wait3A_276] : memref<10240x128xf32, #tpu.memory_space<vmem_shared>> -> memref<10240x128xf32, #tpu.memory_space<vmem_shared>>
      tpu.wait_indirect_dma semaphore(%arg12 : memref<!tpu.dma_semaphore, #tpu.memory_space<semaphore_mem>>) src(%dma_wait3A_271 : memref<128x128xf32, #tpu.memory_space<vmem>>) dst(%dma_wait3A_277 : memref<10240x128xf32, #tpu.memory_space<vmem_shared>>)
      %dma_start3A_278 = arith.constant 4 : i32
      %dma_start3A_279 = arith.constant 0 : i32
      %dma_start3A_280 = arith.constant 0 : i32
      %dma_start3A_281 = arith.constant 0 : i32
      %dma_start3A_282 = tpu.memref_slice %arg10[%dma_start3A_279, %dma_start3A_280, %dma_start3A_281] : memref<2x128x128xf32, #tpu.memory_space<vmem>> -> memref<1x128x128xf32, #tpu.memory_space<vmem>>
      %dma_start3A_283 = tpu.memref_squeeze %dma_start3A_282 : memref<1x128x128xf32, #tpu.memory_space<vmem>> -> memref<128x128xf32, #tpu.memory_space<vmem>>
      %dma_start3A_284 = arith.constant 0 : i32
      %dma_start3A_285 = tpu.memref_slice %arg8[%rem3A_84, %dma_start3A_278, %dma_start3A_284] : memref<2x8x128xi32, #tpu.memory_space<vmem>> -> memref<1x1x128xi32, #tpu.memory_space<vmem>>
      %dma_start3A_286 = tpu.memref_squeeze %dma_start3A_285 : memref<1x1x128xi32, #tpu.memory_space<vmem>> -> memref<128xi32, #tpu.memory_space<vmem>>
      %dma_start3A_287 = arith.constant 0 : i32
      %dma_start3A_288 = arith.constant 0 : i32
      %dma_start3A_289 = tpu.memref_slice %arg2[%dma_start3A_287, %dma_start3A_288] : memref<20000x128xf32, #tpu.memory_space<hbm>> -> memref<20000x128xf32, #tpu.memory_space<hbm>>
      tpu.enqueue_indirect_dma source(%dma_start3A_289 : memref<20000x128xf32, #tpu.memory_space<hbm>>) target(%dma_start3A_283 : memref<128x128xf32, #tpu.memory_space<vmem>>) offsets(%dma_start3A_286 : memref<128xi32, #tpu.memory_space<vmem>>) semaphore(%arg11 : memref<!tpu.dma_semaphore, #tpu.memory_space<semaphore_mem>>)
      %dma_wait3A_290 = arith.constant 3 : i32
      %dma_wait3A_291 = arith.constant 1 : i32
      %dma_wait3A_292 = arith.constant 0 : i32
      %dma_wait3A_293 = arith.constant 0 : i32
      %dma_wait3A_294 = tpu.memref_slice %arg10[%dma_wait3A_291, %dma_wait3A_292, %dma_wait3A_293] : memref<2x128x128xf32, #tpu.memory_space<vmem>> -> memref<1x128x128xf32, #tpu.memory_space<vmem>>
      %dma_wait3A_295 = tpu.memref_squeeze %dma_wait3A_294 : memref<1x128x128xf32, #tpu.memory_space<vmem>> -> memref<128x128xf32, #tpu.memory_space<vmem>>
      %dma_wait3A_296 = arith.constant 0 : i32
      %dma_wait3A_297 = tpu.memref_slice %arg8[%rem3A_84, %dma_wait3A_290, %dma_wait3A_296] : memref<2x8x128xi32, #tpu.memory_space<vmem>> -> memref<1x1x128xi32, #tpu.memory_space<vmem>>
      %dma_wait3A_298 = tpu.memref_squeeze %dma_wait3A_297 : memref<1x1x128xi32, #tpu.memory_space<vmem>> -> memref<128xi32, #tpu.memory_space<vmem>>
      %dma_wait3A_299 = arith.constant 0 : i32
      %dma_wait3A_300 = arith.constant 0 : i32
      %dma_wait3A_301 = tpu.memref_slice %arg2[%dma_wait3A_299, %dma_wait3A_300] : memref<20000x128xf32, #tpu.memory_space<hbm>> -> memref<20000x128xf32, #tpu.memory_space<hbm>>
      tpu.wait_indirect_dma semaphore(%arg11 : memref<!tpu.dma_semaphore, #tpu.memory_space<semaphore_mem>>) src(%dma_wait3A_301 : memref<20000x128xf32, #tpu.memory_space<hbm>>) dst(%dma_wait3A_295 : memref<128x128xf32, #tpu.memory_space<vmem>>)
      %dma_start3A_302 = arith.constant 1 : i32
      %dma_start3A_303 = arith.constant 3 : i32
      %dma_start3A_304 = arith.constant 0 : i32
      %dma_start3A_305 = arith.constant 0 : i32
      %dma_start3A_306 = tpu.memref_slice %arg10[%dma_start3A_302, %dma_start3A_304, %dma_start3A_305] : memref<2x128x128xf32, #tpu.memory_space<vmem>> -> memref<1x128x128xf32, #tpu.memory_space<vmem>>
      %dma_start3A_307 = tpu.memref_squeeze %dma_start3A_306 : memref<1x128x128xf32, #tpu.memory_space<vmem>> -> memref<128x128xf32, #tpu.memory_space<vmem>>
      %dma_start3A_308 = arith.constant 0 : i32
      %dma_start3A_309 = tpu.memref_slice %arg9[%rem3A_84, %dma_start3A_303, %dma_start3A_308] : memref<2x8x128xi32, #tpu.memory_space<vmem>> -> memref<1x1x128xi32, #tpu.memory_space<vmem>>
      %dma_start3A_310 = tpu.memref_squeeze %dma_start3A_309 : memref<1x1x128xi32, #tpu.memory_space<vmem>> -> memref<128xi32, #tpu.memory_space<vmem>>
      %dma_start3A_311 = arith.constant 0 : i32
      %dma_start3A_312 = arith.constant 0 : i32
      %dma_start3A_313 = tpu.memref_slice %arg7[%dma_start3A_311, %dma_start3A_312] : memref<10240x128xf32, #tpu.memory_space<vmem_shared>> -> memref<10240x128xf32, #tpu.memory_space<vmem_shared>>
      tpu.enqueue_indirect_dma source(%dma_start3A_307 : memref<128x128xf32, #tpu.memory_space<vmem>>) target(%dma_start3A_313 : memref<10240x128xf32, #tpu.memory_space<vmem_shared>>) offsets(%dma_start3A_310 : memref<128xi32, #tpu.memory_space<vmem>>) semaphore(%arg12 : memref<!tpu.dma_semaphore, #tpu.memory_space<semaphore_mem>>) {add = true}
      %dma_wait3A_314 = arith.constant 1 : i32
      %dma_wait3A_315 = arith.constant 3 : i32
      %dma_wait3A_316 = arith.constant 0 : i32
      %dma_wait3A_317 = arith.constant 0 : i32
      %dma_wait3A_318 = tpu.memref_slice %arg10[%dma_wait3A_314, %dma_wait3A_316, %dma_wait3A_317] : memref<2x128x128xf32, #tpu.memory_space<vmem>> -> memref<1x128x128xf32, #tpu.memory_space<vmem>>
      %dma_wait3A_319 = tpu.memref_squeeze %dma_wait3A_318 : memref<1x128x128xf32, #tpu.memory_space<vmem>> -> memref<128x128xf32, #tpu.memory_space<vmem>>
      %dma_wait3A_320 = arith.constant 0 : i32
      %dma_wait3A_321 = tpu.memref_slice %arg9[%rem3A_84, %dma_wait3A_315, %dma_wait3A_320] : memref<2x8x128xi32, #tpu.memory_space<vmem>> -> memref<1x1x128xi32, #tpu.memory_space<vmem>>
      %dma_wait3A_322 = tpu.memref_squeeze %dma_wait3A_321 : memref<1x1x128xi32, #tpu.memory_space<vmem>> -> memref<128xi32, #tpu.memory_space<vmem>>
      %dma_wait3A_323 = arith.constant 0 : i32
      %dma_wait3A_324 = arith.constant 0 : i32
      %dma_wait3A_325 = tpu.memref_slice %arg7[%dma_wait3A_323, %dma_wait3A_324] : memref<10240x128xf32, #tpu.memory_space<vmem_shared>> -> memref<10240x128xf32, #tpu.memory_space<vmem_shared>>
      tpu.wait_indirect_dma semaphore(%arg12 : memref<!tpu.dma_semaphore, #tpu.memory_space<semaphore_mem>>) src(%dma_wait3A_319 : memref<128x128xf32, #tpu.memory_space<vmem>>) dst(%dma_wait3A_325 : memref<10240x128xf32, #tpu.memory_space<vmem_shared>>)
      %dma_start3A_326 = arith.constant 5 : i32
      %dma_start3A_327 = arith.constant 1 : i32
      %dma_start3A_328 = arith.constant 0 : i32
      %dma_start3A_329 = arith.constant 0 : i32
      %dma_start3A_330 = tpu.memref_slice %arg10[%dma_start3A_327, %dma_start3A_328, %dma_start3A_329] : memref<2x128x128xf32, #tpu.memory_space<vmem>> -> memref<1x128x128xf32, #tpu.memory_space<vmem>>
      %dma_start3A_331 = tpu.memref_squeeze %dma_start3A_330 : memref<1x128x128xf32, #tpu.memory_space<vmem>> -> memref<128x128xf32, #tpu.memory_space<vmem>>
      %dma_start3A_332 = arith.constant 0 : i32
      %dma_start3A_333 = tpu.memref_slice %arg8[%rem3A_84, %dma_start3A_326, %dma_start3A_332] : memref<2x8x128xi32, #tpu.memory_space<vmem>> -> memref<1x1x128xi32, #tpu.memory_space<vmem>>
      %dma_start3A_334 = tpu.memref_squeeze %dma_start3A_333 : memref<1x1x128xi32, #tpu.memory_space<vmem>> -> memref<128xi32, #tpu.memory_space<vmem>>
      %dma_start3A_335 = arith.constant 0 : i32
      %dma_start3A_336 = arith.constant 0 : i32
      %dma_start3A_337 = tpu.memref_slice %arg2[%dma_start3A_335, %dma_start3A_336] : memref<20000x128xf32, #tpu.memory_space<hbm>> -> memref<20000x128xf32, #tpu.memory_space<hbm>>
      tpu.enqueue_indirect_dma source(%dma_start3A_337 : memref<20000x128xf32, #tpu.memory_space<hbm>>) target(%dma_start3A_331 : memref<128x128xf32, #tpu.memory_space<vmem>>) offsets(%dma_start3A_334 : memref<128xi32, #tpu.memory_space<vmem>>) semaphore(%arg11 : memref<!tpu.dma_semaphore, #tpu.memory_space<semaphore_mem>>)
      %dma_wait3A_338 = arith.constant 4 : i32
      %dma_wait3A_339 = arith.constant 0 : i32
      %dma_wait3A_340 = arith.constant 0 : i32
      %dma_wait3A_341 = arith.constant 0 : i32
      %dma_wait3A_342 = tpu.memref_slice %arg10[%dma_wait3A_339, %dma_wait3A_340, %dma_wait3A_341] : memref<2x128x128xf32, #tpu.memory_space<vmem>> -> memref<1x128x128xf32, #tpu.memory_space<vmem>>
      %dma_wait3A_343 = tpu.memref_squeeze %dma_wait3A_342 : memref<1x128x128xf32, #tpu.memory_space<vmem>> -> memref<128x128xf32, #tpu.memory_space<vmem>>
      %dma_wait3A_344 = arith.constant 0 : i32
      %dma_wait3A_345 = tpu.memref_slice %arg8[%rem3A_84, %dma_wait3A_338, %dma_wait3A_344] : memref<2x8x128xi32, #tpu.memory_space<vmem>> -> memref<1x1x128xi32, #tpu.memory_space<vmem>>
      %dma_wait3A_346 = tpu.memref_squeeze %dma_wait3A_345 : memref<1x1x128xi32, #tpu.memory_space<vmem>> -> memref<128xi32, #tpu.memory_space<vmem>>
      %dma_wait3A_347 = arith.constant 0 : i32
      %dma_wait3A_348 = arith.constant 0 : i32
      %dma_wait3A_349 = tpu.memref_slice %arg2[%dma_wait3A_347, %dma_wait3A_348] : memref<20000x128xf32, #tpu.memory_space<hbm>> -> memref<20000x128xf32, #tpu.memory_space<hbm>>
      tpu.wait_indirect_dma semaphore(%arg11 : memref<!tpu.dma_semaphore, #tpu.memory_space<semaphore_mem>>) src(%dma_wait3A_349 : memref<20000x128xf32, #tpu.memory_space<hbm>>) dst(%dma_wait3A_343 : memref<128x128xf32, #tpu.memory_space<vmem>>)
      %dma_start3A_350 = arith.constant 0 : i32
      %dma_start3A_351 = arith.constant 4 : i32
      %dma_start3A_352 = arith.constant 0 : i32
      %dma_start3A_353 = arith.constant 0 : i32
      %dma_start3A_354 = tpu.memref_slice %arg10[%dma_start3A_350, %dma_start3A_352, %dma_start3A_353] : memref<2x128x128xf32, #tpu.memory_space<vmem>> -> memref<1x128x128xf32, #tpu.memory_space<vmem>>
      %dma_start3A_355 = tpu.memref_squeeze %dma_start3A_354 : memref<1x128x128xf32, #tpu.memory_space<vmem>> -> memref<128x128xf32, #tpu.memory_space<vmem>>
      %dma_start3A_356 = arith.constant 0 : i32
      %dma_start3A_357 = tpu.memref_slice %arg9[%rem3A_84, %dma_start3A_351, %dma_start3A_356] : memref<2x8x128xi32, #tpu.memory_space<vmem>> -> memref<1x1x128xi32, #tpu.memory_space<vmem>>
      %dma_start3A_358 = tpu.memref_squeeze %dma_start3A_357 : memref<1x1x128xi32, #tpu.memory_space<vmem>> -> memref<128xi32, #tpu.memory_space<vmem>>
      %dma_start3A_359 = arith.constant 0 : i32
      %dma_start3A_360 = arith.constant 0 : i32
      %dma_start3A_361 = tpu.memref_slice %arg7[%dma_start3A_359, %dma_start3A_360] : memref<10240x128xf32, #tpu.memory_space<vmem_shared>> -> memref<10240x128xf32, #tpu.memory_space<vmem_shared>>
      tpu.enqueue_indirect_dma source(%dma_start3A_355 : memref<128x128xf32, #tpu.memory_space<vmem>>) target(%dma_start3A_361 : memref<10240x128xf32, #tpu.memory_space<vmem_shared>>) offsets(%dma_start3A_358 : memref<128xi32, #tpu.memory_space<vmem>>) semaphore(%arg12 : memref<!tpu.dma_semaphore, #tpu.memory_space<semaphore_mem>>) {add = true}
      %dma_wait3A_362 = arith.constant 0 : i32
      %dma_wait3A_363 = arith.constant 4 : i32
      %dma_wait3A_364 = arith.constant 0 : i32
      %dma_wait3A_365 = arith.constant 0 : i32
      %dma_wait3A_366 = tpu.memref_slice %arg10[%dma_wait3A_362, %dma_wait3A_364, %dma_wait3A_365] : memref<2x128x128xf32, #tpu.memory_space<vmem>> -> memref<1x128x128xf32, #tpu.memory_space<vmem>>
      %dma_wait3A_367 = tpu.memref_squeeze %dma_wait3A_366 : memref<1x128x128xf32, #tpu.memory_space<vmem>> -> memref<128x128xf32, #tpu.memory_space<vmem>>
      %dma_wait3A_368 = arith.constant 0 : i32
      %dma_wait3A_369 = tpu.memref_slice %arg9[%rem3A_84, %dma_wait3A_363, %dma_wait3A_368] : memref<2x8x128xi32, #tpu.memory_space<vmem>> -> memref<1x1x128xi32, #tpu.memory_space<vmem>>
      %dma_wait3A_370 = tpu.memref_squeeze %dma_wait3A_369 : memref<1x1x128xi32, #tpu.memory_space<vmem>> -> memref<128xi32, #tpu.memory_space<vmem>>
      %dma_wait3A_371 = arith.constant 0 : i32
      %dma_wait3A_372 = arith.constant 0 : i32
      %dma_wait3A_373 = tpu.memref_slice %arg7[%dma_wait3A_371, %dma_wait3A_372] : memref<10240x128xf32, #tpu.memory_space<vmem_shared>> -> memref<10240x128xf32, #tpu.memory_space<vmem_shared>>
      tpu.wait_indirect_dma semaphore(%arg12 : memref<!tpu.dma_semaphore, #tpu.memory_space<semaphore_mem>>) src(%dma_wait3A_367 : memref<128x128xf32, #tpu.memory_space<vmem>>) dst(%dma_wait3A_373 : memref<10240x128xf32, #tpu.memory_space<vmem_shared>>)
      %dma_start3A_374 = arith.constant 6 : i32
      %dma_start3A_375 = arith.constant 0 : i32
      %dma_start3A_376 = arith.constant 0 : i32
      %dma_start3A_377 = arith.constant 0 : i32
      %dma_start3A_378 = tpu.memref_slice %arg10[%dma_start3A_375, %dma_start3A_376, %dma_start3A_377] : memref<2x128x128xf32, #tpu.memory_space<vmem>> -> memref<1x128x128xf32, #tpu.memory_space<vmem>>
      %dma_start3A_379 = tpu.memref_squeeze %dma_start3A_378 : memref<1x128x128xf32, #tpu.memory_space<vmem>> -> memref<128x128xf32, #tpu.memory_space<vmem>>
      %dma_start3A_380 = arith.constant 0 : i32
      %dma_start3A_381 = tpu.memref_slice %arg8[%rem3A_84, %dma_start3A_374, %dma_start3A_380] : memref<2x8x128xi32, #tpu.memory_space<vmem>> -> memref<1x1x128xi32, #tpu.memory_space<vmem>>
      %dma_start3A_382 = tpu.memref_squeeze %dma_start3A_381 : memref<1x1x128xi32, #tpu.memory_space<vmem>> -> memref<128xi32, #tpu.memory_space<vmem>>
      %dma_start3A_383 = arith.constant 0 : i32
      %dma_start3A_384 = arith.constant 0 : i32
      %dma_start3A_385 = tpu.memref_slice %arg2[%dma_start3A_383, %dma_start3A_384] : memref<20000x128xf32, #tpu.memory_space<hbm>> -> memref<20000x128xf32, #tpu.memory_space<hbm>>
      tpu.enqueue_indirect_dma source(%dma_start3A_385 : memref<20000x128xf32, #tpu.memory_space<hbm>>) target(%dma_start3A_379 : memref<128x128xf32, #tpu.memory_space<vmem>>) offsets(%dma_start3A_382 : memref<128xi32, #tpu.memory_space<vmem>>) semaphore(%arg11 : memref<!tpu.dma_semaphore, #tpu.memory_space<semaphore_mem>>)
      %dma_wait3A_386 = arith.constant 5 : i32
      %dma_wait3A_387 = arith.constant 1 : i32
      %dma_wait3A_388 = arith.constant 0 : i32
      %dma_wait3A_389 = arith.constant 0 : i32
      %dma_wait3A_390 = tpu.memref_slice %arg10[%dma_wait3A_387, %dma_wait3A_388, %dma_wait3A_389] : memref<2x128x128xf32, #tpu.memory_space<vmem>> -> memref<1x128x128xf32, #tpu.memory_space<vmem>>
      %dma_wait3A_391 = tpu.memref_squeeze %dma_wait3A_390 : memref<1x128x128xf32, #tpu.memory_space<vmem>> -> memref<128x128xf32, #tpu.memory_space<vmem>>
      %dma_wait3A_392 = arith.constant 0 : i32
      %dma_wait3A_393 = tpu.memref_slice %arg8[%rem3A_84, %dma_wait3A_386, %dma_wait3A_392] : memref<2x8x128xi32, #tpu.memory_space<vmem>> -> memref<1x1x128xi32, #tpu.memory_space<vmem>>
      %dma_wait3A_394 = tpu.memref_squeeze %dma_wait3A_393 : memref<1x1x128xi32, #tpu.memory_space<vmem>> -> memref<128xi32, #tpu.memory_space<vmem>>
      %dma_wait3A_395 = arith.constant 0 : i32
      %dma_wait3A_396 = arith.constant 0 : i32
      %dma_wait3A_397 = tpu.memref_slice %arg2[%dma_wait3A_395, %dma_wait3A_396] : memref<20000x128xf32, #tpu.memory_space<hbm>> -> memref<20000x128xf32, #tpu.memory_space<hbm>>
      tpu.wait_indirect_dma semaphore(%arg11 : memref<!tpu.dma_semaphore, #tpu.memory_space<semaphore_mem>>) src(%dma_wait3A_397 : memref<20000x128xf32, #tpu.memory_space<hbm>>) dst(%dma_wait3A_391 : memref<128x128xf32, #tpu.memory_space<vmem>>)
      %dma_start3A_398 = arith.constant 1 : i32
      %dma_start3A_399 = arith.constant 5 : i32
      %dma_start3A_400 = arith.constant 0 : i32
      %dma_start3A_401 = arith.constant 0 : i32
      %dma_start3A_402 = tpu.memref_slice %arg10[%dma_start3A_398, %dma_start3A_400, %dma_start3A_401] : memref<2x128x128xf32, #tpu.memory_space<vmem>> -> memref<1x128x128xf32, #tpu.memory_space<vmem>>
      %dma_start3A_403 = tpu.memref_squeeze %dma_start3A_402 : memref<1x128x128xf32, #tpu.memory_space<vmem>> -> memref<128x128xf32, #tpu.memory_space<vmem>>
      %dma_start3A_404 = arith.constant 0 : i32
      %dma_start3A_405 = tpu.memref_slice %arg9[%rem3A_84, %dma_start3A_399, %dma_start3A_404] : memref<2x8x128xi32, #tpu.memory_space<vmem>> -> memref<1x1x128xi32, #tpu.memory_space<vmem>>
      %dma_start3A_406 = tpu.memref_squeeze %dma_start3A_405 : memref<1x1x128xi32, #tpu.memory_space<vmem>> -> memref<128xi32, #tpu.memory_space<vmem>>
      %dma_start3A_407 = arith.constant 0 : i32
      %dma_start3A_408 = arith.constant 0 : i32
      %dma_start3A_409 = tpu.memref_slice %arg7[%dma_start3A_407, %dma_start3A_408] : memref<10240x128xf32, #tpu.memory_space<vmem_shared>> -> memref<10240x128xf32, #tpu.memory_space<vmem_shared>>
      tpu.enqueue_indirect_dma source(%dma_start3A_403 : memref<128x128xf32, #tpu.memory_space<vmem>>) target(%dma_start3A_409 : memref<10240x128xf32, #tpu.memory_space<vmem_shared>>) offsets(%dma_start3A_406 : memref<128xi32, #tpu.memory_space<vmem>>) semaphore(%arg12 : memref<!tpu.dma_semaphore, #tpu.memory_space<semaphore_mem>>) {add = true}
      %dma_wait3A_410 = arith.constant 1 : i32
      %dma_wait3A_411 = arith.constant 5 : i32
      %dma_wait3A_412 = arith.constant 0 : i32
      %dma_wait3A_413 = arith.constant 0 : i32
      %dma_wait3A_414 = tpu.memref_slice %arg10[%dma_wait3A_410, %dma_wait3A_412, %dma_wait3A_413] : memref<2x128x128xf32, #tpu.memory_space<vmem>> -> memref<1x128x128xf32, #tpu.memory_space<vmem>>
      %dma_wait3A_415 = tpu.memref_squeeze %dma_wait3A_414 : memref<1x128x128xf32, #tpu.memory_space<vmem>> -> memref<128x128xf32, #tpu.memory_space<vmem>>
      %dma_wait3A_416 = arith.constant 0 : i32
      %dma_wait3A_417 = tpu.memref_slice %arg9[%rem3A_84, %dma_wait3A_411, %dma_wait3A_416] : memref<2x8x128xi32, #tpu.memory_space<vmem>> -> memref<1x1x128xi32, #tpu.memory_space<vmem>>
      %dma_wait3A_418 = tpu.memref_squeeze %dma_wait3A_417 : memref<1x1x128xi32, #tpu.memory_space<vmem>> -> memref<128xi32, #tpu.memory_space<vmem>>
      %dma_wait3A_419 = arith.constant 0 : i32
      %dma_wait3A_420 = arith.constant 0 : i32
      %dma_wait3A_421 = tpu.memref_slice %arg7[%dma_wait3A_419, %dma_wait3A_420] : memref<10240x128xf32, #tpu.memory_space<vmem_shared>> -> memref<10240x128xf32, #tpu.memory_space<vmem_shared>>
      tpu.wait_indirect_dma semaphore(%arg12 : memref<!tpu.dma_semaphore, #tpu.memory_space<semaphore_mem>>) src(%dma_wait3A_415 : memref<128x128xf32, #tpu.memory_space<vmem>>) dst(%dma_wait3A_421 : memref<10240x128xf32, #tpu.memory_space<vmem_shared>>)
      %dma_start3A_422 = arith.constant 7 : i32
      %dma_start3A_423 = arith.constant 1 : i32
      %dma_start3A_424 = arith.constant 0 : i32
      %dma_start3A_425 = arith.constant 0 : i32
      %dma_start3A_426 = tpu.memref_slice %arg10[%dma_start3A_423, %dma_start3A_424, %dma_start3A_425] : memref<2x128x128xf32, #tpu.memory_space<vmem>> -> memref<1x128x128xf32, #tpu.memory_space<vmem>>
      %dma_start3A_427 = tpu.memref_squeeze %dma_start3A_426 : memref<1x128x128xf32, #tpu.memory_space<vmem>> -> memref<128x128xf32, #tpu.memory_space<vmem>>
      %dma_start3A_428 = arith.constant 0 : i32
      %dma_start3A_429 = tpu.memref_slice %arg8[%rem3A_84, %dma_start3A_422, %dma_start3A_428] : memref<2x8x128xi32, #tpu.memory_space<vmem>> -> memref<1x1x128xi32, #tpu.memory_space<vmem>>
      %dma_start3A_430 = tpu.memref_squeeze %dma_start3A_429 : memref<1x1x128xi32, #tpu.memory_space<vmem>> -> memref<128xi32, #tpu.memory_space<vmem>>
      %dma_start3A_431 = arith.constant 0 : i32
      %dma_start3A_432 = arith.constant 0 : i32
      %dma_start3A_433 = tpu.memref_slice %arg2[%dma_start3A_431, %dma_start3A_432] : memref<20000x128xf32, #tpu.memory_space<hbm>> -> memref<20000x128xf32, #tpu.memory_space<hbm>>
      tpu.enqueue_indirect_dma source(%dma_start3A_433 : memref<20000x128xf32, #tpu.memory_space<hbm>>) target(%dma_start3A_427 : memref<128x128xf32, #tpu.memory_space<vmem>>) offsets(%dma_start3A_430 : memref<128xi32, #tpu.memory_space<vmem>>) semaphore(%arg11 : memref<!tpu.dma_semaphore, #tpu.memory_space<semaphore_mem>>)
      %dma_wait3A_434 = arith.constant 6 : i32
      %dma_wait3A_435 = arith.constant 0 : i32
      %dma_wait3A_436 = arith.constant 0 : i32
      %dma_wait3A_437 = arith.constant 0 : i32
      %dma_wait3A_438 = tpu.memref_slice %arg10[%dma_wait3A_435, %dma_wait3A_436, %dma_wait3A_437] : memref<2x128x128xf32, #tpu.memory_space<vmem>> -> memref<1x128x128xf32, #tpu.memory_space<vmem>>
      %dma_wait3A_439 = tpu.memref_squeeze %dma_wait3A_438 : memref<1x128x128xf32, #tpu.memory_space<vmem>> -> memref<128x128xf32, #tpu.memory_space<vmem>>
      %dma_wait3A_440 = arith.constant 0 : i32
      %dma_wait3A_441 = tpu.memref_slice %arg8[%rem3A_84, %dma_wait3A_434, %dma_wait3A_440] : memref<2x8x128xi32, #tpu.memory_space<vmem>> -> memref<1x1x128xi32, #tpu.memory_space<vmem>>
      %dma_wait3A_442 = tpu.memref_squeeze %dma_wait3A_441 : memref<1x1x128xi32, #tpu.memory_space<vmem>> -> memref<128xi32, #tpu.memory_space<vmem>>
      %dma_wait3A_443 = arith.constant 0 : i32
      %dma_wait3A_444 = arith.constant 0 : i32
      %dma_wait3A_445 = tpu.memref_slice %arg2[%dma_wait3A_443, %dma_wait3A_444] : memref<20000x128xf32, #tpu.memory_space<hbm>> -> memref<20000x128xf32, #tpu.memory_space<hbm>>
      tpu.wait_indirect_dma semaphore(%arg11 : memref<!tpu.dma_semaphore, #tpu.memory_space<semaphore_mem>>) src(%dma_wait3A_445 : memref<20000x128xf32, #tpu.memory_space<hbm>>) dst(%dma_wait3A_439 : memref<128x128xf32, #tpu.memory_space<vmem>>)
      %dma_start3A_446 = arith.constant 0 : i32
      %dma_start3A_447 = arith.constant 6 : i32
      %dma_start3A_448 = arith.constant 0 : i32
      %dma_start3A_449 = arith.constant 0 : i32
      %dma_start3A_450 = tpu.memref_slice %arg10[%dma_start3A_446, %dma_start3A_448, %dma_start3A_449] : memref<2x128x128xf32, #tpu.memory_space<vmem>> -> memref<1x128x128xf32, #tpu.memory_space<vmem>>
      %dma_start3A_451 = tpu.memref_squeeze %dma_start3A_450 : memref<1x128x128xf32, #tpu.memory_space<vmem>> -> memref<128x128xf32, #tpu.memory_space<vmem>>
      %dma_start3A_452 = arith.constant 0 : i32
      %dma_start3A_453 = tpu.memref_slice %arg9[%rem3A_84, %dma_start3A_447, %dma_start3A_452] : memref<2x8x128xi32, #tpu.memory_space<vmem>> -> memref<1x1x128xi32, #tpu.memory_space<vmem>>
      %dma_start3A_454 = tpu.memref_squeeze %dma_start3A_453 : memref<1x1x128xi32, #tpu.memory_space<vmem>> -> memref<128xi32, #tpu.memory_space<vmem>>
      %dma_start3A_455 = arith.constant 0 : i32
      %dma_start3A_456 = arith.constant 0 : i32
      %dma_start3A_457 = tpu.memref_slice %arg7[%dma_start3A_455, %dma_start3A_456] : memref<10240x128xf32, #tpu.memory_space<vmem_shared>> -> memref<10240x128xf32, #tpu.memory_space<vmem_shared>>
      tpu.enqueue_indirect_dma source(%dma_start3A_451 : memref<128x128xf32, #tpu.memory_space<vmem>>) target(%dma_start3A_457 : memref<10240x128xf32, #tpu.memory_space<vmem_shared>>) offsets(%dma_start3A_454 : memref<128xi32, #tpu.memory_space<vmem>>) semaphore(%arg12 : memref<!tpu.dma_semaphore, #tpu.memory_space<semaphore_mem>>) {add = true}
      %dma_wait3A_458 = arith.constant 7 : i32
      %dma_wait3A_459 = arith.constant 1 : i32
      %dma_wait3A_460 = arith.constant 0 : i32
      %dma_wait3A_461 = arith.constant 0 : i32
      %dma_wait3A_462 = tpu.memref_slice %arg10[%dma_wait3A_459, %dma_wait3A_460, %dma_wait3A_461] : memref<2x128x128xf32, #tpu.memory_space<vmem>> -> memref<1x128x128xf32, #tpu.memory_space<vmem>>
      %dma_wait3A_463 = tpu.memref_squeeze %dma_wait3A_462 : memref<1x128x128xf32, #tpu.memory_space<vmem>> -> memref<128x128xf32, #tpu.memory_space<vmem>>
      %dma_wait3A_464 = arith.constant 0 : i32
      %dma_wait3A_465 = tpu.memref_slice %arg8[%rem3A_84, %dma_wait3A_458, %dma_wait3A_464] : memref<2x8x128xi32, #tpu.memory_space<vmem>> -> memref<1x1x128xi32, #tpu.memory_space<vmem>>
      %dma_wait3A_466 = tpu.memref_squeeze %dma_wait3A_465 : memref<1x1x128xi32, #tpu.memory_space<vmem>> -> memref<128xi32, #tpu.memory_space<vmem>>
      %dma_wait3A_467 = arith.constant 0 : i32
      %dma_wait3A_468 = arith.constant 0 : i32
      %dma_wait3A_469 = tpu.memref_slice %arg2[%dma_wait3A_467, %dma_wait3A_468] : memref<20000x128xf32, #tpu.memory_space<hbm>> -> memref<20000x128xf32, #tpu.memory_space<hbm>>
      tpu.wait_indirect_dma semaphore(%arg11 : memref<!tpu.dma_semaphore, #tpu.memory_space<semaphore_mem>>) src(%dma_wait3A_469 : memref<20000x128xf32, #tpu.memory_space<hbm>>) dst(%dma_wait3A_463 : memref<128x128xf32, #tpu.memory_space<vmem>>)
      %dma_start3A_470 = arith.constant 1 : i32
      %dma_start3A_471 = arith.constant 7 : i32
      %dma_start3A_472 = arith.constant 0 : i32
      %dma_start3A_473 = arith.constant 0 : i32
      %dma_start3A_474 = tpu.memref_slice %arg10[%dma_start3A_470, %dma_start3A_472, %dma_start3A_473] : memref<2x128x128xf32, #tpu.memory_space<vmem>> -> memref<1x128x128xf32, #tpu.memory_space<vmem>>
      %dma_start3A_475 = tpu.memref_squeeze %dma_start3A_474 : memref<1x128x128xf32, #tpu.memory_space<vmem>> -> memref<128x128xf32, #tpu.memory_space<vmem>>
      %dma_start3A_476 = arith.constant 0 : i32
      %dma_start3A_477 = tpu.memref_slice %arg9[%rem3A_84, %dma_start3A_471, %dma_start3A_476] : memref<2x8x128xi32, #tpu.memory_space<vmem>> -> memref<1x1x128xi32, #tpu.memory_space<vmem>>
      %dma_start3A_478 = tpu.memref_squeeze %dma_start3A_477 : memref<1x1x128xi32, #tpu.memory_space<vmem>> -> memref<128xi32, #tpu.memory_space<vmem>>
      %dma_start3A_479 = arith.constant 0 : i32
      %dma_start3A_480 = arith.constant 0 : i32
      %dma_start3A_481 = tpu.memref_slice %arg7[%dma_start3A_479, %dma_start3A_480] : memref<10240x128xf32, #tpu.memory_space<vmem_shared>> -> memref<10240x128xf32, #tpu.memory_space<vmem_shared>>
      tpu.enqueue_indirect_dma source(%dma_start3A_475 : memref<128x128xf32, #tpu.memory_space<vmem>>) target(%dma_start3A_481 : memref<10240x128xf32, #tpu.memory_space<vmem_shared>>) offsets(%dma_start3A_478 : memref<128xi32, #tpu.memory_space<vmem>>) semaphore(%arg12 : memref<!tpu.dma_semaphore, #tpu.memory_space<semaphore_mem>>) {add = true}
      %dma_wait3A_482 = arith.constant 0 : i32
      %dma_wait3A_483 = arith.constant 6 : i32
      %dma_wait3A_484 = arith.constant 0 : i32
      %dma_wait3A_485 = arith.constant 0 : i32
      %dma_wait3A_486 = tpu.memref_slice %arg10[%dma_wait3A_482, %dma_wait3A_484, %dma_wait3A_485] : memref<2x128x128xf32, #tpu.memory_space<vmem>> -> memref<1x128x128xf32, #tpu.memory_space<vmem>>
      %dma_wait3A_487 = tpu.memref_squeeze %dma_wait3A_486 : memref<1x128x128xf32, #tpu.memory_space<vmem>> -> memref<128x128xf32, #tpu.memory_space<vmem>>
      %dma_wait3A_488 = arith.constant 0 : i32
      %dma_wait3A_489 = tpu.memref_slice %arg9[%rem3A_84, %dma_wait3A_483, %dma_wait3A_488] : memref<2x8x128xi32, #tpu.memory_space<vmem>> -> memref<1x1x128xi32, #tpu.memory_space<vmem>>
      %dma_wait3A_490 = tpu.memref_squeeze %dma_wait3A_489 : memref<1x1x128xi32, #tpu.memory_space<vmem>> -> memref<128xi32, #tpu.memory_space<vmem>>
      %dma_wait3A_491 = arith.constant 0 : i32
      %dma_wait3A_492 = arith.constant 0 : i32
      %dma_wait3A_493 = tpu.memref_slice %arg7[%dma_wait3A_491, %dma_wait3A_492] : memref<10240x128xf32, #tpu.memory_space<vmem_shared>> -> memref<10240x128xf32, #tpu.memory_space<vmem_shared>>
      tpu.wait_indirect_dma semaphore(%arg12 : memref<!tpu.dma_semaphore, #tpu.memory_space<semaphore_mem>>) src(%dma_wait3A_487 : memref<128x128xf32, #tpu.memory_space<vmem>>) dst(%dma_wait3A_493 : memref<10240x128xf32, #tpu.memory_space<vmem_shared>>)
      %dma_wait3A_494 = arith.constant 1 : i32
      %dma_wait3A_495 = arith.constant 7 : i32
      %dma_wait3A_496 = arith.constant 0 : i32
      %dma_wait3A_497 = arith.constant 0 : i32
      %dma_wait3A_498 = tpu.memref_slice %arg10[%dma_wait3A_494, %dma_wait3A_496, %dma_wait3A_497] : memref<2x128x128xf32, #tpu.memory_space<vmem>> -> memref<1x128x128xf32, #tpu.memory_space<vmem>>
      %dma_wait3A_499 = tpu.memref_squeeze %dma_wait3A_498 : memref<1x128x128xf32, #tpu.memory_space<vmem>> -> memref<128x128xf32, #tpu.memory_space<vmem>>
      %dma_wait3A_500 = arith.constant 0 : i32
      %dma_wait3A_501 = tpu.memref_slice %arg9[%rem3A_84, %dma_wait3A_495, %dma_wait3A_500] : memref<2x8x128xi32, #tpu.memory_space<vmem>> -> memref<1x1x128xi32, #tpu.memory_space<vmem>>
      %dma_wait3A_502 = tpu.memref_squeeze %dma_wait3A_501 : memref<1x1x128xi32, #tpu.memory_space<vmem>> -> memref<128xi32, #tpu.memory_space<vmem>>
      %dma_wait3A_503 = arith.constant 0 : i32
      %dma_wait3A_504 = arith.constant 0 : i32
      %dma_wait3A_505 = tpu.memref_slice %arg7[%dma_wait3A_503, %dma_wait3A_504] : memref<10240x128xf32, #tpu.memory_space<vmem_shared>> -> memref<10240x128xf32, #tpu.memory_space<vmem_shared>>
      tpu.wait_indirect_dma semaphore(%arg12 : memref<!tpu.dma_semaphore, #tpu.memory_space<semaphore_mem>>) src(%dma_wait3A_499 : memref<128x128xf32, #tpu.memory_space<vmem>>) dst(%dma_wait3A_505 : memref<10240x128xf32, #tpu.memory_space<vmem_shared>>)
      %dma_wait3A_506 = arith.constant 0 : i32
      %dma_wait3A_507 = arith.constant 0 : i32
      %dma_wait3A_508 = tpu.memref_slice %arg8[%sub3A_93, %dma_wait3A_506, %dma_wait3A_507] : memref<2x8x128xi32, #tpu.memory_space<vmem>> -> memref<1x8x128xi32, #tpu.memory_space<vmem>>
      %dma_wait3A_509 = tpu.memref_squeeze %dma_wait3A_508 : memref<1x8x128xi32, #tpu.memory_space<vmem>> -> memref<8x128xi32, #tpu.memory_space<vmem>>
      %dma_wait3A_510 = arith.constant 0 : i32
      %dma_wait3A_511 = tpu.memref_slice %arg3[%arg0, %add3A_92, %dma_wait3A_510] : memref<2x2560x128xi32, #tpu.memory_space<hbm>> -> memref<1x8x128xi32, #tpu.memory_space<hbm>>
      %dma_wait3A_512 = tpu.memref_squeeze %dma_wait3A_511 : memref<1x8x128xi32, #tpu.memory_space<hbm>> -> memref<8x128xi32, #tpu.memory_space<hbm>>
      %dma_wait3A_513 = arith.constant 0 : i32
      %dma_wait3A_514 = arith.constant 0 : i32
      %dma_wait3A_515 = tpu.memref_slice %arg8[%sub3A_93, %dma_wait3A_513, %dma_wait3A_514] : memref<2x8x128xi32, #tpu.memory_space<vmem>> -> memref<1x8x128xi32, #tpu.memory_space<vmem>>
      %dma_wait3A_516 = tpu.memref_squeeze %dma_wait3A_515 : memref<1x8x128xi32, #tpu.memory_space<vmem>> -> memref<8x128xi32, #tpu.memory_space<vmem>>
      %dma_wait3A_517 = arith.constant 0 : i32
      %dma_wait3A_518 = tpu.memref_slice %arg3[%arg0, %add3A_92, %dma_wait3A_517] : memref<2x2560x128xi32, #tpu.memory_space<hbm>> -> memref<1x8x128xi32, #tpu.memory_space<hbm>>
      %dma_wait3A_519 = tpu.memref_squeeze %dma_wait3A_518 : memref<1x8x128xi32, #tpu.memory_space<hbm>> -> memref<8x128xi32, #tpu.memory_space<hbm>>
      tpu.wait_dma2 semaphore(%arg13 : memref<!tpu.dma_semaphore, #tpu.memory_space<semaphore_mem>>) src(%dma_wait3A_519 : memref<8x128xi32, #tpu.memory_space<hbm>>) dst(%dma_wait3A_516 : memref<8x128xi32, #tpu.memory_space<vmem>>)
      %dma_wait3A_520 = arith.constant 0 : i32
      %dma_wait3A_521 = arith.constant 0 : i32
      %dma_wait3A_522 = tpu.memref_slice %arg9[%sub3A_108, %dma_wait3A_520, %dma_wait3A_521] : memref<2x8x128xi32, #tpu.memory_space<vmem>> -> memref<1x8x128xi32, #tpu.memory_space<vmem>>
      %dma_wait3A_523 = tpu.memref_squeeze %dma_wait3A_522 : memref<1x8x128xi32, #tpu.memory_space<vmem>> -> memref<8x128xi32, #tpu.memory_space<vmem>>
      %dma_wait3A_524 = arith.constant 0 : i32
      %dma_wait3A_525 = tpu.memref_slice %arg4[%arg0, %add3A_92, %dma_wait3A_524] : memref<2x2560x128xi32, #tpu.memory_space<hbm>> -> memref<1x8x128xi32, #tpu.memory_space<hbm>>
      %dma_wait3A_526 = tpu.memref_squeeze %dma_wait3A_525 : memref<1x8x128xi32, #tpu.memory_space<hbm>> -> memref<8x128xi32, #tpu.memory_space<hbm>>
      %dma_wait3A_527 = arith.constant 0 : i32
      %dma_wait3A_528 = arith.constant 0 : i32
      %dma_wait3A_529 = tpu.memref_slice %arg9[%sub3A_108, %dma_wait3A_527, %dma_wait3A_528] : memref<2x8x128xi32, #tpu.memory_space<vmem>> -> memref<1x8x128xi32, #tpu.memory_space<vmem>>
      %dma_wait3A_530 = tpu.memref_squeeze %dma_wait3A_529 : memref<1x8x128xi32, #tpu.memory_space<vmem>> -> memref<8x128xi32, #tpu.memory_space<vmem>>
      %dma_wait3A_531 = arith.constant 0 : i32
      %dma_wait3A_532 = tpu.memref_slice %arg4[%arg0, %add3A_92, %dma_wait3A_531] : memref<2x2560x128xi32, #tpu.memory_space<hbm>> -> memref<1x8x128xi32, #tpu.memory_space<hbm>>
      %dma_wait3A_533 = tpu.memref_squeeze %dma_wait3A_532 : memref<1x8x128xi32, #tpu.memory_space<hbm>> -> memref<8x128xi32, #tpu.memory_space<hbm>>
      tpu.wait_dma2 semaphore(%arg13 : memref<!tpu.dma_semaphore, #tpu.memory_space<semaphore_mem>>) src(%dma_wait3A_533 : memref<8x128xi32, #tpu.memory_space<hbm>>) dst(%dma_wait3A_530 : memref<8x128xi32, #tpu.memory_space<vmem>>)
      %scan3A_534 = arith.constant 0 : i32
      scf.yield %scan3A_534 : i32
    }
    %scan3A_34 = arith.constant 20 : i32
    %barrier3A_35 = arith.constant 0 : index
    tpu.barrier barrier_id(%barrier3A_35)
    %add3A_36 = arith.constant 0 : i32
    %add3A_37 = arith.addi %arg1, %add3A_36 : i32
    %mul3A_38 = arith.constant 128 : i32
    %mul3A_39 = arith.muli %add3A_37, %mul3A_38 : i32
    %lt3A = arith.constant 9984 : i32
    %lt3A_40 = arith.cmpi slt, %mul3A_39, %lt3A : i32
    %convert_element_type3A = arith.extui %lt3A_40 : i1 to i32
    %cond3A = arith.constant 0 : i32
    %cond3A_41 = arith.cmpi ne, %convert_element_type3A, %cond3A : i32
    scf.if %cond3A_41 {
      %run_scoped3A_82 = arith.constant 0 : i32
      "tpu.region"() ({
        %run_scoped3A_87 = tpu.sem_alloc : memref<!tpu.dma_semaphore, #tpu.memory_space<semaphore_mem>>
        %dma_start3A = arith.constant 0 : i32
        %dma_start3A_88 = arith.constant 0 : i32
        %dma_start3A_89 = tpu.memref_slice %arg10[%run_scoped3A_82, %dma_start3A, %dma_start3A_88] : memref<2x128x128xf32, #tpu.memory_space<vmem>> -> memref<1x128x128xf32, #tpu.memory_space<vmem>>
        %dma_start3A_90 = tpu.memref_squeeze %dma_start3A_89 : memref<1x128x128xf32, #tpu.memory_space<vmem>> -> memref<128x128xf32, #tpu.memory_space<vmem>>
        %dma_start3A_91 = arith.constant 0 : i32
        %dma_start3A_92 = tpu.memref_slice %arg7[%mul3A_39, %dma_start3A_91] : memref<10240x128xf32, #tpu.memory_space<vmem_shared>> -> memref<128x128xf32, #tpu.memory_space<vmem_shared>>
        %dma_start3A_93 = arith.constant 0 : i32
        %dma_start3A_94 = arith.constant 0 : i32
        %dma_start3A_95 = tpu.memref_slice %arg10[%run_scoped3A_82, %dma_start3A_93, %dma_start3A_94] : memref<2x128x128xf32, #tpu.memory_space<vmem>> -> memref<1x128x128xf32, #tpu.memory_space<vmem>>
        %dma_start3A_96 = tpu.memref_squeeze %dma_start3A_95 : memref<1x128x128xf32, #tpu.memory_space<vmem>> -> memref<128x128xf32, #tpu.memory_space<vmem>>
        %dma_start3A_97 = arith.constant 0 : i32
        %dma_start3A_98 = tpu.memref_slice %arg7[%mul3A_39, %dma_start3A_97] : memref<10240x128xf32, #tpu.memory_space<vmem_shared>> -> memref<128x128xf32, #tpu.memory_space<vmem_shared>>
        tpu.enqueue_dma source(%dma_start3A_98 : memref<128x128xf32, #tpu.memory_space<vmem_shared>>) target(%dma_start3A_96 : memref<128x128xf32, #tpu.memory_space<vmem>>) target_semaphore(%run_scoped3A_87 : memref<!tpu.dma_semaphore, #tpu.memory_space<semaphore_mem>>)
        %dma_wait3A = arith.constant 0 : i32
        %dma_wait3A_99 = arith.constant 0 : i32
        %dma_wait3A_100 = tpu.memref_slice %arg10[%run_scoped3A_82, %dma_wait3A, %dma_wait3A_99] : memref<2x128x128xf32, #tpu.memory_space<vmem>> -> memref<1x128x128xf32, #tpu.memory_space<vmem>>
        %dma_wait3A_101 = tpu.memref_squeeze %dma_wait3A_100 : memref<1x128x128xf32, #tpu.memory_space<vmem>> -> memref<128x128xf32, #tpu.memory_space<vmem>>
        %dma_wait3A_102 = arith.constant 0 : i32
        %dma_wait3A_103 = tpu.memref_slice %arg7[%mul3A_39, %dma_wait3A_102] : memref<10240x128xf32, #tpu.memory_space<vmem_shared>> -> memref<128x128xf32, #tpu.memory_space<vmem_shared>>
        %dma_wait3A_104 = arith.constant 0 : i32
        %dma_wait3A_105 = arith.constant 0 : i32
        %dma_wait3A_106 = tpu.memref_slice %arg10[%run_scoped3A_82, %dma_wait3A_104, %dma_wait3A_105] : memref<2x128x128xf32, #tpu.memory_space<vmem>> -> memref<1x128x128xf32, #tpu.memory_space<vmem>>
        %dma_wait3A_107 = tpu.memref_squeeze %dma_wait3A_106 : memref<1x128x128xf32, #tpu.memory_space<vmem>> -> memref<128x128xf32, #tpu.memory_space<vmem>>
        %dma_wait3A_108 = arith.constant 0 : i32
        %dma_wait3A_109 = tpu.memref_slice %arg7[%mul3A_39, %dma_wait3A_108] : memref<10240x128xf32, #tpu.memory_space<vmem_shared>> -> memref<128x128xf32, #tpu.memory_space<vmem_shared>>
        tpu.wait_dma2 semaphore(%run_scoped3A_87 : memref<!tpu.dma_semaphore, #tpu.memory_space<semaphore_mem>>) src(%dma_wait3A_109 : memref<128x128xf32, #tpu.memory_space<vmem_shared>>) dst(%dma_wait3A_107 : memref<128x128xf32, #tpu.memory_space<vmem>>)
        tpu.yield
      }) : () -> ()
      %mul3A_83 = arith.constant 10000 : i32
      %mul3A_84 = arith.muli %arg0, %mul3A_83 : i32
      %add3A_85 = arith.addi %mul3A_84, %mul3A_39 : i32
      %run_scoped3A_86 = arith.constant 0 : i32
      "tpu.region"() ({
        %run_scoped3A_87 = tpu.sem_alloc : memref<!tpu.dma_semaphore, #tpu.memory_space<semaphore_mem>>
        %dma_start3A = arith.constant 0 : i32
        %dma_start3A_88 = arith.constant 0 : i32
        %dma_start3A_89 = tpu.memref_slice %arg10[%run_scoped3A_86, %dma_start3A, %dma_start3A_88] : memref<2x128x128xf32, #tpu.memory_space<vmem>> -> memref<1x128x128xf32, #tpu.memory_space<vmem>>
        %dma_start3A_90 = tpu.memref_squeeze %dma_start3A_89 : memref<1x128x128xf32, #tpu.memory_space<vmem>> -> memref<128x128xf32, #tpu.memory_space<vmem>>
        %dma_start3A_91 = arith.constant 0 : i32
        %dma_start3A_92 = tpu.memref_slice %arg6[%add3A_85, %dma_start3A_91] : memref<20000x128xf32, #tpu.memory_space<hbm>> -> memref<128x128xf32, #tpu.memory_space<hbm>>
        %dma_start3A_93 = arith.constant 0 : i32
        %dma_start3A_94 = tpu.memref_slice %arg6[%add3A_85, %dma_start3A_93] : memref<20000x128xf32, #tpu.memory_space<hbm>> -> memref<128x128xf32, #tpu.memory_space<hbm>>
        %dma_start3A_95 = arith.constant 0 : i32
        %dma_start3A_96 = arith.constant 0 : i32
        %dma_start3A_97 = tpu.memref_slice %arg10[%run_scoped3A_86, %dma_start3A_95, %dma_start3A_96] : memref<2x128x128xf32, #tpu.memory_space<vmem>> -> memref<1x128x128xf32, #tpu.memory_space<vmem>>
        %dma_start3A_98 = tpu.memref_squeeze %dma_start3A_97 : memref<1x128x128xf32, #tpu.memory_space<vmem>> -> memref<128x128xf32, #tpu.memory_space<vmem>>
        tpu.enqueue_dma source(%dma_start3A_98 : memref<128x128xf32, #tpu.memory_space<vmem>>) target(%dma_start3A_94 : memref<128x128xf32, #tpu.memory_space<hbm>>) target_semaphore(%run_scoped3A_87 : memref<!tpu.dma_semaphore, #tpu.memory_space<semaphore_mem>>)
        %dma_wait3A = arith.constant 0 : i32
        %dma_wait3A_99 = arith.constant 0 : i32
        %dma_wait3A_100 = tpu.memref_slice %arg10[%run_scoped3A_86, %dma_wait3A, %dma_wait3A_99] : memref<2x128x128xf32, #tpu.memory_space<vmem>> -> memref<1x128x128xf32, #tpu.memory_space<vmem>>
        %dma_wait3A_101 = tpu.memref_squeeze %dma_wait3A_100 : memref<1x128x128xf32, #tpu.memory_space<vmem>> -> memref<128x128xf32, #tpu.memory_space<vmem>>
        %dma_wait3A_102 = arith.constant 0 : i32
        %dma_wait3A_103 = tpu.memref_slice %arg6[%add3A_85, %dma_wait3A_102] : memref<20000x128xf32, #tpu.memory_space<hbm>> -> memref<128x128xf32, #tpu.memory_space<hbm>>
        %dma_wait3A_104 = arith.constant 0 : i32
        %dma_wait3A_105 = tpu.memref_slice %arg6[%add3A_85, %dma_wait3A_104] : memref<20000x128xf32, #tpu.memory_space<hbm>> -> memref<128x128xf32, #tpu.memory_space<hbm>>
        %dma_wait3A_106 = arith.constant 0 : i32
        %dma_wait3A_107 = arith.constant 0 : i32
        %dma_wait3A_108 = tpu.memref_slice %arg10[%run_scoped3A_86, %dma_wait3A_106, %dma_wait3A_107] : memref<2x128x128xf32, #tpu.memory_space<vmem>> -> memref<1x128x128xf32, #tpu.memory_space<vmem>>
        %dma_wait3A_109 = tpu.memref_squeeze %dma_wait3A_108 : memref<1x128x128xf32, #tpu.memory_space<vmem>> -> memref<128x128xf32, #tpu.memory_space<vmem>>
        tpu.wait_dma2 semaphore(%run_scoped3A_87 : memref<!tpu.dma_semaphore, #tpu.memory_space<semaphore_mem>>) src(%dma_wait3A_109 : memref<128x128xf32, #tpu.memory_space<vmem>>) dst(%dma_wait3A_105 : memref<128x128xf32, #tpu.memory_space<hbm>>)
        tpu.yield
      }) : () -> ()
    } else {
    }
    %add3A_42 = arith.constant 16 : i32
    %add3A_43 = arith.addi %arg1, %add3A_42 : i32
    %mul3A_44 = arith.constant 128 : i32
    %mul3A_45 = arith.muli %add3A_43, %mul3A_44 : i32
    %lt3A_46 = arith.constant 9984 : i32
    %lt3A_47 = arith.cmpi slt, %mul3A_45, %lt3A_46 : i32
    %convert_element_type3A_48 = arith.extui %lt3A_47 : i1 to i32
    %cond3A_49 = arith.constant 0 : i32
    %cond3A_50 = arith.cmpi ne, %convert_element_type3A_48, %cond3A_49 : i32
    scf.if %cond3A_50 {
      %run_scoped3A_82 = arith.constant 0 : i32
      "tpu.region"() ({
        %run_scoped3A_87 = tpu.sem_alloc : memref<!tpu.dma_semaphore, #tpu.memory_space<semaphore_mem>>
        %dma_start3A = arith.constant 0 : i32
        %dma_start3A_88 = arith.constant 0 : i32
        %dma_start3A_89 = tpu.memref_slice %arg10[%run_scoped3A_82, %dma_start3A, %dma_start3A_88] : memref<2x128x128xf32, #tpu.memory_space<vmem>> -> memref<1x128x128xf32, #tpu.memory_space<vmem>>
        %dma_start3A_90 = tpu.memref_squeeze %dma_start3A_89 : memref<1x128x128xf32, #tpu.memory_space<vmem>> -> memref<128x128xf32, #tpu.memory_space<vmem>>
        %dma_start3A_91 = arith.constant 0 : i32
        %dma_start3A_92 = tpu.memref_slice %arg7[%mul3A_45, %dma_start3A_91] : memref<10240x128xf32, #tpu.memory_space<vmem_shared>> -> memref<128x128xf32, #tpu.memory_space<vmem_shared>>
        %dma_start3A_93 = arith.constant 0 : i32
        %dma_start3A_94 = arith.constant 0 : i32
        %dma_start3A_95 = tpu.memref_slice %arg10[%run_scoped3A_82, %dma_start3A_93, %dma_start3A_94] : memref<2x128x128xf32, #tpu.memory_space<vmem>> -> memref<1x128x128xf32, #tpu.memory_space<vmem>>
        %dma_start3A_96 = tpu.memref_squeeze %dma_start3A_95 : memref<1x128x128xf32, #tpu.memory_space<vmem>> -> memref<128x128xf32, #tpu.memory_space<vmem>>
        %dma_start3A_97 = arith.constant 0 : i32
        %dma_start3A_98 = tpu.memref_slice %arg7[%mul3A_45, %dma_start3A_97] : memref<10240x128xf32, #tpu.memory_space<vmem_shared>> -> memref<128x128xf32, #tpu.memory_space<vmem_shared>>
        tpu.enqueue_dma source(%dma_start3A_98 : memref<128x128xf32, #tpu.memory_space<vmem_shared>>) target(%dma_start3A_96 : memref<128x128xf32, #tpu.memory_space<vmem>>) target_semaphore(%run_scoped3A_87 : memref<!tpu.dma_semaphore, #tpu.memory_space<semaphore_mem>>)
        %dma_wait3A = arith.constant 0 : i32
        %dma_wait3A_99 = arith.constant 0 : i32
        %dma_wait3A_100 = tpu.memref_slice %arg10[%run_scoped3A_82, %dma_wait3A, %dma_wait3A_99] : memref<2x128x128xf32, #tpu.memory_space<vmem>> -> memref<1x128x128xf32, #tpu.memory_space<vmem>>
        %dma_wait3A_101 = tpu.memref_squeeze %dma_wait3A_100 : memref<1x128x128xf32, #tpu.memory_space<vmem>> -> memref<128x128xf32, #tpu.memory_space<vmem>>
        %dma_wait3A_102 = arith.constant 0 : i32
        %dma_wait3A_103 = tpu.memref_slice %arg7[%mul3A_45, %dma_wait3A_102] : memref<10240x128xf32, #tpu.memory_space<vmem_shared>> -> memref<128x128xf32, #tpu.memory_space<vmem_shared>>
        %dma_wait3A_104 = arith.constant 0 : i32
        %dma_wait3A_105 = arith.constant 0 : i32
        %dma_wait3A_106 = tpu.memref_slice %arg10[%run_scoped3A_82, %dma_wait3A_104, %dma_wait3A_105] : memref<2x128x128xf32, #tpu.memory_space<vmem>> -> memref<1x128x128xf32, #tpu.memory_space<vmem>>
        %dma_wait3A_107 = tpu.memref_squeeze %dma_wait3A_106 : memref<1x128x128xf32, #tpu.memory_space<vmem>> -> memref<128x128xf32, #tpu.memory_space<vmem>>
        %dma_wait3A_108 = arith.constant 0 : i32
        %dma_wait3A_109 = tpu.memref_slice %arg7[%mul3A_45, %dma_wait3A_108] : memref<10240x128xf32, #tpu.memory_space<vmem_shared>> -> memref<128x128xf32, #tpu.memory_space<vmem_shared>>
        tpu.wait_dma2 semaphore(%run_scoped3A_87 : memref<!tpu.dma_semaphore, #tpu.memory_space<semaphore_mem>>) src(%dma_wait3A_109 : memref<128x128xf32, #tpu.memory_space<vmem_shared>>) dst(%dma_wait3A_107 : memref<128x128xf32, #tpu.memory_space<vmem>>)
        tpu.yield
      }) : () -> ()
      %mul3A_83 = arith.constant 10000 : i32
      %mul3A_84 = arith.muli %arg0, %mul3A_83 : i32
      %add3A_85 = arith.addi %mul3A_84, %mul3A_45 : i32
      %run_scoped3A_86 = arith.constant 0 : i32
      "tpu.region"() ({
        %run_scoped3A_87 = tpu.sem_alloc : memref<!tpu.dma_semaphore, #tpu.memory_space<semaphore_mem>>
        %dma_start3A = arith.constant 0 : i32
        %dma_start3A_88 = arith.constant 0 : i32
        %dma_start3A_89 = tpu.memref_slice %arg10[%run_scoped3A_86, %dma_start3A, %dma_start3A_88] : memref<2x128x128xf32, #tpu.memory_space<vmem>> -> memref<1x128x128xf32, #tpu.memory_space<vmem>>
        %dma_start3A_90 = tpu.memref_squeeze %dma_start3A_89 : memref<1x128x128xf32, #tpu.memory_space<vmem>> -> memref<128x128xf32, #tpu.memory_space<vmem>>
        %dma_start3A_91 = arith.constant 0 : i32
        %dma_start3A_92 = tpu.memref_slice %arg6[%add3A_85, %dma_start3A_91] : memref<20000x128xf32, #tpu.memory_space<hbm>> -> memref<128x128xf32, #tpu.memory_space<hbm>>
        %dma_start3A_93 = arith.constant 0 : i32
        %dma_start3A_94 = tpu.memref_slice %arg6[%add3A_85, %dma_start3A_93] : memref<20000x128xf32, #tpu.memory_space<hbm>> -> memref<128x128xf32, #tpu.memory_space<hbm>>
        %dma_start3A_95 = arith.constant 0 : i32
        %dma_start3A_96 = arith.constant 0 : i32
        %dma_start3A_97 = tpu.memref_slice %arg10[%run_scoped3A_86, %dma_start3A_95, %dma_start3A_96] : memref<2x128x128xf32, #tpu.memory_space<vmem>> -> memref<1x128x128xf32, #tpu.memory_space<vmem>>
        %dma_start3A_98 = tpu.memref_squeeze %dma_start3A_97 : memref<1x128x128xf32, #tpu.memory_space<vmem>> -> memref<128x128xf32, #tpu.memory_space<vmem>>
        tpu.enqueue_dma source(%dma_start3A_98 : memref<128x128xf32, #tpu.memory_space<vmem>>) target(%dma_start3A_94 : memref<128x128xf32, #tpu.memory_space<hbm>>) target_semaphore(%run_scoped3A_87 : memref<!tpu.dma_semaphore, #tpu.memory_space<semaphore_mem>>)
        %dma_wait3A = arith.constant 0 : i32
        %dma_wait3A_99 = arith.constant 0 : i32
        %dma_wait3A_100 = tpu.memref_slice %arg10[%run_scoped3A_86, %dma_wait3A, %dma_wait3A_99] : memref<2x128x128xf32, #tpu.memory_space<vmem>> -> memref<1x128x128xf32, #tpu.memory_space<vmem>>
        %dma_wait3A_101 = tpu.memref_squeeze %dma_wait3A_100 : memref<1x128x128xf32, #tpu.memory_space<vmem>> -> memref<128x128xf32, #tpu.memory_space<vmem>>
        %dma_wait3A_102 = arith.constant 0 : i32
        %dma_wait3A_103 = tpu.memref_slice %arg6[%add3A_85, %dma_wait3A_102] : memref<20000x128xf32, #tpu.memory_space<hbm>> -> memref<128x128xf32, #tpu.memory_space<hbm>>
        %dma_wait3A_104 = arith.constant 0 : i32
        %dma_wait3A_105 = tpu.memref_slice %arg6[%add3A_85, %dma_wait3A_104] : memref<20000x128xf32, #tpu.memory_space<hbm>> -> memref<128x128xf32, #tpu.memory_space<hbm>>
        %dma_wait3A_106 = arith.constant 0 : i32
        %dma_wait3A_107 = arith.constant 0 : i32
        %dma_wait3A_108 = tpu.memref_slice %arg10[%run_scoped3A_86, %dma_wait3A_106, %dma_wait3A_107] : memref<2x128x128xf32, #tpu.memory_space<vmem>> -> memref<1x128x128xf32, #tpu.memory_space<vmem>>
        %dma_wait3A_109 = tpu.memref_squeeze %dma_wait3A_108 : memref<1x128x128xf32, #tpu.memory_space<vmem>> -> memref<128x128xf32, #tpu.memory_space<vmem>>
        tpu.wait_dma2 semaphore(%run_scoped3A_87 : memref<!tpu.dma_semaphore, #tpu.memory_space<semaphore_mem>>) src(%dma_wait3A_109 : memref<128x128xf32, #tpu.memory_space<vmem>>) dst(%dma_wait3A_105 : memref<128x128xf32, #tpu.memory_space<hbm>>)
        tpu.yield
      }) : () -> ()
    } else {
    }
    %add3A_51 = arith.constant 32 : i32
    %add3A_52 = arith.addi %arg1, %add3A_51 : i32
    %mul3A_53 = arith.constant 128 : i32
    %mul3A_54 = arith.muli %add3A_52, %mul3A_53 : i32
    %lt3A_55 = arith.constant 9984 : i32
    %lt3A_56 = arith.cmpi slt, %mul3A_54, %lt3A_55 : i32
    %convert_element_type3A_57 = arith.extui %lt3A_56 : i1 to i32
    %cond3A_58 = arith.constant 0 : i32
    %cond3A_59 = arith.cmpi ne, %convert_element_type3A_57, %cond3A_58 : i32
    scf.if %cond3A_59 {
      %run_scoped3A_82 = arith.constant 0 : i32
      "tpu.region"() ({
        %run_scoped3A_87 = tpu.sem_alloc : memref<!tpu.dma_semaphore, #tpu.memory_space<semaphore_mem>>
        %dma_start3A = arith.constant 0 : i32
        %dma_start3A_88 = arith.constant 0 : i32
        %dma_start3A_89 = tpu.memref_slice %arg10[%run_scoped3A_82, %dma_start3A, %dma_start3A_88] : memref<2x128x128xf32, #tpu.memory_space<vmem>> -> memref<1x128x128xf32, #tpu.memory_space<vmem>>
        %dma_start3A_90 = tpu.memref_squeeze %dma_start3A_89 : memref<1x128x128xf32, #tpu.memory_space<vmem>> -> memref<128x128xf32, #tpu.memory_space<vmem>>
        %dma_start3A_91 = arith.constant 0 : i32
        %dma_start3A_92 = tpu.memref_slice %arg7[%mul3A_54, %dma_start3A_91] : memref<10240x128xf32, #tpu.memory_space<vmem_shared>> -> memref<128x128xf32, #tpu.memory_space<vmem_shared>>
        %dma_start3A_93 = arith.constant 0 : i32
        %dma_start3A_94 = arith.constant 0 : i32
        %dma_start3A_95 = tpu.memref_slice %arg10[%run_scoped3A_82, %dma_start3A_93, %dma_start3A_94] : memref<2x128x128xf32, #tpu.memory_space<vmem>> -> memref<1x128x128xf32, #tpu.memory_space<vmem>>
        %dma_start3A_96 = tpu.memref_squeeze %dma_start3A_95 : memref<1x128x128xf32, #tpu.memory_space<vmem>> -> memref<128x128xf32, #tpu.memory_space<vmem>>
        %dma_start3A_97 = arith.constant 0 : i32
        %dma_start3A_98 = tpu.memref_slice %arg7[%mul3A_54, %dma_start3A_97] : memref<10240x128xf32, #tpu.memory_space<vmem_shared>> -> memref<128x128xf32, #tpu.memory_space<vmem_shared>>
        tpu.enqueue_dma source(%dma_start3A_98 : memref<128x128xf32, #tpu.memory_space<vmem_shared>>) target(%dma_start3A_96 : memref<128x128xf32, #tpu.memory_space<vmem>>) target_semaphore(%run_scoped3A_87 : memref<!tpu.dma_semaphore, #tpu.memory_space<semaphore_mem>>)
        %dma_wait3A = arith.constant 0 : i32
        %dma_wait3A_99 = arith.constant 0 : i32
        %dma_wait3A_100 = tpu.memref_slice %arg10[%run_scoped3A_82, %dma_wait3A, %dma_wait3A_99] : memref<2x128x128xf32, #tpu.memory_space<vmem>> -> memref<1x128x128xf32, #tpu.memory_space<vmem>>
        %dma_wait3A_101 = tpu.memref_squeeze %dma_wait3A_100 : memref<1x128x128xf32, #tpu.memory_space<vmem>> -> memref<128x128xf32, #tpu.memory_space<vmem>>
        %dma_wait3A_102 = arith.constant 0 : i32
        %dma_wait3A_103 = tpu.memref_slice %arg7[%mul3A_54, %dma_wait3A_102] : memref<10240x128xf32, #tpu.memory_space<vmem_shared>> -> memref<128x128xf32, #tpu.memory_space<vmem_shared>>
        %dma_wait3A_104 = arith.constant 0 : i32
        %dma_wait3A_105 = arith.constant 0 : i32
        %dma_wait3A_106 = tpu.memref_slice %arg10[%run_scoped3A_82, %dma_wait3A_104, %dma_wait3A_105] : memref<2x128x128xf32, #tpu.memory_space<vmem>> -> memref<1x128x128xf32, #tpu.memory_space<vmem>>
        %dma_wait3A_107 = tpu.memref_squeeze %dma_wait3A_106 : memref<1x128x128xf32, #tpu.memory_space<vmem>> -> memref<128x128xf32, #tpu.memory_space<vmem>>
        %dma_wait3A_108 = arith.constant 0 : i32
        %dma_wait3A_109 = tpu.memref_slice %arg7[%mul3A_54, %dma_wait3A_108] : memref<10240x128xf32, #tpu.memory_space<vmem_shared>> -> memref<128x128xf32, #tpu.memory_space<vmem_shared>>
        tpu.wait_dma2 semaphore(%run_scoped3A_87 : memref<!tpu.dma_semaphore, #tpu.memory_space<semaphore_mem>>) src(%dma_wait3A_109 : memref<128x128xf32, #tpu.memory_space<vmem_shared>>) dst(%dma_wait3A_107 : memref<128x128xf32, #tpu.memory_space<vmem>>)
        tpu.yield
      }) : () -> ()
      %mul3A_83 = arith.constant 10000 : i32
      %mul3A_84 = arith.muli %arg0, %mul3A_83 : i32
      %add3A_85 = arith.addi %mul3A_84, %mul3A_54 : i32
      %run_scoped3A_86 = arith.constant 0 : i32
      "tpu.region"() ({
        %run_scoped3A_87 = tpu.sem_alloc : memref<!tpu.dma_semaphore, #tpu.memory_space<semaphore_mem>>
        %dma_start3A = arith.constant 0 : i32
        %dma_start3A_88 = arith.constant 0 : i32
        %dma_start3A_89 = tpu.memref_slice %arg10[%run_scoped3A_86, %dma_start3A, %dma_start3A_88] : memref<2x128x128xf32, #tpu.memory_space<vmem>> -> memref<1x128x128xf32, #tpu.memory_space<vmem>>
        %dma_start3A_90 = tpu.memref_squeeze %dma_start3A_89 : memref<1x128x128xf32, #tpu.memory_space<vmem>> -> memref<128x128xf32, #tpu.memory_space<vmem>>
        %dma_start3A_91 = arith.constant 0 : i32
        %dma_start3A_92 = tpu.memref_slice %arg6[%add3A_85, %dma_start3A_91] : memref<20000x128xf32, #tpu.memory_space<hbm>> -> memref<128x128xf32, #tpu.memory_space<hbm>>
        %dma_start3A_93 = arith.constant 0 : i32
        %dma_start3A_94 = tpu.memref_slice %arg6[%add3A_85, %dma_start3A_93] : memref<20000x128xf32, #tpu.memory_space<hbm>> -> memref<128x128xf32, #tpu.memory_space<hbm>>
        %dma_start3A_95 = arith.constant 0 : i32
        %dma_start3A_96 = arith.constant 0 : i32
        %dma_start3A_97 = tpu.memref_slice %arg10[%run_scoped3A_86, %dma_start3A_95, %dma_start3A_96] : memref<2x128x128xf32, #tpu.memory_space<vmem>> -> memref<1x128x128xf32, #tpu.memory_space<vmem>>
        %dma_start3A_98 = tpu.memref_squeeze %dma_start3A_97 : memref<1x128x128xf32, #tpu.memory_space<vmem>> -> memref<128x128xf32, #tpu.memory_space<vmem>>
        tpu.enqueue_dma source(%dma_start3A_98 : memref<128x128xf32, #tpu.memory_space<vmem>>) target(%dma_start3A_94 : memref<128x128xf32, #tpu.memory_space<hbm>>) target_semaphore(%run_scoped3A_87 : memref<!tpu.dma_semaphore, #tpu.memory_space<semaphore_mem>>)
        %dma_wait3A = arith.constant 0 : i32
        %dma_wait3A_99 = arith.constant 0 : i32
        %dma_wait3A_100 = tpu.memref_slice %arg10[%run_scoped3A_86, %dma_wait3A, %dma_wait3A_99] : memref<2x128x128xf32, #tpu.memory_space<vmem>> -> memref<1x128x128xf32, #tpu.memory_space<vmem>>
        %dma_wait3A_101 = tpu.memref_squeeze %dma_wait3A_100 : memref<1x128x128xf32, #tpu.memory_space<vmem>> -> memref<128x128xf32, #tpu.memory_space<vmem>>
        %dma_wait3A_102 = arith.constant 0 : i32
        %dma_wait3A_103 = tpu.memref_slice %arg6[%add3A_85, %dma_wait3A_102] : memref<20000x128xf32, #tpu.memory_space<hbm>> -> memref<128x128xf32, #tpu.memory_space<hbm>>
        %dma_wait3A_104 = arith.constant 0 : i32
        %dma_wait3A_105 = tpu.memref_slice %arg6[%add3A_85, %dma_wait3A_104] : memref<20000x128xf32, #tpu.memory_space<hbm>> -> memref<128x128xf32, #tpu.memory_space<hbm>>
        %dma_wait3A_106 = arith.constant 0 : i32
        %dma_wait3A_107 = arith.constant 0 : i32
        %dma_wait3A_108 = tpu.memref_slice %arg10[%run_scoped3A_86, %dma_wait3A_106, %dma_wait3A_107] : memref<2x128x128xf32, #tpu.memory_space<vmem>> -> memref<1x128x128xf32, #tpu.memory_space<vmem>>
        %dma_wait3A_109 = tpu.memref_squeeze %dma_wait3A_108 : memref<1x128x128xf32, #tpu.memory_space<vmem>> -> memref<128x128xf32, #tpu.memory_space<vmem>>
        tpu.wait_dma2 semaphore(%run_scoped3A_87 : memref<!tpu.dma_semaphore, #tpu.memory_space<semaphore_mem>>) src(%dma_wait3A_109 : memref<128x128xf32, #tpu.memory_space<vmem>>) dst(%dma_wait3A_105 : memref<128x128xf32, #tpu.memory_space<hbm>>)
        tpu.yield
      }) : () -> ()
    } else {
    }
    %add3A_60 = arith.constant 48 : i32
    %add3A_61 = arith.addi %arg1, %add3A_60 : i32
    %mul3A_62 = arith.constant 128 : i32
    %mul3A_63 = arith.muli %add3A_61, %mul3A_62 : i32
    %lt3A_64 = arith.constant 9984 : i32
    %lt3A_65 = arith.cmpi slt, %mul3A_63, %lt3A_64 : i32
    %convert_element_type3A_66 = arith.extui %lt3A_65 : i1 to i32
    %cond3A_67 = arith.constant 0 : i32
    %cond3A_68 = arith.cmpi ne, %convert_element_type3A_66, %cond3A_67 : i32
    scf.if %cond3A_68 {
      %run_scoped3A_82 = arith.constant 0 : i32
      "tpu.region"() ({
        %run_scoped3A_87 = tpu.sem_alloc : memref<!tpu.dma_semaphore, #tpu.memory_space<semaphore_mem>>
        %dma_start3A = arith.constant 0 : i32
        %dma_start3A_88 = arith.constant 0 : i32
        %dma_start3A_89 = tpu.memref_slice %arg10[%run_scoped3A_82, %dma_start3A, %dma_start3A_88] : memref<2x128x128xf32, #tpu.memory_space<vmem>> -> memref<1x128x128xf32, #tpu.memory_space<vmem>>
        %dma_start3A_90 = tpu.memref_squeeze %dma_start3A_89 : memref<1x128x128xf32, #tpu.memory_space<vmem>> -> memref<128x128xf32, #tpu.memory_space<vmem>>
        %dma_start3A_91 = arith.constant 0 : i32
        %dma_start3A_92 = tpu.memref_slice %arg7[%mul3A_63, %dma_start3A_91] : memref<10240x128xf32, #tpu.memory_space<vmem_shared>> -> memref<128x128xf32, #tpu.memory_space<vmem_shared>>
        %dma_start3A_93 = arith.constant 0 : i32
        %dma_start3A_94 = arith.constant 0 : i32
        %dma_start3A_95 = tpu.memref_slice %arg10[%run_scoped3A_82, %dma_start3A_93, %dma_start3A_94] : memref<2x128x128xf32, #tpu.memory_space<vmem>> -> memref<1x128x128xf32, #tpu.memory_space<vmem>>
        %dma_start3A_96 = tpu.memref_squeeze %dma_start3A_95 : memref<1x128x128xf32, #tpu.memory_space<vmem>> -> memref<128x128xf32, #tpu.memory_space<vmem>>
        %dma_start3A_97 = arith.constant 0 : i32
        %dma_start3A_98 = tpu.memref_slice %arg7[%mul3A_63, %dma_start3A_97] : memref<10240x128xf32, #tpu.memory_space<vmem_shared>> -> memref<128x128xf32, #tpu.memory_space<vmem_shared>>
        tpu.enqueue_dma source(%dma_start3A_98 : memref<128x128xf32, #tpu.memory_space<vmem_shared>>) target(%dma_start3A_96 : memref<128x128xf32, #tpu.memory_space<vmem>>) target_semaphore(%run_scoped3A_87 : memref<!tpu.dma_semaphore, #tpu.memory_space<semaphore_mem>>)
        %dma_wait3A = arith.constant 0 : i32
        %dma_wait3A_99 = arith.constant 0 : i32
        %dma_wait3A_100 = tpu.memref_slice %arg10[%run_scoped3A_82, %dma_wait3A, %dma_wait3A_99] : memref<2x128x128xf32, #tpu.memory_space<vmem>> -> memref<1x128x128xf32, #tpu.memory_space<vmem>>
        %dma_wait3A_101 = tpu.memref_squeeze %dma_wait3A_100 : memref<1x128x128xf32, #tpu.memory_space<vmem>> -> memref<128x128xf32, #tpu.memory_space<vmem>>
        %dma_wait3A_102 = arith.constant 0 : i32
        %dma_wait3A_103 = tpu.memref_slice %arg7[%mul3A_63, %dma_wait3A_102] : memref<10240x128xf32, #tpu.memory_space<vmem_shared>> -> memref<128x128xf32, #tpu.memory_space<vmem_shared>>
        %dma_wait3A_104 = arith.constant 0 : i32
        %dma_wait3A_105 = arith.constant 0 : i32
        %dma_wait3A_106 = tpu.memref_slice %arg10[%run_scoped3A_82, %dma_wait3A_104, %dma_wait3A_105] : memref<2x128x128xf32, #tpu.memory_space<vmem>> -> memref<1x128x128xf32, #tpu.memory_space<vmem>>
        %dma_wait3A_107 = tpu.memref_squeeze %dma_wait3A_106 : memref<1x128x128xf32, #tpu.memory_space<vmem>> -> memref<128x128xf32, #tpu.memory_space<vmem>>
        %dma_wait3A_108 = arith.constant 0 : i32
        %dma_wait3A_109 = tpu.memref_slice %arg7[%mul3A_63, %dma_wait3A_108] : memref<10240x128xf32, #tpu.memory_space<vmem_shared>> -> memref<128x128xf32, #tpu.memory_space<vmem_shared>>
        tpu.wait_dma2 semaphore(%run_scoped3A_87 : memref<!tpu.dma_semaphore, #tpu.memory_space<semaphore_mem>>) src(%dma_wait3A_109 : memref<128x128xf32, #tpu.memory_space<vmem_shared>>) dst(%dma_wait3A_107 : memref<128x128xf32, #tpu.memory_space<vmem>>)
        tpu.yield
      }) : () -> ()
      %mul3A_83 = arith.constant 10000 : i32
      %mul3A_84 = arith.muli %arg0, %mul3A_83 : i32
      %add3A_85 = arith.addi %mul3A_84, %mul3A_63 : i32
      %run_scoped3A_86 = arith.constant 0 : i32
      "tpu.region"() ({
        %run_scoped3A_87 = tpu.sem_alloc : memref<!tpu.dma_semaphore, #tpu.memory_space<semaphore_mem>>
        %dma_start3A = arith.constant 0 : i32
        %dma_start3A_88 = arith.constant 0 : i32
        %dma_start3A_89 = tpu.memref_slice %arg10[%run_scoped3A_86, %dma_start3A, %dma_start3A_88] : memref<2x128x128xf32, #tpu.memory_space<vmem>> -> memref<1x128x128xf32, #tpu.memory_space<vmem>>
        %dma_start3A_90 = tpu.memref_squeeze %dma_start3A_89 : memref<1x128x128xf32, #tpu.memory_space<vmem>> -> memref<128x128xf32, #tpu.memory_space<vmem>>
        %dma_start3A_91 = arith.constant 0 : i32
        %dma_start3A_92 = tpu.memref_slice %arg6[%add3A_85, %dma_start3A_91] : memref<20000x128xf32, #tpu.memory_space<hbm>> -> memref<128x128xf32, #tpu.memory_space<hbm>>
        %dma_start3A_93 = arith.constant 0 : i32
        %dma_start3A_94 = tpu.memref_slice %arg6[%add3A_85, %dma_start3A_93] : memref<20000x128xf32, #tpu.memory_space<hbm>> -> memref<128x128xf32, #tpu.memory_space<hbm>>
        %dma_start3A_95 = arith.constant 0 : i32
        %dma_start3A_96 = arith.constant 0 : i32
        %dma_start3A_97 = tpu.memref_slice %arg10[%run_scoped3A_86, %dma_start3A_95, %dma_start3A_96] : memref<2x128x128xf32, #tpu.memory_space<vmem>> -> memref<1x128x128xf32, #tpu.memory_space<vmem>>
        %dma_start3A_98 = tpu.memref_squeeze %dma_start3A_97 : memref<1x128x128xf32, #tpu.memory_space<vmem>> -> memref<128x128xf32, #tpu.memory_space<vmem>>
        tpu.enqueue_dma source(%dma_start3A_98 : memref<128x128xf32, #tpu.memory_space<vmem>>) target(%dma_start3A_94 : memref<128x128xf32, #tpu.memory_space<hbm>>) target_semaphore(%run_scoped3A_87 : memref<!tpu.dma_semaphore, #tpu.memory_space<semaphore_mem>>)
        %dma_wait3A = arith.constant 0 : i32
        %dma_wait3A_99 = arith.constant 0 : i32
        %dma_wait3A_100 = tpu.memref_slice %arg10[%run_scoped3A_86, %dma_wait3A, %dma_wait3A_99] : memref<2x128x128xf32, #tpu.memory_space<vmem>> -> memref<1x128x128xf32, #tpu.memory_space<vmem>>
        %dma_wait3A_101 = tpu.memref_squeeze %dma_wait3A_100 : memref<1x128x128xf32, #tpu.memory_space<vmem>> -> memref<128x128xf32, #tpu.memory_space<vmem>>
        %dma_wait3A_102 = arith.constant 0 : i32
        %dma_wait3A_103 = tpu.memref_slice %arg6[%add3A_85, %dma_wait3A_102] : memref<20000x128xf32, #tpu.memory_space<hbm>> -> memref<128x128xf32, #tpu.memory_space<hbm>>
        %dma_wait3A_104 = arith.constant 0 : i32
        %dma_wait3A_105 = tpu.memref_slice %arg6[%add3A_85, %dma_wait3A_104] : memref<20000x128xf32, #tpu.memory_space<hbm>> -> memref<128x128xf32, #tpu.memory_space<hbm>>
        %dma_wait3A_106 = arith.constant 0 : i32
        %dma_wait3A_107 = arith.constant 0 : i32
        %dma_wait3A_108 = tpu.memref_slice %arg10[%run_scoped3A_86, %dma_wait3A_106, %dma_wait3A_107] : memref<2x128x128xf32, #tpu.memory_space<vmem>> -> memref<1x128x128xf32, #tpu.memory_space<vmem>>
        %dma_wait3A_109 = tpu.memref_squeeze %dma_wait3A_108 : memref<1x128x128xf32, #tpu.memory_space<vmem>> -> memref<128x128xf32, #tpu.memory_space<vmem>>
        tpu.wait_dma2 semaphore(%run_scoped3A_87 : memref<!tpu.dma_semaphore, #tpu.memory_space<semaphore_mem>>) src(%dma_wait3A_109 : memref<128x128xf32, #tpu.memory_space<vmem>>) dst(%dma_wait3A_105 : memref<128x128xf32, #tpu.memory_space<hbm>>)
        tpu.yield
      }) : () -> ()
    } else {
    }
    %add3A_69 = arith.constant 64 : i32
    %add3A_70 = arith.addi %arg1, %add3A_69 : i32
    %mul3A_71 = arith.constant 128 : i32
    %mul3A_72 = arith.muli %add3A_70, %mul3A_71 : i32
    %lt3A_73 = arith.constant 9984 : i32
    %lt3A_74 = arith.cmpi slt, %mul3A_72, %lt3A_73 : i32
    %convert_element_type3A_75 = arith.extui %lt3A_74 : i1 to i32
    %cond3A_76 = arith.constant 0 : i32
    %cond3A_77 = arith.cmpi ne, %convert_element_type3A_75, %cond3A_76 : i32
    scf.if %cond3A_77 {
      %run_scoped3A_82 = arith.constant 0 : i32
      "tpu.region"() ({
        %run_scoped3A_87 = tpu.sem_alloc : memref<!tpu.dma_semaphore, #tpu.memory_space<semaphore_mem>>
        %dma_start3A = arith.constant 0 : i32
        %dma_start3A_88 = arith.constant 0 : i32
        %dma_start3A_89 = tpu.memref_slice %arg10[%run_scoped3A_82, %dma_start3A, %dma_start3A_88] : memref<2x128x128xf32, #tpu.memory_space<vmem>> -> memref<1x128x128xf32, #tpu.memory_space<vmem>>
        %dma_start3A_90 = tpu.memref_squeeze %dma_start3A_89 : memref<1x128x128xf32, #tpu.memory_space<vmem>> -> memref<128x128xf32, #tpu.memory_space<vmem>>
        %dma_start3A_91 = arith.constant 0 : i32
        %dma_start3A_92 = tpu.memref_slice %arg7[%mul3A_72, %dma_start3A_91] : memref<10240x128xf32, #tpu.memory_space<vmem_shared>> -> memref<128x128xf32, #tpu.memory_space<vmem_shared>>
        %dma_start3A_93 = arith.constant 0 : i32
        %dma_start3A_94 = arith.constant 0 : i32
        %dma_start3A_95 = tpu.memref_slice %arg10[%run_scoped3A_82, %dma_start3A_93, %dma_start3A_94] : memref<2x128x128xf32, #tpu.memory_space<vmem>> -> memref<1x128x128xf32, #tpu.memory_space<vmem>>
        %dma_start3A_96 = tpu.memref_squeeze %dma_start3A_95 : memref<1x128x128xf32, #tpu.memory_space<vmem>> -> memref<128x128xf32, #tpu.memory_space<vmem>>
        %dma_start3A_97 = arith.constant 0 : i32
        %dma_start3A_98 = tpu.memref_slice %arg7[%mul3A_72, %dma_start3A_97] : memref<10240x128xf32, #tpu.memory_space<vmem_shared>> -> memref<128x128xf32, #tpu.memory_space<vmem_shared>>
        tpu.enqueue_dma source(%dma_start3A_98 : memref<128x128xf32, #tpu.memory_space<vmem_shared>>) target(%dma_start3A_96 : memref<128x128xf32, #tpu.memory_space<vmem>>) target_semaphore(%run_scoped3A_87 : memref<!tpu.dma_semaphore, #tpu.memory_space<semaphore_mem>>)
        %dma_wait3A = arith.constant 0 : i32
        %dma_wait3A_99 = arith.constant 0 : i32
        %dma_wait3A_100 = tpu.memref_slice %arg10[%run_scoped3A_82, %dma_wait3A, %dma_wait3A_99] : memref<2x128x128xf32, #tpu.memory_space<vmem>> -> memref<1x128x128xf32, #tpu.memory_space<vmem>>
        %dma_wait3A_101 = tpu.memref_squeeze %dma_wait3A_100 : memref<1x128x128xf32, #tpu.memory_space<vmem>> -> memref<128x128xf32, #tpu.memory_space<vmem>>
        %dma_wait3A_102 = arith.constant 0 : i32
        %dma_wait3A_103 = tpu.memref_slice %arg7[%mul3A_72, %dma_wait3A_102] : memref<10240x128xf32, #tpu.memory_space<vmem_shared>> -> memref<128x128xf32, #tpu.memory_space<vmem_shared>>
        %dma_wait3A_104 = arith.constant 0 : i32
        %dma_wait3A_105 = arith.constant 0 : i32
        %dma_wait3A_106 = tpu.memref_slice %arg10[%run_scoped3A_82, %dma_wait3A_104, %dma_wait3A_105] : memref<2x128x128xf32, #tpu.memory_space<vmem>> -> memref<1x128x128xf32, #tpu.memory_space<vmem>>
        %dma_wait3A_107 = tpu.memref_squeeze %dma_wait3A_106 : memref<1x128x128xf32, #tpu.memory_space<vmem>> -> memref<128x128xf32, #tpu.memory_space<vmem>>
        %dma_wait3A_108 = arith.constant 0 : i32
        %dma_wait3A_109 = tpu.memref_slice %arg7[%mul3A_72, %dma_wait3A_108] : memref<10240x128xf32, #tpu.memory_space<vmem_shared>> -> memref<128x128xf32, #tpu.memory_space<vmem_shared>>
        tpu.wait_dma2 semaphore(%run_scoped3A_87 : memref<!tpu.dma_semaphore, #tpu.memory_space<semaphore_mem>>) src(%dma_wait3A_109 : memref<128x128xf32, #tpu.memory_space<vmem_shared>>) dst(%dma_wait3A_107 : memref<128x128xf32, #tpu.memory_space<vmem>>)
        tpu.yield
      }) : () -> ()
      %mul3A_83 = arith.constant 10000 : i32
      %mul3A_84 = arith.muli %arg0, %mul3A_83 : i32
      %add3A_85 = arith.addi %mul3A_84, %mul3A_72 : i32
      %run_scoped3A_86 = arith.constant 0 : i32
      "tpu.region"() ({
        %run_scoped3A_87 = tpu.sem_alloc : memref<!tpu.dma_semaphore, #tpu.memory_space<semaphore_mem>>
        %dma_start3A = arith.constant 0 : i32
        %dma_start3A_88 = arith.constant 0 : i32
        %dma_start3A_89 = tpu.memref_slice %arg10[%run_scoped3A_86, %dma_start3A, %dma_start3A_88] : memref<2x128x128xf32, #tpu.memory_space<vmem>> -> memref<1x128x128xf32, #tpu.memory_space<vmem>>
        %dma_start3A_90 = tpu.memref_squeeze %dma_start3A_89 : memref<1x128x128xf32, #tpu.memory_space<vmem>> -> memref<128x128xf32, #tpu.memory_space<vmem>>
        %dma_start3A_91 = arith.constant 0 : i32
        %dma_start3A_92 = tpu.memref_slice %arg6[%add3A_85, %dma_start3A_91] : memref<20000x128xf32, #tpu.memory_space<hbm>> -> memref<128x128xf32, #tpu.memory_space<hbm>>
        %dma_start3A_93 = arith.constant 0 : i32
        %dma_start3A_94 = tpu.memref_slice %arg6[%add3A_85, %dma_start3A_93] : memref<20000x128xf32, #tpu.memory_space<hbm>> -> memref<128x128xf32, #tpu.memory_space<hbm>>
        %dma_start3A_95 = arith.constant 0 : i32
        %dma_start3A_96 = arith.constant 0 : i32
        %dma_start3A_97 = tpu.memref_slice %arg10[%run_scoped3A_86, %dma_start3A_95, %dma_start3A_96] : memref<2x128x128xf32, #tpu.memory_space<vmem>> -> memref<1x128x128xf32, #tpu.memory_space<vmem>>
        %dma_start3A_98 = tpu.memref_squeeze %dma_start3A_97 : memref<1x128x128xf32, #tpu.memory_space<vmem>> -> memref<128x128xf32, #tpu.memory_space<vmem>>
        tpu.enqueue_dma source(%dma_start3A_98 : memref<128x128xf32, #tpu.memory_space<vmem>>) target(%dma_start3A_94 : memref<128x128xf32, #tpu.memory_space<hbm>>) target_semaphore(%run_scoped3A_87 : memref<!tpu.dma_semaphore, #tpu.memory_space<semaphore_mem>>)
        %dma_wait3A = arith.constant 0 : i32
        %dma_wait3A_99 = arith.constant 0 : i32
        %dma_wait3A_100 = tpu.memref_slice %arg10[%run_scoped3A_86, %dma_wait3A, %dma_wait3A_99] : memref<2x128x128xf32, #tpu.memory_space<vmem>> -> memref<1x128x128xf32, #tpu.memory_space<vmem>>
        %dma_wait3A_101 = tpu.memref_squeeze %dma_wait3A_100 : memref<1x128x128xf32, #tpu.memory_space<vmem>> -> memref<128x128xf32, #tpu.memory_space<vmem>>
        %dma_wait3A_102 = arith.constant 0 : i32
        %dma_wait3A_103 = tpu.memref_slice %arg6[%add3A_85, %dma_wait3A_102] : memref<20000x128xf32, #tpu.memory_space<hbm>> -> memref<128x128xf32, #tpu.memory_space<hbm>>
        %dma_wait3A_104 = arith.constant 0 : i32
        %dma_wait3A_105 = tpu.memref_slice %arg6[%add3A_85, %dma_wait3A_104] : memref<20000x128xf32, #tpu.memory_space<hbm>> -> memref<128x128xf32, #tpu.memory_space<hbm>>
        %dma_wait3A_106 = arith.constant 0 : i32
        %dma_wait3A_107 = arith.constant 0 : i32
        %dma_wait3A_108 = tpu.memref_slice %arg10[%run_scoped3A_86, %dma_wait3A_106, %dma_wait3A_107] : memref<2x128x128xf32, #tpu.memory_space<vmem>> -> memref<1x128x128xf32, #tpu.memory_space<vmem>>
        %dma_wait3A_109 = tpu.memref_squeeze %dma_wait3A_108 : memref<1x128x128xf32, #tpu.memory_space<vmem>> -> memref<128x128xf32, #tpu.memory_space<vmem>>
        tpu.wait_dma2 semaphore(%run_scoped3A_87 : memref<!tpu.dma_semaphore, #tpu.memory_space<semaphore_mem>>) src(%dma_wait3A_109 : memref<128x128xf32, #tpu.memory_space<vmem>>) dst(%dma_wait3A_105 : memref<128x128xf32, #tpu.memory_space<hbm>>)
        tpu.yield
      }) : () -> ()
    } else {
    }
    %eq3A = arith.constant 15 : i32
    %eq3A_78 = arith.cmpi eq, %arg1, %eq3A : i32
    %convert_element_type3A_79 = arith.extui %eq3A_78 : i1 to i32
    %cond3A_80 = arith.constant 0 : i32
    %cond3A_81 = arith.cmpi ne, %convert_element_type3A_79, %cond3A_80 : i32
    scf.if %cond3A_81 {
      %run_scoped3A_82 = arith.constant 1 : i32
      "tpu.region"() ({
        %run_scoped3A_88 = tpu.sem_alloc : memref<!tpu.dma_semaphore, #tpu.memory_space<semaphore_mem>>
        %dma_start3A = arith.constant 0 : i32
        %dma_start3A_89 = arith.constant 0 : i32
        %dma_start3A_90 = tpu.memref_slice %arg10[%run_scoped3A_82, %dma_start3A, %dma_start3A_89] : memref<2x128x128xf32, #tpu.memory_space<vmem>> -> memref<1x16x128xf32, #tpu.memory_space<vmem>>
        %dma_start3A_91 = tpu.memref_squeeze %dma_start3A_90 : memref<1x16x128xf32, #tpu.memory_space<vmem>> -> memref<16x128xf32, #tpu.memory_space<vmem>>
        %dma_start3A_92 = arith.constant 9984 : i32
        %dma_start3A_93 = arith.constant 0 : i32
        %dma_start3A_94 = tpu.memref_slice %arg7[%dma_start3A_92, %dma_start3A_93] : memref<10240x128xf32, #tpu.memory_space<vmem_shared>> -> memref<16x128xf32, #tpu.memory_space<vmem_shared>>
        %dma_start3A_95 = arith.constant 0 : i32
        %dma_start3A_96 = arith.constant 0 : i32
        %dma_start3A_97 = tpu.memref_slice %arg10[%run_scoped3A_82, %dma_start3A_95, %dma_start3A_96] : memref<2x128x128xf32, #tpu.memory_space<vmem>> -> memref<1x16x128xf32, #tpu.memory_space<vmem>>
        %dma_start3A_98 = tpu.memref_squeeze %dma_start3A_97 : memref<1x16x128xf32, #tpu.memory_space<vmem>> -> memref<16x128xf32, #tpu.memory_space<vmem>>
        %dma_start3A_99 = arith.constant 9984 : i32
        %dma_start3A_100 = arith.constant 0 : i32
        %dma_start3A_101 = tpu.memref_slice %arg7[%dma_start3A_99, %dma_start3A_100] : memref<10240x128xf32, #tpu.memory_space<vmem_shared>> -> memref<16x128xf32, #tpu.memory_space<vmem_shared>>
        tpu.enqueue_dma source(%dma_start3A_101 : memref<16x128xf32, #tpu.memory_space<vmem_shared>>) target(%dma_start3A_98 : memref<16x128xf32, #tpu.memory_space<vmem>>) target_semaphore(%run_scoped3A_88 : memref<!tpu.dma_semaphore, #tpu.memory_space<semaphore_mem>>)
        %dma_wait3A = arith.constant 0 : i32
        %dma_wait3A_102 = arith.constant 0 : i32
        %dma_wait3A_103 = tpu.memref_slice %arg10[%run_scoped3A_82, %dma_wait3A, %dma_wait3A_102] : memref<2x128x128xf32, #tpu.memory_space<vmem>> -> memref<1x16x128xf32, #tpu.memory_space<vmem>>
        %dma_wait3A_104 = tpu.memref_squeeze %dma_wait3A_103 : memref<1x16x128xf32, #tpu.memory_space<vmem>> -> memref<16x128xf32, #tpu.memory_space<vmem>>
        %dma_wait3A_105 = arith.constant 9984 : i32
        %dma_wait3A_106 = arith.constant 0 : i32
        %dma_wait3A_107 = tpu.memref_slice %arg7[%dma_wait3A_105, %dma_wait3A_106] : memref<10240x128xf32, #tpu.memory_space<vmem_shared>> -> memref<16x128xf32, #tpu.memory_space<vmem_shared>>
        %dma_wait3A_108 = arith.constant 0 : i32
        %dma_wait3A_109 = arith.constant 0 : i32
        %dma_wait3A_110 = tpu.memref_slice %arg10[%run_scoped3A_82, %dma_wait3A_108, %dma_wait3A_109] : memref<2x128x128xf32, #tpu.memory_space<vmem>> -> memref<1x16x128xf32, #tpu.memory_space<vmem>>
        %dma_wait3A_111 = tpu.memref_squeeze %dma_wait3A_110 : memref<1x16x128xf32, #tpu.memory_space<vmem>> -> memref<16x128xf32, #tpu.memory_space<vmem>>
        %dma_wait3A_112 = arith.constant 9984 : i32
        %dma_wait3A_113 = arith.constant 0 : i32
        %dma_wait3A_114 = tpu.memref_slice %arg7[%dma_wait3A_112, %dma_wait3A_113] : memref<10240x128xf32, #tpu.memory_space<vmem_shared>> -> memref<16x128xf32, #tpu.memory_space<vmem_shared>>
        tpu.wait_dma2 semaphore(%run_scoped3A_88 : memref<!tpu.dma_semaphore, #tpu.memory_space<semaphore_mem>>) src(%dma_wait3A_114 : memref<16x128xf32, #tpu.memory_space<vmem_shared>>) dst(%dma_wait3A_111 : memref<16x128xf32, #tpu.memory_space<vmem>>)
        tpu.yield
      }) : () -> ()
      %mul3A_83 = arith.constant 10000 : i32
      %mul3A_84 = arith.muli %arg0, %mul3A_83 : i32
      %add3A_85 = arith.constant 9984 : i32
      %add3A_86 = arith.addi %mul3A_84, %add3A_85 : i32
      %run_scoped3A_87 = arith.constant 1 : i32
      "tpu.region"() ({
        %run_scoped3A_88 = tpu.sem_alloc : memref<!tpu.dma_semaphore, #tpu.memory_space<semaphore_mem>>
        %dma_start3A = arith.constant 0 : i32
        %dma_start3A_89 = arith.constant 0 : i32
        %dma_start3A_90 = tpu.memref_slice %arg10[%run_scoped3A_87, %dma_start3A, %dma_start3A_89] : memref<2x128x128xf32, #tpu.memory_space<vmem>> -> memref<1x16x128xf32, #tpu.memory_space<vmem>>
        %dma_start3A_91 = tpu.memref_squeeze %dma_start3A_90 : memref<1x16x128xf32, #tpu.memory_space<vmem>> -> memref<16x128xf32, #tpu.memory_space<vmem>>
        %dma_start3A_92 = arith.constant 0 : i32
        %dma_start3A_93 = tpu.memref_slice %arg6[%add3A_86, %dma_start3A_92] : memref<20000x128xf32, #tpu.memory_space<hbm>> -> memref<16x128xf32, #tpu.memory_space<hbm>>
        %dma_start3A_94 = arith.constant 0 : i32
        %dma_start3A_95 = tpu.memref_slice %arg6[%add3A_86, %dma_start3A_94] : memref<20000x128xf32, #tpu.memory_space<hbm>> -> memref<16x128xf32, #tpu.memory_space<hbm>>
        %dma_start3A_96 = arith.constant 0 : i32
        %dma_start3A_97 = arith.constant 0 : i32
        %dma_start3A_98 = tpu.memref_slice %arg10[%run_scoped3A_87, %dma_start3A_96, %dma_start3A_97] : memref<2x128x128xf32, #tpu.memory_space<vmem>> -> memref<1x16x128xf32, #tpu.memory_space<vmem>>
        %dma_start3A_99 = tpu.memref_squeeze %dma_start3A_98 : memref<1x16x128xf32, #tpu.memory_space<vmem>> -> memref<16x128xf32, #tpu.memory_space<vmem>>
        tpu.enqueue_dma source(%dma_start3A_99 : memref<16x128xf32, #tpu.memory_space<vmem>>) target(%dma_start3A_95 : memref<16x128xf32, #tpu.memory_space<hbm>>) target_semaphore(%run_scoped3A_88 : memref<!tpu.dma_semaphore, #tpu.memory_space<semaphore_mem>>)
        %dma_wait3A = arith.constant 0 : i32
        %dma_wait3A_100 = arith.constant 0 : i32
        %dma_wait3A_101 = tpu.memref_slice %arg10[%run_scoped3A_87, %dma_wait3A, %dma_wait3A_100] : memref<2x128x128xf32, #tpu.memory_space<vmem>> -> memref<1x16x128xf32, #tpu.memory_space<vmem>>
        %dma_wait3A_102 = tpu.memref_squeeze %dma_wait3A_101 : memref<1x16x128xf32, #tpu.memory_space<vmem>> -> memref<16x128xf32, #tpu.memory_space<vmem>>
        %dma_wait3A_103 = arith.constant 0 : i32
        %dma_wait3A_104 = tpu.memref_slice %arg6[%add3A_86, %dma_wait3A_103] : memref<20000x128xf32, #tpu.memory_space<hbm>> -> memref<16x128xf32, #tpu.memory_space<hbm>>
        %dma_wait3A_105 = arith.constant 0 : i32
        %dma_wait3A_106 = tpu.memref_slice %arg6[%add3A_86, %dma_wait3A_105] : memref<20000x128xf32, #tpu.memory_space<hbm>> -> memref<16x128xf32, #tpu.memory_space<hbm>>
        %dma_wait3A_107 = arith.constant 0 : i32
        %dma_wait3A_108 = arith.constant 0 : i32
        %dma_wait3A_109 = tpu.memref_slice %arg10[%run_scoped3A_87, %dma_wait3A_107, %dma_wait3A_108] : memref<2x128x128xf32, #tpu.memory_space<vmem>> -> memref<1x16x128xf32, #tpu.memory_space<vmem>>
        %dma_wait3A_110 = tpu.memref_squeeze %dma_wait3A_109 : memref<1x16x128xf32, #tpu.memory_space<vmem>> -> memref<16x128xf32, #tpu.memory_space<vmem>>
        tpu.wait_dma2 semaphore(%run_scoped3A_88 : memref<!tpu.dma_semaphore, #tpu.memory_space<semaphore_mem>>) src(%dma_wait3A_110 : memref<16x128xf32, #tpu.memory_space<vmem>>) dst(%dma_wait3A_106 : memref<16x128xf32, #tpu.memory_space<hbm>>)
        tpu.yield
      }) : () -> ()
    } else {
    }
    return
  }
}

#map = affine_map<(d0, d1) -> (0, 0, 0)>
#map1 = affine_map<(d0, d1) -> (0, 0)>
module attributes {stable_mosaic.version = 14 : i64} {
  func.func @_k1_degrees(%arg0: i32, %arg1: i32, %arg2: memref<2x5120x128xi32, #tpu.memory_space<hbm>>, %arg3: memref<2x20480xf32, #tpu.memory_space<hbm>>, %arg4: memref<20480xf32, #tpu.memory_space<vmem_shared>>, %arg5: memref<2x16x128xi32, #tpu.memory_space<vmem>>, %arg6: memref<128xf32, #tpu.memory_space<vmem>>, %arg7: memref<1280xf32, #tpu.memory_space<vmem>>, %arg8: memref<!tpu.dma_semaphore, #tpu.memory_space<semaphore_mem>>, %arg9: memref<!tpu.dma_semaphore, #tpu.memory_space<semaphore_mem>>) attributes {dimension_semantics = [#tpu.dimension_semantics<core_parallel>, #tpu.dimension_semantics<subcore_parallel>], iteration_bounds = array<i64: 2, 16>, scalar_prefetch = 0 : i64, scratch_operands = 6 : i64, tpu.core_type = #tpu.core_type<sc_vector_subcore>, window_params = [{transform_indices = #map}, {transform_indices = #map1}]} {
    %scan3A = arith.constant 0 : i32
    %scan3A_0 = arith.constant 0 : i32
    %scan3A_1 = arith.constant 8 : i32
    %scan3A_2 = arith.addi %scan3A_0, %scan3A_1 : i32
    %scan3A_3 = arith.constant 1 : i32
    %scan3A_4 = scf.for %scan3A_28 = %scan3A_0 to %scan3A_2 step %scan3A_3 iter_args(%scan3A_29 = %scan3A) -> (i32)  : i32 {
      %broadcast_in_dim3A = arith.constant 1.000000e+00 : f32
      %broadcast_in_dim3A_30 = vector.broadcast %broadcast_in_dim3A : f32 to vector<16xf32>
      %mul3A_31 = arith.constant 16 : i32
      %mul3A_32 = arith.muli %scan3A_28, %mul3A_31 : i32
      %swap3A = arith.index_cast %mul3A_32 : i32 to index
      %swap3A_33 = tpu.vector_load %arg6[%swap3A] {strides = array<i32>} : memref<128xf32, #tpu.memory_space<vmem>>, vector<16xf32>,
      %swap3A_34 = vector.shape_cast %swap3A_33 : vector<16xf32> to vector<16xf32>
      %swap3A_35 = vector.shape_cast %broadcast_in_dim3A_30 : vector<16xf32> to vector<16xf32>
      tpu.vector_store %arg6[%swap3A], %swap3A_35 {strides = array<i32>} : memref<128xf32, #tpu.memory_space<vmem>>, vector<16xf32>,
      %scan3A_36 = arith.constant 0 : i32
      scf.yield %scan3A_36 : i32
    }
    %scan3A_5 = arith.constant 8 : i32
    %scan3A_6 = arith.constant 0 : i32
    %scan3A_7 = arith.constant 0 : i32
    %scan3A_8 = arith.constant 80 : i32
    %scan3A_9 = arith.addi %scan3A_7, %scan3A_8 : i32
    %scan3A_10 = arith.constant 1 : i32
    %scan3A_11 = scf.for %scan3A_28 = %scan3A_7 to %scan3A_9 step %scan3A_10 iter_args(%scan3A_29 = %scan3A_6) -> (i32)  : i32 {
      %broadcast_in_dim3A = arith.constant 0.000000e+00 : f32
      %broadcast_in_dim3A_30 = vector.broadcast %broadcast_in_dim3A : f32 to vector<16xf32>
      %mul3A_31 = arith.constant 16 : i32
      %mul3A_32 = arith.muli %scan3A_28, %mul3A_31 : i32
      %swap3A = arith.index_cast %mul3A_32 : i32 to index
      %swap3A_33 = tpu.vector_load %arg7[%swap3A] {strides = array<i32>} : memref<1280xf32, #tpu.memory_space<vmem>>, vector<16xf32>,
      %swap3A_34 = vector.shape_cast %swap3A_33 : vector<16xf32> to vector<16xf32>
      %swap3A_35 = vector.shape_cast %broadcast_in_dim3A_30 : vector<16xf32> to vector<16xf32>
      tpu.vector_store %arg7[%swap3A], %swap3A_35 {strides = array<i32>} : memref<1280xf32, #tpu.memory_space<vmem>>, vector<16xf32>,
      %scan3A_36 = arith.constant 0 : i32
      scf.yield %scan3A_36 : i32
    }
    %scan3A_12 = arith.constant 80 : i32
    %mul3A = arith.constant 1280 : i32
    %mul3A_13 = arith.muli %arg1, %mul3A : i32
    "tpu.region"() ({
      %run_scoped3A_28 = tpu.sem_alloc : memref<!tpu.dma_semaphore, #tpu.memory_space<semaphore_mem>>
      %dma_start3A = tpu.memref_slice %arg4[%mul3A_13] : memref<20480xf32, #tpu.memory_space<vmem_shared>> -> memref<1280xf32, #tpu.memory_space<vmem_shared>>
      %dma_start3A_29 = tpu.memref_slice %arg4[%mul3A_13] : memref<20480xf32, #tpu.memory_space<vmem_shared>> -> memref<1280xf32, #tpu.memory_space<vmem_shared>>
      tpu.enqueue_dma source(%arg7 : memref<1280xf32, #tpu.memory_space<vmem>>) target(%dma_start3A_29 : memref<1280xf32, #tpu.memory_space<vmem_shared>>) target_semaphore(%run_scoped3A_28 : memref<!tpu.dma_semaphore, #tpu.memory_space<semaphore_mem>>)
      %dma_wait3A = tpu.memref_slice %arg4[%mul3A_13] : memref<20480xf32, #tpu.memory_space<vmem_shared>> -> memref<1280xf32, #tpu.memory_space<vmem_shared>>
      %dma_wait3A_30 = tpu.memref_slice %arg4[%mul3A_13] : memref<20480xf32, #tpu.memory_space<vmem_shared>> -> memref<1280xf32, #tpu.memory_space<vmem_shared>>
      tpu.wait_dma2 semaphore(%run_scoped3A_28 : memref<!tpu.dma_semaphore, #tpu.memory_space<semaphore_mem>>) src(%arg7 : memref<1280xf32, #tpu.memory_space<vmem>>) dst(%dma_wait3A_30 : memref<1280xf32, #tpu.memory_space<vmem_shared>>)
      tpu.yield
    }) : () -> ()
    %barrier3A = arith.constant 0 : index
    tpu.barrier barrier_id(%barrier3A)
    %mul3A_14 = arith.constant 320 : i32
    %mul3A_15 = arith.muli %arg1, %mul3A_14 : i32
    %run_scoped3A = arith.constant 0 : i32
    "tpu.region"() ({
      %run_scoped3A_28 = tpu.sem_alloc : memref<!tpu.dma_semaphore, #tpu.memory_space<semaphore_mem>>
      %dma_start3A = arith.constant 0 : i32
      %dma_start3A_29 = arith.constant 0 : i32
      %dma_start3A_30 = tpu.memref_slice %arg5[%run_scoped3A, %dma_start3A, %dma_start3A_29] : memref<2x16x128xi32, #tpu.memory_space<vmem>> -> memref<1x16x128xi32, #tpu.memory_space<vmem>>
      %dma_start3A_31 = tpu.memref_squeeze %dma_start3A_30 : memref<1x16x128xi32, #tpu.memory_space<vmem>> -> memref<16x128xi32, #tpu.memory_space<vmem>>
      %dma_start3A_32 = arith.constant 0 : i32
      %dma_start3A_33 = tpu.memref_slice %arg2[%arg0, %mul3A_15, %dma_start3A_32] : memref<2x5120x128xi32, #tpu.memory_space<hbm>> -> memref<1x16x128xi32, #tpu.memory_space<hbm>>
      %dma_start3A_34 = tpu.memref_squeeze %dma_start3A_33 : memref<1x16x128xi32, #tpu.memory_space<hbm>> -> memref<16x128xi32, #tpu.memory_space<hbm>>
      %dma_start3A_35 = arith.constant 0 : i32
      %dma_start3A_36 = arith.constant 0 : i32
      %dma_start3A_37 = tpu.memref_slice %arg5[%run_scoped3A, %dma_start3A_35, %dma_start3A_36] : memref<2x16x128xi32, #tpu.memory_space<vmem>> -> memref<1x16x128xi32, #tpu.memory_space<vmem>>
      %dma_start3A_38 = tpu.memref_squeeze %dma_start3A_37 : memref<1x16x128xi32, #tpu.memory_space<vmem>> -> memref<16x128xi32, #tpu.memory_space<vmem>>
      %dma_start3A_39 = arith.constant 0 : i32
      %dma_start3A_40 = tpu.memref_slice %arg2[%arg0, %mul3A_15, %dma_start3A_39] : memref<2x5120x128xi32, #tpu.memory_space<hbm>> -> memref<1x16x128xi32, #tpu.memory_space<hbm>>
      %dma_start3A_41 = tpu.memref_squeeze %dma_start3A_40 : memref<1x16x128xi32, #tpu.memory_space<hbm>> -> memref<16x128xi32, #tpu.memory_space<hbm>>
      tpu.enqueue_dma source(%dma_start3A_41 : memref<16x128xi32, #tpu.memory_space<hbm>>) target(%dma_start3A_38 : memref<16x128xi32, #tpu.memory_space<vmem>>) target_semaphore(%run_scoped3A_28 : memref<!tpu.dma_semaphore, #tpu.memory_space<semaphore_mem>>)
      %dma_wait3A = arith.constant 0 : i32
      %dma_wait3A_42 = arith.constant 0 : i32
      %dma_wait3A_43 = tpu.memref_slice %arg5[%run_scoped3A, %dma_wait3A, %dma_wait3A_42] : memref<2x16x128xi32, #tpu.memory_space<vmem>> -> memref<1x16x128xi32, #tpu.memory_space<vmem>>
      %dma_wait3A_44 = tpu.memref_squeeze %dma_wait3A_43 : memref<1x16x128xi32, #tpu.memory_space<vmem>> -> memref<16x128xi32, #tpu.memory_space<vmem>>
      %dma_wait3A_45 = arith.constant 0 : i32
      %dma_wait3A_46 = tpu.memref_slice %arg2[%arg0, %mul3A_15, %dma_wait3A_45] : memref<2x5120x128xi32, #tpu.memory_space<hbm>> -> memref<1x16x128xi32, #tpu.memory_space<hbm>>
      %dma_wait3A_47 = tpu.memref_squeeze %dma_wait3A_46 : memref<1x16x128xi32, #tpu.memory_space<hbm>> -> memref<16x128xi32, #tpu.memory_space<hbm>>
      %dma_wait3A_48 = arith.constant 0 : i32
      %dma_wait3A_49 = arith.constant 0 : i32
      %dma_wait3A_50 = tpu.memref_slice %arg5[%run_scoped3A, %dma_wait3A_48, %dma_wait3A_49] : memref<2x16x128xi32, #tpu.memory_space<vmem>> -> memref<1x16x128xi32, #tpu.memory_space<vmem>>
      %dma_wait3A_51 = tpu.memref_squeeze %dma_wait3A_50 : memref<1x16x128xi32, #tpu.memory_space<vmem>> -> memref<16x128xi32, #tpu.memory_space<vmem>>
      %dma_wait3A_52 = arith.constant 0 : i32
      %dma_wait3A_53 = tpu.memref_slice %arg2[%arg0, %mul3A_15, %dma_wait3A_52] : memref<2x5120x128xi32, #tpu.memory_space<hbm>> -> memref<1x16x128xi32, #tpu.memory_space<hbm>>
      %dma_wait3A_54 = tpu.memref_squeeze %dma_wait3A_53 : memref<1x16x128xi32, #tpu.memory_space<hbm>> -> memref<16x128xi32, #tpu.memory_space<hbm>>
      tpu.wait_dma2 semaphore(%run_scoped3A_28 : memref<!tpu.dma_semaphore, #tpu.memory_space<semaphore_mem>>) src(%dma_wait3A_54 : memref<16x128xi32, #tpu.memory_space<hbm>>) dst(%dma_wait3A_51 : memref<16x128xi32, #tpu.memory_space<vmem>>)
      tpu.yield
    }) : () -> ()
    %scan3A_16 = arith.constant 0 : i32
    %scan3A_17 = arith.constant 0 : i32
    %scan3A_18 = arith.constant 20 : i32
    %scan3A_19 = arith.addi %scan3A_17, %scan3A_18 : i32
    %scan3A_20 = arith.constant 1 : i32
    %scan3A_21 = scf.for %scan3A_28 = %scan3A_17 to %scan3A_19 step %scan3A_20 iter_args(%scan3A_29 = %scan3A_16) -> (i32)  : i32 {
      %rem3A = arith.constant 2 : i32
      %rem3A_30 = arith.remsi %scan3A_28, %rem3A : i32
      %add3A = arith.constant 1 : i32
      %add3A_31 = arith.addi %scan3A_28, %add3A : i32
      %min3A = arith.constant 19 : i32
      %min3A_32 = arith.minsi %add3A_31, %min3A : i32
      %mul3A_33 = arith.constant 320 : i32
      %mul3A_34 = arith.muli %arg1, %mul3A_33 : i32
      %mul3A_35 = arith.constant 16 : i32
      %mul3A_36 = arith.muli %min3A_32, %mul3A_35 : i32
      %add3A_37 = arith.addi %mul3A_34, %mul3A_36 : i32
      %sub3A = arith.constant 1 : i32
      %sub3A_38 = arith.subi %sub3A, %rem3A_30 : i32
      %dma_start3A = arith.constant 0 : i32
      %dma_start3A_39 = arith.constant 0 : i32
      %dma_start3A_40 = tpu.memref_slice %arg5[%sub3A_38, %dma_start3A, %dma_start3A_39] : memref<2x16x128xi32, #tpu.memory_space<vmem>> -> memref<1x16x128xi32, #tpu.memory_space<vmem>>
      %dma_start3A_41 = tpu.memref_squeeze %dma_start3A_40 : memref<1x16x128xi32, #tpu.memory_space<vmem>> -> memref<16x128xi32, #tpu.memory_space<vmem>>
      %dma_start3A_42 = arith.constant 0 : i32
      %dma_start3A_43 = tpu.memref_slice %arg2[%arg0, %add3A_37, %dma_start3A_42] : memref<2x5120x128xi32, #tpu.memory_space<hbm>> -> memref<1x16x128xi32, #tpu.memory_space<hbm>>
      %dma_start3A_44 = tpu.memref_squeeze %dma_start3A_43 : memref<1x16x128xi32, #tpu.memory_space<hbm>> -> memref<16x128xi32, #tpu.memory_space<hbm>>
      %dma_start3A_45 = arith.constant 0 : i32
      %dma_start3A_46 = arith.constant 0 : i32
      %dma_start3A_47 = tpu.memref_slice %arg5[%sub3A_38, %dma_start3A_45, %dma_start3A_46] : memref<2x16x128xi32, #tpu.memory_space<vmem>> -> memref<1x16x128xi32, #tpu.memory_space<vmem>>
      %dma_start3A_48 = tpu.memref_squeeze %dma_start3A_47 : memref<1x16x128xi32, #tpu.memory_space<vmem>> -> memref<16x128xi32, #tpu.memory_space<vmem>>
      %dma_start3A_49 = arith.constant 0 : i32
      %dma_start3A_50 = tpu.memref_slice %arg2[%arg0, %add3A_37, %dma_start3A_49] : memref<2x5120x128xi32, #tpu.memory_space<hbm>> -> memref<1x16x128xi32, #tpu.memory_space<hbm>>
      %dma_start3A_51 = tpu.memref_squeeze %dma_start3A_50 : memref<1x16x128xi32, #tpu.memory_space<hbm>> -> memref<16x128xi32, #tpu.memory_space<hbm>>
      tpu.enqueue_dma source(%dma_start3A_51 : memref<16x128xi32, #tpu.memory_space<hbm>>) target(%dma_start3A_48 : memref<16x128xi32, #tpu.memory_space<vmem>>) target_semaphore(%arg9 : memref<!tpu.dma_semaphore, #tpu.memory_space<semaphore_mem>>)
      %dma_start3A_52 = arith.constant 0 : i32
      %dma_start3A_53 = arith.constant 0 : i32
      %dma_start3A_54 = tpu.memref_slice %arg5[%rem3A_30, %dma_start3A_52, %dma_start3A_53] : memref<2x16x128xi32, #tpu.memory_space<vmem>> -> memref<1x1x128xi32, #tpu.memory_space<vmem>>
      %dma_start3A_55 = tpu.memref_squeeze %dma_start3A_54 : memref<1x1x128xi32, #tpu.memory_space<vmem>> -> memref<128xi32, #tpu.memory_space<vmem>>
      %dma_start3A_56 = arith.constant 0 : i32
      %dma_start3A_57 = tpu.memref_slice %arg4[%dma_start3A_56] : memref<20480xf32, #tpu.memory_space<vmem_shared>> -> memref<20480xf32, #tpu.memory_space<vmem_shared>>
      tpu.enqueue_indirect_dma source(%arg6 : memref<128xf32, #tpu.memory_space<vmem>>) target(%dma_start3A_57 : memref<20480xf32, #tpu.memory_space<vmem_shared>>) offsets(%dma_start3A_55 : memref<128xi32, #tpu.memory_space<vmem>>) semaphore(%arg8 : memref<!tpu.dma_semaphore, #tpu.memory_space<semaphore_mem>>) {add = true}
      %dma_start3A_58 = arith.constant 1 : i32
      %dma_start3A_59 = arith.constant 0 : i32
      %dma_start3A_60 = tpu.memref_slice %arg5[%rem3A_30, %dma_start3A_58, %dma_start3A_59] : memref<2x16x128xi32, #tpu.memory_space<vmem>> -> memref<1x1x128xi32, #tpu.memory_space<vmem>>
      %dma_start3A_61 = tpu.memref_squeeze %dma_start3A_60 : memref<1x1x128xi32, #tpu.memory_space<vmem>> -> memref<128xi32, #tpu.memory_space<vmem>>
      %dma_start3A_62 = arith.constant 0 : i32
      %dma_start3A_63 = tpu.memref_slice %arg4[%dma_start3A_62] : memref<20480xf32, #tpu.memory_space<vmem_shared>> -> memref<20480xf32, #tpu.memory_space<vmem_shared>>
      tpu.enqueue_indirect_dma source(%arg6 : memref<128xf32, #tpu.memory_space<vmem>>) target(%dma_start3A_63 : memref<20480xf32, #tpu.memory_space<vmem_shared>>) offsets(%dma_start3A_61 : memref<128xi32, #tpu.memory_space<vmem>>) semaphore(%arg8 : memref<!tpu.dma_semaphore, #tpu.memory_space<semaphore_mem>>) {add = true}
      %dma_start3A_64 = arith.constant 2 : i32
      %dma_start3A_65 = arith.constant 0 : i32
      %dma_start3A_66 = tpu.memref_slice %arg5[%rem3A_30, %dma_start3A_64, %dma_start3A_65] : memref<2x16x128xi32, #tpu.memory_space<vmem>> -> memref<1x1x128xi32, #tpu.memory_space<vmem>>
      %dma_start3A_67 = tpu.memref_squeeze %dma_start3A_66 : memref<1x1x128xi32, #tpu.memory_space<vmem>> -> memref<128xi32, #tpu.memory_space<vmem>>
      %dma_start3A_68 = arith.constant 0 : i32
      %dma_start3A_69 = tpu.memref_slice %arg4[%dma_start3A_68] : memref<20480xf32, #tpu.memory_space<vmem_shared>> -> memref<20480xf32, #tpu.memory_space<vmem_shared>>
      tpu.enqueue_indirect_dma source(%arg6 : memref<128xf32, #tpu.memory_space<vmem>>) target(%dma_start3A_69 : memref<20480xf32, #tpu.memory_space<vmem_shared>>) offsets(%dma_start3A_67 : memref<128xi32, #tpu.memory_space<vmem>>) semaphore(%arg8 : memref<!tpu.dma_semaphore, #tpu.memory_space<semaphore_mem>>) {add = true}
      %dma_start3A_70 = arith.constant 3 : i32
      %dma_start3A_71 = arith.constant 0 : i32
      %dma_start3A_72 = tpu.memref_slice %arg5[%rem3A_30, %dma_start3A_70, %dma_start3A_71] : memref<2x16x128xi32, #tpu.memory_space<vmem>> -> memref<1x1x128xi32, #tpu.memory_space<vmem>>
      %dma_start3A_73 = tpu.memref_squeeze %dma_start3A_72 : memref<1x1x128xi32, #tpu.memory_space<vmem>> -> memref<128xi32, #tpu.memory_space<vmem>>
      %dma_start3A_74 = arith.constant 0 : i32
      %dma_start3A_75 = tpu.memref_slice %arg4[%dma_start3A_74] : memref<20480xf32, #tpu.memory_space<vmem_shared>> -> memref<20480xf32, #tpu.memory_space<vmem_shared>>
      tpu.enqueue_indirect_dma source(%arg6 : memref<128xf32, #tpu.memory_space<vmem>>) target(%dma_start3A_75 : memref<20480xf32, #tpu.memory_space<vmem_shared>>) offsets(%dma_start3A_73 : memref<128xi32, #tpu.memory_space<vmem>>) semaphore(%arg8 : memref<!tpu.dma_semaphore, #tpu.memory_space<semaphore_mem>>) {add = true}
      %dma_start3A_76 = arith.constant 4 : i32
      %dma_start3A_77 = arith.constant 0 : i32
      %dma_start3A_78 = tpu.memref_slice %arg5[%rem3A_30, %dma_start3A_76, %dma_start3A_77] : memref<2x16x128xi32, #tpu.memory_space<vmem>> -> memref<1x1x128xi32, #tpu.memory_space<vmem>>
      %dma_start3A_79 = tpu.memref_squeeze %dma_start3A_78 : memref<1x1x128xi32, #tpu.memory_space<vmem>> -> memref<128xi32, #tpu.memory_space<vmem>>
      %dma_start3A_80 = arith.constant 0 : i32
      %dma_start3A_81 = tpu.memref_slice %arg4[%dma_start3A_80] : memref<20480xf32, #tpu.memory_space<vmem_shared>> -> memref<20480xf32, #tpu.memory_space<vmem_shared>>
      tpu.enqueue_indirect_dma source(%arg6 : memref<128xf32, #tpu.memory_space<vmem>>) target(%dma_start3A_81 : memref<20480xf32, #tpu.memory_space<vmem_shared>>) offsets(%dma_start3A_79 : memref<128xi32, #tpu.memory_space<vmem>>) semaphore(%arg8 : memref<!tpu.dma_semaphore, #tpu.memory_space<semaphore_mem>>) {add = true}
      %dma_start3A_82 = arith.constant 5 : i32
      %dma_start3A_83 = arith.constant 0 : i32
      %dma_start3A_84 = tpu.memref_slice %arg5[%rem3A_30, %dma_start3A_82, %dma_start3A_83] : memref<2x16x128xi32, #tpu.memory_space<vmem>> -> memref<1x1x128xi32, #tpu.memory_space<vmem>>
      %dma_start3A_85 = tpu.memref_squeeze %dma_start3A_84 : memref<1x1x128xi32, #tpu.memory_space<vmem>> -> memref<128xi32, #tpu.memory_space<vmem>>
      %dma_start3A_86 = arith.constant 0 : i32
      %dma_start3A_87 = tpu.memref_slice %arg4[%dma_start3A_86] : memref<20480xf32, #tpu.memory_space<vmem_shared>> -> memref<20480xf32, #tpu.memory_space<vmem_shared>>
      tpu.enqueue_indirect_dma source(%arg6 : memref<128xf32, #tpu.memory_space<vmem>>) target(%dma_start3A_87 : memref<20480xf32, #tpu.memory_space<vmem_shared>>) offsets(%dma_start3A_85 : memref<128xi32, #tpu.memory_space<vmem>>) semaphore(%arg8 : memref<!tpu.dma_semaphore, #tpu.memory_space<semaphore_mem>>) {add = true}
      %dma_start3A_88 = arith.constant 6 : i32
      %dma_start3A_89 = arith.constant 0 : i32
      %dma_start3A_90 = tpu.memref_slice %arg5[%rem3A_30, %dma_start3A_88, %dma_start3A_89] : memref<2x16x128xi32, #tpu.memory_space<vmem>> -> memref<1x1x128xi32, #tpu.memory_space<vmem>>
      %dma_start3A_91 = tpu.memref_squeeze %dma_start3A_90 : memref<1x1x128xi32, #tpu.memory_space<vmem>> -> memref<128xi32, #tpu.memory_space<vmem>>
      %dma_start3A_92 = arith.constant 0 : i32
      %dma_start3A_93 = tpu.memref_slice %arg4[%dma_start3A_92] : memref<20480xf32, #tpu.memory_space<vmem_shared>> -> memref<20480xf32, #tpu.memory_space<vmem_shared>>
      tpu.enqueue_indirect_dma source(%arg6 : memref<128xf32, #tpu.memory_space<vmem>>) target(%dma_start3A_93 : memref<20480xf32, #tpu.memory_space<vmem_shared>>) offsets(%dma_start3A_91 : memref<128xi32, #tpu.memory_space<vmem>>) semaphore(%arg8 : memref<!tpu.dma_semaphore, #tpu.memory_space<semaphore_mem>>) {add = true}
      %dma_start3A_94 = arith.constant 7 : i32
      %dma_start3A_95 = arith.constant 0 : i32
      %dma_start3A_96 = tpu.memref_slice %arg5[%rem3A_30, %dma_start3A_94, %dma_start3A_95] : memref<2x16x128xi32, #tpu.memory_space<vmem>> -> memref<1x1x128xi32, #tpu.memory_space<vmem>>
      %dma_start3A_97 = tpu.memref_squeeze %dma_start3A_96 : memref<1x1x128xi32, #tpu.memory_space<vmem>> -> memref<128xi32, #tpu.memory_space<vmem>>
      %dma_start3A_98 = arith.constant 0 : i32
      %dma_start3A_99 = tpu.memref_slice %arg4[%dma_start3A_98] : memref<20480xf32, #tpu.memory_space<vmem_shared>> -> memref<20480xf32, #tpu.memory_space<vmem_shared>>
      tpu.enqueue_indirect_dma source(%arg6 : memref<128xf32, #tpu.memory_space<vmem>>) target(%dma_start3A_99 : memref<20480xf32, #tpu.memory_space<vmem_shared>>) offsets(%dma_start3A_97 : memref<128xi32, #tpu.memory_space<vmem>>) semaphore(%arg8 : memref<!tpu.dma_semaphore, #tpu.memory_space<semaphore_mem>>) {add = true}
      %dma_start3A_100 = arith.constant 8 : i32
      %dma_start3A_101 = arith.constant 0 : i32
      %dma_start3A_102 = tpu.memref_slice %arg5[%rem3A_30, %dma_start3A_100, %dma_start3A_101] : memref<2x16x128xi32, #tpu.memory_space<vmem>> -> memref<1x1x128xi32, #tpu.memory_space<vmem>>
      %dma_start3A_103 = tpu.memref_squeeze %dma_start3A_102 : memref<1x1x128xi32, #tpu.memory_space<vmem>> -> memref<128xi32, #tpu.memory_space<vmem>>
      %dma_start3A_104 = arith.constant 0 : i32
      %dma_start3A_105 = tpu.memref_slice %arg4[%dma_start3A_104] : memref<20480xf32, #tpu.memory_space<vmem_shared>> -> memref<20480xf32, #tpu.memory_space<vmem_shared>>
      tpu.enqueue_indirect_dma source(%arg6 : memref<128xf32, #tpu.memory_space<vmem>>) target(%dma_start3A_105 : memref<20480xf32, #tpu.memory_space<vmem_shared>>) offsets(%dma_start3A_103 : memref<128xi32, #tpu.memory_space<vmem>>) semaphore(%arg8 : memref<!tpu.dma_semaphore, #tpu.memory_space<semaphore_mem>>) {add = true}
      %dma_start3A_106 = arith.constant 9 : i32
      %dma_start3A_107 = arith.constant 0 : i32
      %dma_start3A_108 = tpu.memref_slice %arg5[%rem3A_30, %dma_start3A_106, %dma_start3A_107] : memref<2x16x128xi32, #tpu.memory_space<vmem>> -> memref<1x1x128xi32, #tpu.memory_space<vmem>>
      %dma_start3A_109 = tpu.memref_squeeze %dma_start3A_108 : memref<1x1x128xi32, #tpu.memory_space<vmem>> -> memref<128xi32, #tpu.memory_space<vmem>>
      %dma_start3A_110 = arith.constant 0 : i32
      %dma_start3A_111 = tpu.memref_slice %arg4[%dma_start3A_110] : memref<20480xf32, #tpu.memory_space<vmem_shared>> -> memref<20480xf32, #tpu.memory_space<vmem_shared>>
      tpu.enqueue_indirect_dma source(%arg6 : memref<128xf32, #tpu.memory_space<vmem>>) target(%dma_start3A_111 : memref<20480xf32, #tpu.memory_space<vmem_shared>>) offsets(%dma_start3A_109 : memref<128xi32, #tpu.memory_space<vmem>>) semaphore(%arg8 : memref<!tpu.dma_semaphore, #tpu.memory_space<semaphore_mem>>) {add = true}
      %dma_start3A_112 = arith.constant 10 : i32
      %dma_start3A_113 = arith.constant 0 : i32
      %dma_start3A_114 = tpu.memref_slice %arg5[%rem3A_30, %dma_start3A_112, %dma_start3A_113] : memref<2x16x128xi32, #tpu.memory_space<vmem>> -> memref<1x1x128xi32, #tpu.memory_space<vmem>>
      %dma_start3A_115 = tpu.memref_squeeze %dma_start3A_114 : memref<1x1x128xi32, #tpu.memory_space<vmem>> -> memref<128xi32, #tpu.memory_space<vmem>>
      %dma_start3A_116 = arith.constant 0 : i32
      %dma_start3A_117 = tpu.memref_slice %arg4[%dma_start3A_116] : memref<20480xf32, #tpu.memory_space<vmem_shared>> -> memref<20480xf32, #tpu.memory_space<vmem_shared>>
      tpu.enqueue_indirect_dma source(%arg6 : memref<128xf32, #tpu.memory_space<vmem>>) target(%dma_start3A_117 : memref<20480xf32, #tpu.memory_space<vmem_shared>>) offsets(%dma_start3A_115 : memref<128xi32, #tpu.memory_space<vmem>>) semaphore(%arg8 : memref<!tpu.dma_semaphore, #tpu.memory_space<semaphore_mem>>) {add = true}
      %dma_start3A_118 = arith.constant 11 : i32
      %dma_start3A_119 = arith.constant 0 : i32
      %dma_start3A_120 = tpu.memref_slice %arg5[%rem3A_30, %dma_start3A_118, %dma_start3A_119] : memref<2x16x128xi32, #tpu.memory_space<vmem>> -> memref<1x1x128xi32, #tpu.memory_space<vmem>>
      %dma_start3A_121 = tpu.memref_squeeze %dma_start3A_120 : memref<1x1x128xi32, #tpu.memory_space<vmem>> -> memref<128xi32, #tpu.memory_space<vmem>>
      %dma_start3A_122 = arith.constant 0 : i32
      %dma_start3A_123 = tpu.memref_slice %arg4[%dma_start3A_122] : memref<20480xf32, #tpu.memory_space<vmem_shared>> -> memref<20480xf32, #tpu.memory_space<vmem_shared>>
      tpu.enqueue_indirect_dma source(%arg6 : memref<128xf32, #tpu.memory_space<vmem>>) target(%dma_start3A_123 : memref<20480xf32, #tpu.memory_space<vmem_shared>>) offsets(%dma_start3A_121 : memref<128xi32, #tpu.memory_space<vmem>>) semaphore(%arg8 : memref<!tpu.dma_semaphore, #tpu.memory_space<semaphore_mem>>) {add = true}
      %dma_start3A_124 = arith.constant 12 : i32
      %dma_start3A_125 = arith.constant 0 : i32
      %dma_start3A_126 = tpu.memref_slice %arg5[%rem3A_30, %dma_start3A_124, %dma_start3A_125] : memref<2x16x128xi32, #tpu.memory_space<vmem>> -> memref<1x1x128xi32, #tpu.memory_space<vmem>>
      %dma_start3A_127 = tpu.memref_squeeze %dma_start3A_126 : memref<1x1x128xi32, #tpu.memory_space<vmem>> -> memref<128xi32, #tpu.memory_space<vmem>>
      %dma_start3A_128 = arith.constant 0 : i32
      %dma_start3A_129 = tpu.memref_slice %arg4[%dma_start3A_128] : memref<20480xf32, #tpu.memory_space<vmem_shared>> -> memref<20480xf32, #tpu.memory_space<vmem_shared>>
      tpu.enqueue_indirect_dma source(%arg6 : memref<128xf32, #tpu.memory_space<vmem>>) target(%dma_start3A_129 : memref<20480xf32, #tpu.memory_space<vmem_shared>>) offsets(%dma_start3A_127 : memref<128xi32, #tpu.memory_space<vmem>>) semaphore(%arg8 : memref<!tpu.dma_semaphore, #tpu.memory_space<semaphore_mem>>) {add = true}
      %dma_start3A_130 = arith.constant 13 : i32
      %dma_start3A_131 = arith.constant 0 : i32
      %dma_start3A_132 = tpu.memref_slice %arg5[%rem3A_30, %dma_start3A_130, %dma_start3A_131] : memref<2x16x128xi32, #tpu.memory_space<vmem>> -> memref<1x1x128xi32, #tpu.memory_space<vmem>>
      %dma_start3A_133 = tpu.memref_squeeze %dma_start3A_132 : memref<1x1x128xi32, #tpu.memory_space<vmem>> -> memref<128xi32, #tpu.memory_space<vmem>>
      %dma_start3A_134 = arith.constant 0 : i32
      %dma_start3A_135 = tpu.memref_slice %arg4[%dma_start3A_134] : memref<20480xf32, #tpu.memory_space<vmem_shared>> -> memref<20480xf32, #tpu.memory_space<vmem_shared>>
      tpu.enqueue_indirect_dma source(%arg6 : memref<128xf32, #tpu.memory_space<vmem>>) target(%dma_start3A_135 : memref<20480xf32, #tpu.memory_space<vmem_shared>>) offsets(%dma_start3A_133 : memref<128xi32, #tpu.memory_space<vmem>>) semaphore(%arg8 : memref<!tpu.dma_semaphore, #tpu.memory_space<semaphore_mem>>) {add = true}
      %dma_start3A_136 = arith.constant 14 : i32
      %dma_start3A_137 = arith.constant 0 : i32
      %dma_start3A_138 = tpu.memref_slice %arg5[%rem3A_30, %dma_start3A_136, %dma_start3A_137] : memref<2x16x128xi32, #tpu.memory_space<vmem>> -> memref<1x1x128xi32, #tpu.memory_space<vmem>>
      %dma_start3A_139 = tpu.memref_squeeze %dma_start3A_138 : memref<1x1x128xi32, #tpu.memory_space<vmem>> -> memref<128xi32, #tpu.memory_space<vmem>>
      %dma_start3A_140 = arith.constant 0 : i32
      %dma_start3A_141 = tpu.memref_slice %arg4[%dma_start3A_140] : memref<20480xf32, #tpu.memory_space<vmem_shared>> -> memref<20480xf32, #tpu.memory_space<vmem_shared>>
      tpu.enqueue_indirect_dma source(%arg6 : memref<128xf32, #tpu.memory_space<vmem>>) target(%dma_start3A_141 : memref<20480xf32, #tpu.memory_space<vmem_shared>>) offsets(%dma_start3A_139 : memref<128xi32, #tpu.memory_space<vmem>>) semaphore(%arg8 : memref<!tpu.dma_semaphore, #tpu.memory_space<semaphore_mem>>) {add = true}
      %dma_start3A_142 = arith.constant 15 : i32
      %dma_start3A_143 = arith.constant 0 : i32
      %dma_start3A_144 = tpu.memref_slice %arg5[%rem3A_30, %dma_start3A_142, %dma_start3A_143] : memref<2x16x128xi32, #tpu.memory_space<vmem>> -> memref<1x1x128xi32, #tpu.memory_space<vmem>>
      %dma_start3A_145 = tpu.memref_squeeze %dma_start3A_144 : memref<1x1x128xi32, #tpu.memory_space<vmem>> -> memref<128xi32, #tpu.memory_space<vmem>>
      %dma_start3A_146 = arith.constant 0 : i32
      %dma_start3A_147 = tpu.memref_slice %arg4[%dma_start3A_146] : memref<20480xf32, #tpu.memory_space<vmem_shared>> -> memref<20480xf32, #tpu.memory_space<vmem_shared>>
      tpu.enqueue_indirect_dma source(%arg6 : memref<128xf32, #tpu.memory_space<vmem>>) target(%dma_start3A_147 : memref<20480xf32, #tpu.memory_space<vmem_shared>>) offsets(%dma_start3A_145 : memref<128xi32, #tpu.memory_space<vmem>>) semaphore(%arg8 : memref<!tpu.dma_semaphore, #tpu.memory_space<semaphore_mem>>) {add = true}
      %dma_wait3A = arith.constant 0 : i32
      %dma_wait3A_148 = arith.constant 0 : i32
      %dma_wait3A_149 = tpu.memref_slice %arg5[%rem3A_30, %dma_wait3A, %dma_wait3A_148] : memref<2x16x128xi32, #tpu.memory_space<vmem>> -> memref<1x1x128xi32, #tpu.memory_space<vmem>>
      %dma_wait3A_150 = tpu.memref_squeeze %dma_wait3A_149 : memref<1x1x128xi32, #tpu.memory_space<vmem>> -> memref<128xi32, #tpu.memory_space<vmem>>
      %dma_wait3A_151 = arith.constant 0 : i32
      %dma_wait3A_152 = tpu.memref_slice %arg4[%dma_wait3A_151] : memref<20480xf32, #tpu.memory_space<vmem_shared>> -> memref<20480xf32, #tpu.memory_space<vmem_shared>>
      tpu.wait_indirect_dma semaphore(%arg8 : memref<!tpu.dma_semaphore, #tpu.memory_space<semaphore_mem>>) src(%arg6 : memref<128xf32, #tpu.memory_space<vmem>>) dst(%dma_wait3A_152 : memref<20480xf32, #tpu.memory_space<vmem_shared>>)
      %dma_wait3A_153 = arith.constant 1 : i32
      %dma_wait3A_154 = arith.constant 0 : i32
      %dma_wait3A_155 = tpu.memref_slice %arg5[%rem3A_30, %dma_wait3A_153, %dma_wait3A_154] : memref<2x16x128xi32, #tpu.memory_space<vmem>> -> memref<1x1x128xi32, #tpu.memory_space<vmem>>
      %dma_wait3A_156 = tpu.memref_squeeze %dma_wait3A_155 : memref<1x1x128xi32, #tpu.memory_space<vmem>> -> memref<128xi32, #tpu.memory_space<vmem>>
      %dma_wait3A_157 = arith.constant 0 : i32
      %dma_wait3A_158 = tpu.memref_slice %arg4[%dma_wait3A_157] : memref<20480xf32, #tpu.memory_space<vmem_shared>> -> memref<20480xf32, #tpu.memory_space<vmem_shared>>
      tpu.wait_indirect_dma semaphore(%arg8 : memref<!tpu.dma_semaphore, #tpu.memory_space<semaphore_mem>>) src(%arg6 : memref<128xf32, #tpu.memory_space<vmem>>) dst(%dma_wait3A_158 : memref<20480xf32, #tpu.memory_space<vmem_shared>>)
      %dma_wait3A_159 = arith.constant 2 : i32
      %dma_wait3A_160 = arith.constant 0 : i32
      %dma_wait3A_161 = tpu.memref_slice %arg5[%rem3A_30, %dma_wait3A_159, %dma_wait3A_160] : memref<2x16x128xi32, #tpu.memory_space<vmem>> -> memref<1x1x128xi32, #tpu.memory_space<vmem>>
      %dma_wait3A_162 = tpu.memref_squeeze %dma_wait3A_161 : memref<1x1x128xi32, #tpu.memory_space<vmem>> -> memref<128xi32, #tpu.memory_space<vmem>>
      %dma_wait3A_163 = arith.constant 0 : i32
      %dma_wait3A_164 = tpu.memref_slice %arg4[%dma_wait3A_163] : memref<20480xf32, #tpu.memory_space<vmem_shared>> -> memref<20480xf32, #tpu.memory_space<vmem_shared>>
      tpu.wait_indirect_dma semaphore(%arg8 : memref<!tpu.dma_semaphore, #tpu.memory_space<semaphore_mem>>) src(%arg6 : memref<128xf32, #tpu.memory_space<vmem>>) dst(%dma_wait3A_164 : memref<20480xf32, #tpu.memory_space<vmem_shared>>)
      %dma_wait3A_165 = arith.constant 3 : i32
      %dma_wait3A_166 = arith.constant 0 : i32
      %dma_wait3A_167 = tpu.memref_slice %arg5[%rem3A_30, %dma_wait3A_165, %dma_wait3A_166] : memref<2x16x128xi32, #tpu.memory_space<vmem>> -> memref<1x1x128xi32, #tpu.memory_space<vmem>>
      %dma_wait3A_168 = tpu.memref_squeeze %dma_wait3A_167 : memref<1x1x128xi32, #tpu.memory_space<vmem>> -> memref<128xi32, #tpu.memory_space<vmem>>
      %dma_wait3A_169 = arith.constant 0 : i32
      %dma_wait3A_170 = tpu.memref_slice %arg4[%dma_wait3A_169] : memref<20480xf32, #tpu.memory_space<vmem_shared>> -> memref<20480xf32, #tpu.memory_space<vmem_shared>>
      tpu.wait_indirect_dma semaphore(%arg8 : memref<!tpu.dma_semaphore, #tpu.memory_space<semaphore_mem>>) src(%arg6 : memref<128xf32, #tpu.memory_space<vmem>>) dst(%dma_wait3A_170 : memref<20480xf32, #tpu.memory_space<vmem_shared>>)
      %dma_wait3A_171 = arith.constant 4 : i32
      %dma_wait3A_172 = arith.constant 0 : i32
      %dma_wait3A_173 = tpu.memref_slice %arg5[%rem3A_30, %dma_wait3A_171, %dma_wait3A_172] : memref<2x16x128xi32, #tpu.memory_space<vmem>> -> memref<1x1x128xi32, #tpu.memory_space<vmem>>
      %dma_wait3A_174 = tpu.memref_squeeze %dma_wait3A_173 : memref<1x1x128xi32, #tpu.memory_space<vmem>> -> memref<128xi32, #tpu.memory_space<vmem>>
      %dma_wait3A_175 = arith.constant 0 : i32
      %dma_wait3A_176 = tpu.memref_slice %arg4[%dma_wait3A_175] : memref<20480xf32, #tpu.memory_space<vmem_shared>> -> memref<20480xf32, #tpu.memory_space<vmem_shared>>
      tpu.wait_indirect_dma semaphore(%arg8 : memref<!tpu.dma_semaphore, #tpu.memory_space<semaphore_mem>>) src(%arg6 : memref<128xf32, #tpu.memory_space<vmem>>) dst(%dma_wait3A_176 : memref<20480xf32, #tpu.memory_space<vmem_shared>>)
      %dma_wait3A_177 = arith.constant 5 : i32
      %dma_wait3A_178 = arith.constant 0 : i32
      %dma_wait3A_179 = tpu.memref_slice %arg5[%rem3A_30, %dma_wait3A_177, %dma_wait3A_178] : memref<2x16x128xi32, #tpu.memory_space<vmem>> -> memref<1x1x128xi32, #tpu.memory_space<vmem>>
      %dma_wait3A_180 = tpu.memref_squeeze %dma_wait3A_179 : memref<1x1x128xi32, #tpu.memory_space<vmem>> -> memref<128xi32, #tpu.memory_space<vmem>>
      %dma_wait3A_181 = arith.constant 0 : i32
      %dma_wait3A_182 = tpu.memref_slice %arg4[%dma_wait3A_181] : memref<20480xf32, #tpu.memory_space<vmem_shared>> -> memref<20480xf32, #tpu.memory_space<vmem_shared>>
      tpu.wait_indirect_dma semaphore(%arg8 : memref<!tpu.dma_semaphore, #tpu.memory_space<semaphore_mem>>) src(%arg6 : memref<128xf32, #tpu.memory_space<vmem>>) dst(%dma_wait3A_182 : memref<20480xf32, #tpu.memory_space<vmem_shared>>)
      %dma_wait3A_183 = arith.constant 6 : i32
      %dma_wait3A_184 = arith.constant 0 : i32
      %dma_wait3A_185 = tpu.memref_slice %arg5[%rem3A_30, %dma_wait3A_183, %dma_wait3A_184] : memref<2x16x128xi32, #tpu.memory_space<vmem>> -> memref<1x1x128xi32, #tpu.memory_space<vmem>>
      %dma_wait3A_186 = tpu.memref_squeeze %dma_wait3A_185 : memref<1x1x128xi32, #tpu.memory_space<vmem>> -> memref<128xi32, #tpu.memory_space<vmem>>
      %dma_wait3A_187 = arith.constant 0 : i32
      %dma_wait3A_188 = tpu.memref_slice %arg4[%dma_wait3A_187] : memref<20480xf32, #tpu.memory_space<vmem_shared>> -> memref<20480xf32, #tpu.memory_space<vmem_shared>>
      tpu.wait_indirect_dma semaphore(%arg8 : memref<!tpu.dma_semaphore, #tpu.memory_space<semaphore_mem>>) src(%arg6 : memref<128xf32, #tpu.memory_space<vmem>>) dst(%dma_wait3A_188 : memref<20480xf32, #tpu.memory_space<vmem_shared>>)
      %dma_wait3A_189 = arith.constant 7 : i32
      %dma_wait3A_190 = arith.constant 0 : i32
      %dma_wait3A_191 = tpu.memref_slice %arg5[%rem3A_30, %dma_wait3A_189, %dma_wait3A_190] : memref<2x16x128xi32, #tpu.memory_space<vmem>> -> memref<1x1x128xi32, #tpu.memory_space<vmem>>
      %dma_wait3A_192 = tpu.memref_squeeze %dma_wait3A_191 : memref<1x1x128xi32, #tpu.memory_space<vmem>> -> memref<128xi32, #tpu.memory_space<vmem>>
      %dma_wait3A_193 = arith.constant 0 : i32
      %dma_wait3A_194 = tpu.memref_slice %arg4[%dma_wait3A_193] : memref<20480xf32, #tpu.memory_space<vmem_shared>> -> memref<20480xf32, #tpu.memory_space<vmem_shared>>
      tpu.wait_indirect_dma semaphore(%arg8 : memref<!tpu.dma_semaphore, #tpu.memory_space<semaphore_mem>>) src(%arg6 : memref<128xf32, #tpu.memory_space<vmem>>) dst(%dma_wait3A_194 : memref<20480xf32, #tpu.memory_space<vmem_shared>>)
      %dma_wait3A_195 = arith.constant 8 : i32
      %dma_wait3A_196 = arith.constant 0 : i32
      %dma_wait3A_197 = tpu.memref_slice %arg5[%rem3A_30, %dma_wait3A_195, %dma_wait3A_196] : memref<2x16x128xi32, #tpu.memory_space<vmem>> -> memref<1x1x128xi32, #tpu.memory_space<vmem>>
      %dma_wait3A_198 = tpu.memref_squeeze %dma_wait3A_197 : memref<1x1x128xi32, #tpu.memory_space<vmem>> -> memref<128xi32, #tpu.memory_space<vmem>>
      %dma_wait3A_199 = arith.constant 0 : i32
      %dma_wait3A_200 = tpu.memref_slice %arg4[%dma_wait3A_199] : memref<20480xf32, #tpu.memory_space<vmem_shared>> -> memref<20480xf32, #tpu.memory_space<vmem_shared>>
      tpu.wait_indirect_dma semaphore(%arg8 : memref<!tpu.dma_semaphore, #tpu.memory_space<semaphore_mem>>) src(%arg6 : memref<128xf32, #tpu.memory_space<vmem>>) dst(%dma_wait3A_200 : memref<20480xf32, #tpu.memory_space<vmem_shared>>)
      %dma_wait3A_201 = arith.constant 9 : i32
      %dma_wait3A_202 = arith.constant 0 : i32
      %dma_wait3A_203 = tpu.memref_slice %arg5[%rem3A_30, %dma_wait3A_201, %dma_wait3A_202] : memref<2x16x128xi32, #tpu.memory_space<vmem>> -> memref<1x1x128xi32, #tpu.memory_space<vmem>>
      %dma_wait3A_204 = tpu.memref_squeeze %dma_wait3A_203 : memref<1x1x128xi32, #tpu.memory_space<vmem>> -> memref<128xi32, #tpu.memory_space<vmem>>
      %dma_wait3A_205 = arith.constant 0 : i32
      %dma_wait3A_206 = tpu.memref_slice %arg4[%dma_wait3A_205] : memref<20480xf32, #tpu.memory_space<vmem_shared>> -> memref<20480xf32, #tpu.memory_space<vmem_shared>>
      tpu.wait_indirect_dma semaphore(%arg8 : memref<!tpu.dma_semaphore, #tpu.memory_space<semaphore_mem>>) src(%arg6 : memref<128xf32, #tpu.memory_space<vmem>>) dst(%dma_wait3A_206 : memref<20480xf32, #tpu.memory_space<vmem_shared>>)
      %dma_wait3A_207 = arith.constant 10 : i32
      %dma_wait3A_208 = arith.constant 0 : i32
      %dma_wait3A_209 = tpu.memref_slice %arg5[%rem3A_30, %dma_wait3A_207, %dma_wait3A_208] : memref<2x16x128xi32, #tpu.memory_space<vmem>> -> memref<1x1x128xi32, #tpu.memory_space<vmem>>
      %dma_wait3A_210 = tpu.memref_squeeze %dma_wait3A_209 : memref<1x1x128xi32, #tpu.memory_space<vmem>> -> memref<128xi32, #tpu.memory_space<vmem>>
      %dma_wait3A_211 = arith.constant 0 : i32
      %dma_wait3A_212 = tpu.memref_slice %arg4[%dma_wait3A_211] : memref<20480xf32, #tpu.memory_space<vmem_shared>> -> memref<20480xf32, #tpu.memory_space<vmem_shared>>
      tpu.wait_indirect_dma semaphore(%arg8 : memref<!tpu.dma_semaphore, #tpu.memory_space<semaphore_mem>>) src(%arg6 : memref<128xf32, #tpu.memory_space<vmem>>) dst(%dma_wait3A_212 : memref<20480xf32, #tpu.memory_space<vmem_shared>>)
      %dma_wait3A_213 = arith.constant 11 : i32
      %dma_wait3A_214 = arith.constant 0 : i32
      %dma_wait3A_215 = tpu.memref_slice %arg5[%rem3A_30, %dma_wait3A_213, %dma_wait3A_214] : memref<2x16x128xi32, #tpu.memory_space<vmem>> -> memref<1x1x128xi32, #tpu.memory_space<vmem>>
      %dma_wait3A_216 = tpu.memref_squeeze %dma_wait3A_215 : memref<1x1x128xi32, #tpu.memory_space<vmem>> -> memref<128xi32, #tpu.memory_space<vmem>>
      %dma_wait3A_217 = arith.constant 0 : i32
      %dma_wait3A_218 = tpu.memref_slice %arg4[%dma_wait3A_217] : memref<20480xf32, #tpu.memory_space<vmem_shared>> -> memref<20480xf32, #tpu.memory_space<vmem_shared>>
      tpu.wait_indirect_dma semaphore(%arg8 : memref<!tpu.dma_semaphore, #tpu.memory_space<semaphore_mem>>) src(%arg6 : memref<128xf32, #tpu.memory_space<vmem>>) dst(%dma_wait3A_218 : memref<20480xf32, #tpu.memory_space<vmem_shared>>)
      %dma_wait3A_219 = arith.constant 12 : i32
      %dma_wait3A_220 = arith.constant 0 : i32
      %dma_wait3A_221 = tpu.memref_slice %arg5[%rem3A_30, %dma_wait3A_219, %dma_wait3A_220] : memref<2x16x128xi32, #tpu.memory_space<vmem>> -> memref<1x1x128xi32, #tpu.memory_space<vmem>>
      %dma_wait3A_222 = tpu.memref_squeeze %dma_wait3A_221 : memref<1x1x128xi32, #tpu.memory_space<vmem>> -> memref<128xi32, #tpu.memory_space<vmem>>
      %dma_wait3A_223 = arith.constant 0 : i32
      %dma_wait3A_224 = tpu.memref_slice %arg4[%dma_wait3A_223] : memref<20480xf32, #tpu.memory_space<vmem_shared>> -> memref<20480xf32, #tpu.memory_space<vmem_shared>>
      tpu.wait_indirect_dma semaphore(%arg8 : memref<!tpu.dma_semaphore, #tpu.memory_space<semaphore_mem>>) src(%arg6 : memref<128xf32, #tpu.memory_space<vmem>>) dst(%dma_wait3A_224 : memref<20480xf32, #tpu.memory_space<vmem_shared>>)
      %dma_wait3A_225 = arith.constant 13 : i32
      %dma_wait3A_226 = arith.constant 0 : i32
      %dma_wait3A_227 = tpu.memref_slice %arg5[%rem3A_30, %dma_wait3A_225, %dma_wait3A_226] : memref<2x16x128xi32, #tpu.memory_space<vmem>> -> memref<1x1x128xi32, #tpu.memory_space<vmem>>
      %dma_wait3A_228 = tpu.memref_squeeze %dma_wait3A_227 : memref<1x1x128xi32, #tpu.memory_space<vmem>> -> memref<128xi32, #tpu.memory_space<vmem>>
      %dma_wait3A_229 = arith.constant 0 : i32
      %dma_wait3A_230 = tpu.memref_slice %arg4[%dma_wait3A_229] : memref<20480xf32, #tpu.memory_space<vmem_shared>> -> memref<20480xf32, #tpu.memory_space<vmem_shared>>
      tpu.wait_indirect_dma semaphore(%arg8 : memref<!tpu.dma_semaphore, #tpu.memory_space<semaphore_mem>>) src(%arg6 : memref<128xf32, #tpu.memory_space<vmem>>) dst(%dma_wait3A_230 : memref<20480xf32, #tpu.memory_space<vmem_shared>>)
      %dma_wait3A_231 = arith.constant 14 : i32
      %dma_wait3A_232 = arith.constant 0 : i32
      %dma_wait3A_233 = tpu.memref_slice %arg5[%rem3A_30, %dma_wait3A_231, %dma_wait3A_232] : memref<2x16x128xi32, #tpu.memory_space<vmem>> -> memref<1x1x128xi32, #tpu.memory_space<vmem>>
      %dma_wait3A_234 = tpu.memref_squeeze %dma_wait3A_233 : memref<1x1x128xi32, #tpu.memory_space<vmem>> -> memref<128xi32, #tpu.memory_space<vmem>>
      %dma_wait3A_235 = arith.constant 0 : i32
      %dma_wait3A_236 = tpu.memref_slice %arg4[%dma_wait3A_235] : memref<20480xf32, #tpu.memory_space<vmem_shared>> -> memref<20480xf32, #tpu.memory_space<vmem_shared>>
      tpu.wait_indirect_dma semaphore(%arg8 : memref<!tpu.dma_semaphore, #tpu.memory_space<semaphore_mem>>) src(%arg6 : memref<128xf32, #tpu.memory_space<vmem>>) dst(%dma_wait3A_236 : memref<20480xf32, #tpu.memory_space<vmem_shared>>)
      %dma_wait3A_237 = arith.constant 15 : i32
      %dma_wait3A_238 = arith.constant 0 : i32
      %dma_wait3A_239 = tpu.memref_slice %arg5[%rem3A_30, %dma_wait3A_237, %dma_wait3A_238] : memref<2x16x128xi32, #tpu.memory_space<vmem>> -> memref<1x1x128xi32, #tpu.memory_space<vmem>>
      %dma_wait3A_240 = tpu.memref_squeeze %dma_wait3A_239 : memref<1x1x128xi32, #tpu.memory_space<vmem>> -> memref<128xi32, #tpu.memory_space<vmem>>
      %dma_wait3A_241 = arith.constant 0 : i32
      %dma_wait3A_242 = tpu.memref_slice %arg4[%dma_wait3A_241] : memref<20480xf32, #tpu.memory_space<vmem_shared>> -> memref<20480xf32, #tpu.memory_space<vmem_shared>>
      tpu.wait_indirect_dma semaphore(%arg8 : memref<!tpu.dma_semaphore, #tpu.memory_space<semaphore_mem>>) src(%arg6 : memref<128xf32, #tpu.memory_space<vmem>>) dst(%dma_wait3A_242 : memref<20480xf32, #tpu.memory_space<vmem_shared>>)
      %dma_wait3A_243 = arith.constant 0 : i32
      %dma_wait3A_244 = arith.constant 0 : i32
      %dma_wait3A_245 = tpu.memref_slice %arg5[%sub3A_38, %dma_wait3A_243, %dma_wait3A_244] : memref<2x16x128xi32, #tpu.memory_space<vmem>> -> memref<1x16x128xi32, #tpu.memory_space<vmem>>
      %dma_wait3A_246 = tpu.memref_squeeze %dma_wait3A_245 : memref<1x16x128xi32, #tpu.memory_space<vmem>> -> memref<16x128xi32, #tpu.memory_space<vmem>>
      %dma_wait3A_247 = arith.constant 0 : i32
      %dma_wait3A_248 = tpu.memref_slice %arg2[%arg0, %add3A_37, %dma_wait3A_247] : memref<2x5120x128xi32, #tpu.memory_space<hbm>> -> memref<1x16x128xi32, #tpu.memory_space<hbm>>
      %dma_wait3A_249 = tpu.memref_squeeze %dma_wait3A_248 : memref<1x16x128xi32, #tpu.memory_space<hbm>> -> memref<16x128xi32, #tpu.memory_space<hbm>>
      %dma_wait3A_250 = arith.constant 0 : i32
      %dma_wait3A_251 = arith.constant 0 : i32
      %dma_wait3A_252 = tpu.memref_slice %arg5[%sub3A_38, %dma_wait3A_250, %dma_wait3A_251] : memref<2x16x128xi32, #tpu.memory_space<vmem>> -> memref<1x16x128xi32, #tpu.memory_space<vmem>>
      %dma_wait3A_253 = tpu.memref_squeeze %dma_wait3A_252 : memref<1x16x128xi32, #tpu.memory_space<vmem>> -> memref<16x128xi32, #tpu.memory_space<vmem>>
      %dma_wait3A_254 = arith.constant 0 : i32
      %dma_wait3A_255 = tpu.memref_slice %arg2[%arg0, %add3A_37, %dma_wait3A_254] : memref<2x5120x128xi32, #tpu.memory_space<hbm>> -> memref<1x16x128xi32, #tpu.memory_space<hbm>>
      %dma_wait3A_256 = tpu.memref_squeeze %dma_wait3A_255 : memref<1x16x128xi32, #tpu.memory_space<hbm>> -> memref<16x128xi32, #tpu.memory_space<hbm>>
      tpu.wait_dma2 semaphore(%arg9 : memref<!tpu.dma_semaphore, #tpu.memory_space<semaphore_mem>>) src(%dma_wait3A_256 : memref<16x128xi32, #tpu.memory_space<hbm>>) dst(%dma_wait3A_253 : memref<16x128xi32, #tpu.memory_space<vmem>>)
      %scan3A_257 = arith.constant 0 : i32
      scf.yield %scan3A_257 : i32
    }
    %scan3A_22 = arith.constant 20 : i32
    %barrier3A_23 = arith.constant 0 : index
    tpu.barrier barrier_id(%barrier3A_23)
    %mul3A_24 = arith.constant 1280 : i32
    %mul3A_25 = arith.muli %arg1, %mul3A_24 : i32
    "tpu.region"() ({
      %run_scoped3A_28 = tpu.sem_alloc : memref<!tpu.dma_semaphore, #tpu.memory_space<semaphore_mem>>
      %dma_start3A = tpu.memref_slice %arg4[%mul3A_25] : memref<20480xf32, #tpu.memory_space<vmem_shared>> -> memref<1280xf32, #tpu.memory_space<vmem_shared>>
      %dma_start3A_29 = tpu.memref_slice %arg4[%mul3A_25] : memref<20480xf32, #tpu.memory_space<vmem_shared>> -> memref<1280xf32, #tpu.memory_space<vmem_shared>>
      tpu.enqueue_dma source(%dma_start3A_29 : memref<1280xf32, #tpu.memory_space<vmem_shared>>) target(%arg7 : memref<1280xf32, #tpu.memory_space<vmem>>) target_semaphore(%run_scoped3A_28 : memref<!tpu.dma_semaphore, #tpu.memory_space<semaphore_mem>>)
      %dma_wait3A = tpu.memref_slice %arg4[%mul3A_25] : memref<20480xf32, #tpu.memory_space<vmem_shared>> -> memref<1280xf32, #tpu.memory_space<vmem_shared>>
      %dma_wait3A_30 = tpu.memref_slice %arg4[%mul3A_25] : memref<20480xf32, #tpu.memory_space<vmem_shared>> -> memref<1280xf32, #tpu.memory_space<vmem_shared>>
      tpu.wait_dma2 semaphore(%run_scoped3A_28 : memref<!tpu.dma_semaphore, #tpu.memory_space<semaphore_mem>>) src(%dma_wait3A_30 : memref<1280xf32, #tpu.memory_space<vmem_shared>>) dst(%arg7 : memref<1280xf32, #tpu.memory_space<vmem>>)
      tpu.yield
    }) : () -> ()
    %mul3A_26 = arith.constant 1280 : i32
    %mul3A_27 = arith.muli %arg1, %mul3A_26 : i32
    "tpu.region"() ({
      %run_scoped3A_28 = tpu.sem_alloc : memref<!tpu.dma_semaphore, #tpu.memory_space<semaphore_mem>>
      %dma_start3A = tpu.memref_slice %arg3[%arg0, %mul3A_27] : memref<2x20480xf32, #tpu.memory_space<hbm>> -> memref<1x1280xf32, #tpu.memory_space<hbm>>
      %dma_start3A_29 = tpu.memref_squeeze %dma_start3A : memref<1x1280xf32, #tpu.memory_space<hbm>> -> memref<1280xf32, #tpu.memory_space<hbm>>
      %dma_start3A_30 = tpu.memref_slice %arg3[%arg0, %mul3A_27] : memref<2x20480xf32, #tpu.memory_space<hbm>> -> memref<1x1280xf32, #tpu.memory_space<hbm>>
      %dma_start3A_31 = tpu.memref_squeeze %dma_start3A_30 : memref<1x1280xf32, #tpu.memory_space<hbm>> -> memref<1280xf32, #tpu.memory_space<hbm>>
      tpu.enqueue_dma source(%arg7 : memref<1280xf32, #tpu.memory_space<vmem>>) target(%dma_start3A_31 : memref<1280xf32, #tpu.memory_space<hbm>>) target_semaphore(%run_scoped3A_28 : memref<!tpu.dma_semaphore, #tpu.memory_space<semaphore_mem>>)
      %dma_wait3A = tpu.memref_slice %arg3[%arg0, %mul3A_27] : memref<2x20480xf32, #tpu.memory_space<hbm>> -> memref<1x1280xf32, #tpu.memory_space<hbm>>
      %dma_wait3A_32 = tpu.memref_squeeze %dma_wait3A : memref<1x1280xf32, #tpu.memory_space<hbm>> -> memref<1280xf32, #tpu.memory_space<hbm>>
      %dma_wait3A_33 = tpu.memref_slice %arg3[%arg0, %mul3A_27] : memref<2x20480xf32, #tpu.memory_space<hbm>> -> memref<1x1280xf32, #tpu.memory_space<hbm>>
      %dma_wait3A_34 = tpu.memref_squeeze %dma_wait3A_33 : memref<1x1280xf32, #tpu.memory_space<hbm>> -> memref<1280xf32, #tpu.memory_space<hbm>>
      tpu.wait_dma2 semaphore(%run_scoped3A_28 : memref<!tpu.dma_semaphore, #tpu.memory_space<semaphore_mem>>) src(%arg7 : memref<1280xf32, #tpu.memory_space<vmem>>) dst(%dma_wait3A_34 : memref<1280xf32, #tpu.memory_space<hbm>>)
      tpu.yield
    }) : () -> ()
    return
  }
}

#map = affine_map<(d0, d1) -> (0)>
module attributes {stable_mosaic.version = 14 : i64} {
  func.func @_k4_score(%arg0: i32, %arg1: i32, %arg2: memref<20000xf32, #tpu.memory_space<hbm>>, %arg3: memref<320000xi32, #tpu.memory_space<hbm>>, %arg4: memref<320000xi32, #tpu.memory_space<hbm>>, %arg5: memref<320000xf32, #tpu.memory_space<hbm>>, %arg6: memref<20000xf32, #tpu.memory_space<vmem>>, %arg7: memref<10000xi32, #tpu.memory_space<vmem>>, %arg8: memref<10000xi32, #tpu.memory_space<vmem>>, %arg9: memref<10000xf32, #tpu.memory_space<vmem>>) attributes {dimension_semantics = [#tpu.dimension_semantics<core_parallel>, #tpu.dimension_semantics<subcore_parallel>], iteration_bounds = array<i64: 2, 16>, scalar_prefetch = 0 : i64, scratch_operands = 4 : i64, tpu.core_type = #tpu.core_type<sc_vector_subcore>, window_params = [{transform_indices = #map}, {transform_indices = #map}, {transform_indices = #map}, {transform_indices = #map}]} {
    %mul3A = arith.constant 2 : i32
    %mul3A_0 = arith.muli %arg1, %mul3A : i32
    %add3A = arith.addi %mul3A_0, %arg0 : i32
    %mul3A_1 = arith.constant 10000 : i32
    %mul3A_2 = arith.muli %add3A, %mul3A_1 : i32
    "tpu.region"() ({
      %run_scoped3A = tpu.sem_alloc : memref<!tpu.dma_semaphore, #tpu.memory_space<semaphore_mem>>
      tpu.enqueue_dma source(%arg2 : memref<20000xf32, #tpu.memory_space<hbm>>) target(%arg6 : memref<20000xf32, #tpu.memory_space<vmem>>) target_semaphore(%run_scoped3A : memref<!tpu.dma_semaphore, #tpu.memory_space<semaphore_mem>>)
      tpu.wait_dma2 semaphore(%run_scoped3A : memref<!tpu.dma_semaphore, #tpu.memory_space<semaphore_mem>>) src(%arg2 : memref<20000xf32, #tpu.memory_space<hbm>>) dst(%arg6 : memref<20000xf32, #tpu.memory_space<vmem>>)
      tpu.yield
    }) : () -> ()
    "tpu.region"() ({
      %run_scoped3A = tpu.sem_alloc : memref<!tpu.dma_semaphore, #tpu.memory_space<semaphore_mem>>
      %dma_start3A = tpu.memref_slice %arg3[%mul3A_2] : memref<320000xi32, #tpu.memory_space<hbm>> -> memref<10000xi32, #tpu.memory_space<hbm>>
      %dma_start3A_9 = tpu.memref_slice %arg3[%mul3A_2] : memref<320000xi32, #tpu.memory_space<hbm>> -> memref<10000xi32, #tpu.memory_space<hbm>>
      tpu.enqueue_dma source(%dma_start3A_9 : memref<10000xi32, #tpu.memory_space<hbm>>) target(%arg7 : memref<10000xi32, #tpu.memory_space<vmem>>) target_semaphore(%run_scoped3A : memref<!tpu.dma_semaphore, #tpu.memory_space<semaphore_mem>>)
      %dma_wait3A = tpu.memref_slice %arg3[%mul3A_2] : memref<320000xi32, #tpu.memory_space<hbm>> -> memref<10000xi32, #tpu.memory_space<hbm>>
      %dma_wait3A_10 = tpu.memref_slice %arg3[%mul3A_2] : memref<320000xi32, #tpu.memory_space<hbm>> -> memref<10000xi32, #tpu.memory_space<hbm>>
      tpu.wait_dma2 semaphore(%run_scoped3A : memref<!tpu.dma_semaphore, #tpu.memory_space<semaphore_mem>>) src(%dma_wait3A_10 : memref<10000xi32, #tpu.memory_space<hbm>>) dst(%arg7 : memref<10000xi32, #tpu.memory_space<vmem>>)
      tpu.yield
    }) : () -> ()
    "tpu.region"() ({
      %run_scoped3A = tpu.sem_alloc : memref<!tpu.dma_semaphore, #tpu.memory_space<semaphore_mem>>
      %dma_start3A = tpu.memref_slice %arg4[%mul3A_2] : memref<320000xi32, #tpu.memory_space<hbm>> -> memref<10000xi32, #tpu.memory_space<hbm>>
      %dma_start3A_9 = tpu.memref_slice %arg4[%mul3A_2] : memref<320000xi32, #tpu.memory_space<hbm>> -> memref<10000xi32, #tpu.memory_space<hbm>>
      tpu.enqueue_dma source(%dma_start3A_9 : memref<10000xi32, #tpu.memory_space<hbm>>) target(%arg8 : memref<10000xi32, #tpu.memory_space<vmem>>) target_semaphore(%run_scoped3A : memref<!tpu.dma_semaphore, #tpu.memory_space<semaphore_mem>>)
      %dma_wait3A = tpu.memref_slice %arg4[%mul3A_2] : memref<320000xi32, #tpu.memory_space<hbm>> -> memref<10000xi32, #tpu.memory_space<hbm>>
      %dma_wait3A_10 = tpu.memref_slice %arg4[%mul3A_2] : memref<320000xi32, #tpu.memory_space<hbm>> -> memref<10000xi32, #tpu.memory_space<hbm>>
      tpu.wait_dma2 semaphore(%run_scoped3A : memref<!tpu.dma_semaphore, #tpu.memory_space<semaphore_mem>>) src(%dma_wait3A_10 : memref<10000xi32, #tpu.memory_space<hbm>>) dst(%arg8 : memref<10000xi32, #tpu.memory_space<vmem>>)
      tpu.yield
    }) : () -> ()
    %scan3A = arith.constant 0 : i32
    %scan3A_3 = arith.constant 0 : i32
    %scan3A_4 = arith.constant 625 : i32
    %scan3A_5 = arith.addi %scan3A_3, %scan3A_4 : i32
    %scan3A_6 = arith.constant 1 : i32
    %scan3A_7 = scf.for %scan3A_9 = %scan3A_3 to %scan3A_5 step %scan3A_6 iter_args(%scan3A_10 = %scan3A) -> (i32)  : i32 {
      %mul3A_11 = arith.constant 16 : i32
      %mul3A_12 = arith.muli %scan3A_9, %mul3A_11 : i32
      %get3A = arith.index_cast %mul3A_12 : i32 to index
      %get3A_13 = tpu.vector_load %arg7[%get3A] {strides = array<i32>} : memref<10000xi32, #tpu.memory_space<vmem>>, vector<16xi32>,
      %gather3A = tpu.vector_load_idx %arg6[%get3A_13] : memref<20000xf32, #tpu.memory_space<vmem>>[vector<16xi32>], vector<16xf32>,
      %get3A_14 = arith.index_cast %mul3A_12 : i32 to index
      %get3A_15 = tpu.vector_load %arg8[%get3A_14] {strides = array<i32>} : memref<10000xi32, #tpu.memory_space<vmem>>, vector<16xi32>,
      %add3A_16 = arith.constant 10000 : i32
      %add3A_17 = vector.broadcast %add3A_16 : i32 to vector<16xi32>
      %add3A_18 = arith.addi %get3A_15, %add3A_17 : vector<16xi32>
      %gather3A_19 = tpu.vector_load_idx %arg6[%add3A_18] : memref<20000xf32, #tpu.memory_space<vmem>>[vector<16xi32>], vector<16xf32>,
      %add3A_20 = arith.addf %gather3A, %gather3A_19 : vector<16xf32>
      %neg3A = arith.constant 0.000000e+00 : f32
      %neg3A_21 = vector.broadcast %neg3A : f32 to vector<16xf32>
      %neg3A_22 = arith.subf %neg3A_21, %add3A_20 : vector<16xf32>
      %exp3A = math.exp %neg3A_22 : vector<16xf32>
      %add3A_23 = arith.constant 1.000000e+00 : f32
      %add3A_24 = vector.broadcast %add3A_23 : f32 to vector<16xf32>
      %add3A_25 = arith.addf %add3A_24, %exp3A : vector<16xf32>
      %div3A = arith.constant 1.000000e+00 : f32
      %div3A_26 = vector.broadcast %div3A : f32 to vector<16xf32>
      %div3A_27 = arith.divf %div3A_26, %add3A_25 : vector<16xf32>
      %swap3A = arith.index_cast %mul3A_12 : i32 to index
      %swap3A_28 = tpu.vector_load %arg9[%swap3A] {strides = array<i32>} : memref<10000xf32, #tpu.memory_space<vmem>>, vector<16xf32>,
      tpu.vector_store %arg9[%swap3A], %div3A_27 {strides = array<i32>} : memref<10000xf32, #tpu.memory_space<vmem>>, vector<16xf32>,
      %scan3A_29 = arith.constant 0 : i32
      scf.yield %scan3A_29 : i32
    }
    %scan3A_8 = arith.constant 625 : i32
    "tpu.region"() ({
      %run_scoped3A = tpu.sem_alloc : memref<!tpu.dma_semaphore, #tpu.memory_space<semaphore_mem>>
      %dma_start3A = tpu.memref_slice %arg5[%mul3A_2] : memref<320000xf32, #tpu.memory_space<hbm>> -> memref<10000xf32, #tpu.memory_space<hbm>>
      %dma_start3A_9 = tpu.memref_slice %arg5[%mul3A_2] : memref<320000xf32, #tpu.memory_space<hbm>> -> memref<10000xf32, #tpu.memory_space<hbm>>
      tpu.enqueue_dma source(%arg9 : memref<10000xf32, #tpu.memory_space<vmem>>) target(%dma_start3A_9 : memref<10000xf32, #tpu.memory_space<hbm>>) target_semaphore(%run_scoped3A : memref<!tpu.dma_semaphore, #tpu.memory_space<semaphore_mem>>)
      %dma_wait3A = tpu.memref_slice %arg5[%mul3A_2] : memref<320000xf32, #tpu.memory_space<hbm>> -> memref<10000xf32, #tpu.memory_space<hbm>>
      %dma_wait3A_10 = tpu.memref_slice %arg5[%mul3A_2] : memref<320000xf32, #tpu.memory_space<hbm>> -> memref<10000xf32, #tpu.memory_space<hbm>>
      tpu.wait_dma2 semaphore(%run_scoped3A : memref<!tpu.dma_semaphore, #tpu.memory_space<semaphore_mem>>) src(%arg9 : memref<10000xf32, #tpu.memory_space<vmem>>) dst(%dma_wait3A_10 : memref<10000xf32, #tpu.memory_space<hbm>>)
      tpu.yield
    }) : () -> ()
    return
  }
}

#map = affine_map<(d0, d1) -> (0)>
#map1 = affine_map<(d0, d1) -> (0, 0, 0)>
module attributes {stable_mosaic.version = 14 : i64} {
  func.func @_k3_scalar_spmm(%arg0: i32, %arg1: i32, %arg2: memref<20000xf32, #tpu.memory_space<hbm>>, %arg3: memref<2x2560x128xi32, #tpu.memory_space<hbm>>, %arg4: memref<2x2560x128xi32, #tpu.memory_space<hbm>>, %arg5: memref<20000xf32, #tpu.memory_space<hbm>>, %arg6: memref<20000xf32, #tpu.memory_space<hbm>>, %arg7: memref<20000xf32, #tpu.memory_space<hbm>>, %arg8: memref<10240xf32, #tpu.memory_space<vmem_shared>>, %arg9: memref<160x128xi32, #tpu.memory_space<vmem>>, %arg10: memref<160x128xi32, #tpu.memory_space<vmem>>, %arg11: memref<2x8x128xf32, #tpu.memory_space<vmem>>, %arg12: memref<2000xf32, #tpu.memory_space<vmem>>, %arg13: memref<2000xf32, #tpu.memory_space<vmem>>, %arg14: memref<2000xf32, #tpu.memory_space<vmem>>, %arg15: memref<!tpu.dma_semaphore, #tpu.memory_space<semaphore_mem>>, %arg16: memref<!tpu.dma_semaphore, #tpu.memory_space<semaphore_mem>>) attributes {dimension_semantics = [#tpu.dimension_semantics<core_parallel>, #tpu.dimension_semantics<subcore_parallel>], iteration_bounds = array<i64: 2, 16>, scalar_prefetch = 0 : i64, scratch_operands = 9 : i64, tpu.core_type = #tpu.core_type<sc_vector_subcore>, window_params = [{transform_indices = #map}, {transform_indices = #map1}, {transform_indices = #map1}, {transform_indices = #map}, {transform_indices = #map}, {transform_indices = #map}]} {
    %scan3A = arith.constant 0 : i32
    %scan3A_0 = arith.constant 0 : i32
    %scan3A_1 = arith.constant 125 : i32
    %scan3A_2 = arith.addi %scan3A_0, %scan3A_1 : i32
    %scan3A_3 = arith.constant 1 : i32
    %scan3A_4 = scf.for %scan3A_21 = %scan3A_0 to %scan3A_2 step %scan3A_3 iter_args(%scan3A_22 = %scan3A) -> (i32)  : i32 {
      %broadcast_in_dim3A = arith.constant 0.000000e+00 : f32
      %broadcast_in_dim3A_23 = vector.broadcast %broadcast_in_dim3A : f32 to vector<16xf32>
      %mul3A_24 = arith.constant 16 : i32
      %mul3A_25 = arith.muli %scan3A_21, %mul3A_24 : i32
      %swap3A = arith.index_cast %mul3A_25 : i32 to index
      %swap3A_26 = tpu.vector_load %arg12[%swap3A] {strides = array<i32>} : memref<2000xf32, #tpu.memory_space<vmem>>, vector<16xf32>,
      %swap3A_27 = vector.shape_cast %swap3A_26 : vector<16xf32> to vector<16xf32>
      %swap3A_28 = vector.shape_cast %broadcast_in_dim3A_23 : vector<16xf32> to vector<16xf32>
      tpu.vector_store %arg12[%swap3A], %swap3A_28 {strides = array<i32>} : memref<2000xf32, #tpu.memory_space<vmem>>, vector<16xf32>,
      %scan3A_29 = arith.constant 0 : i32
      scf.yield %scan3A_29 : i32
    }
    %scan3A_5 = arith.constant 125 : i32
    %mul3A = arith.constant 640 : i32
    %mul3A_6 = arith.muli %arg1, %mul3A : i32
    "tpu.region"() ({
      %run_scoped3A = tpu.sem_alloc : memref<!tpu.dma_semaphore, #tpu.memory_space<semaphore_mem>>
      %dma_start3A = arith.constant 0 : i32
      %dma_start3A_21 = tpu.memref_slice %arg12[%dma_start3A] : memref<2000xf32, #tpu.memory_space<vmem>> -> memref<640xf32, #tpu.memory_space<vmem>>
      %dma_start3A_22 = tpu.memref_slice %arg8[%mul3A_6] : memref<10240xf32, #tpu.memory_space<vmem_shared>> -> memref<640xf32, #tpu.memory_space<vmem_shared>>
      %dma_start3A_23 = tpu.memref_slice %arg8[%mul3A_6] : memref<10240xf32, #tpu.memory_space<vmem_shared>> -> memref<640xf32, #tpu.memory_space<vmem_shared>>
      %dma_start3A_24 = arith.constant 0 : i32
      %dma_start3A_25 = tpu.memref_slice %arg12[%dma_start3A_24] : memref<2000xf32, #tpu.memory_space<vmem>> -> memref<640xf32, #tpu.memory_space<vmem>>
      tpu.enqueue_dma source(%dma_start3A_25 : memref<640xf32, #tpu.memory_space<vmem>>) target(%dma_start3A_23 : memref<640xf32, #tpu.memory_space<vmem_shared>>) target_semaphore(%run_scoped3A : memref<!tpu.dma_semaphore, #tpu.memory_space<semaphore_mem>>)
      %dma_wait3A = arith.constant 0 : i32
      %dma_wait3A_26 = tpu.memref_slice %arg12[%dma_wait3A] : memref<2000xf32, #tpu.memory_space<vmem>> -> memref<640xf32, #tpu.memory_space<vmem>>
      %dma_wait3A_27 = tpu.memref_slice %arg8[%mul3A_6] : memref<10240xf32, #tpu.memory_space<vmem_shared>> -> memref<640xf32, #tpu.memory_space<vmem_shared>>
      %dma_wait3A_28 = tpu.memref_slice %arg8[%mul3A_6] : memref<10240xf32, #tpu.memory_space<vmem_shared>> -> memref<640xf32, #tpu.memory_space<vmem_shared>>
      %dma_wait3A_29 = arith.constant 0 : i32
      %dma_wait3A_30 = tpu.memref_slice %arg12[%dma_wait3A_29] : memref<2000xf32, #tpu.memory_space<vmem>> -> memref<640xf32, #tpu.memory_space<vmem>>
      tpu.wait_dma2 semaphore(%run_scoped3A : memref<!tpu.dma_semaphore, #tpu.memory_space<semaphore_mem>>) src(%dma_wait3A_30 : memref<640xf32, #tpu.memory_space<vmem>>) dst(%dma_wait3A_28 : memref<640xf32, #tpu.memory_space<vmem_shared>>)
      tpu.yield
    }) : () -> ()
    %mul3A_7 = arith.constant 160 : i32
    %mul3A_8 = arith.muli %arg1, %mul3A_7 : i32
    "tpu.region"() ({
      %run_scoped3A = tpu.sem_alloc : memref<!tpu.dma_semaphore, #tpu.memory_space<semaphore_mem>>
      %dma_start3A = arith.constant 0 : i32
      %dma_start3A_21 = tpu.memref_slice %arg3[%arg0, %mul3A_8, %dma_start3A] : memref<2x2560x128xi32, #tpu.memory_space<hbm>> -> memref<1x160x128xi32, #tpu.memory_space<hbm>>
      %dma_start3A_22 = tpu.memref_squeeze %dma_start3A_21 : memref<1x160x128xi32, #tpu.memory_space<hbm>> -> memref<160x128xi32, #tpu.memory_space<hbm>>
      %dma_start3A_23 = arith.constant 0 : i32
      %dma_start3A_24 = tpu.memref_slice %arg3[%arg0, %mul3A_8, %dma_start3A_23] : memref<2x2560x128xi32, #tpu.memory_space<hbm>> -> memref<1x160x128xi32, #tpu.memory_space<hbm>>
      %dma_start3A_25 = tpu.memref_squeeze %dma_start3A_24 : memref<1x160x128xi32, #tpu.memory_space<hbm>> -> memref<160x128xi32, #tpu.memory_space<hbm>>
      tpu.enqueue_dma source(%dma_start3A_25 : memref<160x128xi32, #tpu.memory_space<hbm>>) target(%arg9 : memref<160x128xi32, #tpu.memory_space<vmem>>) target_semaphore(%run_scoped3A : memref<!tpu.dma_semaphore, #tpu.memory_space<semaphore_mem>>)
      %dma_wait3A = arith.constant 0 : i32
      %dma_wait3A_26 = tpu.memref_slice %arg3[%arg0, %mul3A_8, %dma_wait3A] : memref<2x2560x128xi32, #tpu.memory_space<hbm>> -> memref<1x160x128xi32, #tpu.memory_space<hbm>>
      %dma_wait3A_27 = tpu.memref_squeeze %dma_wait3A_26 : memref<1x160x128xi32, #tpu.memory_space<hbm>> -> memref<160x128xi32, #tpu.memory_space<hbm>>
      %dma_wait3A_28 = arith.constant 0 : i32
      %dma_wait3A_29 = tpu.memref_slice %arg3[%arg0, %mul3A_8, %dma_wait3A_28] : memref<2x2560x128xi32, #tpu.memory_space<hbm>> -> memref<1x160x128xi32, #tpu.memory_space<hbm>>
      %dma_wait3A_30 = tpu.memref_squeeze %dma_wait3A_29 : memref<1x160x128xi32, #tpu.memory_space<hbm>> -> memref<160x128xi32, #tpu.memory_space<hbm>>
      tpu.wait_dma2 semaphore(%run_scoped3A : memref<!tpu.dma_semaphore, #tpu.memory_space<semaphore_mem>>) src(%dma_wait3A_30 : memref<160x128xi32, #tpu.memory_space<hbm>>) dst(%arg9 : memref<160x128xi32, #tpu.memory_space<vmem>>)
      tpu.yield
    }) : () -> ()
    %mul3A_9 = arith.constant 160 : i32
    %mul3A_10 = arith.muli %arg1, %mul3A_9 : i32
    "tpu.region"() ({
      %run_scoped3A = tpu.sem_alloc : memref<!tpu.dma_semaphore, #tpu.memory_space<semaphore_mem>>
      %dma_start3A = arith.constant 0 : i32
      %dma_start3A_21 = tpu.memref_slice %arg4[%arg0, %mul3A_10, %dma_start3A] : memref<2x2560x128xi32, #tpu.memory_space<hbm>> -> memref<1x160x128xi32, #tpu.memory_space<hbm>>
      %dma_start3A_22 = tpu.memref_squeeze %dma_start3A_21 : memref<1x160x128xi32, #tpu.memory_space<hbm>> -> memref<160x128xi32, #tpu.memory_space<hbm>>
      %dma_start3A_23 = arith.constant 0 : i32
      %dma_start3A_24 = tpu.memref_slice %arg4[%arg0, %mul3A_10, %dma_start3A_23] : memref<2x2560x128xi32, #tpu.memory_space<hbm>> -> memref<1x160x128xi32, #tpu.memory_space<hbm>>
      %dma_start3A_25 = tpu.memref_squeeze %dma_start3A_24 : memref<1x160x128xi32, #tpu.memory_space<hbm>> -> memref<160x128xi32, #tpu.memory_space<hbm>>
      tpu.enqueue_dma source(%dma_start3A_25 : memref<160x128xi32, #tpu.memory_space<hbm>>) target(%arg10 : memref<160x128xi32, #tpu.memory_space<vmem>>) target_semaphore(%run_scoped3A : memref<!tpu.dma_semaphore, #tpu.memory_space<semaphore_mem>>)
      %dma_wait3A = arith.constant 0 : i32
      %dma_wait3A_26 = tpu.memref_slice %arg4[%arg0, %mul3A_10, %dma_wait3A] : memref<2x2560x128xi32, #tpu.memory_space<hbm>> -> memref<1x160x128xi32, #tpu.memory_space<hbm>>
      %dma_wait3A_27 = tpu.memref_squeeze %dma_wait3A_26 : memref<1x160x128xi32, #tpu.memory_space<hbm>> -> memref<160x128xi32, #tpu.memory_space<hbm>>
      %dma_wait3A_28 = arith.constant 0 : i32
      %dma_wait3A_29 = tpu.memref_slice %arg4[%arg0, %mul3A_10, %dma_wait3A_28] : memref<2x2560x128xi32, #tpu.memory_space<hbm>> -> memref<1x160x128xi32, #tpu.memory_space<hbm>>
      %dma_wait3A_30 = tpu.memref_squeeze %dma_wait3A_29 : memref<1x160x128xi32, #tpu.memory_space<hbm>> -> memref<160x128xi32, #tpu.memory_space<hbm>>
      tpu.wait_dma2 semaphore(%run_scoped3A : memref<!tpu.dma_semaphore, #tpu.memory_space<semaphore_mem>>) src(%dma_wait3A_30 : memref<160x128xi32, #tpu.memory_space<hbm>>) dst(%arg10 : memref<160x128xi32, #tpu.memory_space<vmem>>)
      tpu.yield
    }) : () -> ()
    %barrier3A = arith.constant 0 : index
    tpu.barrier barrier_id(%barrier3A)
    %scan3A_11 = arith.constant 0 : i32
    %scan3A_12 = arith.constant 0 : i32
    %scan3A_13 = arith.constant 10 : i32
    %scan3A_14 = arith.addi %scan3A_12, %scan3A_13 : i32
    %scan3A_15 = arith.constant 1 : i32
    %scan3A_16 = scf.for %scan3A_21 = %scan3A_12 to %scan3A_14 step %scan3A_15 iter_args(%scan3A_22 = %scan3A_11) -> (i32)  : i32 {
      %mul3A_23 = arith.constant 2 : i32
      %mul3A_24 = arith.muli %mul3A_23, %scan3A_21 : i32
      %mul3A_25 = arith.constant 8 : i32
      %mul3A_26 = arith.muli %mul3A_24, %mul3A_25 : i32
      %add3A = arith.constant 0 : i32
      %add3A_27 = arith.addi %mul3A_26, %add3A : i32
      %dma_start3A = arith.constant 0 : i32
      %dma_start3A_28 = arith.constant 0 : i32
      %dma_start3A_29 = arith.constant 0 : i32
      %dma_start3A_30 = tpu.memref_slice %arg11[%dma_start3A, %dma_start3A_28, %dma_start3A_29] : memref<2x8x128xf32, #tpu.memory_space<vmem>> -> memref<1x1x128xf32, #tpu.memory_space<vmem>>
      %dma_start3A_31 = tpu.memref_squeeze %dma_start3A_30 : memref<1x1x128xf32, #tpu.memory_space<vmem>> -> memref<128xf32, #tpu.memory_space<vmem>>
      %dma_start3A_32 = arith.constant 0 : i32
      %dma_start3A_33 = tpu.memref_slice %arg9[%add3A_27, %dma_start3A_32] : memref<160x128xi32, #tpu.memory_space<vmem>> -> memref<1x128xi32, #tpu.memory_space<vmem>>
      %dma_start3A_34 = tpu.memref_squeeze %dma_start3A_33 : memref<1x128xi32, #tpu.memory_space<vmem>> -> memref<128xi32, #tpu.memory_space<vmem>>
      %dma_start3A_35 = arith.constant 0 : i32
      %dma_start3A_36 = tpu.memref_slice %arg2[%dma_start3A_35] : memref<20000xf32, #tpu.memory_space<hbm>> -> memref<20000xf32, #tpu.memory_space<hbm>>
      tpu.enqueue_indirect_dma source(%dma_start3A_36 : memref<20000xf32, #tpu.memory_space<hbm>>) target(%dma_start3A_31 : memref<128xf32, #tpu.memory_space<vmem>>) offsets(%dma_start3A_34 : memref<128xi32, #tpu.memory_space<vmem>>) semaphore(%arg15 : memref<!tpu.dma_semaphore, #tpu.memory_space<semaphore_mem>>)
      %mul3A_37 = arith.constant 8 : i32
      %mul3A_38 = arith.muli %mul3A_24, %mul3A_37 : i32
      %add3A_39 = arith.constant 1 : i32
      %add3A_40 = arith.addi %mul3A_38, %add3A_39 : i32
      %dma_start3A_41 = arith.constant 0 : i32
      %dma_start3A_42 = arith.constant 1 : i32
      %dma_start3A_43 = arith.constant 0 : i32
      %dma_start3A_44 = tpu.memref_slice %arg11[%dma_start3A_41, %dma_start3A_42, %dma_start3A_43] : memref<2x8x128xf32, #tpu.memory_space<vmem>> -> memref<1x1x128xf32, #tpu.memory_space<vmem>>
      %dma_start3A_45 = tpu.memref_squeeze %dma_start3A_44 : memref<1x1x128xf32, #tpu.memory_space<vmem>> -> memref<128xf32, #tpu.memory_space<vmem>>
      %dma_start3A_46 = arith.constant 0 : i32
      %dma_start3A_47 = tpu.memref_slice %arg9[%add3A_40, %dma_start3A_46] : memref<160x128xi32, #tpu.memory_space<vmem>> -> memref<1x128xi32, #tpu.memory_space<vmem>>
      %dma_start3A_48 = tpu.memref_squeeze %dma_start3A_47 : memref<1x128xi32, #tpu.memory_space<vmem>> -> memref<128xi32, #tpu.memory_space<vmem>>
      %dma_start3A_49 = arith.constant 0 : i32
      %dma_start3A_50 = tpu.memref_slice %arg2[%dma_start3A_49] : memref<20000xf32, #tpu.memory_space<hbm>> -> memref<20000xf32, #tpu.memory_space<hbm>>
      tpu.enqueue_indirect_dma source(%dma_start3A_50 : memref<20000xf32, #tpu.memory_space<hbm>>) target(%dma_start3A_45 : memref<128xf32, #tpu.memory_space<vmem>>) offsets(%dma_start3A_48 : memref<128xi32, #tpu.memory_space<vmem>>) semaphore(%arg15 : memref<!tpu.dma_semaphore, #tpu.memory_space<semaphore_mem>>)
      %mul3A_51 = arith.constant 8 : i32
      %mul3A_52 = arith.muli %mul3A_24, %mul3A_51 : i32
      %add3A_53 = arith.constant 2 : i32
      %add3A_54 = arith.addi %mul3A_52, %add3A_53 : i32
      %dma_start3A_55 = arith.constant 0 : i32
      %dma_start3A_56 = arith.constant 2 : i32
      %dma_start3A_57 = arith.constant 0 : i32
      %dma_start3A_58 = tpu.memref_slice %arg11[%dma_start3A_55, %dma_start3A_56, %dma_start3A_57] : memref<2x8x128xf32, #tpu.memory_space<vmem>> -> memref<1x1x128xf32, #tpu.memory_space<vmem>>
      %dma_start3A_59 = tpu.memref_squeeze %dma_start3A_58 : memref<1x1x128xf32, #tpu.memory_space<vmem>> -> memref<128xf32, #tpu.memory_space<vmem>>
      %dma_start3A_60 = arith.constant 0 : i32
      %dma_start3A_61 = tpu.memref_slice %arg9[%add3A_54, %dma_start3A_60] : memref<160x128xi32, #tpu.memory_space<vmem>> -> memref<1x128xi32, #tpu.memory_space<vmem>>
      %dma_start3A_62 = tpu.memref_squeeze %dma_start3A_61 : memref<1x128xi32, #tpu.memory_space<vmem>> -> memref<128xi32, #tpu.memory_space<vmem>>
      %dma_start3A_63 = arith.constant 0 : i32
      %dma_start3A_64 = tpu.memref_slice %arg2[%dma_start3A_63] : memref<20000xf32, #tpu.memory_space<hbm>> -> memref<20000xf32, #tpu.memory_space<hbm>>
      tpu.enqueue_indirect_dma source(%dma_start3A_64 : memref<20000xf32, #tpu.memory_space<hbm>>) target(%dma_start3A_59 : memref<128xf32, #tpu.memory_space<vmem>>) offsets(%dma_start3A_62 : memref<128xi32, #tpu.memory_space<vmem>>) semaphore(%arg15 : memref<!tpu.dma_semaphore, #tpu.memory_space<semaphore_mem>>)
      %mul3A_65 = arith.constant 8 : i32
      %mul3A_66 = arith.muli %mul3A_24, %mul3A_65 : i32
      %add3A_67 = arith.constant 3 : i32
      %add3A_68 = arith.addi %mul3A_66, %add3A_67 : i32
      %dma_start3A_69 = arith.constant 0 : i32
      %dma_start3A_70 = arith.constant 3 : i32
      %dma_start3A_71 = arith.constant 0 : i32
      %dma_start3A_72 = tpu.memref_slice %arg11[%dma_start3A_69, %dma_start3A_70, %dma_start3A_71] : memref<2x8x128xf32, #tpu.memory_space<vmem>> -> memref<1x1x128xf32, #tpu.memory_space<vmem>>
      %dma_start3A_73 = tpu.memref_squeeze %dma_start3A_72 : memref<1x1x128xf32, #tpu.memory_space<vmem>> -> memref<128xf32, #tpu.memory_space<vmem>>
      %dma_start3A_74 = arith.constant 0 : i32
      %dma_start3A_75 = tpu.memref_slice %arg9[%add3A_68, %dma_start3A_74] : memref<160x128xi32, #tpu.memory_space<vmem>> -> memref<1x128xi32, #tpu.memory_space<vmem>>
      %dma_start3A_76 = tpu.memref_squeeze %dma_start3A_75 : memref<1x128xi32, #tpu.memory_space<vmem>> -> memref<128xi32, #tpu.memory_space<vmem>>
      %dma_start3A_77 = arith.constant 0 : i32
      %dma_start3A_78 = tpu.memref_slice %arg2[%dma_start3A_77] : memref<20000xf32, #tpu.memory_space<hbm>> -> memref<20000xf32, #tpu.memory_space<hbm>>
      tpu.enqueue_indirect_dma source(%dma_start3A_78 : memref<20000xf32, #tpu.memory_space<hbm>>) target(%dma_start3A_73 : memref<128xf32, #tpu.memory_space<vmem>>) offsets(%dma_start3A_76 : memref<128xi32, #tpu.memory_space<vmem>>) semaphore(%arg15 : memref<!tpu.dma_semaphore, #tpu.memory_space<semaphore_mem>>)
      %mul3A_79 = arith.constant 8 : i32
      %mul3A_80 = arith.muli %mul3A_24, %mul3A_79 : i32
      %add3A_81 = arith.constant 4 : i32
      %add3A_82 = arith.addi %mul3A_80, %add3A_81 : i32
      %dma_start3A_83 = arith.constant 0 : i32
      %dma_start3A_84 = arith.constant 4 : i32
      %dma_start3A_85 = arith.constant 0 : i32
      %dma_start3A_86 = tpu.memref_slice %arg11[%dma_start3A_83, %dma_start3A_84, %dma_start3A_85] : memref<2x8x128xf32, #tpu.memory_space<vmem>> -> memref<1x1x128xf32, #tpu.memory_space<vmem>>
      %dma_start3A_87 = tpu.memref_squeeze %dma_start3A_86 : memref<1x1x128xf32, #tpu.memory_space<vmem>> -> memref<128xf32, #tpu.memory_space<vmem>>
      %dma_start3A_88 = arith.constant 0 : i32
      %dma_start3A_89 = tpu.memref_slice %arg9[%add3A_82, %dma_start3A_88] : memref<160x128xi32, #tpu.memory_space<vmem>> -> memref<1x128xi32, #tpu.memory_space<vmem>>
      %dma_start3A_90 = tpu.memref_squeeze %dma_start3A_89 : memref<1x128xi32, #tpu.memory_space<vmem>> -> memref<128xi32, #tpu.memory_space<vmem>>
      %dma_start3A_91 = arith.constant 0 : i32
      %dma_start3A_92 = tpu.memref_slice %arg2[%dma_start3A_91] : memref<20000xf32, #tpu.memory_space<hbm>> -> memref<20000xf32, #tpu.memory_space<hbm>>
      tpu.enqueue_indirect_dma source(%dma_start3A_92 : memref<20000xf32, #tpu.memory_space<hbm>>) target(%dma_start3A_87 : memref<128xf32, #tpu.memory_space<vmem>>) offsets(%dma_start3A_90 : memref<128xi32, #tpu.memory_space<vmem>>) semaphore(%arg15 : memref<!tpu.dma_semaphore, #tpu.memory_space<semaphore_mem>>)
      %mul3A_93 = arith.constant 8 : i32
      %mul3A_94 = arith.muli %mul3A_24, %mul3A_93 : i32
      %add3A_95 = arith.constant 5 : i32
      %add3A_96 = arith.addi %mul3A_94, %add3A_95 : i32
      %dma_start3A_97 = arith.constant 0 : i32
      %dma_start3A_98 = arith.constant 5 : i32
      %dma_start3A_99 = arith.constant 0 : i32
      %dma_start3A_100 = tpu.memref_slice %arg11[%dma_start3A_97, %dma_start3A_98, %dma_start3A_99] : memref<2x8x128xf32, #tpu.memory_space<vmem>> -> memref<1x1x128xf32, #tpu.memory_space<vmem>>
      %dma_start3A_101 = tpu.memref_squeeze %dma_start3A_100 : memref<1x1x128xf32, #tpu.memory_space<vmem>> -> memref<128xf32, #tpu.memory_space<vmem>>
      %dma_start3A_102 = arith.constant 0 : i32
      %dma_start3A_103 = tpu.memref_slice %arg9[%add3A_96, %dma_start3A_102] : memref<160x128xi32, #tpu.memory_space<vmem>> -> memref<1x128xi32, #tpu.memory_space<vmem>>
      %dma_start3A_104 = tpu.memref_squeeze %dma_start3A_103 : memref<1x128xi32, #tpu.memory_space<vmem>> -> memref<128xi32, #tpu.memory_space<vmem>>
      %dma_start3A_105 = arith.constant 0 : i32
      %dma_start3A_106 = tpu.memref_slice %arg2[%dma_start3A_105] : memref<20000xf32, #tpu.memory_space<hbm>> -> memref<20000xf32, #tpu.memory_space<hbm>>
      tpu.enqueue_indirect_dma source(%dma_start3A_106 : memref<20000xf32, #tpu.memory_space<hbm>>) target(%dma_start3A_101 : memref<128xf32, #tpu.memory_space<vmem>>) offsets(%dma_start3A_104 : memref<128xi32, #tpu.memory_space<vmem>>) semaphore(%arg15 : memref<!tpu.dma_semaphore, #tpu.memory_space<semaphore_mem>>)
      %mul3A_107 = arith.constant 8 : i32
      %mul3A_108 = arith.muli %mul3A_24, %mul3A_107 : i32
      %add3A_109 = arith.constant 6 : i32
      %add3A_110 = arith.addi %mul3A_108, %add3A_109 : i32
      %dma_start3A_111 = arith.constant 0 : i32
      %dma_start3A_112 = arith.constant 6 : i32
      %dma_start3A_113 = arith.constant 0 : i32
      %dma_start3A_114 = tpu.memref_slice %arg11[%dma_start3A_111, %dma_start3A_112, %dma_start3A_113] : memref<2x8x128xf32, #tpu.memory_space<vmem>> -> memref<1x1x128xf32, #tpu.memory_space<vmem>>
      %dma_start3A_115 = tpu.memref_squeeze %dma_start3A_114 : memref<1x1x128xf32, #tpu.memory_space<vmem>> -> memref<128xf32, #tpu.memory_space<vmem>>
      %dma_start3A_116 = arith.constant 0 : i32
      %dma_start3A_117 = tpu.memref_slice %arg9[%add3A_110, %dma_start3A_116] : memref<160x128xi32, #tpu.memory_space<vmem>> -> memref<1x128xi32, #tpu.memory_space<vmem>>
      %dma_start3A_118 = tpu.memref_squeeze %dma_start3A_117 : memref<1x128xi32, #tpu.memory_space<vmem>> -> memref<128xi32, #tpu.memory_space<vmem>>
      %dma_start3A_119 = arith.constant 0 : i32
      %dma_start3A_120 = tpu.memref_slice %arg2[%dma_start3A_119] : memref<20000xf32, #tpu.memory_space<hbm>> -> memref<20000xf32, #tpu.memory_space<hbm>>
      tpu.enqueue_indirect_dma source(%dma_start3A_120 : memref<20000xf32, #tpu.memory_space<hbm>>) target(%dma_start3A_115 : memref<128xf32, #tpu.memory_space<vmem>>) offsets(%dma_start3A_118 : memref<128xi32, #tpu.memory_space<vmem>>) semaphore(%arg15 : memref<!tpu.dma_semaphore, #tpu.memory_space<semaphore_mem>>)
      %mul3A_121 = arith.constant 8 : i32
      %mul3A_122 = arith.muli %mul3A_24, %mul3A_121 : i32
      %add3A_123 = arith.constant 7 : i32
      %add3A_124 = arith.addi %mul3A_122, %add3A_123 : i32
      %dma_start3A_125 = arith.constant 0 : i32
      %dma_start3A_126 = arith.constant 7 : i32
      %dma_start3A_127 = arith.constant 0 : i32
      %dma_start3A_128 = tpu.memref_slice %arg11[%dma_start3A_125, %dma_start3A_126, %dma_start3A_127] : memref<2x8x128xf32, #tpu.memory_space<vmem>> -> memref<1x1x128xf32, #tpu.memory_space<vmem>>
      %dma_start3A_129 = tpu.memref_squeeze %dma_start3A_128 : memref<1x1x128xf32, #tpu.memory_space<vmem>> -> memref<128xf32, #tpu.memory_space<vmem>>
      %dma_start3A_130 = arith.constant 0 : i32
      %dma_start3A_131 = tpu.memref_slice %arg9[%add3A_124, %dma_start3A_130] : memref<160x128xi32, #tpu.memory_space<vmem>> -> memref<1x128xi32, #tpu.memory_space<vmem>>
      %dma_start3A_132 = tpu.memref_squeeze %dma_start3A_131 : memref<1x128xi32, #tpu.memory_space<vmem>> -> memref<128xi32, #tpu.memory_space<vmem>>
      %dma_start3A_133 = arith.constant 0 : i32
      %dma_start3A_134 = tpu.memref_slice %arg2[%dma_start3A_133] : memref<20000xf32, #tpu.memory_space<hbm>> -> memref<20000xf32, #tpu.memory_space<hbm>>
      tpu.enqueue_indirect_dma source(%dma_start3A_134 : memref<20000xf32, #tpu.memory_space<hbm>>) target(%dma_start3A_129 : memref<128xf32, #tpu.memory_space<vmem>>) offsets(%dma_start3A_132 : memref<128xi32, #tpu.memory_space<vmem>>) semaphore(%arg15 : memref<!tpu.dma_semaphore, #tpu.memory_space<semaphore_mem>>)
      %dma_wait3A = arith.constant 0 : i32
      %dma_wait3A_135 = arith.constant 0 : i32
      %dma_wait3A_136 = arith.constant 0 : i32
      %dma_wait3A_137 = tpu.memref_slice %arg11[%dma_wait3A, %dma_wait3A_135, %dma_wait3A_136] : memref<2x8x128xf32, #tpu.memory_space<vmem>> -> memref<1x1x128xf32, #tpu.memory_space<vmem>>
      %dma_wait3A_138 = tpu.memref_squeeze %dma_wait3A_137 : memref<1x1x128xf32, #tpu.memory_space<vmem>> -> memref<128xf32, #tpu.memory_space<vmem>>
      %dma_wait3A_139 = arith.constant 0 : i32
      %dma_wait3A_140 = tpu.memref_slice %arg9[%add3A_27, %dma_wait3A_139] : memref<160x128xi32, #tpu.memory_space<vmem>> -> memref<1x128xi32, #tpu.memory_space<vmem>>
      %dma_wait3A_141 = tpu.memref_squeeze %dma_wait3A_140 : memref<1x128xi32, #tpu.memory_space<vmem>> -> memref<128xi32, #tpu.memory_space<vmem>>
      %dma_wait3A_142 = arith.constant 0 : i32
      %dma_wait3A_143 = tpu.memref_slice %arg2[%dma_wait3A_142] : memref<20000xf32, #tpu.memory_space<hbm>> -> memref<20000xf32, #tpu.memory_space<hbm>>
      tpu.wait_indirect_dma semaphore(%arg15 : memref<!tpu.dma_semaphore, #tpu.memory_space<semaphore_mem>>) src(%dma_wait3A_143 : memref<20000xf32, #tpu.memory_space<hbm>>) dst(%dma_wait3A_138 : memref<128xf32, #tpu.memory_space<vmem>>)
      %dma_wait3A_144 = arith.constant 0 : i32
      %dma_wait3A_145 = arith.constant 1 : i32
      %dma_wait3A_146 = arith.constant 0 : i32
      %dma_wait3A_147 = tpu.memref_slice %arg11[%dma_wait3A_144, %dma_wait3A_145, %dma_wait3A_146] : memref<2x8x128xf32, #tpu.memory_space<vmem>> -> memref<1x1x128xf32, #tpu.memory_space<vmem>>
      %dma_wait3A_148 = tpu.memref_squeeze %dma_wait3A_147 : memref<1x1x128xf32, #tpu.memory_space<vmem>> -> memref<128xf32, #tpu.memory_space<vmem>>
      %dma_wait3A_149 = arith.constant 0 : i32
      %dma_wait3A_150 = tpu.memref_slice %arg9[%add3A_40, %dma_wait3A_149] : memref<160x128xi32, #tpu.memory_space<vmem>> -> memref<1x128xi32, #tpu.memory_space<vmem>>
      %dma_wait3A_151 = tpu.memref_squeeze %dma_wait3A_150 : memref<1x128xi32, #tpu.memory_space<vmem>> -> memref<128xi32, #tpu.memory_space<vmem>>
      %dma_wait3A_152 = arith.constant 0 : i32
      %dma_wait3A_153 = tpu.memref_slice %arg2[%dma_wait3A_152] : memref<20000xf32, #tpu.memory_space<hbm>> -> memref<20000xf32, #tpu.memory_space<hbm>>
      tpu.wait_indirect_dma semaphore(%arg15 : memref<!tpu.dma_semaphore, #tpu.memory_space<semaphore_mem>>) src(%dma_wait3A_153 : memref<20000xf32, #tpu.memory_space<hbm>>) dst(%dma_wait3A_148 : memref<128xf32, #tpu.memory_space<vmem>>)
      %dma_wait3A_154 = arith.constant 0 : i32
      %dma_wait3A_155 = arith.constant 2 : i32
      %dma_wait3A_156 = arith.constant 0 : i32
      %dma_wait3A_157 = tpu.memref_slice %arg11[%dma_wait3A_154, %dma_wait3A_155, %dma_wait3A_156] : memref<2x8x128xf32, #tpu.memory_space<vmem>> -> memref<1x1x128xf32, #tpu.memory_space<vmem>>
      %dma_wait3A_158 = tpu.memref_squeeze %dma_wait3A_157 : memref<1x1x128xf32, #tpu.memory_space<vmem>> -> memref<128xf32, #tpu.memory_space<vmem>>
      %dma_wait3A_159 = arith.constant 0 : i32
      %dma_wait3A_160 = tpu.memref_slice %arg9[%add3A_54, %dma_wait3A_159] : memref<160x128xi32, #tpu.memory_space<vmem>> -> memref<1x128xi32, #tpu.memory_space<vmem>>
      %dma_wait3A_161 = tpu.memref_squeeze %dma_wait3A_160 : memref<1x128xi32, #tpu.memory_space<vmem>> -> memref<128xi32, #tpu.memory_space<vmem>>
      %dma_wait3A_162 = arith.constant 0 : i32
      %dma_wait3A_163 = tpu.memref_slice %arg2[%dma_wait3A_162] : memref<20000xf32, #tpu.memory_space<hbm>> -> memref<20000xf32, #tpu.memory_space<hbm>>
      tpu.wait_indirect_dma semaphore(%arg15 : memref<!tpu.dma_semaphore, #tpu.memory_space<semaphore_mem>>) src(%dma_wait3A_163 : memref<20000xf32, #tpu.memory_space<hbm>>) dst(%dma_wait3A_158 : memref<128xf32, #tpu.memory_space<vmem>>)
      %dma_wait3A_164 = arith.constant 0 : i32
      %dma_wait3A_165 = arith.constant 3 : i32
      %dma_wait3A_166 = arith.constant 0 : i32
      %dma_wait3A_167 = tpu.memref_slice %arg11[%dma_wait3A_164, %dma_wait3A_165, %dma_wait3A_166] : memref<2x8x128xf32, #tpu.memory_space<vmem>> -> memref<1x1x128xf32, #tpu.memory_space<vmem>>
      %dma_wait3A_168 = tpu.memref_squeeze %dma_wait3A_167 : memref<1x1x128xf32, #tpu.memory_space<vmem>> -> memref<128xf32, #tpu.memory_space<vmem>>
      %dma_wait3A_169 = arith.constant 0 : i32
      %dma_wait3A_170 = tpu.memref_slice %arg9[%add3A_68, %dma_wait3A_169] : memref<160x128xi32, #tpu.memory_space<vmem>> -> memref<1x128xi32, #tpu.memory_space<vmem>>
      %dma_wait3A_171 = tpu.memref_squeeze %dma_wait3A_170 : memref<1x128xi32, #tpu.memory_space<vmem>> -> memref<128xi32, #tpu.memory_space<vmem>>
      %dma_wait3A_172 = arith.constant 0 : i32
      %dma_wait3A_173 = tpu.memref_slice %arg2[%dma_wait3A_172] : memref<20000xf32, #tpu.memory_space<hbm>> -> memref<20000xf32, #tpu.memory_space<hbm>>
      tpu.wait_indirect_dma semaphore(%arg15 : memref<!tpu.dma_semaphore, #tpu.memory_space<semaphore_mem>>) src(%dma_wait3A_173 : memref<20000xf32, #tpu.memory_space<hbm>>) dst(%dma_wait3A_168 : memref<128xf32, #tpu.memory_space<vmem>>)
      %dma_wait3A_174 = arith.constant 0 : i32
      %dma_wait3A_175 = arith.constant 4 : i32
      %dma_wait3A_176 = arith.constant 0 : i32
      %dma_wait3A_177 = tpu.memref_slice %arg11[%dma_wait3A_174, %dma_wait3A_175, %dma_wait3A_176] : memref<2x8x128xf32, #tpu.memory_space<vmem>> -> memref<1x1x128xf32, #tpu.memory_space<vmem>>
      %dma_wait3A_178 = tpu.memref_squeeze %dma_wait3A_177 : memref<1x1x128xf32, #tpu.memory_space<vmem>> -> memref<128xf32, #tpu.memory_space<vmem>>
      %dma_wait3A_179 = arith.constant 0 : i32
      %dma_wait3A_180 = tpu.memref_slice %arg9[%add3A_82, %dma_wait3A_179] : memref<160x128xi32, #tpu.memory_space<vmem>> -> memref<1x128xi32, #tpu.memory_space<vmem>>
      %dma_wait3A_181 = tpu.memref_squeeze %dma_wait3A_180 : memref<1x128xi32, #tpu.memory_space<vmem>> -> memref<128xi32, #tpu.memory_space<vmem>>
      %dma_wait3A_182 = arith.constant 0 : i32
      %dma_wait3A_183 = tpu.memref_slice %arg2[%dma_wait3A_182] : memref<20000xf32, #tpu.memory_space<hbm>> -> memref<20000xf32, #tpu.memory_space<hbm>>
      tpu.wait_indirect_dma semaphore(%arg15 : memref<!tpu.dma_semaphore, #tpu.memory_space<semaphore_mem>>) src(%dma_wait3A_183 : memref<20000xf32, #tpu.memory_space<hbm>>) dst(%dma_wait3A_178 : memref<128xf32, #tpu.memory_space<vmem>>)
      %dma_wait3A_184 = arith.constant 0 : i32
      %dma_wait3A_185 = arith.constant 5 : i32
      %dma_wait3A_186 = arith.constant 0 : i32
      %dma_wait3A_187 = tpu.memref_slice %arg11[%dma_wait3A_184, %dma_wait3A_185, %dma_wait3A_186] : memref<2x8x128xf32, #tpu.memory_space<vmem>> -> memref<1x1x128xf32, #tpu.memory_space<vmem>>
      %dma_wait3A_188 = tpu.memref_squeeze %dma_wait3A_187 : memref<1x1x128xf32, #tpu.memory_space<vmem>> -> memref<128xf32, #tpu.memory_space<vmem>>
      %dma_wait3A_189 = arith.constant 0 : i32
      %dma_wait3A_190 = tpu.memref_slice %arg9[%add3A_96, %dma_wait3A_189] : memref<160x128xi32, #tpu.memory_space<vmem>> -> memref<1x128xi32, #tpu.memory_space<vmem>>
      %dma_wait3A_191 = tpu.memref_squeeze %dma_wait3A_190 : memref<1x128xi32, #tpu.memory_space<vmem>> -> memref<128xi32, #tpu.memory_space<vmem>>
      %dma_wait3A_192 = arith.constant 0 : i32
      %dma_wait3A_193 = tpu.memref_slice %arg2[%dma_wait3A_192] : memref<20000xf32, #tpu.memory_space<hbm>> -> memref<20000xf32, #tpu.memory_space<hbm>>
      tpu.wait_indirect_dma semaphore(%arg15 : memref<!tpu.dma_semaphore, #tpu.memory_space<semaphore_mem>>) src(%dma_wait3A_193 : memref<20000xf32, #tpu.memory_space<hbm>>) dst(%dma_wait3A_188 : memref<128xf32, #tpu.memory_space<vmem>>)
      %dma_wait3A_194 = arith.constant 0 : i32
      %dma_wait3A_195 = arith.constant 6 : i32
      %dma_wait3A_196 = arith.constant 0 : i32
      %dma_wait3A_197 = tpu.memref_slice %arg11[%dma_wait3A_194, %dma_wait3A_195, %dma_wait3A_196] : memref<2x8x128xf32, #tpu.memory_space<vmem>> -> memref<1x1x128xf32, #tpu.memory_space<vmem>>
      %dma_wait3A_198 = tpu.memref_squeeze %dma_wait3A_197 : memref<1x1x128xf32, #tpu.memory_space<vmem>> -> memref<128xf32, #tpu.memory_space<vmem>>
      %dma_wait3A_199 = arith.constant 0 : i32
      %dma_wait3A_200 = tpu.memref_slice %arg9[%add3A_110, %dma_wait3A_199] : memref<160x128xi32, #tpu.memory_space<vmem>> -> memref<1x128xi32, #tpu.memory_space<vmem>>
      %dma_wait3A_201 = tpu.memref_squeeze %dma_wait3A_200 : memref<1x128xi32, #tpu.memory_space<vmem>> -> memref<128xi32, #tpu.memory_space<vmem>>
      %dma_wait3A_202 = arith.constant 0 : i32
      %dma_wait3A_203 = tpu.memref_slice %arg2[%dma_wait3A_202] : memref<20000xf32, #tpu.memory_space<hbm>> -> memref<20000xf32, #tpu.memory_space<hbm>>
      tpu.wait_indirect_dma semaphore(%arg15 : memref<!tpu.dma_semaphore, #tpu.memory_space<semaphore_mem>>) src(%dma_wait3A_203 : memref<20000xf32, #tpu.memory_space<hbm>>) dst(%dma_wait3A_198 : memref<128xf32, #tpu.memory_space<vmem>>)
      %dma_wait3A_204 = arith.constant 0 : i32
      %dma_wait3A_205 = arith.constant 7 : i32
      %dma_wait3A_206 = arith.constant 0 : i32
      %dma_wait3A_207 = tpu.memref_slice %arg11[%dma_wait3A_204, %dma_wait3A_205, %dma_wait3A_206] : memref<2x8x128xf32, #tpu.memory_space<vmem>> -> memref<1x1x128xf32, #tpu.memory_space<vmem>>
      %dma_wait3A_208 = tpu.memref_squeeze %dma_wait3A_207 : memref<1x1x128xf32, #tpu.memory_space<vmem>> -> memref<128xf32, #tpu.memory_space<vmem>>
      %dma_wait3A_209 = arith.constant 0 : i32
      %dma_wait3A_210 = tpu.memref_slice %arg9[%add3A_124, %dma_wait3A_209] : memref<160x128xi32, #tpu.memory_space<vmem>> -> memref<1x128xi32, #tpu.memory_space<vmem>>
      %dma_wait3A_211 = tpu.memref_squeeze %dma_wait3A_210 : memref<1x128xi32, #tpu.memory_space<vmem>> -> memref<128xi32, #tpu.memory_space<vmem>>
      %dma_wait3A_212 = arith.constant 0 : i32
      %dma_wait3A_213 = tpu.memref_slice %arg2[%dma_wait3A_212] : memref<20000xf32, #tpu.memory_space<hbm>> -> memref<20000xf32, #tpu.memory_space<hbm>>
      tpu.wait_indirect_dma semaphore(%arg15 : memref<!tpu.dma_semaphore, #tpu.memory_space<semaphore_mem>>) src(%dma_wait3A_213 : memref<20000xf32, #tpu.memory_space<hbm>>) dst(%dma_wait3A_208 : memref<128xf32, #tpu.memory_space<vmem>>)
      %mul3A_214 = arith.constant 2 : i32
      %mul3A_215 = arith.muli %mul3A_214, %scan3A_21 : i32
      %mul3A_216 = arith.constant 8 : i32
      %mul3A_217 = arith.muli %mul3A_215, %mul3A_216 : i32
      %add3A_218 = arith.constant 0 : i32
      %add3A_219 = arith.addi %mul3A_217, %add3A_218 : i32
      %dma_start3A_220 = arith.constant 0 : i32
      %dma_start3A_221 = arith.constant 0 : i32
      %dma_start3A_222 = arith.constant 0 : i32
      %dma_start3A_223 = tpu.memref_slice %arg11[%dma_start3A_220, %dma_start3A_221, %dma_start3A_222] : memref<2x8x128xf32, #tpu.memory_space<vmem>> -> memref<1x1x128xf32, #tpu.memory_space<vmem>>
      %dma_start3A_224 = tpu.memref_squeeze %dma_start3A_223 : memref<1x1x128xf32, #tpu.memory_space<vmem>> -> memref<128xf32, #tpu.memory_space<vmem>>
      %dma_start3A_225 = arith.constant 0 : i32
      %dma_start3A_226 = tpu.memref_slice %arg10[%add3A_219, %dma_start3A_225] : memref<160x128xi32, #tpu.memory_space<vmem>> -> memref<1x128xi32, #tpu.memory_space<vmem>>
      %dma_start3A_227 = tpu.memref_squeeze %dma_start3A_226 : memref<1x128xi32, #tpu.memory_space<vmem>> -> memref<128xi32, #tpu.memory_space<vmem>>
      %dma_start3A_228 = arith.constant 0 : i32
      %dma_start3A_229 = tpu.memref_slice %arg8[%dma_start3A_228] : memref<10240xf32, #tpu.memory_space<vmem_shared>> -> memref<10240xf32, #tpu.memory_space<vmem_shared>>
      tpu.enqueue_indirect_dma source(%dma_start3A_224 : memref<128xf32, #tpu.memory_space<vmem>>) target(%dma_start3A_229 : memref<10240xf32, #tpu.memory_space<vmem_shared>>) offsets(%dma_start3A_227 : memref<128xi32, #tpu.memory_space<vmem>>) semaphore(%arg16 : memref<!tpu.dma_semaphore, #tpu.memory_space<semaphore_mem>>) {add = true}
      %mul3A_230 = arith.constant 8 : i32
      %mul3A_231 = arith.muli %mul3A_215, %mul3A_230 : i32
      %add3A_232 = arith.constant 1 : i32
      %add3A_233 = arith.addi %mul3A_231, %add3A_232 : i32
      %dma_start3A_234 = arith.constant 0 : i32
      %dma_start3A_235 = arith.constant 1 : i32
      %dma_start3A_236 = arith.constant 0 : i32
      %dma_start3A_237 = tpu.memref_slice %arg11[%dma_start3A_234, %dma_start3A_235, %dma_start3A_236] : memref<2x8x128xf32, #tpu.memory_space<vmem>> -> memref<1x1x128xf32, #tpu.memory_space<vmem>>
      %dma_start3A_238 = tpu.memref_squeeze %dma_start3A_237 : memref<1x1x128xf32, #tpu.memory_space<vmem>> -> memref<128xf32, #tpu.memory_space<vmem>>
      %dma_start3A_239 = arith.constant 0 : i32
      %dma_start3A_240 = tpu.memref_slice %arg10[%add3A_233, %dma_start3A_239] : memref<160x128xi32, #tpu.memory_space<vmem>> -> memref<1x128xi32, #tpu.memory_space<vmem>>
      %dma_start3A_241 = tpu.memref_squeeze %dma_start3A_240 : memref<1x128xi32, #tpu.memory_space<vmem>> -> memref<128xi32, #tpu.memory_space<vmem>>
      %dma_start3A_242 = arith.constant 0 : i32
      %dma_start3A_243 = tpu.memref_slice %arg8[%dma_start3A_242] : memref<10240xf32, #tpu.memory_space<vmem_shared>> -> memref<10240xf32, #tpu.memory_space<vmem_shared>>
      tpu.enqueue_indirect_dma source(%dma_start3A_238 : memref<128xf32, #tpu.memory_space<vmem>>) target(%dma_start3A_243 : memref<10240xf32, #tpu.memory_space<vmem_shared>>) offsets(%dma_start3A_241 : memref<128xi32, #tpu.memory_space<vmem>>) semaphore(%arg16 : memref<!tpu.dma_semaphore, #tpu.memory_space<semaphore_mem>>) {add = true}
      %mul3A_244 = arith.constant 8 : i32
      %mul3A_245 = arith.muli %mul3A_215, %mul3A_244 : i32
      %add3A_246 = arith.constant 2 : i32
      %add3A_247 = arith.addi %mul3A_245, %add3A_246 : i32
      %dma_start3A_248 = arith.constant 0 : i32
      %dma_start3A_249 = arith.constant 2 : i32
      %dma_start3A_250 = arith.constant 0 : i32
      %dma_start3A_251 = tpu.memref_slice %arg11[%dma_start3A_248, %dma_start3A_249, %dma_start3A_250] : memref<2x8x128xf32, #tpu.memory_space<vmem>> -> memref<1x1x128xf32, #tpu.memory_space<vmem>>
      %dma_start3A_252 = tpu.memref_squeeze %dma_start3A_251 : memref<1x1x128xf32, #tpu.memory_space<vmem>> -> memref<128xf32, #tpu.memory_space<vmem>>
      %dma_start3A_253 = arith.constant 0 : i32
      %dma_start3A_254 = tpu.memref_slice %arg10[%add3A_247, %dma_start3A_253] : memref<160x128xi32, #tpu.memory_space<vmem>> -> memref<1x128xi32, #tpu.memory_space<vmem>>
      %dma_start3A_255 = tpu.memref_squeeze %dma_start3A_254 : memref<1x128xi32, #tpu.memory_space<vmem>> -> memref<128xi32, #tpu.memory_space<vmem>>
      %dma_start3A_256 = arith.constant 0 : i32
      %dma_start3A_257 = tpu.memref_slice %arg8[%dma_start3A_256] : memref<10240xf32, #tpu.memory_space<vmem_shared>> -> memref<10240xf32, #tpu.memory_space<vmem_shared>>
      tpu.enqueue_indirect_dma source(%dma_start3A_252 : memref<128xf32, #tpu.memory_space<vmem>>) target(%dma_start3A_257 : memref<10240xf32, #tpu.memory_space<vmem_shared>>) offsets(%dma_start3A_255 : memref<128xi32, #tpu.memory_space<vmem>>) semaphore(%arg16 : memref<!tpu.dma_semaphore, #tpu.memory_space<semaphore_mem>>) {add = true}
      %mul3A_258 = arith.constant 8 : i32
      %mul3A_259 = arith.muli %mul3A_215, %mul3A_258 : i32
      %add3A_260 = arith.constant 3 : i32
      %add3A_261 = arith.addi %mul3A_259, %add3A_260 : i32
      %dma_start3A_262 = arith.constant 0 : i32
      %dma_start3A_263 = arith.constant 3 : i32
      %dma_start3A_264 = arith.constant 0 : i32
      %dma_start3A_265 = tpu.memref_slice %arg11[%dma_start3A_262, %dma_start3A_263, %dma_start3A_264] : memref<2x8x128xf32, #tpu.memory_space<vmem>> -> memref<1x1x128xf32, #tpu.memory_space<vmem>>
      %dma_start3A_266 = tpu.memref_squeeze %dma_start3A_265 : memref<1x1x128xf32, #tpu.memory_space<vmem>> -> memref<128xf32, #tpu.memory_space<vmem>>
      %dma_start3A_267 = arith.constant 0 : i32
      %dma_start3A_268 = tpu.memref_slice %arg10[%add3A_261, %dma_start3A_267] : memref<160x128xi32, #tpu.memory_space<vmem>> -> memref<1x128xi32, #tpu.memory_space<vmem>>
      %dma_start3A_269 = tpu.memref_squeeze %dma_start3A_268 : memref<1x128xi32, #tpu.memory_space<vmem>> -> memref<128xi32, #tpu.memory_space<vmem>>
      %dma_start3A_270 = arith.constant 0 : i32
      %dma_start3A_271 = tpu.memref_slice %arg8[%dma_start3A_270] : memref<10240xf32, #tpu.memory_space<vmem_shared>> -> memref<10240xf32, #tpu.memory_space<vmem_shared>>
      tpu.enqueue_indirect_dma source(%dma_start3A_266 : memref<128xf32, #tpu.memory_space<vmem>>) target(%dma_start3A_271 : memref<10240xf32, #tpu.memory_space<vmem_shared>>) offsets(%dma_start3A_269 : memref<128xi32, #tpu.memory_space<vmem>>) semaphore(%arg16 : memref<!tpu.dma_semaphore, #tpu.memory_space<semaphore_mem>>) {add = true}
      %mul3A_272 = arith.constant 8 : i32
      %mul3A_273 = arith.muli %mul3A_215, %mul3A_272 : i32
      %add3A_274 = arith.constant 4 : i32
      %add3A_275 = arith.addi %mul3A_273, %add3A_274 : i32
      %dma_start3A_276 = arith.constant 0 : i32
      %dma_start3A_277 = arith.constant 4 : i32
      %dma_start3A_278 = arith.constant 0 : i32
      %dma_start3A_279 = tpu.memref_slice %arg11[%dma_start3A_276, %dma_start3A_277, %dma_start3A_278] : memref<2x8x128xf32, #tpu.memory_space<vmem>> -> memref<1x1x128xf32, #tpu.memory_space<vmem>>
      %dma_start3A_280 = tpu.memref_squeeze %dma_start3A_279 : memref<1x1x128xf32, #tpu.memory_space<vmem>> -> memref<128xf32, #tpu.memory_space<vmem>>
      %dma_start3A_281 = arith.constant 0 : i32
      %dma_start3A_282 = tpu.memref_slice %arg10[%add3A_275, %dma_start3A_281] : memref<160x128xi32, #tpu.memory_space<vmem>> -> memref<1x128xi32, #tpu.memory_space<vmem>>
      %dma_start3A_283 = tpu.memref_squeeze %dma_start3A_282 : memref<1x128xi32, #tpu.memory_space<vmem>> -> memref<128xi32, #tpu.memory_space<vmem>>
      %dma_start3A_284 = arith.constant 0 : i32
      %dma_start3A_285 = tpu.memref_slice %arg8[%dma_start3A_284] : memref<10240xf32, #tpu.memory_space<vmem_shared>> -> memref<10240xf32, #tpu.memory_space<vmem_shared>>
      tpu.enqueue_indirect_dma source(%dma_start3A_280 : memref<128xf32, #tpu.memory_space<vmem>>) target(%dma_start3A_285 : memref<10240xf32, #tpu.memory_space<vmem_shared>>) offsets(%dma_start3A_283 : memref<128xi32, #tpu.memory_space<vmem>>) semaphore(%arg16 : memref<!tpu.dma_semaphore, #tpu.memory_space<semaphore_mem>>) {add = true}
      %mul3A_286 = arith.constant 8 : i32
      %mul3A_287 = arith.muli %mul3A_215, %mul3A_286 : i32
      %add3A_288 = arith.constant 5 : i32
      %add3A_289 = arith.addi %mul3A_287, %add3A_288 : i32
      %dma_start3A_290 = arith.constant 0 : i32
      %dma_start3A_291 = arith.constant 5 : i32
      %dma_start3A_292 = arith.constant 0 : i32
      %dma_start3A_293 = tpu.memref_slice %arg11[%dma_start3A_290, %dma_start3A_291, %dma_start3A_292] : memref<2x8x128xf32, #tpu.memory_space<vmem>> -> memref<1x1x128xf32, #tpu.memory_space<vmem>>
      %dma_start3A_294 = tpu.memref_squeeze %dma_start3A_293 : memref<1x1x128xf32, #tpu.memory_space<vmem>> -> memref<128xf32, #tpu.memory_space<vmem>>
      %dma_start3A_295 = arith.constant 0 : i32
      %dma_start3A_296 = tpu.memref_slice %arg10[%add3A_289, %dma_start3A_295] : memref<160x128xi32, #tpu.memory_space<vmem>> -> memref<1x128xi32, #tpu.memory_space<vmem>>
      %dma_start3A_297 = tpu.memref_squeeze %dma_start3A_296 : memref<1x128xi32, #tpu.memory_space<vmem>> -> memref<128xi32, #tpu.memory_space<vmem>>
      %dma_start3A_298 = arith.constant 0 : i32
      %dma_start3A_299 = tpu.memref_slice %arg8[%dma_start3A_298] : memref<10240xf32, #tpu.memory_space<vmem_shared>> -> memref<10240xf32, #tpu.memory_space<vmem_shared>>
      tpu.enqueue_indirect_dma source(%dma_start3A_294 : memref<128xf32, #tpu.memory_space<vmem>>) target(%dma_start3A_299 : memref<10240xf32, #tpu.memory_space<vmem_shared>>) offsets(%dma_start3A_297 : memref<128xi32, #tpu.memory_space<vmem>>) semaphore(%arg16 : memref<!tpu.dma_semaphore, #tpu.memory_space<semaphore_mem>>) {add = true}
      %mul3A_300 = arith.constant 8 : i32
      %mul3A_301 = arith.muli %mul3A_215, %mul3A_300 : i32
      %add3A_302 = arith.constant 6 : i32
      %add3A_303 = arith.addi %mul3A_301, %add3A_302 : i32
      %dma_start3A_304 = arith.constant 0 : i32
      %dma_start3A_305 = arith.constant 6 : i32
      %dma_start3A_306 = arith.constant 0 : i32
      %dma_start3A_307 = tpu.memref_slice %arg11[%dma_start3A_304, %dma_start3A_305, %dma_start3A_306] : memref<2x8x128xf32, #tpu.memory_space<vmem>> -> memref<1x1x128xf32, #tpu.memory_space<vmem>>
      %dma_start3A_308 = tpu.memref_squeeze %dma_start3A_307 : memref<1x1x128xf32, #tpu.memory_space<vmem>> -> memref<128xf32, #tpu.memory_space<vmem>>
      %dma_start3A_309 = arith.constant 0 : i32
      %dma_start3A_310 = tpu.memref_slice %arg10[%add3A_303, %dma_start3A_309] : memref<160x128xi32, #tpu.memory_space<vmem>> -> memref<1x128xi32, #tpu.memory_space<vmem>>
      %dma_start3A_311 = tpu.memref_squeeze %dma_start3A_310 : memref<1x128xi32, #tpu.memory_space<vmem>> -> memref<128xi32, #tpu.memory_space<vmem>>
      %dma_start3A_312 = arith.constant 0 : i32
      %dma_start3A_313 = tpu.memref_slice %arg8[%dma_start3A_312] : memref<10240xf32, #tpu.memory_space<vmem_shared>> -> memref<10240xf32, #tpu.memory_space<vmem_shared>>
      tpu.enqueue_indirect_dma source(%dma_start3A_308 : memref<128xf32, #tpu.memory_space<vmem>>) target(%dma_start3A_313 : memref<10240xf32, #tpu.memory_space<vmem_shared>>) offsets(%dma_start3A_311 : memref<128xi32, #tpu.memory_space<vmem>>) semaphore(%arg16 : memref<!tpu.dma_semaphore, #tpu.memory_space<semaphore_mem>>) {add = true}
      %mul3A_314 = arith.constant 8 : i32
      %mul3A_315 = arith.muli %mul3A_215, %mul3A_314 : i32
      %add3A_316 = arith.constant 7 : i32
      %add3A_317 = arith.addi %mul3A_315, %add3A_316 : i32
      %dma_start3A_318 = arith.constant 0 : i32
      %dma_start3A_319 = arith.constant 7 : i32
      %dma_start3A_320 = arith.constant 0 : i32
      %dma_start3A_321 = tpu.memref_slice %arg11[%dma_start3A_318, %dma_start3A_319, %dma_start3A_320] : memref<2x8x128xf32, #tpu.memory_space<vmem>> -> memref<1x1x128xf32, #tpu.memory_space<vmem>>
      %dma_start3A_322 = tpu.memref_squeeze %dma_start3A_321 : memref<1x1x128xf32, #tpu.memory_space<vmem>> -> memref<128xf32, #tpu.memory_space<vmem>>
      %dma_start3A_323 = arith.constant 0 : i32
      %dma_start3A_324 = tpu.memref_slice %arg10[%add3A_317, %dma_start3A_323] : memref<160x128xi32, #tpu.memory_space<vmem>> -> memref<1x128xi32, #tpu.memory_space<vmem>>
      %dma_start3A_325 = tpu.memref_squeeze %dma_start3A_324 : memref<1x128xi32, #tpu.memory_space<vmem>> -> memref<128xi32, #tpu.memory_space<vmem>>
      %dma_start3A_326 = arith.constant 0 : i32
      %dma_start3A_327 = tpu.memref_slice %arg8[%dma_start3A_326] : memref<10240xf32, #tpu.memory_space<vmem_shared>> -> memref<10240xf32, #tpu.memory_space<vmem_shared>>
      tpu.enqueue_indirect_dma source(%dma_start3A_322 : memref<128xf32, #tpu.memory_space<vmem>>) target(%dma_start3A_327 : memref<10240xf32, #tpu.memory_space<vmem_shared>>) offsets(%dma_start3A_325 : memref<128xi32, #tpu.memory_space<vmem>>) semaphore(%arg16 : memref<!tpu.dma_semaphore, #tpu.memory_space<semaphore_mem>>) {add = true}
      %mul3A_328 = arith.constant 2 : i32
      %mul3A_329 = arith.muli %mul3A_328, %scan3A_21 : i32
      %add3A_330 = arith.constant 1 : i32
      %add3A_331 = arith.addi %mul3A_329, %add3A_330 : i32
      %mul3A_332 = arith.constant 8 : i32
      %mul3A_333 = arith.muli %add3A_331, %mul3A_332 : i32
      %add3A_334 = arith.constant 0 : i32
      %add3A_335 = arith.addi %mul3A_333, %add3A_334 : i32
      %dma_start3A_336 = arith.constant 1 : i32
      %dma_start3A_337 = arith.constant 0 : i32
      %dma_start3A_338 = arith.constant 0 : i32
      %dma_start3A_339 = tpu.memref_slice %arg11[%dma_start3A_336, %dma_start3A_337, %dma_start3A_338] : memref<2x8x128xf32, #tpu.memory_space<vmem>> -> memref<1x1x128xf32, #tpu.memory_space<vmem>>
      %dma_start3A_340 = tpu.memref_squeeze %dma_start3A_339 : memref<1x1x128xf32, #tpu.memory_space<vmem>> -> memref<128xf32, #tpu.memory_space<vmem>>
      %dma_start3A_341 = arith.constant 0 : i32
      %dma_start3A_342 = tpu.memref_slice %arg9[%add3A_335, %dma_start3A_341] : memref<160x128xi32, #tpu.memory_space<vmem>> -> memref<1x128xi32, #tpu.memory_space<vmem>>
      %dma_start3A_343 = tpu.memref_squeeze %dma_start3A_342 : memref<1x128xi32, #tpu.memory_space<vmem>> -> memref<128xi32, #tpu.memory_space<vmem>>
      %dma_start3A_344 = arith.constant 0 : i32
      %dma_start3A_345 = tpu.memref_slice %arg2[%dma_start3A_344] : memref<20000xf32, #tpu.memory_space<hbm>> -> memref<20000xf32, #tpu.memory_space<hbm>>
      tpu.enqueue_indirect_dma source(%dma_start3A_345 : memref<20000xf32, #tpu.memory_space<hbm>>) target(%dma_start3A_340 : memref<128xf32, #tpu.memory_space<vmem>>) offsets(%dma_start3A_343 : memref<128xi32, #tpu.memory_space<vmem>>) semaphore(%arg15 : memref<!tpu.dma_semaphore, #tpu.memory_space<semaphore_mem>>)
      %mul3A_346 = arith.constant 8 : i32
      %mul3A_347 = arith.muli %add3A_331, %mul3A_346 : i32
      %add3A_348 = arith.constant 1 : i32
      %add3A_349 = arith.addi %mul3A_347, %add3A_348 : i32
      %dma_start3A_350 = arith.constant 1 : i32
      %dma_start3A_351 = arith.constant 1 : i32
      %dma_start3A_352 = arith.constant 0 : i32
      %dma_start3A_353 = tpu.memref_slice %arg11[%dma_start3A_350, %dma_start3A_351, %dma_start3A_352] : memref<2x8x128xf32, #tpu.memory_space<vmem>> -> memref<1x1x128xf32, #tpu.memory_space<vmem>>
      %dma_start3A_354 = tpu.memref_squeeze %dma_start3A_353 : memref<1x1x128xf32, #tpu.memory_space<vmem>> -> memref<128xf32, #tpu.memory_space<vmem>>
      %dma_start3A_355 = arith.constant 0 : i32
      %dma_start3A_356 = tpu.memref_slice %arg9[%add3A_349, %dma_start3A_355] : memref<160x128xi32, #tpu.memory_space<vmem>> -> memref<1x128xi32, #tpu.memory_space<vmem>>
      %dma_start3A_357 = tpu.memref_squeeze %dma_start3A_356 : memref<1x128xi32, #tpu.memory_space<vmem>> -> memref<128xi32, #tpu.memory_space<vmem>>
      %dma_start3A_358 = arith.constant 0 : i32
      %dma_start3A_359 = tpu.memref_slice %arg2[%dma_start3A_358] : memref<20000xf32, #tpu.memory_space<hbm>> -> memref<20000xf32, #tpu.memory_space<hbm>>
      tpu.enqueue_indirect_dma source(%dma_start3A_359 : memref<20000xf32, #tpu.memory_space<hbm>>) target(%dma_start3A_354 : memref<128xf32, #tpu.memory_space<vmem>>) offsets(%dma_start3A_357 : memref<128xi32, #tpu.memory_space<vmem>>) semaphore(%arg15 : memref<!tpu.dma_semaphore, #tpu.memory_space<semaphore_mem>>)
      %mul3A_360 = arith.constant 8 : i32
      %mul3A_361 = arith.muli %add3A_331, %mul3A_360 : i32
      %add3A_362 = arith.constant 2 : i32
      %add3A_363 = arith.addi %mul3A_361, %add3A_362 : i32
      %dma_start3A_364 = arith.constant 1 : i32
      %dma_start3A_365 = arith.constant 2 : i32
      %dma_start3A_366 = arith.constant 0 : i32
      %dma_start3A_367 = tpu.memref_slice %arg11[%dma_start3A_364, %dma_start3A_365, %dma_start3A_366] : memref<2x8x128xf32, #tpu.memory_space<vmem>> -> memref<1x1x128xf32, #tpu.memory_space<vmem>>
      %dma_start3A_368 = tpu.memref_squeeze %dma_start3A_367 : memref<1x1x128xf32, #tpu.memory_space<vmem>> -> memref<128xf32, #tpu.memory_space<vmem>>
      %dma_start3A_369 = arith.constant 0 : i32
      %dma_start3A_370 = tpu.memref_slice %arg9[%add3A_363, %dma_start3A_369] : memref<160x128xi32, #tpu.memory_space<vmem>> -> memref<1x128xi32, #tpu.memory_space<vmem>>
      %dma_start3A_371 = tpu.memref_squeeze %dma_start3A_370 : memref<1x128xi32, #tpu.memory_space<vmem>> -> memref<128xi32, #tpu.memory_space<vmem>>
      %dma_start3A_372 = arith.constant 0 : i32
      %dma_start3A_373 = tpu.memref_slice %arg2[%dma_start3A_372] : memref<20000xf32, #tpu.memory_space<hbm>> -> memref<20000xf32, #tpu.memory_space<hbm>>
      tpu.enqueue_indirect_dma source(%dma_start3A_373 : memref<20000xf32, #tpu.memory_space<hbm>>) target(%dma_start3A_368 : memref<128xf32, #tpu.memory_space<vmem>>) offsets(%dma_start3A_371 : memref<128xi32, #tpu.memory_space<vmem>>) semaphore(%arg15 : memref<!tpu.dma_semaphore, #tpu.memory_space<semaphore_mem>>)
      %mul3A_374 = arith.constant 8 : i32
      %mul3A_375 = arith.muli %add3A_331, %mul3A_374 : i32
      %add3A_376 = arith.constant 3 : i32
      %add3A_377 = arith.addi %mul3A_375, %add3A_376 : i32
      %dma_start3A_378 = arith.constant 1 : i32
      %dma_start3A_379 = arith.constant 3 : i32
      %dma_start3A_380 = arith.constant 0 : i32
      %dma_start3A_381 = tpu.memref_slice %arg11[%dma_start3A_378, %dma_start3A_379, %dma_start3A_380] : memref<2x8x128xf32, #tpu.memory_space<vmem>> -> memref<1x1x128xf32, #tpu.memory_space<vmem>>
      %dma_start3A_382 = tpu.memref_squeeze %dma_start3A_381 : memref<1x1x128xf32, #tpu.memory_space<vmem>> -> memref<128xf32, #tpu.memory_space<vmem>>
      %dma_start3A_383 = arith.constant 0 : i32
      %dma_start3A_384 = tpu.memref_slice %arg9[%add3A_377, %dma_start3A_383] : memref<160x128xi32, #tpu.memory_space<vmem>> -> memref<1x128xi32, #tpu.memory_space<vmem>>
      %dma_start3A_385 = tpu.memref_squeeze %dma_start3A_384 : memref<1x128xi32, #tpu.memory_space<vmem>> -> memref<128xi32, #tpu.memory_space<vmem>>
      %dma_start3A_386 = arith.constant 0 : i32
      %dma_start3A_387 = tpu.memref_slice %arg2[%dma_start3A_386] : memref<20000xf32, #tpu.memory_space<hbm>> -> memref<20000xf32, #tpu.memory_space<hbm>>
      tpu.enqueue_indirect_dma source(%dma_start3A_387 : memref<20000xf32, #tpu.memory_space<hbm>>) target(%dma_start3A_382 : memref<128xf32, #tpu.memory_space<vmem>>) offsets(%dma_start3A_385 : memref<128xi32, #tpu.memory_space<vmem>>) semaphore(%arg15 : memref<!tpu.dma_semaphore, #tpu.memory_space<semaphore_mem>>)
      %mul3A_388 = arith.constant 8 : i32
      %mul3A_389 = arith.muli %add3A_331, %mul3A_388 : i32
      %add3A_390 = arith.constant 4 : i32
      %add3A_391 = arith.addi %mul3A_389, %add3A_390 : i32
      %dma_start3A_392 = arith.constant 1 : i32
      %dma_start3A_393 = arith.constant 4 : i32
      %dma_start3A_394 = arith.constant 0 : i32
      %dma_start3A_395 = tpu.memref_slice %arg11[%dma_start3A_392, %dma_start3A_393, %dma_start3A_394] : memref<2x8x128xf32, #tpu.memory_space<vmem>> -> memref<1x1x128xf32, #tpu.memory_space<vmem>>
      %dma_start3A_396 = tpu.memref_squeeze %dma_start3A_395 : memref<1x1x128xf32, #tpu.memory_space<vmem>> -> memref<128xf32, #tpu.memory_space<vmem>>
      %dma_start3A_397 = arith.constant 0 : i32
      %dma_start3A_398 = tpu.memref_slice %arg9[%add3A_391, %dma_start3A_397] : memref<160x128xi32, #tpu.memory_space<vmem>> -> memref<1x128xi32, #tpu.memory_space<vmem>>
      %dma_start3A_399 = tpu.memref_squeeze %dma_start3A_398 : memref<1x128xi32, #tpu.memory_space<vmem>> -> memref<128xi32, #tpu.memory_space<vmem>>
      %dma_start3A_400 = arith.constant 0 : i32
      %dma_start3A_401 = tpu.memref_slice %arg2[%dma_start3A_400] : memref<20000xf32, #tpu.memory_space<hbm>> -> memref<20000xf32, #tpu.memory_space<hbm>>
      tpu.enqueue_indirect_dma source(%dma_start3A_401 : memref<20000xf32, #tpu.memory_space<hbm>>) target(%dma_start3A_396 : memref<128xf32, #tpu.memory_space<vmem>>) offsets(%dma_start3A_399 : memref<128xi32, #tpu.memory_space<vmem>>) semaphore(%arg15 : memref<!tpu.dma_semaphore, #tpu.memory_space<semaphore_mem>>)
      %mul3A_402 = arith.constant 8 : i32
      %mul3A_403 = arith.muli %add3A_331, %mul3A_402 : i32
      %add3A_404 = arith.constant 5 : i32
      %add3A_405 = arith.addi %mul3A_403, %add3A_404 : i32
      %dma_start3A_406 = arith.constant 1 : i32
      %dma_start3A_407 = arith.constant 5 : i32
      %dma_start3A_408 = arith.constant 0 : i32
      %dma_start3A_409 = tpu.memref_slice %arg11[%dma_start3A_406, %dma_start3A_407, %dma_start3A_408] : memref<2x8x128xf32, #tpu.memory_space<vmem>> -> memref<1x1x128xf32, #tpu.memory_space<vmem>>
      %dma_start3A_410 = tpu.memref_squeeze %dma_start3A_409 : memref<1x1x128xf32, #tpu.memory_space<vmem>> -> memref<128xf32, #tpu.memory_space<vmem>>
      %dma_start3A_411 = arith.constant 0 : i32
      %dma_start3A_412 = tpu.memref_slice %arg9[%add3A_405, %dma_start3A_411] : memref<160x128xi32, #tpu.memory_space<vmem>> -> memref<1x128xi32, #tpu.memory_space<vmem>>
      %dma_start3A_413 = tpu.memref_squeeze %dma_start3A_412 : memref<1x128xi32, #tpu.memory_space<vmem>> -> memref<128xi32, #tpu.memory_space<vmem>>
      %dma_start3A_414 = arith.constant 0 : i32
      %dma_start3A_415 = tpu.memref_slice %arg2[%dma_start3A_414] : memref<20000xf32, #tpu.memory_space<hbm>> -> memref<20000xf32, #tpu.memory_space<hbm>>
      tpu.enqueue_indirect_dma source(%dma_start3A_415 : memref<20000xf32, #tpu.memory_space<hbm>>) target(%dma_start3A_410 : memref<128xf32, #tpu.memory_space<vmem>>) offsets(%dma_start3A_413 : memref<128xi32, #tpu.memory_space<vmem>>) semaphore(%arg15 : memref<!tpu.dma_semaphore, #tpu.memory_space<semaphore_mem>>)
      %mul3A_416 = arith.constant 8 : i32
      %mul3A_417 = arith.muli %add3A_331, %mul3A_416 : i32
      %add3A_418 = arith.constant 6 : i32
      %add3A_419 = arith.addi %mul3A_417, %add3A_418 : i32
      %dma_start3A_420 = arith.constant 1 : i32
      %dma_start3A_421 = arith.constant 6 : i32
      %dma_start3A_422 = arith.constant 0 : i32
      %dma_start3A_423 = tpu.memref_slice %arg11[%dma_start3A_420, %dma_start3A_421, %dma_start3A_422] : memref<2x8x128xf32, #tpu.memory_space<vmem>> -> memref<1x1x128xf32, #tpu.memory_space<vmem>>
      %dma_start3A_424 = tpu.memref_squeeze %dma_start3A_423 : memref<1x1x128xf32, #tpu.memory_space<vmem>> -> memref<128xf32, #tpu.memory_space<vmem>>
      %dma_start3A_425 = arith.constant 0 : i32
      %dma_start3A_426 = tpu.memref_slice %arg9[%add3A_419, %dma_start3A_425] : memref<160x128xi32, #tpu.memory_space<vmem>> -> memref<1x128xi32, #tpu.memory_space<vmem>>
      %dma_start3A_427 = tpu.memref_squeeze %dma_start3A_426 : memref<1x128xi32, #tpu.memory_space<vmem>> -> memref<128xi32, #tpu.memory_space<vmem>>
      %dma_start3A_428 = arith.constant 0 : i32
      %dma_start3A_429 = tpu.memref_slice %arg2[%dma_start3A_428] : memref<20000xf32, #tpu.memory_space<hbm>> -> memref<20000xf32, #tpu.memory_space<hbm>>
      tpu.enqueue_indirect_dma source(%dma_start3A_429 : memref<20000xf32, #tpu.memory_space<hbm>>) target(%dma_start3A_424 : memref<128xf32, #tpu.memory_space<vmem>>) offsets(%dma_start3A_427 : memref<128xi32, #tpu.memory_space<vmem>>) semaphore(%arg15 : memref<!tpu.dma_semaphore, #tpu.memory_space<semaphore_mem>>)
      %mul3A_430 = arith.constant 8 : i32
      %mul3A_431 = arith.muli %add3A_331, %mul3A_430 : i32
      %add3A_432 = arith.constant 7 : i32
      %add3A_433 = arith.addi %mul3A_431, %add3A_432 : i32
      %dma_start3A_434 = arith.constant 1 : i32
      %dma_start3A_435 = arith.constant 7 : i32
      %dma_start3A_436 = arith.constant 0 : i32
      %dma_start3A_437 = tpu.memref_slice %arg11[%dma_start3A_434, %dma_start3A_435, %dma_start3A_436] : memref<2x8x128xf32, #tpu.memory_space<vmem>> -> memref<1x1x128xf32, #tpu.memory_space<vmem>>
      %dma_start3A_438 = tpu.memref_squeeze %dma_start3A_437 : memref<1x1x128xf32, #tpu.memory_space<vmem>> -> memref<128xf32, #tpu.memory_space<vmem>>
      %dma_start3A_439 = arith.constant 0 : i32
      %dma_start3A_440 = tpu.memref_slice %arg9[%add3A_433, %dma_start3A_439] : memref<160x128xi32, #tpu.memory_space<vmem>> -> memref<1x128xi32, #tpu.memory_space<vmem>>
      %dma_start3A_441 = tpu.memref_squeeze %dma_start3A_440 : memref<1x128xi32, #tpu.memory_space<vmem>> -> memref<128xi32, #tpu.memory_space<vmem>>
      %dma_start3A_442 = arith.constant 0 : i32
      %dma_start3A_443 = tpu.memref_slice %arg2[%dma_start3A_442] : memref<20000xf32, #tpu.memory_space<hbm>> -> memref<20000xf32, #tpu.memory_space<hbm>>
      tpu.enqueue_indirect_dma source(%dma_start3A_443 : memref<20000xf32, #tpu.memory_space<hbm>>) target(%dma_start3A_438 : memref<128xf32, #tpu.memory_space<vmem>>) offsets(%dma_start3A_441 : memref<128xi32, #tpu.memory_space<vmem>>) semaphore(%arg15 : memref<!tpu.dma_semaphore, #tpu.memory_space<semaphore_mem>>)
      %dma_wait3A_444 = arith.constant 0 : i32
      %dma_wait3A_445 = arith.constant 0 : i32
      %dma_wait3A_446 = arith.constant 0 : i32
      %dma_wait3A_447 = tpu.memref_slice %arg11[%dma_wait3A_444, %dma_wait3A_445, %dma_wait3A_446] : memref<2x8x128xf32, #tpu.memory_space<vmem>> -> memref<1x1x128xf32, #tpu.memory_space<vmem>>
      %dma_wait3A_448 = tpu.memref_squeeze %dma_wait3A_447 : memref<1x1x128xf32, #tpu.memory_space<vmem>> -> memref<128xf32, #tpu.memory_space<vmem>>
      %dma_wait3A_449 = arith.constant 0 : i32
      %dma_wait3A_450 = tpu.memref_slice %arg10[%add3A_219, %dma_wait3A_449] : memref<160x128xi32, #tpu.memory_space<vmem>> -> memref<1x128xi32, #tpu.memory_space<vmem>>
      %dma_wait3A_451 = tpu.memref_squeeze %dma_wait3A_450 : memref<1x128xi32, #tpu.memory_space<vmem>> -> memref<128xi32, #tpu.memory_space<vmem>>
      %dma_wait3A_452 = arith.constant 0 : i32
      %dma_wait3A_453 = tpu.memref_slice %arg8[%dma_wait3A_452] : memref<10240xf32, #tpu.memory_space<vmem_shared>> -> memref<10240xf32, #tpu.memory_space<vmem_shared>>
      tpu.wait_indirect_dma semaphore(%arg16 : memref<!tpu.dma_semaphore, #tpu.memory_space<semaphore_mem>>) src(%dma_wait3A_448 : memref<128xf32, #tpu.memory_space<vmem>>) dst(%dma_wait3A_453 : memref<10240xf32, #tpu.memory_space<vmem_shared>>)
      %dma_wait3A_454 = arith.constant 0 : i32
      %dma_wait3A_455 = arith.constant 1 : i32
      %dma_wait3A_456 = arith.constant 0 : i32
      %dma_wait3A_457 = tpu.memref_slice %arg11[%dma_wait3A_454, %dma_wait3A_455, %dma_wait3A_456] : memref<2x8x128xf32, #tpu.memory_space<vmem>> -> memref<1x1x128xf32, #tpu.memory_space<vmem>>
      %dma_wait3A_458 = tpu.memref_squeeze %dma_wait3A_457 : memref<1x1x128xf32, #tpu.memory_space<vmem>> -> memref<128xf32, #tpu.memory_space<vmem>>
      %dma_wait3A_459 = arith.constant 0 : i32
      %dma_wait3A_460 = tpu.memref_slice %arg10[%add3A_233, %dma_wait3A_459] : memref<160x128xi32, #tpu.memory_space<vmem>> -> memref<1x128xi32, #tpu.memory_space<vmem>>
      %dma_wait3A_461 = tpu.memref_squeeze %dma_wait3A_460 : memref<1x128xi32, #tpu.memory_space<vmem>> -> memref<128xi32, #tpu.memory_space<vmem>>
      %dma_wait3A_462 = arith.constant 0 : i32
      %dma_wait3A_463 = tpu.memref_slice %arg8[%dma_wait3A_462] : memref<10240xf32, #tpu.memory_space<vmem_shared>> -> memref<10240xf32, #tpu.memory_space<vmem_shared>>
      tpu.wait_indirect_dma semaphore(%arg16 : memref<!tpu.dma_semaphore, #tpu.memory_space<semaphore_mem>>) src(%dma_wait3A_458 : memref<128xf32, #tpu.memory_space<vmem>>) dst(%dma_wait3A_463 : memref<10240xf32, #tpu.memory_space<vmem_shared>>)
      %dma_wait3A_464 = arith.constant 0 : i32
      %dma_wait3A_465 = arith.constant 2 : i32
      %dma_wait3A_466 = arith.constant 0 : i32
      %dma_wait3A_467 = tpu.memref_slice %arg11[%dma_wait3A_464, %dma_wait3A_465, %dma_wait3A_466] : memref<2x8x128xf32, #tpu.memory_space<vmem>> -> memref<1x1x128xf32, #tpu.memory_space<vmem>>
      %dma_wait3A_468 = tpu.memref_squeeze %dma_wait3A_467 : memref<1x1x128xf32, #tpu.memory_space<vmem>> -> memref<128xf32, #tpu.memory_space<vmem>>
      %dma_wait3A_469 = arith.constant 0 : i32
      %dma_wait3A_470 = tpu.memref_slice %arg10[%add3A_247, %dma_wait3A_469] : memref<160x128xi32, #tpu.memory_space<vmem>> -> memref<1x128xi32, #tpu.memory_space<vmem>>
      %dma_wait3A_471 = tpu.memref_squeeze %dma_wait3A_470 : memref<1x128xi32, #tpu.memory_space<vmem>> -> memref<128xi32, #tpu.memory_space<vmem>>
      %dma_wait3A_472 = arith.constant 0 : i32
      %dma_wait3A_473 = tpu.memref_slice %arg8[%dma_wait3A_472] : memref<10240xf32, #tpu.memory_space<vmem_shared>> -> memref<10240xf32, #tpu.memory_space<vmem_shared>>
      tpu.wait_indirect_dma semaphore(%arg16 : memref<!tpu.dma_semaphore, #tpu.memory_space<semaphore_mem>>) src(%dma_wait3A_468 : memref<128xf32, #tpu.memory_space<vmem>>) dst(%dma_wait3A_473 : memref<10240xf32, #tpu.memory_space<vmem_shared>>)
      %dma_wait3A_474 = arith.constant 0 : i32
      %dma_wait3A_475 = arith.constant 3 : i32
      %dma_wait3A_476 = arith.constant 0 : i32
      %dma_wait3A_477 = tpu.memref_slice %arg11[%dma_wait3A_474, %dma_wait3A_475, %dma_wait3A_476] : memref<2x8x128xf32, #tpu.memory_space<vmem>> -> memref<1x1x128xf32, #tpu.memory_space<vmem>>
      %dma_wait3A_478 = tpu.memref_squeeze %dma_wait3A_477 : memref<1x1x128xf32, #tpu.memory_space<vmem>> -> memref<128xf32, #tpu.memory_space<vmem>>
      %dma_wait3A_479 = arith.constant 0 : i32
      %dma_wait3A_480 = tpu.memref_slice %arg10[%add3A_261, %dma_wait3A_479] : memref<160x128xi32, #tpu.memory_space<vmem>> -> memref<1x128xi32, #tpu.memory_space<vmem>>
      %dma_wait3A_481 = tpu.memref_squeeze %dma_wait3A_480 : memref<1x128xi32, #tpu.memory_space<vmem>> -> memref<128xi32, #tpu.memory_space<vmem>>
      %dma_wait3A_482 = arith.constant 0 : i32
      %dma_wait3A_483 = tpu.memref_slice %arg8[%dma_wait3A_482] : memref<10240xf32, #tpu.memory_space<vmem_shared>> -> memref<10240xf32, #tpu.memory_space<vmem_shared>>
      tpu.wait_indirect_dma semaphore(%arg16 : memref<!tpu.dma_semaphore, #tpu.memory_space<semaphore_mem>>) src(%dma_wait3A_478 : memref<128xf32, #tpu.memory_space<vmem>>) dst(%dma_wait3A_483 : memref<10240xf32, #tpu.memory_space<vmem_shared>>)
      %dma_wait3A_484 = arith.constant 0 : i32
      %dma_wait3A_485 = arith.constant 4 : i32
      %dma_wait3A_486 = arith.constant 0 : i32
      %dma_wait3A_487 = tpu.memref_slice %arg11[%dma_wait3A_484, %dma_wait3A_485, %dma_wait3A_486] : memref<2x8x128xf32, #tpu.memory_space<vmem>> -> memref<1x1x128xf32, #tpu.memory_space<vmem>>
      %dma_wait3A_488 = tpu.memref_squeeze %dma_wait3A_487 : memref<1x1x128xf32, #tpu.memory_space<vmem>> -> memref<128xf32, #tpu.memory_space<vmem>>
      %dma_wait3A_489 = arith.constant 0 : i32
      %dma_wait3A_490 = tpu.memref_slice %arg10[%add3A_275, %dma_wait3A_489] : memref<160x128xi32, #tpu.memory_space<vmem>> -> memref<1x128xi32, #tpu.memory_space<vmem>>
      %dma_wait3A_491 = tpu.memref_squeeze %dma_wait3A_490 : memref<1x128xi32, #tpu.memory_space<vmem>> -> memref<128xi32, #tpu.memory_space<vmem>>
      %dma_wait3A_492 = arith.constant 0 : i32
      %dma_wait3A_493 = tpu.memref_slice %arg8[%dma_wait3A_492] : memref<10240xf32, #tpu.memory_space<vmem_shared>> -> memref<10240xf32, #tpu.memory_space<vmem_shared>>
      tpu.wait_indirect_dma semaphore(%arg16 : memref<!tpu.dma_semaphore, #tpu.memory_space<semaphore_mem>>) src(%dma_wait3A_488 : memref<128xf32, #tpu.memory_space<vmem>>) dst(%dma_wait3A_493 : memref<10240xf32, #tpu.memory_space<vmem_shared>>)
      %dma_wait3A_494 = arith.constant 0 : i32
      %dma_wait3A_495 = arith.constant 5 : i32
      %dma_wait3A_496 = arith.constant 0 : i32
      %dma_wait3A_497 = tpu.memref_slice %arg11[%dma_wait3A_494, %dma_wait3A_495, %dma_wait3A_496] : memref<2x8x128xf32, #tpu.memory_space<vmem>> -> memref<1x1x128xf32, #tpu.memory_space<vmem>>
      %dma_wait3A_498 = tpu.memref_squeeze %dma_wait3A_497 : memref<1x1x128xf32, #tpu.memory_space<vmem>> -> memref<128xf32, #tpu.memory_space<vmem>>
      %dma_wait3A_499 = arith.constant 0 : i32
      %dma_wait3A_500 = tpu.memref_slice %arg10[%add3A_289, %dma_wait3A_499] : memref<160x128xi32, #tpu.memory_space<vmem>> -> memref<1x128xi32, #tpu.memory_space<vmem>>
      %dma_wait3A_501 = tpu.memref_squeeze %dma_wait3A_500 : memref<1x128xi32, #tpu.memory_space<vmem>> -> memref<128xi32, #tpu.memory_space<vmem>>
      %dma_wait3A_502 = arith.constant 0 : i32
      %dma_wait3A_503 = tpu.memref_slice %arg8[%dma_wait3A_502] : memref<10240xf32, #tpu.memory_space<vmem_shared>> -> memref<10240xf32, #tpu.memory_space<vmem_shared>>
      tpu.wait_indirect_dma semaphore(%arg16 : memref<!tpu.dma_semaphore, #tpu.memory_space<semaphore_mem>>) src(%dma_wait3A_498 : memref<128xf32, #tpu.memory_space<vmem>>) dst(%dma_wait3A_503 : memref<10240xf32, #tpu.memory_space<vmem_shared>>)
      %dma_wait3A_504 = arith.constant 0 : i32
      %dma_wait3A_505 = arith.constant 6 : i32
      %dma_wait3A_506 = arith.constant 0 : i32
      %dma_wait3A_507 = tpu.memref_slice %arg11[%dma_wait3A_504, %dma_wait3A_505, %dma_wait3A_506] : memref<2x8x128xf32, #tpu.memory_space<vmem>> -> memref<1x1x128xf32, #tpu.memory_space<vmem>>
      %dma_wait3A_508 = tpu.memref_squeeze %dma_wait3A_507 : memref<1x1x128xf32, #tpu.memory_space<vmem>> -> memref<128xf32, #tpu.memory_space<vmem>>
      %dma_wait3A_509 = arith.constant 0 : i32
      %dma_wait3A_510 = tpu.memref_slice %arg10[%add3A_303, %dma_wait3A_509] : memref<160x128xi32, #tpu.memory_space<vmem>> -> memref<1x128xi32, #tpu.memory_space<vmem>>
      %dma_wait3A_511 = tpu.memref_squeeze %dma_wait3A_510 : memref<1x128xi32, #tpu.memory_space<vmem>> -> memref<128xi32, #tpu.memory_space<vmem>>
      %dma_wait3A_512 = arith.constant 0 : i32
      %dma_wait3A_513 = tpu.memref_slice %arg8[%dma_wait3A_512] : memref<10240xf32, #tpu.memory_space<vmem_shared>> -> memref<10240xf32, #tpu.memory_space<vmem_shared>>
      tpu.wait_indirect_dma semaphore(%arg16 : memref<!tpu.dma_semaphore, #tpu.memory_space<semaphore_mem>>) src(%dma_wait3A_508 : memref<128xf32, #tpu.memory_space<vmem>>) dst(%dma_wait3A_513 : memref<10240xf32, #tpu.memory_space<vmem_shared>>)
      %dma_wait3A_514 = arith.constant 0 : i32
      %dma_wait3A_515 = arith.constant 7 : i32
      %dma_wait3A_516 = arith.constant 0 : i32
      %dma_wait3A_517 = tpu.memref_slice %arg11[%dma_wait3A_514, %dma_wait3A_515, %dma_wait3A_516] : memref<2x8x128xf32, #tpu.memory_space<vmem>> -> memref<1x1x128xf32, #tpu.memory_space<vmem>>
      %dma_wait3A_518 = tpu.memref_squeeze %dma_wait3A_517 : memref<1x1x128xf32, #tpu.memory_space<vmem>> -> memref<128xf32, #tpu.memory_space<vmem>>
      %dma_wait3A_519 = arith.constant 0 : i32
      %dma_wait3A_520 = tpu.memref_slice %arg10[%add3A_317, %dma_wait3A_519] : memref<160x128xi32, #tpu.memory_space<vmem>> -> memref<1x128xi32, #tpu.memory_space<vmem>>
      %dma_wait3A_521 = tpu.memref_squeeze %dma_wait3A_520 : memref<1x128xi32, #tpu.memory_space<vmem>> -> memref<128xi32, #tpu.memory_space<vmem>>
      %dma_wait3A_522 = arith.constant 0 : i32
      %dma_wait3A_523 = tpu.memref_slice %arg8[%dma_wait3A_522] : memref<10240xf32, #tpu.memory_space<vmem_shared>> -> memref<10240xf32, #tpu.memory_space<vmem_shared>>
      tpu.wait_indirect_dma semaphore(%arg16 : memref<!tpu.dma_semaphore, #tpu.memory_space<semaphore_mem>>) src(%dma_wait3A_518 : memref<128xf32, #tpu.memory_space<vmem>>) dst(%dma_wait3A_523 : memref<10240xf32, #tpu.memory_space<vmem_shared>>)
      %dma_wait3A_524 = arith.constant 1 : i32
      %dma_wait3A_525 = arith.constant 0 : i32
      %dma_wait3A_526 = arith.constant 0 : i32
      %dma_wait3A_527 = tpu.memref_slice %arg11[%dma_wait3A_524, %dma_wait3A_525, %dma_wait3A_526] : memref<2x8x128xf32, #tpu.memory_space<vmem>> -> memref<1x1x128xf32, #tpu.memory_space<vmem>>
      %dma_wait3A_528 = tpu.memref_squeeze %dma_wait3A_527 : memref<1x1x128xf32, #tpu.memory_space<vmem>> -> memref<128xf32, #tpu.memory_space<vmem>>
      %dma_wait3A_529 = arith.constant 0 : i32
      %dma_wait3A_530 = tpu.memref_slice %arg9[%add3A_335, %dma_wait3A_529] : memref<160x128xi32, #tpu.memory_space<vmem>> -> memref<1x128xi32, #tpu.memory_space<vmem>>
      %dma_wait3A_531 = tpu.memref_squeeze %dma_wait3A_530 : memref<1x128xi32, #tpu.memory_space<vmem>> -> memref<128xi32, #tpu.memory_space<vmem>>
      %dma_wait3A_532 = arith.constant 0 : i32
      %dma_wait3A_533 = tpu.memref_slice %arg2[%dma_wait3A_532] : memref<20000xf32, #tpu.memory_space<hbm>> -> memref<20000xf32, #tpu.memory_space<hbm>>
      tpu.wait_indirect_dma semaphore(%arg15 : memref<!tpu.dma_semaphore, #tpu.memory_space<semaphore_mem>>) src(%dma_wait3A_533 : memref<20000xf32, #tpu.memory_space<hbm>>) dst(%dma_wait3A_528 : memref<128xf32, #tpu.memory_space<vmem>>)
      %dma_wait3A_534 = arith.constant 1 : i32
      %dma_wait3A_535 = arith.constant 1 : i32
      %dma_wait3A_536 = arith.constant 0 : i32
      %dma_wait3A_537 = tpu.memref_slice %arg11[%dma_wait3A_534, %dma_wait3A_535, %dma_wait3A_536] : memref<2x8x128xf32, #tpu.memory_space<vmem>> -> memref<1x1x128xf32, #tpu.memory_space<vmem>>
      %dma_wait3A_538 = tpu.memref_squeeze %dma_wait3A_537 : memref<1x1x128xf32, #tpu.memory_space<vmem>> -> memref<128xf32, #tpu.memory_space<vmem>>
      %dma_wait3A_539 = arith.constant 0 : i32
      %dma_wait3A_540 = tpu.memref_slice %arg9[%add3A_349, %dma_wait3A_539] : memref<160x128xi32, #tpu.memory_space<vmem>> -> memref<1x128xi32, #tpu.memory_space<vmem>>
      %dma_wait3A_541 = tpu.memref_squeeze %dma_wait3A_540 : memref<1x128xi32, #tpu.memory_space<vmem>> -> memref<128xi32, #tpu.memory_space<vmem>>
      %dma_wait3A_542 = arith.constant 0 : i32
      %dma_wait3A_543 = tpu.memref_slice %arg2[%dma_wait3A_542] : memref<20000xf32, #tpu.memory_space<hbm>> -> memref<20000xf32, #tpu.memory_space<hbm>>
      tpu.wait_indirect_dma semaphore(%arg15 : memref<!tpu.dma_semaphore, #tpu.memory_space<semaphore_mem>>) src(%dma_wait3A_543 : memref<20000xf32, #tpu.memory_space<hbm>>) dst(%dma_wait3A_538 : memref<128xf32, #tpu.memory_space<vmem>>)
      %dma_wait3A_544 = arith.constant 1 : i32
      %dma_wait3A_545 = arith.constant 2 : i32
      %dma_wait3A_546 = arith.constant 0 : i32
      %dma_wait3A_547 = tpu.memref_slice %arg11[%dma_wait3A_544, %dma_wait3A_545, %dma_wait3A_546] : memref<2x8x128xf32, #tpu.memory_space<vmem>> -> memref<1x1x128xf32, #tpu.memory_space<vmem>>
      %dma_wait3A_548 = tpu.memref_squeeze %dma_wait3A_547 : memref<1x1x128xf32, #tpu.memory_space<vmem>> -> memref<128xf32, #tpu.memory_space<vmem>>
      %dma_wait3A_549 = arith.constant 0 : i32
      %dma_wait3A_550 = tpu.memref_slice %arg9[%add3A_363, %dma_wait3A_549] : memref<160x128xi32, #tpu.memory_space<vmem>> -> memref<1x128xi32, #tpu.memory_space<vmem>>
      %dma_wait3A_551 = tpu.memref_squeeze %dma_wait3A_550 : memref<1x128xi32, #tpu.memory_space<vmem>> -> memref<128xi32, #tpu.memory_space<vmem>>
      %dma_wait3A_552 = arith.constant 0 : i32
      %dma_wait3A_553 = tpu.memref_slice %arg2[%dma_wait3A_552] : memref<20000xf32, #tpu.memory_space<hbm>> -> memref<20000xf32, #tpu.memory_space<hbm>>
      tpu.wait_indirect_dma semaphore(%arg15 : memref<!tpu.dma_semaphore, #tpu.memory_space<semaphore_mem>>) src(%dma_wait3A_553 : memref<20000xf32, #tpu.memory_space<hbm>>) dst(%dma_wait3A_548 : memref<128xf32, #tpu.memory_space<vmem>>)
      %dma_wait3A_554 = arith.constant 1 : i32
      %dma_wait3A_555 = arith.constant 3 : i32
      %dma_wait3A_556 = arith.constant 0 : i32
      %dma_wait3A_557 = tpu.memref_slice %arg11[%dma_wait3A_554, %dma_wait3A_555, %dma_wait3A_556] : memref<2x8x128xf32, #tpu.memory_space<vmem>> -> memref<1x1x128xf32, #tpu.memory_space<vmem>>
      %dma_wait3A_558 = tpu.memref_squeeze %dma_wait3A_557 : memref<1x1x128xf32, #tpu.memory_space<vmem>> -> memref<128xf32, #tpu.memory_space<vmem>>
      %dma_wait3A_559 = arith.constant 0 : i32
      %dma_wait3A_560 = tpu.memref_slice %arg9[%add3A_377, %dma_wait3A_559] : memref<160x128xi32, #tpu.memory_space<vmem>> -> memref<1x128xi32, #tpu.memory_space<vmem>>
      %dma_wait3A_561 = tpu.memref_squeeze %dma_wait3A_560 : memref<1x128xi32, #tpu.memory_space<vmem>> -> memref<128xi32, #tpu.memory_space<vmem>>
      %dma_wait3A_562 = arith.constant 0 : i32
      %dma_wait3A_563 = tpu.memref_slice %arg2[%dma_wait3A_562] : memref<20000xf32, #tpu.memory_space<hbm>> -> memref<20000xf32, #tpu.memory_space<hbm>>
      tpu.wait_indirect_dma semaphore(%arg15 : memref<!tpu.dma_semaphore, #tpu.memory_space<semaphore_mem>>) src(%dma_wait3A_563 : memref<20000xf32, #tpu.memory_space<hbm>>) dst(%dma_wait3A_558 : memref<128xf32, #tpu.memory_space<vmem>>)
      %dma_wait3A_564 = arith.constant 1 : i32
      %dma_wait3A_565 = arith.constant 4 : i32
      %dma_wait3A_566 = arith.constant 0 : i32
      %dma_wait3A_567 = tpu.memref_slice %arg11[%dma_wait3A_564, %dma_wait3A_565, %dma_wait3A_566] : memref<2x8x128xf32, #tpu.memory_space<vmem>> -> memref<1x1x128xf32, #tpu.memory_space<vmem>>
      %dma_wait3A_568 = tpu.memref_squeeze %dma_wait3A_567 : memref<1x1x128xf32, #tpu.memory_space<vmem>> -> memref<128xf32, #tpu.memory_space<vmem>>
      %dma_wait3A_569 = arith.constant 0 : i32
      %dma_wait3A_570 = tpu.memref_slice %arg9[%add3A_391, %dma_wait3A_569] : memref<160x128xi32, #tpu.memory_space<vmem>> -> memref<1x128xi32, #tpu.memory_space<vmem>>
      %dma_wait3A_571 = tpu.memref_squeeze %dma_wait3A_570 : memref<1x128xi32, #tpu.memory_space<vmem>> -> memref<128xi32, #tpu.memory_space<vmem>>
      %dma_wait3A_572 = arith.constant 0 : i32
      %dma_wait3A_573 = tpu.memref_slice %arg2[%dma_wait3A_572] : memref<20000xf32, #tpu.memory_space<hbm>> -> memref<20000xf32, #tpu.memory_space<hbm>>
      tpu.wait_indirect_dma semaphore(%arg15 : memref<!tpu.dma_semaphore, #tpu.memory_space<semaphore_mem>>) src(%dma_wait3A_573 : memref<20000xf32, #tpu.memory_space<hbm>>) dst(%dma_wait3A_568 : memref<128xf32, #tpu.memory_space<vmem>>)
      %dma_wait3A_574 = arith.constant 1 : i32
      %dma_wait3A_575 = arith.constant 5 : i32
      %dma_wait3A_576 = arith.constant 0 : i32
      %dma_wait3A_577 = tpu.memref_slice %arg11[%dma_wait3A_574, %dma_wait3A_575, %dma_wait3A_576] : memref<2x8x128xf32, #tpu.memory_space<vmem>> -> memref<1x1x128xf32, #tpu.memory_space<vmem>>
      %dma_wait3A_578 = tpu.memref_squeeze %dma_wait3A_577 : memref<1x1x128xf32, #tpu.memory_space<vmem>> -> memref<128xf32, #tpu.memory_space<vmem>>
      %dma_wait3A_579 = arith.constant 0 : i32
      %dma_wait3A_580 = tpu.memref_slice %arg9[%add3A_405, %dma_wait3A_579] : memref<160x128xi32, #tpu.memory_space<vmem>> -> memref<1x128xi32, #tpu.memory_space<vmem>>
      %dma_wait3A_581 = tpu.memref_squeeze %dma_wait3A_580 : memref<1x128xi32, #tpu.memory_space<vmem>> -> memref<128xi32, #tpu.memory_space<vmem>>
      %dma_wait3A_582 = arith.constant 0 : i32
      %dma_wait3A_583 = tpu.memref_slice %arg2[%dma_wait3A_582] : memref<20000xf32, #tpu.memory_space<hbm>> -> memref<20000xf32, #tpu.memory_space<hbm>>
      tpu.wait_indirect_dma semaphore(%arg15 : memref<!tpu.dma_semaphore, #tpu.memory_space<semaphore_mem>>) src(%dma_wait3A_583 : memref<20000xf32, #tpu.memory_space<hbm>>) dst(%dma_wait3A_578 : memref<128xf32, #tpu.memory_space<vmem>>)
      %dma_wait3A_584 = arith.constant 1 : i32
      %dma_wait3A_585 = arith.constant 6 : i32
      %dma_wait3A_586 = arith.constant 0 : i32
      %dma_wait3A_587 = tpu.memref_slice %arg11[%dma_wait3A_584, %dma_wait3A_585, %dma_wait3A_586] : memref<2x8x128xf32, #tpu.memory_space<vmem>> -> memref<1x1x128xf32, #tpu.memory_space<vmem>>
      %dma_wait3A_588 = tpu.memref_squeeze %dma_wait3A_587 : memref<1x1x128xf32, #tpu.memory_space<vmem>> -> memref<128xf32, #tpu.memory_space<vmem>>
      %dma_wait3A_589 = arith.constant 0 : i32
      %dma_wait3A_590 = tpu.memref_slice %arg9[%add3A_419, %dma_wait3A_589] : memref<160x128xi32, #tpu.memory_space<vmem>> -> memref<1x128xi32, #tpu.memory_space<vmem>>
      %dma_wait3A_591 = tpu.memref_squeeze %dma_wait3A_590 : memref<1x128xi32, #tpu.memory_space<vmem>> -> memref<128xi32, #tpu.memory_space<vmem>>
      %dma_wait3A_592 = arith.constant 0 : i32
      %dma_wait3A_593 = tpu.memref_slice %arg2[%dma_wait3A_592] : memref<20000xf32, #tpu.memory_space<hbm>> -> memref<20000xf32, #tpu.memory_space<hbm>>
      tpu.wait_indirect_dma semaphore(%arg15 : memref<!tpu.dma_semaphore, #tpu.memory_space<semaphore_mem>>) src(%dma_wait3A_593 : memref<20000xf32, #tpu.memory_space<hbm>>) dst(%dma_wait3A_588 : memref<128xf32, #tpu.memory_space<vmem>>)
      %dma_wait3A_594 = arith.constant 1 : i32
      %dma_wait3A_595 = arith.constant 7 : i32
      %dma_wait3A_596 = arith.constant 0 : i32
      %dma_wait3A_597 = tpu.memref_slice %arg11[%dma_wait3A_594, %dma_wait3A_595, %dma_wait3A_596] : memref<2x8x128xf32, #tpu.memory_space<vmem>> -> memref<1x1x128xf32, #tpu.memory_space<vmem>>
      %dma_wait3A_598 = tpu.memref_squeeze %dma_wait3A_597 : memref<1x1x128xf32, #tpu.memory_space<vmem>> -> memref<128xf32, #tpu.memory_space<vmem>>
      %dma_wait3A_599 = arith.constant 0 : i32
      %dma_wait3A_600 = tpu.memref_slice %arg9[%add3A_433, %dma_wait3A_599] : memref<160x128xi32, #tpu.memory_space<vmem>> -> memref<1x128xi32, #tpu.memory_space<vmem>>
      %dma_wait3A_601 = tpu.memref_squeeze %dma_wait3A_600 : memref<1x128xi32, #tpu.memory_space<vmem>> -> memref<128xi32, #tpu.memory_space<vmem>>
      %dma_wait3A_602 = arith.constant 0 : i32
      %dma_wait3A_603 = tpu.memref_slice %arg2[%dma_wait3A_602] : memref<20000xf32, #tpu.memory_space<hbm>> -> memref<20000xf32, #tpu.memory_space<hbm>>
      tpu.wait_indirect_dma semaphore(%arg15 : memref<!tpu.dma_semaphore, #tpu.memory_space<semaphore_mem>>) src(%dma_wait3A_603 : memref<20000xf32, #tpu.memory_space<hbm>>) dst(%dma_wait3A_598 : memref<128xf32, #tpu.memory_space<vmem>>)
      %mul3A_604 = arith.constant 2 : i32
      %mul3A_605 = arith.muli %mul3A_604, %scan3A_21 : i32
      %add3A_606 = arith.constant 1 : i32
      %add3A_607 = arith.addi %mul3A_605, %add3A_606 : i32
      %mul3A_608 = arith.constant 8 : i32
      %mul3A_609 = arith.muli %add3A_607, %mul3A_608 : i32
      %add3A_610 = arith.constant 0 : i32
      %add3A_611 = arith.addi %mul3A_609, %add3A_610 : i32
      %dma_start3A_612 = arith.constant 1 : i32
      %dma_start3A_613 = arith.constant 0 : i32
      %dma_start3A_614 = arith.constant 0 : i32
      %dma_start3A_615 = tpu.memref_slice %arg11[%dma_start3A_612, %dma_start3A_613, %dma_start3A_614] : memref<2x8x128xf32, #tpu.memory_space<vmem>> -> memref<1x1x128xf32, #tpu.memory_space<vmem>>
      %dma_start3A_616 = tpu.memref_squeeze %dma_start3A_615 : memref<1x1x128xf32, #tpu.memory_space<vmem>> -> memref<128xf32, #tpu.memory_space<vmem>>
      %dma_start3A_617 = arith.constant 0 : i32
      %dma_start3A_618 = tpu.memref_slice %arg10[%add3A_611, %dma_start3A_617] : memref<160x128xi32, #tpu.memory_space<vmem>> -> memref<1x128xi32, #tpu.memory_space<vmem>>
      %dma_start3A_619 = tpu.memref_squeeze %dma_start3A_618 : memref<1x128xi32, #tpu.memory_space<vmem>> -> memref<128xi32, #tpu.memory_space<vmem>>
      %dma_start3A_620 = arith.constant 0 : i32
      %dma_start3A_621 = tpu.memref_slice %arg8[%dma_start3A_620] : memref<10240xf32, #tpu.memory_space<vmem_shared>> -> memref<10240xf32, #tpu.memory_space<vmem_shared>>
      tpu.enqueue_indirect_dma source(%dma_start3A_616 : memref<128xf32, #tpu.memory_space<vmem>>) target(%dma_start3A_621 : memref<10240xf32, #tpu.memory_space<vmem_shared>>) offsets(%dma_start3A_619 : memref<128xi32, #tpu.memory_space<vmem>>) semaphore(%arg16 : memref<!tpu.dma_semaphore, #tpu.memory_space<semaphore_mem>>) {add = true}
      %mul3A_622 = arith.constant 8 : i32
      %mul3A_623 = arith.muli %add3A_607, %mul3A_622 : i32
      %add3A_624 = arith.constant 1 : i32
      %add3A_625 = arith.addi %mul3A_623, %add3A_624 : i32
      %dma_start3A_626 = arith.constant 1 : i32
      %dma_start3A_627 = arith.constant 1 : i32
      %dma_start3A_628 = arith.constant 0 : i32
      %dma_start3A_629 = tpu.memref_slice %arg11[%dma_start3A_626, %dma_start3A_627, %dma_start3A_628] : memref<2x8x128xf32, #tpu.memory_space<vmem>> -> memref<1x1x128xf32, #tpu.memory_space<vmem>>
      %dma_start3A_630 = tpu.memref_squeeze %dma_start3A_629 : memref<1x1x128xf32, #tpu.memory_space<vmem>> -> memref<128xf32, #tpu.memory_space<vmem>>
      %dma_start3A_631 = arith.constant 0 : i32
      %dma_start3A_632 = tpu.memref_slice %arg10[%add3A_625, %dma_start3A_631] : memref<160x128xi32, #tpu.memory_space<vmem>> -> memref<1x128xi32, #tpu.memory_space<vmem>>
      %dma_start3A_633 = tpu.memref_squeeze %dma_start3A_632 : memref<1x128xi32, #tpu.memory_space<vmem>> -> memref<128xi32, #tpu.memory_space<vmem>>
      %dma_start3A_634 = arith.constant 0 : i32
      %dma_start3A_635 = tpu.memref_slice %arg8[%dma_start3A_634] : memref<10240xf32, #tpu.memory_space<vmem_shared>> -> memref<10240xf32, #tpu.memory_space<vmem_shared>>
      tpu.enqueue_indirect_dma source(%dma_start3A_630 : memref<128xf32, #tpu.memory_space<vmem>>) target(%dma_start3A_635 : memref<10240xf32, #tpu.memory_space<vmem_shared>>) offsets(%dma_start3A_633 : memref<128xi32, #tpu.memory_space<vmem>>) semaphore(%arg16 : memref<!tpu.dma_semaphore, #tpu.memory_space<semaphore_mem>>) {add = true}
      %mul3A_636 = arith.constant 8 : i32
      %mul3A_637 = arith.muli %add3A_607, %mul3A_636 : i32
      %add3A_638 = arith.constant 2 : i32
      %add3A_639 = arith.addi %mul3A_637, %add3A_638 : i32
      %dma_start3A_640 = arith.constant 1 : i32
      %dma_start3A_641 = arith.constant 2 : i32
      %dma_start3A_642 = arith.constant 0 : i32
      %dma_start3A_643 = tpu.memref_slice %arg11[%dma_start3A_640, %dma_start3A_641, %dma_start3A_642] : memref<2x8x128xf32, #tpu.memory_space<vmem>> -> memref<1x1x128xf32, #tpu.memory_space<vmem>>
      %dma_start3A_644 = tpu.memref_squeeze %dma_start3A_643 : memref<1x1x128xf32, #tpu.memory_space<vmem>> -> memref<128xf32, #tpu.memory_space<vmem>>
      %dma_start3A_645 = arith.constant 0 : i32
      %dma_start3A_646 = tpu.memref_slice %arg10[%add3A_639, %dma_start3A_645] : memref<160x128xi32, #tpu.memory_space<vmem>> -> memref<1x128xi32, #tpu.memory_space<vmem>>
      %dma_start3A_647 = tpu.memref_squeeze %dma_start3A_646 : memref<1x128xi32, #tpu.memory_space<vmem>> -> memref<128xi32, #tpu.memory_space<vmem>>
      %dma_start3A_648 = arith.constant 0 : i32
      %dma_start3A_649 = tpu.memref_slice %arg8[%dma_start3A_648] : memref<10240xf32, #tpu.memory_space<vmem_shared>> -> memref<10240xf32, #tpu.memory_space<vmem_shared>>
      tpu.enqueue_indirect_dma source(%dma_start3A_644 : memref<128xf32, #tpu.memory_space<vmem>>) target(%dma_start3A_649 : memref<10240xf32, #tpu.memory_space<vmem_shared>>) offsets(%dma_start3A_647 : memref<128xi32, #tpu.memory_space<vmem>>) semaphore(%arg16 : memref<!tpu.dma_semaphore, #tpu.memory_space<semaphore_mem>>) {add = true}
      %mul3A_650 = arith.constant 8 : i32
      %mul3A_651 = arith.muli %add3A_607, %mul3A_650 : i32
      %add3A_652 = arith.constant 3 : i32
      %add3A_653 = arith.addi %mul3A_651, %add3A_652 : i32
      %dma_start3A_654 = arith.constant 1 : i32
      %dma_start3A_655 = arith.constant 3 : i32
      %dma_start3A_656 = arith.constant 0 : i32
      %dma_start3A_657 = tpu.memref_slice %arg11[%dma_start3A_654, %dma_start3A_655, %dma_start3A_656] : memref<2x8x128xf32, #tpu.memory_space<vmem>> -> memref<1x1x128xf32, #tpu.memory_space<vmem>>
      %dma_start3A_658 = tpu.memref_squeeze %dma_start3A_657 : memref<1x1x128xf32, #tpu.memory_space<vmem>> -> memref<128xf32, #tpu.memory_space<vmem>>
      %dma_start3A_659 = arith.constant 0 : i32
      %dma_start3A_660 = tpu.memref_slice %arg10[%add3A_653, %dma_start3A_659] : memref<160x128xi32, #tpu.memory_space<vmem>> -> memref<1x128xi32, #tpu.memory_space<vmem>>
      %dma_start3A_661 = tpu.memref_squeeze %dma_start3A_660 : memref<1x128xi32, #tpu.memory_space<vmem>> -> memref<128xi32, #tpu.memory_space<vmem>>
      %dma_start3A_662 = arith.constant 0 : i32
      %dma_start3A_663 = tpu.memref_slice %arg8[%dma_start3A_662] : memref<10240xf32, #tpu.memory_space<vmem_shared>> -> memref<10240xf32, #tpu.memory_space<vmem_shared>>
      tpu.enqueue_indirect_dma source(%dma_start3A_658 : memref<128xf32, #tpu.memory_space<vmem>>) target(%dma_start3A_663 : memref<10240xf32, #tpu.memory_space<vmem_shared>>) offsets(%dma_start3A_661 : memref<128xi32, #tpu.memory_space<vmem>>) semaphore(%arg16 : memref<!tpu.dma_semaphore, #tpu.memory_space<semaphore_mem>>) {add = true}
      %mul3A_664 = arith.constant 8 : i32
      %mul3A_665 = arith.muli %add3A_607, %mul3A_664 : i32
      %add3A_666 = arith.constant 4 : i32
      %add3A_667 = arith.addi %mul3A_665, %add3A_666 : i32
      %dma_start3A_668 = arith.constant 1 : i32
      %dma_start3A_669 = arith.constant 4 : i32
      %dma_start3A_670 = arith.constant 0 : i32
      %dma_start3A_671 = tpu.memref_slice %arg11[%dma_start3A_668, %dma_start3A_669, %dma_start3A_670] : memref<2x8x128xf32, #tpu.memory_space<vmem>> -> memref<1x1x128xf32, #tpu.memory_space<vmem>>
      %dma_start3A_672 = tpu.memref_squeeze %dma_start3A_671 : memref<1x1x128xf32, #tpu.memory_space<vmem>> -> memref<128xf32, #tpu.memory_space<vmem>>
      %dma_start3A_673 = arith.constant 0 : i32
      %dma_start3A_674 = tpu.memref_slice %arg10[%add3A_667, %dma_start3A_673] : memref<160x128xi32, #tpu.memory_space<vmem>> -> memref<1x128xi32, #tpu.memory_space<vmem>>
      %dma_start3A_675 = tpu.memref_squeeze %dma_start3A_674 : memref<1x128xi32, #tpu.memory_space<vmem>> -> memref<128xi32, #tpu.memory_space<vmem>>
      %dma_start3A_676 = arith.constant 0 : i32
      %dma_start3A_677 = tpu.memref_slice %arg8[%dma_start3A_676] : memref<10240xf32, #tpu.memory_space<vmem_shared>> -> memref<10240xf32, #tpu.memory_space<vmem_shared>>
      tpu.enqueue_indirect_dma source(%dma_start3A_672 : memref<128xf32, #tpu.memory_space<vmem>>) target(%dma_start3A_677 : memref<10240xf32, #tpu.memory_space<vmem_shared>>) offsets(%dma_start3A_675 : memref<128xi32, #tpu.memory_space<vmem>>) semaphore(%arg16 : memref<!tpu.dma_semaphore, #tpu.memory_space<semaphore_mem>>) {add = true}
      %mul3A_678 = arith.constant 8 : i32
      %mul3A_679 = arith.muli %add3A_607, %mul3A_678 : i32
      %add3A_680 = arith.constant 5 : i32
      %add3A_681 = arith.addi %mul3A_679, %add3A_680 : i32
      %dma_start3A_682 = arith.constant 1 : i32
      %dma_start3A_683 = arith.constant 5 : i32
      %dma_start3A_684 = arith.constant 0 : i32
      %dma_start3A_685 = tpu.memref_slice %arg11[%dma_start3A_682, %dma_start3A_683, %dma_start3A_684] : memref<2x8x128xf32, #tpu.memory_space<vmem>> -> memref<1x1x128xf32, #tpu.memory_space<vmem>>
      %dma_start3A_686 = tpu.memref_squeeze %dma_start3A_685 : memref<1x1x128xf32, #tpu.memory_space<vmem>> -> memref<128xf32, #tpu.memory_space<vmem>>
      %dma_start3A_687 = arith.constant 0 : i32
      %dma_start3A_688 = tpu.memref_slice %arg10[%add3A_681, %dma_start3A_687] : memref<160x128xi32, #tpu.memory_space<vmem>> -> memref<1x128xi32, #tpu.memory_space<vmem>>
      %dma_start3A_689 = tpu.memref_squeeze %dma_start3A_688 : memref<1x128xi32, #tpu.memory_space<vmem>> -> memref<128xi32, #tpu.memory_space<vmem>>
      %dma_start3A_690 = arith.constant 0 : i32
      %dma_start3A_691 = tpu.memref_slice %arg8[%dma_start3A_690] : memref<10240xf32, #tpu.memory_space<vmem_shared>> -> memref<10240xf32, #tpu.memory_space<vmem_shared>>
      tpu.enqueue_indirect_dma source(%dma_start3A_686 : memref<128xf32, #tpu.memory_space<vmem>>) target(%dma_start3A_691 : memref<10240xf32, #tpu.memory_space<vmem_shared>>) offsets(%dma_start3A_689 : memref<128xi32, #tpu.memory_space<vmem>>) semaphore(%arg16 : memref<!tpu.dma_semaphore, #tpu.memory_space<semaphore_mem>>) {add = true}
      %mul3A_692 = arith.constant 8 : i32
      %mul3A_693 = arith.muli %add3A_607, %mul3A_692 : i32
      %add3A_694 = arith.constant 6 : i32
      %add3A_695 = arith.addi %mul3A_693, %add3A_694 : i32
      %dma_start3A_696 = arith.constant 1 : i32
      %dma_start3A_697 = arith.constant 6 : i32
      %dma_start3A_698 = arith.constant 0 : i32
      %dma_start3A_699 = tpu.memref_slice %arg11[%dma_start3A_696, %dma_start3A_697, %dma_start3A_698] : memref<2x8x128xf32, #tpu.memory_space<vmem>> -> memref<1x1x128xf32, #tpu.memory_space<vmem>>
      %dma_start3A_700 = tpu.memref_squeeze %dma_start3A_699 : memref<1x1x128xf32, #tpu.memory_space<vmem>> -> memref<128xf32, #tpu.memory_space<vmem>>
      %dma_start3A_701 = arith.constant 0 : i32
      %dma_start3A_702 = tpu.memref_slice %arg10[%add3A_695, %dma_start3A_701] : memref<160x128xi32, #tpu.memory_space<vmem>> -> memref<1x128xi32, #tpu.memory_space<vmem>>
      %dma_start3A_703 = tpu.memref_squeeze %dma_start3A_702 : memref<1x128xi32, #tpu.memory_space<vmem>> -> memref<128xi32, #tpu.memory_space<vmem>>
      %dma_start3A_704 = arith.constant 0 : i32
      %dma_start3A_705 = tpu.memref_slice %arg8[%dma_start3A_704] : memref<10240xf32, #tpu.memory_space<vmem_shared>> -> memref<10240xf32, #tpu.memory_space<vmem_shared>>
      tpu.enqueue_indirect_dma source(%dma_start3A_700 : memref<128xf32, #tpu.memory_space<vmem>>) target(%dma_start3A_705 : memref<10240xf32, #tpu.memory_space<vmem_shared>>) offsets(%dma_start3A_703 : memref<128xi32, #tpu.memory_space<vmem>>) semaphore(%arg16 : memref<!tpu.dma_semaphore, #tpu.memory_space<semaphore_mem>>) {add = true}
      %mul3A_706 = arith.constant 8 : i32
      %mul3A_707 = arith.muli %add3A_607, %mul3A_706 : i32
      %add3A_708 = arith.constant 7 : i32
      %add3A_709 = arith.addi %mul3A_707, %add3A_708 : i32
      %dma_start3A_710 = arith.constant 1 : i32
      %dma_start3A_711 = arith.constant 7 : i32
      %dma_start3A_712 = arith.constant 0 : i32
      %dma_start3A_713 = tpu.memref_slice %arg11[%dma_start3A_710, %dma_start3A_711, %dma_start3A_712] : memref<2x8x128xf32, #tpu.memory_space<vmem>> -> memref<1x1x128xf32, #tpu.memory_space<vmem>>
      %dma_start3A_714 = tpu.memref_squeeze %dma_start3A_713 : memref<1x1x128xf32, #tpu.memory_space<vmem>> -> memref<128xf32, #tpu.memory_space<vmem>>
      %dma_start3A_715 = arith.constant 0 : i32
      %dma_start3A_716 = tpu.memref_slice %arg10[%add3A_709, %dma_start3A_715] : memref<160x128xi32, #tpu.memory_space<vmem>> -> memref<1x128xi32, #tpu.memory_space<vmem>>
      %dma_start3A_717 = tpu.memref_squeeze %dma_start3A_716 : memref<1x128xi32, #tpu.memory_space<vmem>> -> memref<128xi32, #tpu.memory_space<vmem>>
      %dma_start3A_718 = arith.constant 0 : i32
      %dma_start3A_719 = tpu.memref_slice %arg8[%dma_start3A_718] : memref<10240xf32, #tpu.memory_space<vmem_shared>> -> memref<10240xf32, #tpu.memory_space<vmem_shared>>
      tpu.enqueue_indirect_dma source(%dma_start3A_714 : memref<128xf32, #tpu.memory_space<vmem>>) target(%dma_start3A_719 : memref<10240xf32, #tpu.memory_space<vmem_shared>>) offsets(%dma_start3A_717 : memref<128xi32, #tpu.memory_space<vmem>>) semaphore(%arg16 : memref<!tpu.dma_semaphore, #tpu.memory_space<semaphore_mem>>) {add = true}
      %dma_wait3A_720 = arith.constant 1 : i32
      %dma_wait3A_721 = arith.constant 0 : i32
      %dma_wait3A_722 = arith.constant 0 : i32
      %dma_wait3A_723 = tpu.memref_slice %arg11[%dma_wait3A_720, %dma_wait3A_721, %dma_wait3A_722] : memref<2x8x128xf32, #tpu.memory_space<vmem>> -> memref<1x1x128xf32, #tpu.memory_space<vmem>>
      %dma_wait3A_724 = tpu.memref_squeeze %dma_wait3A_723 : memref<1x1x128xf32, #tpu.memory_space<vmem>> -> memref<128xf32, #tpu.memory_space<vmem>>
      %dma_wait3A_725 = arith.constant 0 : i32
      %dma_wait3A_726 = tpu.memref_slice %arg10[%add3A_611, %dma_wait3A_725] : memref<160x128xi32, #tpu.memory_space<vmem>> -> memref<1x128xi32, #tpu.memory_space<vmem>>
      %dma_wait3A_727 = tpu.memref_squeeze %dma_wait3A_726 : memref<1x128xi32, #tpu.memory_space<vmem>> -> memref<128xi32, #tpu.memory_space<vmem>>
      %dma_wait3A_728 = arith.constant 0 : i32
      %dma_wait3A_729 = tpu.memref_slice %arg8[%dma_wait3A_728] : memref<10240xf32, #tpu.memory_space<vmem_shared>> -> memref<10240xf32, #tpu.memory_space<vmem_shared>>
      tpu.wait_indirect_dma semaphore(%arg16 : memref<!tpu.dma_semaphore, #tpu.memory_space<semaphore_mem>>) src(%dma_wait3A_724 : memref<128xf32, #tpu.memory_space<vmem>>) dst(%dma_wait3A_729 : memref<10240xf32, #tpu.memory_space<vmem_shared>>)
      %dma_wait3A_730 = arith.constant 1 : i32
      %dma_wait3A_731 = arith.constant 1 : i32
      %dma_wait3A_732 = arith.constant 0 : i32
      %dma_wait3A_733 = tpu.memref_slice %arg11[%dma_wait3A_730, %dma_wait3A_731, %dma_wait3A_732] : memref<2x8x128xf32, #tpu.memory_space<vmem>> -> memref<1x1x128xf32, #tpu.memory_space<vmem>>
      %dma_wait3A_734 = tpu.memref_squeeze %dma_wait3A_733 : memref<1x1x128xf32, #tpu.memory_space<vmem>> -> memref<128xf32, #tpu.memory_space<vmem>>
      %dma_wait3A_735 = arith.constant 0 : i32
      %dma_wait3A_736 = tpu.memref_slice %arg10[%add3A_625, %dma_wait3A_735] : memref<160x128xi32, #tpu.memory_space<vmem>> -> memref<1x128xi32, #tpu.memory_space<vmem>>
      %dma_wait3A_737 = tpu.memref_squeeze %dma_wait3A_736 : memref<1x128xi32, #tpu.memory_space<vmem>> -> memref<128xi32, #tpu.memory_space<vmem>>
      %dma_wait3A_738 = arith.constant 0 : i32
      %dma_wait3A_739 = tpu.memref_slice %arg8[%dma_wait3A_738] : memref<10240xf32, #tpu.memory_space<vmem_shared>> -> memref<10240xf32, #tpu.memory_space<vmem_shared>>
      tpu.wait_indirect_dma semaphore(%arg16 : memref<!tpu.dma_semaphore, #tpu.memory_space<semaphore_mem>>) src(%dma_wait3A_734 : memref<128xf32, #tpu.memory_space<vmem>>) dst(%dma_wait3A_739 : memref<10240xf32, #tpu.memory_space<vmem_shared>>)
      %dma_wait3A_740 = arith.constant 1 : i32
      %dma_wait3A_741 = arith.constant 2 : i32
      %dma_wait3A_742 = arith.constant 0 : i32
      %dma_wait3A_743 = tpu.memref_slice %arg11[%dma_wait3A_740, %dma_wait3A_741, %dma_wait3A_742] : memref<2x8x128xf32, #tpu.memory_space<vmem>> -> memref<1x1x128xf32, #tpu.memory_space<vmem>>
      %dma_wait3A_744 = tpu.memref_squeeze %dma_wait3A_743 : memref<1x1x128xf32, #tpu.memory_space<vmem>> -> memref<128xf32, #tpu.memory_space<vmem>>
      %dma_wait3A_745 = arith.constant 0 : i32
      %dma_wait3A_746 = tpu.memref_slice %arg10[%add3A_639, %dma_wait3A_745] : memref<160x128xi32, #tpu.memory_space<vmem>> -> memref<1x128xi32, #tpu.memory_space<vmem>>
      %dma_wait3A_747 = tpu.memref_squeeze %dma_wait3A_746 : memref<1x128xi32, #tpu.memory_space<vmem>> -> memref<128xi32, #tpu.memory_space<vmem>>
      %dma_wait3A_748 = arith.constant 0 : i32
      %dma_wait3A_749 = tpu.memref_slice %arg8[%dma_wait3A_748] : memref<10240xf32, #tpu.memory_space<vmem_shared>> -> memref<10240xf32, #tpu.memory_space<vmem_shared>>
      tpu.wait_indirect_dma semaphore(%arg16 : memref<!tpu.dma_semaphore, #tpu.memory_space<semaphore_mem>>) src(%dma_wait3A_744 : memref<128xf32, #tpu.memory_space<vmem>>) dst(%dma_wait3A_749 : memref<10240xf32, #tpu.memory_space<vmem_shared>>)
      %dma_wait3A_750 = arith.constant 1 : i32
      %dma_wait3A_751 = arith.constant 3 : i32
      %dma_wait3A_752 = arith.constant 0 : i32
      %dma_wait3A_753 = tpu.memref_slice %arg11[%dma_wait3A_750, %dma_wait3A_751, %dma_wait3A_752] : memref<2x8x128xf32, #tpu.memory_space<vmem>> -> memref<1x1x128xf32, #tpu.memory_space<vmem>>
      %dma_wait3A_754 = tpu.memref_squeeze %dma_wait3A_753 : memref<1x1x128xf32, #tpu.memory_space<vmem>> -> memref<128xf32, #tpu.memory_space<vmem>>
      %dma_wait3A_755 = arith.constant 0 : i32
      %dma_wait3A_756 = tpu.memref_slice %arg10[%add3A_653, %dma_wait3A_755] : memref<160x128xi32, #tpu.memory_space<vmem>> -> memref<1x128xi32, #tpu.memory_space<vmem>>
      %dma_wait3A_757 = tpu.memref_squeeze %dma_wait3A_756 : memref<1x128xi32, #tpu.memory_space<vmem>> -> memref<128xi32, #tpu.memory_space<vmem>>
      %dma_wait3A_758 = arith.constant 0 : i32
      %dma_wait3A_759 = tpu.memref_slice %arg8[%dma_wait3A_758] : memref<10240xf32, #tpu.memory_space<vmem_shared>> -> memref<10240xf32, #tpu.memory_space<vmem_shared>>
      tpu.wait_indirect_dma semaphore(%arg16 : memref<!tpu.dma_semaphore, #tpu.memory_space<semaphore_mem>>) src(%dma_wait3A_754 : memref<128xf32, #tpu.memory_space<vmem>>) dst(%dma_wait3A_759 : memref<10240xf32, #tpu.memory_space<vmem_shared>>)
      %dma_wait3A_760 = arith.constant 1 : i32
      %dma_wait3A_761 = arith.constant 4 : i32
      %dma_wait3A_762 = arith.constant 0 : i32
      %dma_wait3A_763 = tpu.memref_slice %arg11[%dma_wait3A_760, %dma_wait3A_761, %dma_wait3A_762] : memref<2x8x128xf32, #tpu.memory_space<vmem>> -> memref<1x1x128xf32, #tpu.memory_space<vmem>>
      %dma_wait3A_764 = tpu.memref_squeeze %dma_wait3A_763 : memref<1x1x128xf32, #tpu.memory_space<vmem>> -> memref<128xf32, #tpu.memory_space<vmem>>
      %dma_wait3A_765 = arith.constant 0 : i32
      %dma_wait3A_766 = tpu.memref_slice %arg10[%add3A_667, %dma_wait3A_765] : memref<160x128xi32, #tpu.memory_space<vmem>> -> memref<1x128xi32, #tpu.memory_space<vmem>>
      %dma_wait3A_767 = tpu.memref_squeeze %dma_wait3A_766 : memref<1x128xi32, #tpu.memory_space<vmem>> -> memref<128xi32, #tpu.memory_space<vmem>>
      %dma_wait3A_768 = arith.constant 0 : i32
      %dma_wait3A_769 = tpu.memref_slice %arg8[%dma_wait3A_768] : memref<10240xf32, #tpu.memory_space<vmem_shared>> -> memref<10240xf32, #tpu.memory_space<vmem_shared>>
      tpu.wait_indirect_dma semaphore(%arg16 : memref<!tpu.dma_semaphore, #tpu.memory_space<semaphore_mem>>) src(%dma_wait3A_764 : memref<128xf32, #tpu.memory_space<vmem>>) dst(%dma_wait3A_769 : memref<10240xf32, #tpu.memory_space<vmem_shared>>)
      %dma_wait3A_770 = arith.constant 1 : i32
      %dma_wait3A_771 = arith.constant 5 : i32
      %dma_wait3A_772 = arith.constant 0 : i32
      %dma_wait3A_773 = tpu.memref_slice %arg11[%dma_wait3A_770, %dma_wait3A_771, %dma_wait3A_772] : memref<2x8x128xf32, #tpu.memory_space<vmem>> -> memref<1x1x128xf32, #tpu.memory_space<vmem>>
      %dma_wait3A_774 = tpu.memref_squeeze %dma_wait3A_773 : memref<1x1x128xf32, #tpu.memory_space<vmem>> -> memref<128xf32, #tpu.memory_space<vmem>>
      %dma_wait3A_775 = arith.constant 0 : i32
      %dma_wait3A_776 = tpu.memref_slice %arg10[%add3A_681, %dma_wait3A_775] : memref<160x128xi32, #tpu.memory_space<vmem>> -> memref<1x128xi32, #tpu.memory_space<vmem>>
      %dma_wait3A_777 = tpu.memref_squeeze %dma_wait3A_776 : memref<1x128xi32, #tpu.memory_space<vmem>> -> memref<128xi32, #tpu.memory_space<vmem>>
      %dma_wait3A_778 = arith.constant 0 : i32
      %dma_wait3A_779 = tpu.memref_slice %arg8[%dma_wait3A_778] : memref<10240xf32, #tpu.memory_space<vmem_shared>> -> memref<10240xf32, #tpu.memory_space<vmem_shared>>
      tpu.wait_indirect_dma semaphore(%arg16 : memref<!tpu.dma_semaphore, #tpu.memory_space<semaphore_mem>>) src(%dma_wait3A_774 : memref<128xf32, #tpu.memory_space<vmem>>) dst(%dma_wait3A_779 : memref<10240xf32, #tpu.memory_space<vmem_shared>>)
      %dma_wait3A_780 = arith.constant 1 : i32
      %dma_wait3A_781 = arith.constant 6 : i32
      %dma_wait3A_782 = arith.constant 0 : i32
      %dma_wait3A_783 = tpu.memref_slice %arg11[%dma_wait3A_780, %dma_wait3A_781, %dma_wait3A_782] : memref<2x8x128xf32, #tpu.memory_space<vmem>> -> memref<1x1x128xf32, #tpu.memory_space<vmem>>
      %dma_wait3A_784 = tpu.memref_squeeze %dma_wait3A_783 : memref<1x1x128xf32, #tpu.memory_space<vmem>> -> memref<128xf32, #tpu.memory_space<vmem>>
      %dma_wait3A_785 = arith.constant 0 : i32
      %dma_wait3A_786 = tpu.memref_slice %arg10[%add3A_695, %dma_wait3A_785] : memref<160x128xi32, #tpu.memory_space<vmem>> -> memref<1x128xi32, #tpu.memory_space<vmem>>
      %dma_wait3A_787 = tpu.memref_squeeze %dma_wait3A_786 : memref<1x128xi32, #tpu.memory_space<vmem>> -> memref<128xi32, #tpu.memory_space<vmem>>
      %dma_wait3A_788 = arith.constant 0 : i32
      %dma_wait3A_789 = tpu.memref_slice %arg8[%dma_wait3A_788] : memref<10240xf32, #tpu.memory_space<vmem_shared>> -> memref<10240xf32, #tpu.memory_space<vmem_shared>>
      tpu.wait_indirect_dma semaphore(%arg16 : memref<!tpu.dma_semaphore, #tpu.memory_space<semaphore_mem>>) src(%dma_wait3A_784 : memref<128xf32, #tpu.memory_space<vmem>>) dst(%dma_wait3A_789 : memref<10240xf32, #tpu.memory_space<vmem_shared>>)
      %dma_wait3A_790 = arith.constant 1 : i32
      %dma_wait3A_791 = arith.constant 7 : i32
      %dma_wait3A_792 = arith.constant 0 : i32
      %dma_wait3A_793 = tpu.memref_slice %arg11[%dma_wait3A_790, %dma_wait3A_791, %dma_wait3A_792] : memref<2x8x128xf32, #tpu.memory_space<vmem>> -> memref<1x1x128xf32, #tpu.memory_space<vmem>>
      %dma_wait3A_794 = tpu.memref_squeeze %dma_wait3A_793 : memref<1x1x128xf32, #tpu.memory_space<vmem>> -> memref<128xf32, #tpu.memory_space<vmem>>
      %dma_wait3A_795 = arith.constant 0 : i32
      %dma_wait3A_796 = tpu.memref_slice %arg10[%add3A_709, %dma_wait3A_795] : memref<160x128xi32, #tpu.memory_space<vmem>> -> memref<1x128xi32, #tpu.memory_space<vmem>>
      %dma_wait3A_797 = tpu.memref_squeeze %dma_wait3A_796 : memref<1x128xi32, #tpu.memory_space<vmem>> -> memref<128xi32, #tpu.memory_space<vmem>>
      %dma_wait3A_798 = arith.constant 0 : i32
      %dma_wait3A_799 = tpu.memref_slice %arg8[%dma_wait3A_798] : memref<10240xf32, #tpu.memory_space<vmem_shared>> -> memref<10240xf32, #tpu.memory_space<vmem_shared>>
      tpu.wait_indirect_dma semaphore(%arg16 : memref<!tpu.dma_semaphore, #tpu.memory_space<semaphore_mem>>) src(%dma_wait3A_794 : memref<128xf32, #tpu.memory_space<vmem>>) dst(%dma_wait3A_799 : memref<10240xf32, #tpu.memory_space<vmem_shared>>)
      %scan3A_800 = arith.constant 0 : i32
      scf.yield %scan3A_800 : i32
    }
    %scan3A_17 = arith.constant 10 : i32
    %barrier3A_18 = arith.constant 0 : index
    tpu.barrier barrier_id(%barrier3A_18)
    %lt3A = arith.constant 5 : i32
    %lt3A_19 = arith.cmpi slt, %arg1, %lt3A : i32
    %convert_element_type3A = arith.extui %lt3A_19 : i1 to i32
    %cond3A = arith.constant 0 : i32
    %cond3A_20 = arith.cmpi ne, %convert_element_type3A, %cond3A : i32
    scf.if %cond3A_20 {
      %mul3A_21 = arith.constant 10000 : i32
      %mul3A_22 = arith.muli %arg0, %mul3A_21 : i32
      %mul3A_23 = arith.constant 2000 : i32
      %mul3A_24 = arith.muli %arg1, %mul3A_23 : i32
      %add3A = arith.addi %mul3A_22, %mul3A_24 : i32
      %mul3A_25 = arith.constant 2000 : i32
      %mul3A_26 = arith.muli %arg1, %mul3A_25 : i32
      "tpu.region"() ({
        %run_scoped3A = tpu.sem_alloc : memref<!tpu.dma_semaphore, #tpu.memory_space<semaphore_mem>>
        %dma_start3A = tpu.memref_slice %arg8[%mul3A_26] : memref<10240xf32, #tpu.memory_space<vmem_shared>> -> memref<2000xf32, #tpu.memory_space<vmem_shared>>
        %dma_start3A_34 = tpu.memref_slice %arg8[%mul3A_26] : memref<10240xf32, #tpu.memory_space<vmem_shared>> -> memref<2000xf32, #tpu.memory_space<vmem_shared>>
        tpu.enqueue_dma source(%dma_start3A_34 : memref<2000xf32, #tpu.memory_space<vmem_shared>>) target(%arg12 : memref<2000xf32, #tpu.memory_space<vmem>>) target_semaphore(%run_scoped3A : memref<!tpu.dma_semaphore, #tpu.memory_space<semaphore_mem>>)
        %dma_wait3A = tpu.memref_slice %arg8[%mul3A_26] : memref<10240xf32, #tpu.memory_space<vmem_shared>> -> memref<2000xf32, #tpu.memory_space<vmem_shared>>
        %dma_wait3A_35 = tpu.memref_slice %arg8[%mul3A_26] : memref<10240xf32, #tpu.memory_space<vmem_shared>> -> memref<2000xf32, #tpu.memory_space<vmem_shared>>
        tpu.wait_dma2 semaphore(%run_scoped3A : memref<!tpu.dma_semaphore, #tpu.memory_space<semaphore_mem>>) src(%dma_wait3A_35 : memref<2000xf32, #tpu.memory_space<vmem_shared>>) dst(%arg12 : memref<2000xf32, #tpu.memory_space<vmem>>)
        tpu.yield
      }) : () -> ()
      "tpu.region"() ({
        %run_scoped3A = tpu.sem_alloc : memref<!tpu.dma_semaphore, #tpu.memory_space<semaphore_mem>>
        %dma_start3A = tpu.memref_slice %arg5[%add3A] : memref<20000xf32, #tpu.memory_space<hbm>> -> memref<2000xf32, #tpu.memory_space<hbm>>
        %dma_start3A_34 = tpu.memref_slice %arg5[%add3A] : memref<20000xf32, #tpu.memory_space<hbm>> -> memref<2000xf32, #tpu.memory_space<hbm>>
        tpu.enqueue_dma source(%dma_start3A_34 : memref<2000xf32, #tpu.memory_space<hbm>>) target(%arg13 : memref<2000xf32, #tpu.memory_space<vmem>>) target_semaphore(%run_scoped3A : memref<!tpu.dma_semaphore, #tpu.memory_space<semaphore_mem>>)
        %dma_wait3A = tpu.memref_slice %arg5[%add3A] : memref<20000xf32, #tpu.memory_space<hbm>> -> memref<2000xf32, #tpu.memory_space<hbm>>
        %dma_wait3A_35 = tpu.memref_slice %arg5[%add3A] : memref<20000xf32, #tpu.memory_space<hbm>> -> memref<2000xf32, #tpu.memory_space<hbm>>
        tpu.wait_dma2 semaphore(%run_scoped3A : memref<!tpu.dma_semaphore, #tpu.memory_space<semaphore_mem>>) src(%dma_wait3A_35 : memref<2000xf32, #tpu.memory_space<hbm>>) dst(%arg13 : memref<2000xf32, #tpu.memory_space<vmem>>)
        tpu.yield
      }) : () -> ()
      "tpu.region"() ({
        %run_scoped3A = tpu.sem_alloc : memref<!tpu.dma_semaphore, #tpu.memory_space<semaphore_mem>>
        %dma_start3A = tpu.memref_slice %arg6[%add3A] : memref<20000xf32, #tpu.memory_space<hbm>> -> memref<2000xf32, #tpu.memory_space<hbm>>
        %dma_start3A_34 = tpu.memref_slice %arg6[%add3A] : memref<20000xf32, #tpu.memory_space<hbm>> -> memref<2000xf32, #tpu.memory_space<hbm>>
        tpu.enqueue_dma source(%dma_start3A_34 : memref<2000xf32, #tpu.memory_space<hbm>>) target(%arg14 : memref<2000xf32, #tpu.memory_space<vmem>>) target_semaphore(%run_scoped3A : memref<!tpu.dma_semaphore, #tpu.memory_space<semaphore_mem>>)
        %dma_wait3A = tpu.memref_slice %arg6[%add3A] : memref<20000xf32, #tpu.memory_space<hbm>> -> memref<2000xf32, #tpu.memory_space<hbm>>
        %dma_wait3A_35 = tpu.memref_slice %arg6[%add3A] : memref<20000xf32, #tpu.memory_space<hbm>> -> memref<2000xf32, #tpu.memory_space<hbm>>
        tpu.wait_dma2 semaphore(%run_scoped3A : memref<!tpu.dma_semaphore, #tpu.memory_space<semaphore_mem>>) src(%dma_wait3A_35 : memref<2000xf32, #tpu.memory_space<hbm>>) dst(%arg14 : memref<2000xf32, #tpu.memory_space<vmem>>)
        tpu.yield
      }) : () -> ()
      %scan3A_27 = arith.constant 0 : i32
      %scan3A_28 = arith.constant 0 : i32
      %scan3A_29 = arith.constant 125 : i32
      %scan3A_30 = arith.addi %scan3A_28, %scan3A_29 : i32
      %scan3A_31 = arith.constant 1 : i32
      %scan3A_32 = scf.for %scan3A_34 = %scan3A_28 to %scan3A_30 step %scan3A_31 iter_args(%scan3A_35 = %scan3A_27) -> (i32)  : i32 {
        %mul3A_36 = arith.constant 16 : i32
        %mul3A_37 = arith.muli %scan3A_34, %mul3A_36 : i32
        %get3A = arith.index_cast %mul3A_37 : i32 to index
        %get3A_38 = tpu.vector_load %arg13[%get3A] {strides = array<i32>} : memref<2000xf32, #tpu.memory_space<vmem>>, vector<16xf32>,
        %get3A_39 = vector.shape_cast %get3A_38 : vector<16xf32> to vector<16xf32>
        %get3A_40 = arith.index_cast %mul3A_37 : i32 to index
        %get3A_41 = tpu.vector_load %arg12[%get3A_40] {strides = array<i32>} : memref<2000xf32, #tpu.memory_space<vmem>>, vector<16xf32>,
        %get3A_42 = vector.shape_cast %get3A_41 : vector<16xf32> to vector<16xf32>
        %get3A_43 = arith.index_cast %mul3A_37 : i32 to index
        %get3A_44 = tpu.vector_load %arg14[%get3A_43] {strides = array<i32>} : memref<2000xf32, #tpu.memory_space<vmem>>, vector<16xf32>,
        %get3A_45 = vector.shape_cast %get3A_44 : vector<16xf32> to vector<16xf32>
        %mul3A_46 = arith.mulf %get3A_42, %get3A_45 : vector<16xf32>
        %add3A_47 = arith.addf %get3A_39, %mul3A_46 : vector<16xf32>
        %swap3A = arith.index_cast %mul3A_37 : i32 to index
        %swap3A_48 = tpu.vector_load %arg12[%swap3A] {strides = array<i32>} : memref<2000xf32, #tpu.memory_space<vmem>>, vector<16xf32>,
        %swap3A_49 = vector.shape_cast %swap3A_48 : vector<16xf32> to vector<16xf32>
        %swap3A_50 = vector.shape_cast %add3A_47 : vector<16xf32> to vector<16xf32>
        tpu.vector_store %arg12[%swap3A], %swap3A_50 {strides = array<i32>} : memref<2000xf32, #tpu.memory_space<vmem>>, vector<16xf32>,
        %scan3A_51 = arith.constant 0 : i32
        scf.yield %scan3A_51 : i32
      }
      %scan3A_33 = arith.constant 125 : i32
      "tpu.region"() ({
        %run_scoped3A = tpu.sem_alloc : memref<!tpu.dma_semaphore, #tpu.memory_space<semaphore_mem>>
        %dma_start3A = tpu.memref_slice %arg7[%add3A] : memref<20000xf32, #tpu.memory_space<hbm>> -> memref<2000xf32, #tpu.memory_space<hbm>>
        %dma_start3A_34 = tpu.memref_slice %arg7[%add3A] : memref<20000xf32, #tpu.memory_space<hbm>> -> memref<2000xf32, #tpu.memory_space<hbm>>
        tpu.enqueue_dma source(%arg12 : memref<2000xf32, #tpu.memory_space<vmem>>) target(%dma_start3A_34 : memref<2000xf32, #tpu.memory_space<hbm>>) target_semaphore(%run_scoped3A : memref<!tpu.dma_semaphore, #tpu.memory_space<semaphore_mem>>)
        %dma_wait3A = tpu.memref_slice %arg7[%add3A] : memref<20000xf32, #tpu.memory_space<hbm>> -> memref<2000xf32, #tpu.memory_space<hbm>>
        %dma_wait3A_35 = tpu.memref_slice %arg7[%add3A] : memref<20000xf32, #tpu.memory_space<hbm>> -> memref<2000xf32, #tpu.memory_space<hbm>>
        tpu.wait_dma2 semaphore(%run_scoped3A : memref<!tpu.dma_semaphore, #tpu.memory_space<semaphore_mem>>) src(%arg12 : memref<2000xf32, #tpu.memory_space<vmem>>) dst(%dma_wait3A_35 : memref<2000xf32, #tpu.memory_space<hbm>>)
        tpu.yield
      }) : () -> ()
    } else {
    }
    return
  }
}

module attributes {stable_mosaic.version = 14 : i64} {
  func.func @_tc1_body(%arg0: i32, %arg1: memref<2000x128xf32, #tpu.memory_space<vmem>>, %arg2: memref<2000x128xf32, #tpu.memory_space<vmem>>, %arg3: memref<2000x1xf32, #tpu.memory_space<vmem>>, %arg4: memref<128x128xf32, #tpu.memory_space<vmem>>, %arg5: memref<128x128xf32, #tpu.memory_space<vmem>>, %arg6: memref<2000x128xf32, #tpu.memory_space<vmem>>) attributes {dimension_semantics = [#tpu.dimension_semantics<arbitrary>], iteration_bounds = array<i64: 10>, scalar_prefetch = 0 : i64, scratch_operands = 0 : i64, tpu.core_type = #tpu.core_type<tc>, window_params = [{transform_indices = @transform_0, window_bounds = array<i64: 2000, 128>}, {transform_indices = @transform_1, window_bounds = array<i64: 2000, 128>}, {transform_indices = @transform_2, window_bounds = array<i64: 2000, 1>}, {pipeline_mode = #tpu.pipeline_mode<synchronous>, transform_indices = @transform_3, window_bounds = array<i64: 128, 128>}, {pipeline_mode = #tpu.pipeline_mode<synchronous>, transform_indices = @transform_4, window_bounds = array<i64: 128, 128>}, {transform_indices = @transform_5, window_bounds = array<i64: 2000, 128>}]} {
    %lt3A = arith.constant 5 : i32
    %lt3A_0 = arith.cmpi slt, %arg0, %lt3A : i32
    %get3A = arith.constant 0 : index
    %get3A_1 = arith.constant 0 : index
    %get3A_2 = vector.load %arg3[%get3A, %get3A_1] : memref<2000x1xf32, #tpu.memory_space<vmem>>, vector<2000x1xf32>
    %max3A = arith.constant 1.000000e+00 : f32
    %max3A_3 = vector.broadcast %max3A : f32 to vector<2000x1xf32>
    %max3A_4 = arith.maximumf %get3A_2, %max3A_3 : vector<2000x1xf32>
    %rsqrt3A = math.rsqrt %max3A_4 : vector<2000x1xf32>
    %get3A_5 = arith.constant 0 : index
    %get3A_6 = arith.constant 0 : index
    %get3A_7 = vector.load %arg1[%get3A_5, %get3A_6] : memref<2000x128xf32, #tpu.memory_space<vmem>>, vector<2000x128xf32>
    %get3A_8 = arith.constant 0 : index
    %get3A_9 = arith.constant 0 : index
    %get3A_10 = vector.load %arg2[%get3A_8, %get3A_9] : memref<2000x128xf32, #tpu.memory_space<vmem>>, vector<2000x128xf32>
    %select_n3A = arith.select %lt3A_0, %get3A_7, %get3A_10 : vector<2000x128xf32>
    %mul3A = vector.broadcast %rsqrt3A : vector<2000x1xf32> to vector<2000x128xf32>
    %mul3A_11 = arith.mulf %select_n3A, %mul3A : vector<2000x128xf32>
    %get3A_12 = arith.constant 0 : index
    %get3A_13 = arith.constant 0 : index
    %get3A_14 = vector.load %arg4[%get3A_12, %get3A_13] : memref<128x128xf32, #tpu.memory_space<vmem>>, vector<128x128xf32>
    %get3A_15 = arith.constant 0 : index
    %get3A_16 = arith.constant 0 : index
    %get3A_17 = vector.load %arg5[%get3A_15, %get3A_16] : memref<128x128xf32, #tpu.memory_space<vmem>>, vector<128x128xf32>
    %select_n3A_18 = arith.select %lt3A_0, %get3A_14, %get3A_17 : vector<128x128xf32>
    %dot_general3A = arith.constant dense<0.000000e+00> : vector<2000x128xf32>
    %dot_general3A_19 = tpu.matmul %mul3A_11, %select_n3A_18, %dot_general3A {dimension_numbers = #tpu.dot_dimension_numbers<[1], [0], [0], [1], [0, 0, 1, 1], [], []>, transpose_lhs_hint = false} : vector<2000x128xf32>, vector<128x128xf32>, vector<2000x128xf32> -> vector<2000x128xf32>
    %swap3A = arith.constant 0 : index
    %swap3A_20 = arith.constant 0 : index
    %swap3A_21 = vector.load %arg6[%swap3A, %swap3A_20] : memref<2000x128xf32, #tpu.memory_space<vmem>>, vector<2000x128xf32>
    tpu.vector_store %arg6[%swap3A, %swap3A_20], %dot_general3A_19 {strides = array<i32>} : memref<2000x128xf32, #tpu.memory_space<vmem>>, vector<2000x128xf32>,
    return
  }
  func.func @transform_0(%arg0: i32) -> (i32, i32) {
    %min3A = arith.constant 4 : i32
    %min3A_0 = arith.minsi %arg0, %min3A : i32
    %c0_i32 = arith.constant 0 : i32
    %c0_i32_1 = arith.constant 0 : i32
    return %min3A_0, %c0_i32 : i32, i32
  }
  func.func @transform_1(%arg0: i32) -> (i32, i32) {
    %sub3A = arith.constant 5 : i32
    %sub3A_0 = arith.subi %arg0, %sub3A : i32
    %max3A = arith.constant 0 : i32
    %max3A_1 = arith.maxsi %sub3A_0, %max3A : i32
    %c0_i32 = arith.constant 0 : i32
    %c0_i32_2 = arith.constant 0 : i32
    return %max3A_1, %c0_i32 : i32, i32
  }
  func.func @transform_2(%arg0: i32) -> (i32, i32) {
    %c0_i32 = arith.constant 0 : i32
    %c0_i32_0 = arith.constant 0 : i32
    return %arg0, %c0_i32 : i32, i32
  }
  func.func @transform_3(%arg0: i32) -> (i32, i32) {
    %c0_i32 = arith.constant 0 : i32
    %c0_i32_0 = arith.constant 0 : i32
    %c0_i32_1 = arith.constant 0 : i32
    return %c0_i32, %c0_i32_0 : i32, i32
  }
  func.func @transform_4(%arg0: i32) -> (i32, i32) {
    %c0_i32 = arith.constant 0 : i32
    %c0_i32_0 = arith.constant 0 : i32
    %c0_i32_1 = arith.constant 0 : i32
    return %c0_i32, %c0_i32_0 : i32, i32
  }
  func.func @transform_5(%arg0: i32) -> (i32, i32) {
    %c0_i32 = arith.constant 0 : i32
    %c0_i32_0 = arith.constant 0 : i32
    return %arg0, %c0_i32 : i32, i32
  }
}

module attributes {stable_mosaic.version = 14 : i64} {
  func.func @_tc2_body(%arg0: i32, %arg1: memref<2000x128xf32, #tpu.memory_space<vmem>>, %arg2: memref<2000x1xf32, #tpu.memory_space<vmem>>, %arg3: memref<1x128xf32, #tpu.memory_space<vmem>>, %arg4: memref<1x128xf32, #tpu.memory_space<vmem>>, %arg5: memref<128x128xf32, #tpu.memory_space<vmem>>, %arg6: memref<128x128xf32, #tpu.memory_space<vmem>>, %arg7: memref<128x128xf32, #tpu.memory_space<vmem>>, %arg8: memref<128x128xf32, #tpu.memory_space<vmem>>, %arg9: memref<1x128xf32, #tpu.memory_space<vmem>>, %arg10: memref<1x128xf32, #tpu.memory_space<vmem>>, %arg11: memref<256x1xf32, #tpu.memory_space<vmem>>, %arg12: memref<1x1xf32, #tpu.memory_space<vmem>>, %arg13: memref<2000x1xf32, #tpu.memory_space<vmem>>, %arg14: memref<2000x1xf32, #tpu.memory_space<vmem>>, %arg15: memref<2000x1xf32, #tpu.memory_space<vmem>>) attributes {dimension_semantics = [#tpu.dimension_semantics<arbitrary>], iteration_bounds = array<i64: 10>, scalar_prefetch = 0 : i64, scratch_operands = 0 : i64, tpu.core_type = #tpu.core_type<tc>, window_params = [{transform_indices = @transform_0, window_bounds = array<i64: 2000, 128>}, {transform_indices = @transform_1, window_bounds = array<i64: 2000, 1>}, {pipeline_mode = #tpu.pipeline_mode<synchronous>, transform_indices = @transform_2, window_bounds = array<i64: 1, 128>}, {pipeline_mode = #tpu.pipeline_mode<synchronous>, transform_indices = @transform_3, window_bounds = array<i64: 1, 128>}, {pipeline_mode = #tpu.pipeline_mode<synchronous>, transform_indices = @transform_4, window_bounds = array<i64: 128, 128>}, {pipeline_mode = #tpu.pipeline_mode<synchronous>, transform_indices = @transform_5, window_bounds = array<i64: 128, 128>}, {pipeline_mode = #tpu.pipeline_mode<synchronous>, transform_indices = @transform_6, window_bounds = array<i64: 128, 128>}, {pipeline_mode = #tpu.pipeline_mode<synchronous>, transform_indices = @transform_7, window_bounds = array<i64: 128, 128>}, {pipeline_mode = #tpu.pipeline_mode<synchronous>, transform_indices = @transform_8, window_bounds = array<i64: 1, 128>}, {pipeline_mode = #tpu.pipeline_mode<synchronous>, transform_indices = @transform_9, window_bounds = array<i64: 1, 128>}, {pipeline_mode = #tpu.pipeline_mode<synchronous>, transform_indices = @transform_10, window_bounds = array<i64: 256, 1>}, {pipeline_mode = #tpu.pipeline_mode<synchronous>, transform_indices = @transform_11, window_bounds = array<i64: 1, 1>}, {transform_indices = @transform_12, window_bounds = array<i64: 2000, 1>}, {transform_indices = @transform_13, window_bounds = array<i64: 2000, 1>}, {transform_indices = @transform_14, window_bounds = array<i64: 2000, 1>}]} {
    %lt3A = arith.constant 5 : i32
    %lt3A_0 = arith.cmpi slt, %arg0, %lt3A : i32
    %get3A = arith.constant 0 : index
    %get3A_1 = arith.constant 0 : index
    %get3A_2 = vector.load %arg2[%get3A, %get3A_1] : memref<2000x1xf32, #tpu.memory_space<vmem>>, vector<2000x1xf32>
    %max3A = arith.constant 1.000000e+00 : f32
    %max3A_3 = vector.broadcast %max3A : f32 to vector<2000x1xf32>
    %max3A_4 = arith.maximumf %get3A_2, %max3A_3 : vector<2000x1xf32>
    %get3A_5 = arith.constant 0 : index
    %get3A_6 = arith.constant 0 : index
    %get3A_7 = vector.load %arg4[%get3A_5, %get3A_6] : memref<1x128xf32, #tpu.memory_space<vmem>>, vector<1x128xf32>
    %get3A_8 = arith.constant 0 : index
    %get3A_9 = arith.constant 0 : index
    %get3A_10 = vector.load %arg3[%get3A_8, %get3A_9] : memref<1x128xf32, #tpu.memory_space<vmem>>, vector<1x128xf32>
    %select_n3A = arith.select %lt3A_0, %get3A_7, %get3A_10 : vector<1x128xf32>
    %get3A_11 = arith.constant 0 : index
    %get3A_12 = arith.constant 0 : index
    %get3A_13 = vector.load %arg1[%get3A_11, %get3A_12] : memref<2000x128xf32, #tpu.memory_space<vmem>>, vector<2000x128xf32>
    %rsqrt3A = math.rsqrt %max3A_4 : vector<2000x1xf32>
    %mul3A = vector.broadcast %rsqrt3A : vector<2000x1xf32> to vector<2000x128xf32>
    %mul3A_14 = arith.mulf %get3A_13, %mul3A : vector<2000x128xf32>
    %add3A = vector.broadcast %select_n3A : vector<1x128xf32> to vector<2000x128xf32>
    %add3A_15 = arith.addf %mul3A_14, %add3A : vector<2000x128xf32>
    %max3A_16 = arith.constant 0.000000e+00 : f32
    %max3A_17 = vector.broadcast %max3A_16 : f32 to vector<2000x128xf32>
    %max3A_18 = arith.maximumf %add3A_15, %max3A_17 : vector<2000x128xf32>
    %get3A_19 = arith.constant 0 : index
    %get3A_20 = arith.constant 0 : index
    %get3A_21 = vector.load %arg11[%get3A_19, %get3A_20] : memref<256x1xf32, #tpu.memory_space<vmem>>, vector<128x1xf32>
    %get3A_22 = arith.constant 128 : index
    %get3A_23 = arith.constant 0 : index
    %get3A_24 = vector.load %arg11[%get3A_22, %get3A_23] : memref<256x1xf32, #tpu.memory_space<vmem>>, vector<128x1xf32>
    %get3A_25 = arith.constant 0 : index
    %get3A_26 = arith.constant 0 : index
    %get3A_27 = vector.load %arg6[%get3A_25, %get3A_26] : memref<128x128xf32, #tpu.memory_space<vmem>>, vector<128x128xf32>
    %dot_general3A = arith.constant dense<0.000000e+00> : vector<128x1xf32>
    %dot_general3A_28 = tpu.matmul %get3A_27, %get3A_24, %dot_general3A {dimension_numbers = #tpu.dot_dimension_numbers<[1], [0], [0], [1], [0, 0, 1, 1], [], []>, transpose_lhs_hint = false} : vector<128x128xf32>, vector<128x1xf32>, vector<128x1xf32> -> vector<128x1xf32>
    %get3A_29 = arith.constant 0 : index
    %get3A_30 = arith.constant 0 : index
    %get3A_31 = vector.load %arg8[%get3A_29, %get3A_30] : memref<128x128xf32, #tpu.memory_space<vmem>>, vector<128x128xf32>
    %dot_general3A_32 = arith.constant dense<0.000000e+00> : vector<128x1xf32>
    %dot_general3A_33 = tpu.matmul %get3A_31, %get3A_21, %dot_general3A_32 {dimension_numbers = #tpu.dot_dimension_numbers<[1], [0], [0], [1], [0, 0, 1, 1], [], []>, transpose_lhs_hint = false} : vector<128x128xf32>, vector<128x1xf32>, vector<128x1xf32> -> vector<128x1xf32>
    %select_n3A_34 = arith.select %lt3A_0, %dot_general3A_28, %dot_general3A_33 : vector<128x1xf32>
    %get3A_35 = arith.constant 0 : index
    %get3A_36 = arith.constant 0 : index
    %get3A_37 = vector.load %arg7[%get3A_35, %get3A_36] : memref<128x128xf32, #tpu.memory_space<vmem>>, vector<128x128xf32>
    %dot_general3A_38 = arith.constant dense<0.000000e+00> : vector<128x1xf32>
    %dot_general3A_39 = tpu.matmul %get3A_37, %get3A_21, %dot_general3A_38 {dimension_numbers = #tpu.dot_dimension_numbers<[1], [0], [0], [1], [0, 0, 1, 1], [], []>, transpose_lhs_hint = false} : vector<128x128xf32>, vector<128x1xf32>, vector<128x1xf32> -> vector<128x1xf32>
    %get3A_40 = arith.constant 0 : index
    %get3A_41 = arith.constant 0 : index
    %get3A_42 = vector.load %arg5[%get3A_40, %get3A_41] : memref<128x128xf32, #tpu.memory_space<vmem>>, vector<128x128xf32>
    %dot_general3A_43 = arith.constant dense<0.000000e+00> : vector<128x1xf32>
    %dot_general3A_44 = tpu.matmul %get3A_42, %get3A_24, %dot_general3A_43 {dimension_numbers = #tpu.dot_dimension_numbers<[1], [0], [0], [1], [0, 0, 1, 1], [], []>, transpose_lhs_hint = false} : vector<128x128xf32>, vector<128x1xf32>, vector<128x1xf32> -> vector<128x1xf32>
    %select_n3A_45 = arith.select %lt3A_0, %dot_general3A_39, %dot_general3A_44 : vector<128x1xf32>
    %get3A_46 = arith.constant 0 : index
    %get3A_47 = arith.constant 0 : index
    %get3A_48 = vector.load %arg10[%get3A_46, %get3A_47] : memref<1x128xf32, #tpu.memory_space<vmem>>, vector<1x128xf32>
    %dot_general3A_49 = arith.constant dense<0.000000e+00> : vector<1x1xf32>
    %dot_general3A_50 = tpu.matmul %get3A_48, %get3A_21, %dot_general3A_49 {dimension_numbers = #tpu.dot_dimension_numbers<[1], [0], [0], [1], [0, 0, 1, 1], [], []>, transpose_lhs_hint = false} : vector<1x128xf32>, vector<128x1xf32>, vector<1x1xf32> -> vector<1x1xf32>
    %get3A_51 = arith.constant 0 : index
    %get3A_52 = arith.constant 0 : index
    %get3A_53 = vector.load %arg9[%get3A_51, %get3A_52] : memref<1x128xf32, #tpu.memory_space<vmem>>, vector<1x128xf32>
    %dot_general3A_54 = arith.constant dense<0.000000e+00> : vector<1x1xf32>
    %dot_general3A_55 = tpu.matmul %get3A_53, %get3A_24, %dot_general3A_54 {dimension_numbers = #tpu.dot_dimension_numbers<[1], [0], [0], [1], [0, 0, 1, 1], [], []>, transpose_lhs_hint = false} : vector<1x128xf32>, vector<128x1xf32>, vector<1x1xf32> -> vector<1x1xf32>
    %get3A_56 = arith.constant 0 : index
    %get3A_57 = arith.constant 0 : index
    %get3A_58 = vector.load %arg12[%get3A_56, %get3A_57] : memref<1x1xf32, #tpu.memory_space<vmem>>, vector<1x1xf32>
    %add3A_59 = arith.addf %dot_general3A_55, %get3A_58 : vector<1x1xf32>
    %select_n3A_60 = arith.select %lt3A_0, %dot_general3A_50, %add3A_59 : vector<1x1xf32>
    %dot_general3A_61 = arith.constant dense<0.000000e+00> : vector<2000x1xf32>
    %dot_general3A_62 = tpu.matmul %max3A_18, %select_n3A_34, %dot_general3A_61 {dimension_numbers = #tpu.dot_dimension_numbers<[1], [0], [0], [1], [0, 0, 1, 1], [], []>, transpose_lhs_hint = false} : vector<2000x128xf32>, vector<128x1xf32>, vector<2000x1xf32> -> vector<2000x1xf32>
    %swap3A = arith.constant 0 : index
    %swap3A_63 = arith.constant 0 : index
    %swap3A_64 = vector.load %arg13[%swap3A, %swap3A_63] : memref<2000x1xf32, #tpu.memory_space<vmem>>, vector<2000x1xf32>
    tpu.vector_store %arg13[%swap3A, %swap3A_63], %dot_general3A_62 {strides = array<i32>} : memref<2000x1xf32, #tpu.memory_space<vmem>>, vector<2000x1xf32>,
    %dot_general3A_65 = arith.constant dense<0.000000e+00> : vector<2000x1xf32>
    %dot_general3A_66 = tpu.matmul %max3A_18, %select_n3A_45, %dot_general3A_65 {dimension_numbers = #tpu.dot_dimension_numbers<[1], [0], [0], [1], [0, 0, 1, 1], [], []>, transpose_lhs_hint = false} : vector<2000x128xf32>, vector<128x1xf32>, vector<2000x1xf32> -> vector<2000x1xf32>
    %add3A_67 = vector.broadcast %select_n3A_60 : vector<1x1xf32> to vector<2000x1xf32>
    %add3A_68 = arith.addf %dot_general3A_66, %add3A_67 : vector<2000x1xf32>
    %swap3A_69 = arith.constant 0 : index
    %swap3A_70 = arith.constant 0 : index
    %swap3A_71 = vector.load %arg14[%swap3A_69, %swap3A_70] : memref<2000x1xf32, #tpu.memory_space<vmem>>, vector<2000x1xf32>
    tpu.vector_store %arg14[%swap3A_69, %swap3A_70], %add3A_68 {strides = array<i32>} : memref<2000x1xf32, #tpu.memory_space<vmem>>, vector<2000x1xf32>,
    %div3A = arith.constant 1.000000e+00 : f32
    %div3A_72 = vector.broadcast %div3A : f32 to vector<2000x1xf32>
    %div3A_73 = arith.divf %div3A_72, %max3A_4 : vector<2000x1xf32>
    %swap3A_74 = arith.constant 0 : index
    %swap3A_75 = arith.constant 0 : index
    %swap3A_76 = vector.load %arg15[%swap3A_74, %swap3A_75] : memref<2000x1xf32, #tpu.memory_space<vmem>>, vector<2000x1xf32>
    tpu.vector_store %arg15[%swap3A_74, %swap3A_75], %div3A_73 {strides = array<i32>} : memref<2000x1xf32, #tpu.memory_space<vmem>>, vector<2000x1xf32>,
    return
  }
  func.func @transform_0(%arg0: i32) -> (i32, i32) {
    %c0_i32 = arith.constant 0 : i32
    %c0_i32_0 = arith.constant 0 : i32
    return %arg0, %c0_i32 : i32, i32
  }
  func.func @transform_1(%arg0: i32) -> (i32, i32) {
    %c0_i32 = arith.constant 0 : i32
    %c0_i32_0 = arith.constant 0 : i32
    return %arg0, %c0_i32 : i32, i32
  }
  func.func @transform_2(%arg0: i32) -> (i32, i32) {
    %c0_i32 = arith.constant 0 : i32
    %c0_i32_0 = arith.constant 0 : i32
    %c0_i32_1 = arith.constant 0 : i32
    return %c0_i32, %c0_i32_0 : i32, i32
  }
  func.func @transform_3(%arg0: i32) -> (i32, i32) {
    %c0_i32 = arith.constant 0 : i32
    %c0_i32_0 = arith.constant 0 : i32
    %c0_i32_1 = arith.constant 0 : i32
    return %c0_i32, %c0_i32_0 : i32, i32
  }
  func.func @transform_4(%arg0: i32) -> (i32, i32) {
    %c0_i32 = arith.constant 0 : i32
    %c0_i32_0 = arith.constant 0 : i32
    %c0_i32_1 = arith.constant 0 : i32
    return %c0_i32, %c0_i32_0 : i32, i32
  }
  func.func @transform_5(%arg0: i32) -> (i32, i32) {
    %c0_i32 = arith.constant 0 : i32
    %c0_i32_0 = arith.constant 0 : i32
    %c0_i32_1 = arith.constant 0 : i32
    return %c0_i32, %c0_i32_0 : i32, i32
  }
  func.func @transform_6(%arg0: i32) -> (i32, i32) {
    %c0_i32 = arith.constant 0 : i32
    %c0_i32_0 = arith.constant 0 : i32
    %c0_i32_1 = arith.constant 0 : i32
    return %c0_i32, %c0_i32_0 : i32, i32
  }
  func.func @transform_7(%arg0: i32) -> (i32, i32) {
    %c0_i32 = arith.constant 0 : i32
    %c0_i32_0 = arith.constant 0 : i32
    %c0_i32_1 = arith.constant 0 : i32
    return %c0_i32, %c0_i32_0 : i32, i32
  }
  func.func @transform_8(%arg0: i32) -> (i32, i32) {
    %c0_i32 = arith.constant 0 : i32
    %c0_i32_0 = arith.constant 0 : i32
    %c0_i32_1 = arith.constant 0 : i32
    return %c0_i32, %c0_i32_0 : i32, i32
  }
  func.func @transform_9(%arg0: i32) -> (i32, i32) {
    %c0_i32 = arith.constant 0 : i32
    %c0_i32_0 = arith.constant 0 : i32
    %c0_i32_1 = arith.constant 0 : i32
    return %c0_i32, %c0_i32_0 : i32, i32
  }
  func.func @transform_10(%arg0: i32) -> (i32, i32) {
    %c0_i32 = arith.constant 0 : i32
    %c0_i32_0 = arith.constant 0 : i32
    %c0_i32_1 = arith.constant 0 : i32
    return %c0_i32, %c0_i32_0 : i32, i32
  }
  func.func @transform_11(%arg0: i32) -> (i32, i32) {
    %c0_i32 = arith.constant 0 : i32
    %c0_i32_0 = arith.constant 0 : i32
    %c0_i32_1 = arith.constant 0 : i32
    return %c0_i32, %c0_i32_0 : i32, i32
  }
  func.func @transform_12(%arg0: i32) -> (i32, i32) {
    %c0_i32 = arith.constant 0 : i32
    %c0_i32_0 = arith.constant 0 : i32
    return %arg0, %c0_i32 : i32, i32
  }
  func.func @transform_13(%arg0: i32) -> (i32, i32) {
    %c0_i32 = arith.constant 0 : i32
    %c0_i32_0 = arith.constant 0 : i32
    return %arg0, %c0_i32 : i32, i32
  }
  func.func @transform_14(%arg0: i32) -> (i32, i32) {
    %c0_i32 = arith.constant 0 : i32
    %c0_i32_0 = arith.constant 0 : i32
    return %arg0, %c0_i32 : i32, i32
  }
}

</mosaic_0001>

<sc_bundles>
// kernel: kernel.11.cloned.1.call-start
scs
__scs_entry_jumppad:
0x0: {  	(pc) =	sbr.rel $0x88, $3  }
0x1: {  	(tag) =	ssettag $0x0;
	lr =	simm.s32 $0x1  }
0x2: {  	[smem:$0x3F8F] =	sst lr;
	_ =	strace $0xD0000000  }
0x3: {  	_ = 	snop  }
0x4: {  	_ = 	snop  }
0x5: {  	_ = 	snop  }
0x6: {  	_ = 	snop  }
0x7: {  	_ = 	snop  }
__scs_overlays_trampoline_lowered:
0x8: {  	[smem:$0x3F9E] =	sst s0  }
0x9: {  	[smem:$0x3F9F] =	sst s1  }
0xa: {  	[smem:$0x3FA0] =	sst s2  }
0xb: {  	[smem:$0x3FA1] =	sst s3  }
0xc: {  	[smem:$0x3FA2] =	sst s4  }
0xd: {  	[smem:$0x3FA3] =	sst s5  }
0xe: {  	[smem:$0x3FA4] =	sst s6  }
0xf: {  	[smem:$0x3FA5] =	sst s7  }
0x10: {  	[smem:$0x3FA6] =	sst s8  }
0x11: {  	[smem:$0x3FA7] =	sst s9;
	s0 =	simm.s32 @!p0 $0x0  }
0x12: {  	s1 =	sld [smem:$0x3F8D];
	s0 =	simm.s32 @p0 $0x1  }
0x13: {  	[smem:$0x3FA8] =	sst s0;
	s0 =	simm.s32 @!p1 $0x0  }
0x14: {  	s2 =	sld [smem:$0x3F8C];
	s0 =	simm.s32 @p1 $0x1  }
0x15: {  	[smem:$0x3FA9] =	sst s0;
	s0 =	simm.s32 @!p2 $0x0  }
0x16: {  	s3 =	sld [smem:$0x3FDB];
	s0 =	simm.s32 @p2 $0x1  }
0x17: {  	s4 =	simm.s32 $0x1BF5;
	[smem:$0x3FAB] =	sst s0  }
0x18: {  	s0 =	sld [smem:$0x3F8E];
	_ =	swait.ge [sflag:s4], $0x0  }
0x19: {  	s7 =	sld [smem:$0x3F8F]  }
0x1a: {  	s8 =	sadd.s32 $0xFFFFE003, lr  }
0x1b: {  	s9 =	sadd.s32 $0xFFFFFEF7, lr;
	s5 =	simm.s32 $0xFFFFFFFF;
	p2 =	slt.u32 s8, $0xFFFFF086  }
0x1c: {  	p1 =	slt.u32 s9, $0xF7A;
	s5 =	simm.s32 @!p2 $0x0  }
0x1d: {  	s5 =	simm.s32 @p1 $0x1;
	p0 =	seq.s32 s7, s2  }
0x1e: {  	s7 =	smul.u32 @!p0 $0xF7A, s2;
	p2 =	seq.s32 @!p0 s5, $0x0  }
0x1f: {  	s9 =	smul.u32 $0xF7A, s1;
	s8 =	simm.s32 @!p0 $0x1BF5;
	p2 =	por !p2, p0  }
0x20: {  	[sflag:s8] =	ssyncset.s32 @!p0 $0xFFFFF086;
	s6 =	sadd.s32 @!p0 s3, s7;
	s7 =	simm.s32 @!p0 $0x108  }
0x21: {  	s3 =	sadd.s32 s3, s9;
	s6 =	sadd.s32 @!p0 $0x88, s6;
	s7 =	simm.s32 @p2 $0x1082  }
0x22: {  	[simem:s7], [sflag:s8] =	dma.local @!p0 [hbm:s6], $0xF7A  }
0x23: {  	s9 =	sor.u32 $0xD0000000, s2;
	s6 =	simm.s32 $0x108;
	_ =	swait.ge @!p0 [sflag:s8], $0x0  }
0x24: {  	s3 =	sadd.s32 $0x88, s3;
	s6 =	simm.s32 @!p1 $0x1082;
	[sflag:s4] =	ssyncset.s32 $0xFFFFF086  }
0x25: {  	[simem:s6], [sflag:s4] =	dma.local [hbm:s3], $0xF7A  }
0x26: {  	[smem:$0x3F8F] =	sst s1;
	(tag) =	ssettag s2;
	_ =	strace s9  }
0x27: {  	s1 =	sld [smem:$0x3F9F]  }
0x28: {  	s2 =	sld [smem:$0x3FA0]  }
0x29: {  	s4 =	sld [smem:$0x3FA2]  }
0x2a: {  	p0 =	seq.s32 s5, $0x0;
	s5 =	sld [smem:$0x3FA3]  }
0x2b: {  	s6 =	sld [smem:$0x3FA4]  }
0x2c: {  	s7 =	sld [smem:$0x3FA5]  }
0x2d: {  	s3 =	simm.s32 $0x108;
	s8 =	sld [smem:$0x3FA6]  }
0x2e: {  	s3 =	simm.s32 @!p0 $0x1082;
	s9 =	sld [smem:$0x3FA7]  }
0x2f: {  	lr =	sadd.s32 s0, s3;
	s0 =	sld [smem:$0x3F9E]  }
0x30: {  	s3 =	sld [smem:$0x3FA1]  }
0x31: {  	[smem:$0x3FAA] =	sst s10  }
0x32: {  	s10 =	sld [smem:$0x3FA8];
	_ =	sdelay $0x3  }
0x33: {  	p0 =	seq.s32 s10, $0x1;
	s10 =	sld [smem:$0x3FAA];
	_ =	sdelay $0x3  }
0x34: {  	[smem:$0x3FAA] =	sst s10  }
0x35: {  	s10 =	sld [smem:$0x3FA9];
	_ =	sdelay $0x3  }
0x36: {  	p1 =	seq.s32 s10, $0x1;
	s10 =	sld [smem:$0x3FAA];
	_ =	sdelay $0x3  }
0x37: {  	[smem:$0x3FAA] =	sst s10  }
0x38: {  	s10 =	sld [smem:$0x3FAB]  }
0x39: {  	_ = 	snop;
	(pc) =	sbr.ind lr, $3  }
0x3a: {  	_ = 	snop  }
0x3b: {  	_ = 	snop  }
0x3c: {  	p2 =	seq.s32 s10, $0x1;
	s10 =	sld [smem:$0x3FAA]  }
0x3d: {  	_ =	shalt  }
0x3e: {  	_ =	shalt  }
0x3f: {  	_ =	shalt  }
0x40: {  	_ =	shalt  }
0x41: {  	_ =	shalt  }
0x42: {  	_ =	shalt  }
0x43: {  	_ =	shalt  }
0x44: {  	_ =	shalt  }
0x45: {  	_ =	shalt  }
0x46: {  	_ =	shalt  }
0x47: {  	_ =	shalt  }
0x48: {  	_ =	shalt  }
0x49: {  	_ =	shalt  }
0x4a: {  	_ =	shalt  }
0x4b: {  	_ =	shalt  }
0x4c: {  	_ =	shalt  }
0x4d: {  	_ =	shalt  }
0x4e: {  	_ =	shalt  }
0x4f: {  	_ =	shalt  }
0x50: {  	_ =	shalt  }
0x51: {  	_ =	shalt  }
0x52: {  	_ =	shalt  }
0x53: {  	_ =	shalt  }
0x54: {  	_ =	shalt  }
0x55: {  	_ =	shalt  }
0x56: {  	_ =	shalt  }
0x57: {  	_ =	shalt  }
0x58: {  	_ =	shalt  }
0x59: {  	_ =	shalt  }
0x5a: {  	_ =	shalt  }
0x5b: {  	_ =	shalt  }
0x5c: {  	_ =	shalt  }
0x5d: {  	_ =	shalt  }
0x5e: {  	_ =	shalt  }
0x5f: {  	_ =	shalt  }
0x60: {  	_ =	shalt  }
0x61: {  	_ =	shalt  }
0x62: {  	_ =	shalt  }
0x63: {  	_ =	shalt  }
0x64: {  	_ =	shalt  }
0x65: {  	_ =	shalt  }
0x66: {  	_ =	shalt  }
0x67: {  	_ =	shalt  }
0x68: {  	_ =	shalt  }
0x69: {  	_ =	shalt  }
0x6a: {  	_ =	shalt  }
0x6b: {  	_ =	shalt  }
0x6c: {  	_ =	shalt  }
0x6d: {  	_ =	shalt  }
0x6e: {  	_ =	shalt  }
0x6f: {  	_ =	shalt  }
0x70: {  	_ =	shalt  }
0x71: {  	_ =	shalt  }
0x72: {  	_ =	shalt  }
0x73: {  	_ =	shalt  }
0x74: {  	_ =	shalt  }
0x75: {  	_ =	shalt  }
0x76: {  	_ =	shalt  }
0x77: {  	_ =	shalt  }
0x78: {  	_ =	shalt  }
0x79: {  	_ =	shalt  }
0x7a: {  	_ =	shalt  }
0x7b: {  	_ =	shalt  }
0x7c: {  	_ =	shalt  }
0x7d: {  	_ =	shalt  }
0x7e: {  	_ =	shalt  }
0x7f: {  	_ =	shalt  }
0x80: {  	_ =	shalt  }
0x81: {  	_ =	shalt  }
0x82: {  	_ =	shalt  }
0x83: {  	_ =	shalt  }
0x84: {  	_ =	shalt  }
0x85: {  	_ =	shalt  }
0x86: {  	_ =	shalt  }
0x87: {  	_ =	shalt  }
.Lfunc_end0:
.L_simem_size_0:
called_computation.1_lowered:
.L_overlay_start_0:
0x88: {  	s2 =	sld [smem:$0x3FD9]  }
0x89: {  	s3 =	sld [smem:$0x3FFE];
	_ =	sdelay $0x1  }
0x8a: {  	s1 =	srdreg.scid  }
0x8b: {  	s0 =	sand.u32 $0x1, s1  }
0x8c: {  	s17 =	sshll.u32 s0, $0xA;
	s2 =	sadd.s32 s3, s2  }
0x8d: {  	s2 =	sadd.s32 s2, s17  }
0x8e: {  	[smem:$0x3FB6] =	sst s2  }
0x8f: {  	_ = 	snop  }
0x90: {  	s2 =	sld [smem:$0x3FD0];
	(tm) =	ssettm $0x1  }
0x91: {  	s18 =	sld [smem:$0x3FFB];
	_ =	sdelay $0x3  }
0x92: {  	_ =	strace s18  }
0x93: {  	s3 =	sld [smem:$0x3FFC];
	_ =	sdelay $0x3  }
0x94: {  	_ =	strace s3  }
0x95: {  	s3 =	sld [smem:$0x3FFD];
	_ =	sdelay $0x3  }
0x96: {  	_ =	strace s3  }
0x97: {  	_ =	strace $0x8FFFFFFF  }
0x98: {  	s19 =	sld [smem:$0x3FDB];
	_ =	sdelay $0x1  }
0x99: {  	s4 =	simm.s32 $_scs_section_size  }
0x9a: {  	s5 =	simm.s32 $_size__tile_overlayer_lowered;
	s6 =	simm.s32 $_tile_overlayer_lowered  }
0x9b: {  	s22 =	simm.s32 $0x1BFF;
	s21 =	sshll.u32 s6, $0x1;
	s3 =	sadd.s32 s4, s19  }
0x9c: {  	s7 =	simm.s32 $0x0;
	s20 =	sshll.u32 s5, $0x1;
	s5 =	sadd.s32 s21, s3  }
0x9d: {  	[timem:s7], [sflag:s22] =	dma.local [hbm:s5], s20  }
0x9e: {  	_ =	swait.ge [sflag:s22], s20  }
0x9f: {  	s4 =	ssub.s32 $0x0, s20;
	[sflag:s22] =	ssyncset.done $0x0  }
0xa0: {  	[sflag:s22] =	ssyncadd.s32 s4;
	_ =	sdelay $0x1  }
0xa1: {  	s23 =	simm.s32 $0x1B8B  }
0xa2: {  	_ =	swait.ge [sflag:s23], $0x1  }
0xa3: {  	[sflag:s23] =	ssyncset.done $0x0  }
0xa4: {  	s25 =	simm.s32 $0x1B8E;
	s24 =	sld [smem:$0x3FFE];
	[sflag:s23] =	ssyncadd.s32 $0xFFFFFFFF  }
0xa5: {  	s26 =	simm.s32 $execute0_lowered;
	[smem:$0x3FD2] =	sst s25  }
0xa6: {  	s5 =	sshll.u32 s26, $0x1;
	_ =	strace $0x80000049;
	[dreg:$0x1] =	wrdreg $0xFFFFFFFF  }
0xa7: {  	s28 =	simm.s32 $_size_execute0_lowered;
	s3 =	sadd.s32 s3, s5;
	[dreg:$0x0] =	wrdreg $0x0  }
0xa8: {  	s5 =	sshll.u32 s28, $0x1;
	[dreg:$0x2] =	wrdreg s3  }
0xa9: {  	[dreg:$0x3] =	wrdreg s5  }
0xaa: {  	[dreg:$0x4] =	wrdreg $0xC0  }
0xab: {  	_ =	task [dreg:s7], $0x5FFFF  }
0xac: {  	[dreg:$0x1] =	wrdreg $0xFFFFFFFF  }
0xad: {  	[dreg:$0x0] =	wrdreg $0x60  }
0xae: {  	[dreg:$0x2] =	wrdreg s24  }
0xaf: {  	[dreg:$0x3] =	wrdreg s2  }
0xb0: {  	[dreg:$0x4] =	wrdreg $0x0  }
0xb1: {  	[dreg:$0x5] =	wrdreg $0x9  }
0xb2: {  	_ =	task.clear_ibuf [dreg:s7], $0x6FFFF;
	_ =	strace $0x90000049  }
0xb3: {  	s29 =	simm.s32 $0x9;
	_ =	strace $0x8000004B  }
0xb4: {  	_ =	swait.ge [sflag:s29], $0x1  }
0xb5: {  	[sflag:s29] =	ssyncadd.s32 $0xFFFFFFFF  }
0xb6: {  	_ =	strace $0x9000004B  }
0xb7: {  	_ =	sfence  }
0xb8: {  	s30 =	sld [smem:$0x0];
	_ =	sdelay $0x2  }
0xb9: {  	s31 =	sshll.u32 s1, $0xD;
	s1 =	sshrl.u32 s1, $0x2  }
0xba: {  	s3 =	sand.u32 $0x4000, s31;
	s1 =	sadd.s32 s1, s30  }
0xbb: {  	s0 =	sor.u32 s3, s0;
	s1 =	sshll.u32 s1, $0x11  }
0xbc: {  	s0 =	sor.u32 s1, s0  }
0xbd: {  	s0 =	sadd.s32 $0x8F2B, s0  }
0xbe: {  	[sflag:s0] =	ssyncadd.remote.s32 $0x1  }
0xbf: {  	_ =	sfence.sel $0xFFFF  }
0xc0: {  	[dreg:$0x0] =	wrdreg $0xFFFFFFFF;
	(pc) =	sbr.abs _section_cstart, $3  }
0xc1: {  	[dreg:$0x1] =	wrdreg $0xFFFFFFFF  }
0xc2: {  	_ =	task.clear_ibuf [dreg:s7], $0x2FFFF;
	_ =	strace $0x9FFFFFFF  }
0xc3: {  	(tm) =	ssettm $0x7FFFFFFF  }
tec
execute0_lowered:
.L_overlay_start_1:
0x0: {  	(tag) =	ssettag $0x1  }
0x1: {  	s0 =	rddreg [dreg:$0x0]  }
0x2: {  	s2 =	rddreg [dreg:$0x2]  }
0x3: {  	s4 =	simm.s32 $0x0;
	s1 =	srdreg.scid;
	s17 =	stileid.u32  }
0x4: {  	s30 =	simm.s32 $0x15000;
	s31 =	simm.s32 $0x4;
	[smem:$0x7FF] =	sst s4  }
0x5: {  	s1 =	sand.u32 $0x1, s1;
	s3 =	smul.u32 $0x50000, s17;
	s5 =	sadd.s32 $0x52C00, s0  }
0x6: {  	s6 =	sadd.s32 $0x2AC00, s0;
	s8 =	sadd.s32 $0x3EC00, s0;
	s10 =	smul.u32 $0x5000, s17  }
0x7: {  	s0 =	sadd.s32 $0xA0E00, s0;
	s20 =	smul.u32 $0x14, s17;
	s23 =	sshll.u32 s17, $0x7  }
0x8: {  	s24 =	sshll.u32 s17, $0xB;
	p0 =	sgt.u32 s17, $0xD;
	s7 =	smul.u32 $0x50000, s1  }
0x9: {  	s29 =	sadd.s32 $0x138000, s2;
	_ =	strace $0x8000004A;
	s22 =	smul.u32 $0x27100, s1  }
0xa: {  	s9 =	ssub.s32 $0x2, s1;
	s13 =	smul.u32 $0x2710, s1;
	s14 =	sor.u32 $0x800, s23  }
0xb: {  	s16 =	sor.u32 $0x1000, s23;
	s1 =	smul.u32 $0x138800, s1;
	p1 =	sne.s32 @p0 s17, $0xF  }
0xc: {  	s11 =	sshrl.u32 s9, $0x1;
	s3 =	sshrl.u32 s3, $0x2;
	[dreg:$0x4] =	wrdreg s20  }
0xd: {  	p1 =	por p1, !p0;
	s11 =	ssub.s32 s9, s11;
	s9 =	sadd.s32 s3, s2  }
0xe: {  	s18 =	sadd.s32 s10, s7;
	s15 =	sadd.s32 s13, s14;
	s26 =	sadd.s32 s13, s16  }
0xf: {  	s1 =	sshrl.u32 s1, $0x3;
	s19 =	sadd.s32 $0x4000, s9;
	s3 =	sshrl.u32 s18, $0x3  }
0x10: {  	s12 =	sadd.s32 $0x8000, s9;
	s25 =	sshll.u32 s15, $0x4;
	s15 =	sshll.u32 s26, $0x4  }
0x11: {  	s18 =	sor.u32 $0x1800, s23;
	s1 =	sadd.s32 s0, s1;
	[dreg:$0x5] =	wrdreg s19  }
0x12: {  	s28 =	sadd.s32 $0x10000, s9;
	[dreg:$0x6] =	wrdreg s12;
	s21 =	sadd.s32 s6, s3  }
0x13: {  	s3 =	sadd.s32 s8, s3;
	s12 =	sadd.s32 s0, s22;
	[dreg:$0x7] =	wrdreg s21  }
0x14: {  	s19 =	sadd.s32 s13, s18;
	s22 =	sshll.u32 s17, $0xE;
	[dreg:$0x8] =	wrdreg s3  }
0x15: {  	s10 =	sadd.s32 s24, s12;
	s3 =	sor.u32 $0x2000, s23;
	s20 =	sshll.u32 s19, $0x4  }
0x16: {  	s23 =	sshll.u32 s14, $0x7;
	s24 =	sshll.u32 s16, $0x7;
	s12 =	simm.s32 $0x0  }
0x17: {  	[dreg:$0x9] =	wrdreg s10;
	s10 =	sadd.s32 s0, s25;
	s13 =	sadd.s32 s13, s3  }
0x18: {  	s25 =	sshll.u32 s18, $0x7;
	s26 =	sshll.u32 s3, $0x7;
	s3 =	simm.s32 $0x1  }
0x19: {  	[dreg:$0xa] =	wrdreg s10;
	s10 =	sadd.s32 s0, s15;
	s21 =	sshll.u32 s13, $0x4  }
0x1a: {  	[dreg:$0xb] =	wrdreg s10;
	s10 =	sadd.s32 s0, s20;
	s0 =	sadd.s32 s0, s21  }
0x1b: {  	s20 =	sadd.s32 s23, s2;
	s21 =	sadd.s32 s24, s2;
	s23 =	sadd.s32 $0x27000, s1  }
0x1c: {  	s24 =	sadd.s32 s26, s2;
	s26 =	sadd.s32 $0xC000, s9;
	[dreg:$0xc] =	wrdreg s10  }
0x1d: {  	s1 =	simm.s32 $0x80;
	[dreg:$0xd] =	wrdreg s0;
	s0 =	sadd.s32 s22, s2  }
0x1e: {  	s22 =	sadd.s32 s25, s2;
	s25 =	smax.u32 s11, $0x1;
	s10 =	simm.s32 $0x2  }
0x1f: {  	s11 =	simm.s32 $0x3;
	[dreg:$0xe] =	wrdreg s0;
	s0 =	simm.s32 $0x19000  }
.LBB2_1:
0x20: {  	s13 =	rddreg [dreg:$0x1]  }
0x21: {  	[tilespmem:s30], [sflag:$0x4] =	stream.linear.gather [hbm4b:s13+s4], $0x4000, $0x38;
	[tilespmem:$0x1D000] =	vst v63  }
0x22: {  	_ =	swait.ge [sflag:s31], $0x4000  }
0x23: {  	[sflag:s31] =	ssyncset.done $0x0  }
0x24: {  	[sflag:s31] =	ssyncadd.s32 $0xFFFFC000  }
0x25: {  	[spmem:s9] =	stream.linear.scatter [tilespmem:s30], [sflag:$0x4], $0x4000, $0x38;
	[tilespmem:$0x1D000] =	vst v63  }
0x26: {  	_ =	swait.ge [sflag:s31], $0x4000  }
0x27: {  	[sflag:s31] =	ssyncset.done $0x0  }
0x28: {  	s17 =	rddreg [dreg:$0x5];
	[sflag:s31] =	ssyncadd.s32 $0xFFFFC000  }
0x29: {  	[spmem:s17] =	stream.linear.scatter [tilespmem:s30], [sflag:$0x4], $0x4000, $0x38;
	[tilespmem:$0x1D000] =	vst v63  }
0x2a: {  	_ =	swait.ge [sflag:s31], $0x4000  }
0x2b: {  	[sflag:s31] =	ssyncset.done $0x0  }
0x2c: {  	s18 =	rddreg [dreg:$0x6];
	[sflag:s31] =	ssyncadd.s32 $0xFFFFC000  }
0x2d: {  	[spmem:s18] =	stream.linear.scatter [tilespmem:s30], [sflag:$0x4], $0x4000, $0x38;
	[tilespmem:$0x1D000] =	vst v63  }
0x2e: {  	_ =	swait.ge [sflag:s31], $0x4000  }
0x2f: {  	[sflag:s31] =	ssyncset.done $0x0  }
0x30: {  	[sflag:s31] =	ssyncadd.s32 $0xFFFFC000  }
0x31: {  	[spmem:s26] =	stream.linear.scatter [tilespmem:s30], [sflag:$0x4], $0x4000, $0x38;
	[tilespmem:$0x1D000] =	vst v63  }
0x32: {  	_ =	swait.ge [sflag:s31], $0x4000  }
0x33: {  	[sflag:s31] =	ssyncset.done $0x0  }
0x34: {  	[sflag:s31] =	ssyncadd.s32 $0xFFFFC000  }
0x35: {  	[spmem:s28] =	stream.linear.scatter [tilespmem:s30], [sflag:$0x4], $0x4000, $0x38;
	[tilespmem:$0x1D000] =	vst v63  }
0x36: {  	_ =	swait.ge [sflag:s31], $0x4000  }
0x37: {  	[sflag:s31] =	ssyncset.done $0x0  }
0x38: {  	[sflag:s31] =	ssyncadd.s32 $0xFFFFC000  }
0x39: {  	[bflag:$0x0] =	sbarrier.arrive $0xFFFF  }
0x3a: {  	s14 =	simm.s32 $0x14000;
	s19 =	rddreg [dreg:$0x7]  }
0x3b: {  	[tilespmem:s14], [sflag:$0x4] =	stream.linear.gather [hbm4b:s19+s4], $0x400, $0x38;
	[tilespmem:$0x1D000] =	vst v63  }
0x3c: {  	_ =	swait.ge [sflag:s31], $0x400  }
0x3d: {  	[sflag:s31] =	ssyncset.done $0x0  }
0x3e: {  	s15 =	simm.s32 $0x14800;
	s14 =	rddreg [dreg:$0x8];
	[sflag:s31] =	ssyncadd.s32 $0xFFFFFC00  }
0x3f: {  	[tilespmem:s15], [sflag:$0x4] =	stream.linear.gather [hbm4b:s14+s4], $0x400, $0x38;
	[tilespmem:$0x1D000] =	vst v63  }
0x40: {  	_ =	swait.ge [sflag:s31], $0x400  }
0x41: {  	s17 =	smin.u32 s3, $0x13;
	s16 =	rddreg [dreg:$0x4]  }
0x42: {  	s13 =	sadd.s32 s16, s17  }
0x43: {  	s13 =	sshll.u32 s13, $0xA  }
0x44: {  	s18 =	sadd.s32 s7, s13  }
0x45: {  	[sflag:s31] =	ssyncset.done $0x0;
	s13 =	sand.u32 $0x400, s4;
	s14 =	sshrl.u32 s18, $0x3  }
0x46: {  	[sflag:s31] =	ssyncadd.s32 $0xFFFFFC00;
	s15 =	sxor.u32 $0x14400, s13;
	s16 =	sadd.s32 s6, s14  }
0x47: {  	[tilespmem:s15], [sflag:$0x3] =	stream.linear.gather [hbm4b:s16+s4], $0x400, $0x38;
	[tilespmem:$0x1D000] =	vst v63  }
0x48: {  	s19 =	sxor.u32 $0x14C00, s13;
	s14 =	sadd.s32 s8, s14  }
0x49: {  	[tilespmem:s19], [sflag:$0x3] =	stream.linear.gather [hbm4b:s14+s4], $0x400, $0x38;
	[tilespmem:$0x1D000] =	vst v63  }
0x4a: {  	s15 =	sor.u32 $0x14000, s13  }
0x4b: {  	[tilespmem:s30], [sflag:$0x1] =	stream.indirect.gather [hbm4b:s5+s1], $0x80, s15, s1, $0xb8;
	[tilespmem:$0x1D000] =	vst v63  }
0x4c: {  	s16 =	sor.u32 $0x14080, s13  }
0x4d: {  	[tilespmem:s0], [sflag:$0x1] =	stream.indirect.gather [hbm4b:s5+s1], $0x80, s16, s1, $0xb8;
	[tilespmem:$0x1D000] =	vst v63  }
0x4e: {  	_ =	swait.ge [sflag:s3], $0x4000  }
0x4f: {  	[sflag:s3] =	ssyncset.done $0x0  }
0x50: {  	s17 =	sor.u32 $0x14800, s13;
	[sflag:s3] =	ssyncadd.s32 $0xFFFFC000  }
0x51: {  	[spmem:s2] =	stream.indirect.scatter.add.f32 [tilespmem:s30], [sflag:$0x2], $0x80, s17, s1, $0xb8;
	[tilespmem:$0x1D000] =	vst v63  }
0x52: {  	_ =	swait.ge [sflag:s10], $0x4000  }
0x53: {  	[sflag:s10] =	ssyncset.done $0x0  }
0x54: {  	s18 =	sor.u32 $0x14100, s13;
	[sflag:s10] =	ssyncadd.s32 $0xFFFFC000  }
0x55: {  	[tilespmem:s30], [sflag:$0x1] =	stream.indirect.gather [hbm4b:s5+s1], $0x80, s18, s1, $0xb8;
	[tilespmem:$0x1D000] =	vst v63  }
0x56: {  	_ =	swait.ge [sflag:s3], $0x4000  }
0x57: {  	[sflag:s3] =	ssyncset.done $0x0  }
0x58: {  	s19 =	sor.u32 $0x14880, s13;
	[sflag:s3] =	ssyncadd.s32 $0xFFFFC000  }
0x59: {  	[spmem:s2] =	stream.indirect.scatter.add.f32 [tilespmem:s0], [sflag:$0x2], $0x80, s19, s1, $0xb8;
	[tilespmem:$0x1D000] =	vst v63  }
0x5a: {  	_ =	swait.ge [sflag:s10], $0x4000  }
0x5b: {  	[sflag:s10] =	ssyncset.done $0x0  }
0x5c: {  	s15 =	sor.u32 $0x14180, s13;
	[sflag:s10] =	ssyncadd.s32 $0xFFFFC000  }
0x5d: {  	[tilespmem:s0], [sflag:$0x1] =	stream.indirect.gather [hbm4b:s5+s1], $0x80, s15, s1, $0xb8;
	[tilespmem:$0x1D000] =	vst v63  }
0x5e: {  	_ =	swait.ge [sflag:s3], $0x4000  }
0x5f: {  	[sflag:s3] =	ssyncset.done $0x0  }
0x60: {  	s16 =	sor.u32 $0x14900, s13;
	[sflag:s3] =	ssyncadd.s32 $0xFFFFC000  }
0x61: {  	[spmem:s2] =	stream.indirect.scatter.add.f32 [tilespmem:s30], [sflag:$0x2], $0x80, s16, s1, $0xb8;
	[tilespmem:$0x1D000] =	vst v63  }
0x62: {  	_ =	swait.ge [sflag:s10], $0x4000  }
0x63: {  	[sflag:s10] =	ssyncset.done $0x0  }
0x64: {  	s17 =	sor.u32 $0x14200, s13;
	[sflag:s10] =	ssyncadd.s32 $0xFFFFC000  }
0x65: {  	[tilespmem:s30], [sflag:$0x1] =	stream.indirect.gather [hbm4b:s5+s1], $0x80, s17, s1, $0xb8;
	[tilespmem:$0x1D000] =	vst v63  }
0x66: {  	_ =	swait.ge [sflag:s3], $0x4000  }
0x67: {  	[sflag:s3] =	ssyncset.done $0x0  }
0x68: {  	s18 =	sor.u32 $0x14980, s13;
	[sflag:s3] =	ssyncadd.s32 $0xFFFFC000  }
0x69: {  	[spmem:s2] =	stream.indirect.scatter.add.f32 [tilespmem:s0], [sflag:$0x2], $0x80, s18, s1, $0xb8;
	[tilespmem:$0x1D000] =	vst v63  }
0x6a: {  	_ =	swait.ge [sflag:s10], $0x4000  }
0x6b: {  	[sflag:s10] =	ssyncset.done $0x0  }
0x6c: {  	s19 =	sor.u32 $0x14280, s13;
	[sflag:s10] =	ssyncadd.s32 $0xFFFFC000  }
0x6d: {  	[tilespmem:s0], [sflag:$0x1] =	stream.indirect.gather [hbm4b:s5+s1], $0x80, s19, s1, $0xb8;
	[tilespmem:$0x1D000] =	vst v63  }
0x6e: {  	_ =	swait.ge [sflag:s3], $0x4000  }
0x6f: {  	[sflag:s3] =	ssyncset.done $0x0  }
0x70: {  	s15 =	sor.u32 $0x14A00, s13;
	[sflag:s3] =	ssyncadd.s32 $0xFFFFC000  }
0x71: {  	[spmem:s2] =	stream.indirect.scatter.add.f32 [tilespmem:s30], [sflag:$0x2], $0x80, s15, s1, $0xb8;
	[tilespmem:$0x1D000] =	vst v63  }
0x72: {  	_ =	swait.ge [sflag:s10], $0x4000  }
0x73: {  	[sflag:s10] =	ssyncset.done $0x0  }
0x74: {  	s16 =	sor.u32 $0x14300, s13;
	[sflag:s10] =	ssyncadd.s32 $0xFFFFC000  }
0x75: {  	[tilespmem:s30], [sflag:$0x1] =	stream.indirect.gather [hbm4b:s5+s1], $0x80, s16, s1, $0xb8;
	[tilespmem:$0x1D000] =	vst v63  }
0x76: {  	_ =	swait.ge [sflag:s3], $0x4000  }
0x77: {  	[sflag:s3] =	ssyncset.done $0x0  }
0x78: {  	s17 =	sor.u32 $0x14A80, s13;
	[sflag:s3] =	ssyncadd.s32 $0xFFFFC000  }
0x79: {  	[spmem:s2] =	stream.indirect.scatter.add.f32 [tilespmem:s0], [sflag:$0x2], $0x80, s17, s1, $0xb8;
	[tilespmem:$0x1D000] =	vst v63  }
0x7a: {  	_ =	swait.ge [sflag:s10], $0x4000  }
0x7b: {  	[sflag:s10] =	ssyncset.done $0x0  }
0x7c: {  	s18 =	sor.u32 $0x14380, s13;
	[sflag:s10] =	ssyncadd.s32 $0xFFFFC000  }
0x7d: {  	[tilespmem:s0], [sflag:$0x1] =	stream.indirect.gather [hbm4b:s5+s1], $0x80, s18, s1, $0xb8;
	[tilespmem:$0x1D000] =	vst v63  }
0x7e: {  	_ =	swait.ge [sflag:s3], $0x4000  }
0x7f: {  	[sflag:s3] =	ssyncset.done $0x0  }
0x80: {  	s19 =	sor.u32 $0x14B00, s13;
	[sflag:s3] =	ssyncadd.s32 $0xFFFFC000  }
0x81: {  	[spmem:s2] =	stream.indirect.scatter.add.f32 [tilespmem:s30], [sflag:$0x2], $0x80, s19, s1, $0xb8;
	[tilespmem:$0x1D000] =	vst v63  }
0x82: {  	_ =	swait.ge [sflag:s3], $0x4000  }
0x83: {  	[sflag:s3] =	ssyncset.done $0x0  }
0x84: {  	s13 =	sor.u32 $0x14B80, s13;
	[sflag:s3] =	ssyncadd.s32 $0xFFFFC000  }
0x85: {  	[spmem:s2] =	stream.indirect.scatter.add.f32 [tilespmem:s0], [sflag:$0x2], $0x80, s13, s1, $0xb8;
	[tilespmem:$0x1D000] =	vst v63  }
0x86: {  	_ =	swait.ge [sflag:s10], $0x4000  }
0x87: {  	[sflag:s10] =	ssyncset.done $0x0  }
0x88: {  	[sflag:s10] =	ssyncadd.s32 $0xFFFFC000  }
0x89: {  	_ =	swait.ge [sflag:s10], $0x4000  }
0x8a: {  	[sflag:s10] =	ssyncset.done $0x0  }
0x8b: {  	[sflag:s10] =	ssyncadd.s32 $0xFFFFC000  }
0x8c: {  	_ =	swait.ge [sflag:s11], $0x400  }
0x8d: {  	[sflag:s11] =	ssyncset.done $0x0  }
0x8e: {  	[sflag:s11] =	ssyncadd.s32 $0xFFFFFC00  }
0x8f: {  	s14 =	simm.s32 $0x0;
	s15 =	simm.s32 $0x3;
	_ =	swait.ge [sflag:s11], $0x400  }
0x90: {  	s13 =	simm.s32 $0x2;
	s16 =	rddreg [dreg:$0x4];
	[sflag:s11] =	ssyncset.done $0x0  }
.LBB2_2:
0x91: {  	s17 =	smin.u32 s13, $0x13  }
0x92: {  	s16 =	sadd.s32 s16, s17  }
0x93: {  	s16 =	sshll.u32 s16, $0xA  }
0x94: {  	s14 =	sadd.s32 $0x400, s14;
	s18 =	sadd.s32 s7, s16  }
0x95: {  	s16 =	sand.u32 $0x400, s14;
	s17 =	sshrl.u32 s18, $0x3  }
0x96: {  	[sflag:s11] =	ssyncadd.s32 $0xFFFFFC00;
	s18 =	sxor.u32 $0x14400, s16;
	s19 =	sadd.s32 s6, s17  }
0x97: {  	[tilespmem:s18], [sflag:$0x3] =	stream.linear.gather [hbm4b:s19+s4], $0x400, $0x38;
	[tilespmem:$0x1D000] =	vst v63  }
0x98: {  	s17 =	sadd.s32 s8, s17;
	s19 =	sxor.u32 $0x14C00, s16  }
0x99: {  	[tilespmem:s19], [sflag:$0x3] =	stream.linear.gather [hbm4b:s17+s4], $0x400, $0x38;
	[tilespmem:$0x1D000] =	vst v63  }
0x9a: {  	s19 =	sor.u32 $0x14000, s16  }
0x9b: {  	[tilespmem:s30], [sflag:$0x1] =	stream.indirect.gather [hbm4b:s5+s1], $0x80, s19, s1, $0xb8;
	[tilespmem:$0x1D000] =	vst v63  }
0x9c: {  	s18 =	sor.u32 $0x14080, s16  }
0x9d: {  	[tilespmem:s0], [sflag:$0x1] =	stream.indirect.gather [hbm4b:s5+s1], $0x80, s18, s1, $0xb8;
	[tilespmem:$0x1D000] =	vst v63  }
0x9e: {  	_ =	swait.ge [sflag:s3], $0x4000  }
0x9f: {  	[sflag:s3] =	ssyncset.done $0x0  }
0xa0: {  	s19 =	sor.u32 $0x14800, s16;
	[sflag:s3] =	ssyncadd.s32 $0xFFFFC000  }
0xa1: {  	[spmem:s2] =	stream.indirect.scatter.add.f32 [tilespmem:s30], [sflag:$0x2], $0x80, s19, s1, $0xb8;
	[tilespmem:$0x1D000] =	vst v63  }
0xa2: {  	_ =	swait.ge [sflag:s10], $0x4000  }
0xa3: {  	[sflag:s10] =	ssyncset.done $0x0  }
0xa4: {  	s18 =	sor.u32 $0x14100, s16;
	[sflag:s10] =	ssyncadd.s32 $0xFFFFC000  }
0xa5: {  	[tilespmem:s30], [sflag:$0x1] =	stream.indirect.gather [hbm4b:s5+s1], $0x80, s18, s1, $0xb8;
	[tilespmem:$0x1D000] =	vst v63  }
0xa6: {  	_ =	swait.ge [sflag:s3], $0x4000  }
0xa7: {  	[sflag:s3] =	ssyncset.done $0x0  }
0xa8: {  	s19 =	sor.u32 $0x14880, s16;
	[sflag:s3] =	ssyncadd.s32 $0xFFFFC000  }
0xa9: {  	[spmem:s2] =	stream.indirect.scatter.add.f32 [tilespmem:s0], [sflag:$0x2], $0x80, s19, s1, $0xb8;
	[tilespmem:$0x1D000] =	vst v63  }
0xaa: {  	_ =	swait.ge [sflag:s10], $0x4000  }
0xab: {  	[sflag:s10] =	ssyncset.done $0x0  }
0xac: {  	s18 =	sor.u32 $0x14180, s16;
	[sflag:s10] =	ssyncadd.s32 $0xFFFFC000  }
0xad: {  	[tilespmem:s0], [sflag:$0x1] =	stream.indirect.gather [hbm4b:s5+s1], $0x80, s18, s1, $0xb8;
	[tilespmem:$0x1D000] =	vst v63  }
0xae: {  	_ =	swait.ge [sflag:s3], $0x4000  }
0xaf: {  	[sflag:s3] =	ssyncset.done $0x0  }
0xb0: {  	s19 =	sor.u32 $0x14900, s16;
	[sflag:s3] =	ssyncadd.s32 $0xFFFFC000  }
0xb1: {  	[spmem:s2] =	stream.indirect.scatter.add.f32 [tilespmem:s30], [sflag:$0x2], $0x80, s19, s1, $0xb8;
	[tilespmem:$0x1D000] =	vst v63  }
0xb2: {  	_ =	swait.ge [sflag:s10], $0x4000  }
0xb3: {  	[sflag:s10] =	ssyncset.done $0x0  }
0xb4: {  	s18 =	sor.u32 $0x14200, s16;
	[sflag:s10] =	ssyncadd.s32 $0xFFFFC000  }
0xb5: {  	[tilespmem:s30], [sflag:$0x1] =	stream.indirect.gather [hbm4b:s5+s1], $0x80, s18, s1, $0xb8;
	[tilespmem:$0x1D000] =	vst v63  }
0xb6: {  	_ =	swait.ge [sflag:s3], $0x4000  }
0xb7: {  	[sflag:s3] =	ssyncset.done $0x0  }
0xb8: {  	s19 =	sor.u32 $0x14980, s16;
	[sflag:s3] =	ssyncadd.s32 $0xFFFFC000  }
0xb9: {  	[spmem:s2] =	stream.indirect.scatter.add.f32 [tilespmem:s0], [sflag:$0x2], $0x80, s19, s1, $0xb8;
	[tilespmem:$0x1D000] =	vst v63  }
0xba: {  	_ =	swait.ge [sflag:s10], $0x4000  }
0xbb: {  	[sflag:s10] =	ssyncset.done $0x0  }
0xbc: {  	s18 =	sor.u32 $0x14280, s16;
	[sflag:s10] =	ssyncadd.s32 $0xFFFFC000  }
0xbd: {  	[tilespmem:s0], [sflag:$0x1] =	stream.indirect.gather [hbm4b:s5+s1], $0x80, s18, s1, $0xb8;
	[tilespmem:$0x1D000] =	vst v63  }
0xbe: {  	_ =	swait.ge [sflag:s3], $0x4000  }
0xbf: {  	[sflag:s3] =	ssyncset.done $0x0  }
0xc0: {  	s19 =	sor.u32 $0x14A00, s16;
	[sflag:s3] =	ssyncadd.s32 $0xFFFFC000  }
0xc1: {  	[spmem:s2] =	stream.indirect.scatter.add.f32 [tilespmem:s30], [sflag:$0x2], $0x80, s19, s1, $0xb8;
	[tilespmem:$0x1D000] =	vst v63  }
0xc2: {  	_ =	swait.ge [sflag:s10], $0x4000  }
0xc3: {  	[sflag:s10] =	ssyncset.done $0x0  }
0xc4: {  	s18 =	sor.u32 $0x14300, s16;
	[sflag:s10] =	ssyncadd.s32 $0xFFFFC000  }
0xc5: {  	[tilespmem:s30], [sflag:$0x1] =	stream.indirect.gather [hbm4b:s5+s1], $0x80, s18, s1, $0xb8;
	[tilespmem:$0x1D000] =	vst v63  }
0xc6: {  	_ =	swait.ge [sflag:s3], $0x4000  }
0xc7: {  	[sflag:s3] =	ssyncset.done $0x0  }
0xc8: {  	s19 =	sor.u32 $0x14A80, s16;
	[sflag:s3] =	ssyncadd.s32 $0xFFFFC000  }
0xc9: {  	[spmem:s2] =	stream.indirect.scatter.add.f32 [tilespmem:s0], [sflag:$0x2], $0x80, s19, s1, $0xb8;
	[tilespmem:$0x1D000] =	vst v63  }
0xca: {  	_ =	swait.ge [sflag:s10], $0x4000  }
0xcb: {  	[sflag:s10] =	ssyncset.done $0x0  }
0xcc: {  	s18 =	sor.u32 $0x14380, s16;
	[sflag:s10] =	ssyncadd.s32 $0xFFFFC000  }
0xcd: {  	[tilespmem:s0], [sflag:$0x1] =	stream.indirect.gather [hbm4b:s5+s1], $0x80, s18, s1, $0xb8;
	[tilespmem:$0x1D000] =	vst v63  }
0xce: {  	_ =	swait.ge [sflag:s3], $0x4000  }
0xcf: {  	[sflag:s3] =	ssyncset.done $0x0  }
0xd0: {  	s19 =	sor.u32 $0x14B00, s16;
	[sflag:s3] =	ssyncadd.s32 $0xFFFFC000  }
0xd1: {  	[spmem:s2] =	stream.indirect.scatter.add.f32 [tilespmem:s30], [sflag:$0x2], $0x80, s19, s1, $0xb8;
	[tilespmem:$0x1D000] =	vst v63  }
0xd2: {  	_ =	swait.ge [sflag:s3], $0x4000  }
0xd3: {  	[sflag:s3] =	ssyncset.done $0x0  }
0xd4: {  	s16 =	sor.u32 $0x14B80, s16;
	[sflag:s3] =	ssyncadd.s32 $0xFFFFC000  }
0xd5: {  	[spmem:s2] =	stream.indirect.scatter.add.f32 [tilespmem:s0], [sflag:$0x2], $0x80, s16, s1, $0xb8;
	[tilespmem:$0x1D000] =	vst v63  }
0xd6: {  	_ =	swait.ge [sflag:s10], $0x4000  }
0xd7: {  	[sflag:s10] =	ssyncset.done $0x0  }
0xd8: {  	[sflag:s10] =	ssyncadd.s32 $0xFFFFC000  }
0xd9: {  	_ =	swait.ge [sflag:s10], $0x4000  }
0xda: {  	[sflag:s10] =	ssyncset.done $0x0  }
0xdb: {  	p2 =	sne.s32 s15, $0x14;
	[sflag:s10] =	ssyncadd.s32 $0xFFFFC000  }
.Ltmp0:
0xdc: {  	_ =	swait.ge [sflag:s11], $0x400;
	(pc) =	sbr.rel @p2 .LBB2_2-.Ltmp0, $4  }
0xdd: {  	[sflag:s11] =	ssyncset.done $0x0  }
0xde: {  	[sflag:s11] =	ssyncadd.s32 $0xFFFFFC00  }
0xdf: {  	s13 =	smov.u32 s15;
	_ =	swait.ge [sflag:s11], $0x400  }
0xe0: {  	s15 =	sadd.s32 $0x1, s15;
	s16 =	rddreg [dreg:$0x4];
	[sflag:s11] =	ssyncset.done $0x0  }
0xe1: {  	s13 =	smin.u32 s13, $0x13  }
0xe2: {  	s13 =	sadd.s32 s16, s13  }
0xe3: {  	s13 =	sshll.u32 s13, $0xA  }
0xe4: {  	s14 =	sadd.s32 $0x400, s14;
	s15 =	sadd.s32 s7, s13  }
0xe5: {  	s13 =	sand.u32 $0x400, s14;
	s14 =	sshrl.u32 s15, $0x3  }
0xe6: {  	[sflag:s11] =	ssyncadd.s32 $0xFFFFFC00;
	s17 =	sxor.u32 $0x14400, s13;
	s18 =	sadd.s32 s6, s14  }
0xe7: {  	[tilespmem:s17], [sflag:$0x3] =	stream.linear.gather [hbm4b:s18+s4], $0x400, $0x38;
	[tilespmem:$0x1D000] =	vst v63  }
0xe8: {  	s19 =	sxor.u32 $0x14C00, s13;
	s14 =	sadd.s32 s8, s14  }
0xe9: {  	[tilespmem:s19], [sflag:$0x3] =	stream.linear.gather [hbm4b:s14+s4], $0x400, $0x38;
	[tilespmem:$0x1D000] =	vst v63  }
0xea: {  	s15 =	sor.u32 $0x14000, s13  }
0xeb: {  	[tilespmem:s30], [sflag:$0x1] =	stream.indirect.gather [hbm4b:s5+s1], $0x80, s15, s1, $0xb8;
	[tilespmem:$0x1D000] =	vst v63  }
0xec: {  	s16 =	sor.u32 $0x14080, s13  }
0xed: {  	[tilespmem:s0], [sflag:$0x1] =	stream.indirect.gather [hbm4b:s5+s1], $0x80, s16, s1, $0xb8;
	[tilespmem:$0x1D000] =	vst v63  }
0xee: {  	_ =	swait.ge [sflag:s3], $0x4000  }
0xef: {  	[sflag:s3] =	ssyncset.done $0x0  }
0xf0: {  	s17 =	sor.u32 $0x14800, s13;
	[sflag:s3] =	ssyncadd.s32 $0xFFFFC000  }
0xf1: {  	[spmem:s2] =	stream.indirect.scatter.add.f32 [tilespmem:s30], [sflag:$0x2], $0x80, s17, s1, $0xb8;
	[tilespmem:$0x1D000] =	vst v63  }
0xf2: {  	_ =	swait.ge [sflag:s10], $0x4000  }
0xf3: {  	[sflag:s10] =	ssyncset.done $0x0  }
0xf4: {  	s18 =	sor.u32 $0x14100, s13;
	[sflag:s10] =	ssyncadd.s32 $0xFFFFC000  }
0xf5: {  	[tilespmem:s30], [sflag:$0x1] =	stream.indirect.gather [hbm4b:s5+s1], $0x80, s18, s1, $0xb8;
	[tilespmem:$0x1D000] =	vst v63  }
0xf6: {  	_ =	swait.ge [sflag:s3], $0x4000  }
0xf7: {  	[sflag:s3] =	ssyncset.done $0x0  }
0xf8: {  	s19 =	sor.u32 $0x14880, s13;
	[sflag:s3] =	ssyncadd.s32 $0xFFFFC000  }
0xf9: {  	[spmem:s2] =	stream.indirect.scatter.add.f32 [tilespmem:s0], [sflag:$0x2], $0x80, s19, s1, $0xb8;
	[tilespmem:$0x1D000] =	vst v63  }
0xfa: {  	_ =	swait.ge [sflag:s10], $0x4000  }
0xfb: {  	[sflag:s10] =	ssyncset.done $0x0  }
0xfc: {  	s15 =	sor.u32 $0x14180, s13;
	[sflag:s10] =	ssyncadd.s32 $0xFFFFC000  }
0xfd: {  	[tilespmem:s0], [sflag:$0x1] =	stream.indirect.gather [hbm4b:s5+s1], $0x80, s15, s1, $0xb8;
	[tilespmem:$0x1D000] =	vst v63  }
0xfe: {  	_ =	swait.ge [sflag:s3], $0x4000  }
0xff: {  	[sflag:s3] =	ssyncset.done $0x0  }
0x100: {  	s16 =	sor.u32 $0x14900, s13;
	[sflag:s3] =	ssyncadd.s32 $0xFFFFC000  }
0x101: {  	[spmem:s2] =	stream.indirect.scatter.add.f32 [tilespmem:s30], [sflag:$0x2], $0x80, s16, s1, $0xb8;
	[tilespmem:$0x1D000] =	vst v63  }
0x102: {  	_ =	swait.ge [sflag:s10], $0x4000  }
0x103: {  	[sflag:s10] =	ssyncset.done $0x0  }
0x104: {  	s17 =	sor.u32 $0x14200, s13;
	[sflag:s10] =	ssyncadd.s32 $0xFFFFC000  }
0x105: {  	[tilespmem:s30], [sflag:$0x1] =	stream.indirect.gather [hbm4b:s5+s1], $0x80, s17, s1, $0xb8;
	[tilespmem:$0x1D000] =	vst v63  }
0x106: {  	_ =	swait.ge [sflag:s3], $0x4000  }
0x107: {  	[sflag:s3] =	ssyncset.done $0x0  }
0x108: {  	s18 =	sor.u32 $0x14980, s13;
	[sflag:s3] =	ssyncadd.s32 $0xFFFFC000  }
0x109: {  	[spmem:s2] =	stream.indirect.scatter.add.f32 [tilespmem:s0], [sflag:$0x2], $0x80, s18, s1, $0xb8;
	[tilespmem:$0x1D000] =	vst v63  }
0x10a: {  	_ =	swait.ge [sflag:s10], $0x4000  }
0x10b: {  	[sflag:s10] =	ssyncset.done $0x0  }
0x10c: {  	s19 =	sor.u32 $0x14280, s13;
	[sflag:s10] =	ssyncadd.s32 $0xFFFFC000  }
0x10d: {  	[tilespmem:s0], [sflag:$0x1] =	stream.indirect.gather [hbm4b:s5+s1], $0x80, s19, s1, $0xb8;
	[tilespmem:$0x1D000] =	vst v63  }
0x10e: {  	_ =	swait.ge [sflag:s3], $0x4000  }
0x10f: {  	[sflag:s3] =	ssyncset.done $0x0  }
0x110: {  	s15 =	sor.u32 $0x14A00, s13;
	[sflag:s3] =	ssyncadd.s32 $0xFFFFC000  }
0x111: {  	[spmem:s2] =	stream.indirect.scatter.add.f32 [tilespmem:s30], [sflag:$0x2], $0x80, s15, s1, $0xb8;
	[tilespmem:$0x1D000] =	vst v63  }
0x112: {  	_ =	swait.ge [sflag:s10], $0x4000  }
0x113: {  	[sflag:s10] =	ssyncset.done $0x0  }
0x114: {  	s16 =	sor.u32 $0x14300, s13;
	[sflag:s10] =	ssyncadd.s32 $0xFFFFC000  }
0x115: {  	[tilespmem:s30], [sflag:$0x1] =	stream.indirect.gather [hbm4b:s5+s1], $0x80, s16, s1, $0xb8;
	[tilespmem:$0x1D000] =	vst v63  }
0x116: {  	_ =	swait.ge [sflag:s3], $0x4000  }
0x117: {  	[sflag:s3] =	ssyncset.done $0x0  }
0x118: {  	s17 =	sor.u32 $0x14A80, s13;
	[sflag:s3] =	ssyncadd.s32 $0xFFFFC000  }
0x119: {  	[spmem:s2] =	stream.indirect.scatter.add.f32 [tilespmem:s0], [sflag:$0x2], $0x80, s17, s1, $0xb8;
	[tilespmem:$0x1D000] =	vst v63  }
0x11a: {  	_ =	swait.ge [sflag:s10], $0x4000  }
0x11b: {  	[sflag:s10] =	ssyncset.done $0x0  }
0x11c: {  	s18 =	sor.u32 $0x14380, s13;
	[sflag:s10] =	ssyncadd.s32 $0xFFFFC000  }
0x11d: {  	[tilespmem:s0], [sflag:$0x1] =	stream.indirect.gather [hbm4b:s5+s1], $0x80, s18, s1, $0xb8;
	[tilespmem:$0x1D000] =	vst v63  }
0x11e: {  	_ =	swait.ge [sflag:s3], $0x4000  }
0x11f: {  	[sflag:s3] =	ssyncset.done $0x0  }
0x120: {  	s19 =	sor.u32 $0x14B00, s13;
	[sflag:s3] =	ssyncadd.s32 $0xFFFFC000  }
0x121: {  	[spmem:s2] =	stream.indirect.scatter.add.f32 [tilespmem:s30], [sflag:$0x2], $0x80, s19, s1, $0xb8;
	[tilespmem:$0x1D000] =	vst v63  }
0x122: {  	_ =	swait.ge [sflag:s3], $0x4000  }
0x123: {  	[sflag:s3] =	ssyncset.done $0x0  }
0x124: {  	s13 =	sor.u32 $0x14B80, s13;
	[sflag:s3] =	ssyncadd.s32 $0xFFFFC000  }
0x125: {  	[spmem:s2] =	stream.indirect.scatter.add.f32 [tilespmem:s0], [sflag:$0x2], $0x80, s13, s1, $0xb8;
	[tilespmem:$0x1D000] =	vst v63  }
0x126: {  	_ =	swait.ge [sflag:s10], $0x4000  }
0x127: {  	[sflag:s10] =	ssyncset.done $0x0  }
0x128: {  	[sflag:s10] =	ssyncadd.s32 $0xFFFFC000  }
0x129: {  	_ =	swait.ge [sflag:s10], $0x4000  }
0x12a: {  	[sflag:s10] =	ssyncset.done $0x0  }
0x12b: {  	[sflag:s10] =	ssyncadd.s32 $0xFFFFC000  }
0x12c: {  	_ =	swait.ge [sflag:s11], $0x400  }
0x12d: {  	[sflag:s11] =	ssyncset.done $0x0  }
0x12e: {  	[sflag:s11] =	ssyncadd.s32 $0xFFFFFC00  }
0x12f: {  	_ =	swait.ge [sflag:s11], $0x400  }
0x130: {  	[sflag:s11] =	ssyncset.done $0x0  }
0x131: {  	[sflag:s11] =	ssyncadd.s32 $0xFFFFFC00  }
0x132: {  	[bflag:$0x0] =	sbarrier.arrive $0xFFFF  }
0x133: {  	s15 =	rddreg [dreg:$0xe]  }
0x134: {  	[tilespmem:s30], [sflag:$0x4] =	stream.linear.gather [spmem:s15], $0x4000, $0x38;
	[tilespmem:$0x1D000] =	vst v63  }
0x135: {  	_ =	swait.ge [sflag:s31], $0x4000  }
0x136: {  	[sflag:s31] =	ssyncset.done $0x0  }
0x137: {  	s16 =	rddreg [dreg:$0x9];
	[sflag:s31] =	ssyncadd.s32 $0xFFFFC000  }
0x138: {  	[hbm4b:s16+s4] =	stream.linear.scatter [tilespmem:s30], [sflag:$0x4], $0x4000, $0x38;
	[tilespmem:$0x1D000] =	vst v63  }
0x139: {  	_ =	swait.ge [sflag:s31], $0x4000  }
0x13a: {  	[sflag:s31] =	ssyncset.done $0x0  }
0x13b: {  	[sflag:s31] =	ssyncadd.s32 $0xFFFFC000  }
0x13c: {  	[tilespmem:s30], [sflag:$0x4] =	stream.linear.gather [spmem:s20], $0x4000, $0x38;
	[tilespmem:$0x1D000] =	vst v63  }
0x13d: {  	_ =	swait.ge [sflag:s31], $0x4000  }
0x13e: {  	[sflag:s31] =	ssyncset.done $0x0  }
0x13f: {  	s17 =	rddreg [dreg:$0xa];
	[sflag:s31] =	ssyncadd.s32 $0xFFFFC000  }
0x140: {  	[hbm4b:s17+s4] =	stream.linear.scatter [tilespmem:s30], [sflag:$0x4], $0x4000, $0x38;
	[tilespmem:$0x1D000] =	vst v63  }
0x141: {  	_ =	swait.ge [sflag:s31], $0x4000  }
0x142: {  	[sflag:s31] =	ssyncset.done $0x0  }
0x143: {  	[sflag:s31] =	ssyncadd.s32 $0xFFFFC000  }
0x144: {  	[tilespmem:s30], [sflag:$0x4] =	stream.linear.gather [spmem:s21], $0x4000, $0x38;
	[tilespmem:$0x1D000] =	vst v63  }
0x145: {  	_ =	swait.ge [sflag:s31], $0x4000  }
0x146: {  	[sflag:s31] =	ssyncset.done $0x0  }
0x147: {  	s18 =	rddreg [dreg:$0xb];
	[sflag:s31] =	ssyncadd.s32 $0xFFFFC000  }
0x148: {  	[hbm4b:s18+s4] =	stream.linear.scatter [tilespmem:s30], [sflag:$0x4], $0x4000, $0x38;
	[tilespmem:$0x1D000] =	vst v63  }
0x149: {  	_ =	swait.ge [sflag:s31], $0x4000  }
0x14a: {  	[sflag:s31] =	ssyncset.done $0x0  }
0x14b: {  	[sflag:s31] =	ssyncadd.s32 $0xFFFFC000  }
0x14c: {  	[tilespmem:s30], [sflag:$0x4] =	stream.linear.gather [spmem:s22], $0x4000, $0x38;
	[tilespmem:$0x1D000] =	vst v63  }
0x14d: {  	_ =	swait.ge [sflag:s31], $0x4000  }
0x14e: {  	[sflag:s31] =	ssyncset.done $0x0  }
0x14f: {  	s19 =	rddreg [dreg:$0xc];
	[sflag:s31] =	ssyncadd.s32 $0xFFFFC000  }
0x150: {  	[hbm4b:s19+s4] =	stream.linear.scatter [tilespmem:s30], [sflag:$0x4], $0x4000, $0x38;
	[tilespmem:$0x1D000] =	vst v63  }
0x151: {  	_ =	swait.ge [sflag:s31], $0x4000  }
0x152: {  	[sflag:s31] =	ssyncset.done $0x0  }
0x153: {  	s14 =	simm.s32 @!p1 $0x4;
	s13 =	simm.s32 @!p1 $0x19000;
	[sflag:s31] =	ssyncadd.s32 $0xFFFFC000  }
0x154: {  	[tilespmem:s13], [sflag:$0x4] =	stream.linear.gather @!p1 [spmem:s29], $0x800, $0x38;
	[tilespmem:$0x1D000] =	vst v63  }
0x155: {  	_ =	swait.ge @!p1 [sflag:s14], $0x800  }
0x156: {  	[sflag:s14] =	ssyncset.done @!p1 $0x0  }
0x157: {  	s15 =	simm.s32 @!p1 $0x0;
	[sflag:s14] =	ssyncadd.s32 @!p1 $0xFFFFF800  }
0x158: {  	[hbm4b:s23+s15] =	stream.linear.scatter @!p1 [tilespmem:s13], [sflag:$0x4], $0x800, $0x38;
	[tilespmem:$0x1D000] =	vst v63  }
0x159: {  	_ =	swait.ge @!p1 [sflag:s14], $0x800  }
0x15a: {  	[sflag:s14] =	ssyncset.done @!p1 $0x0  }
0x15b: {  	s13 =	simm.s32 @!p0 $0x15000;
	[sflag:s14] =	ssyncadd.s32 @!p1 $0xFFFFF800;
	s14 =	simm.s32 @!p0 $0x4  }
0x15c: {  	[tilespmem:s13], [sflag:$0x4] =	stream.linear.gather @!p0 [spmem:s24], $0x4000, $0x38;
	[tilespmem:$0x1D000] =	vst v63  }
0x15d: {  	s12 =	sadd.s32 $0x1, s12;
	_ =	swait.ge @!p0 [sflag:s14], $0x4000  }
0x15e: {  	p2 =	sne.s32 s12, s25;
	s15 =	simm.s32 @!p0 $0x0;
	[sflag:s14] =	ssyncset.done @!p0 $0x0  }
.Ltmp1:
0x15f: {  	s16 =	rddreg [dreg:$0xd];
	[sflag:s14] =	ssyncadd.s32 @!p0 $0xFFFFC000;
	(pc) =	sbr.rel @p2 .LBB2_1-.Ltmp1, $4  }
0x160: {  	[hbm4b:s16+s15] =	stream.linear.scatter @!p0 [tilespmem:s13], [sflag:$0x4], $0x4000, $0x38;
	[tilespmem:$0x1D000] =	vst v63  }
0x161: {  	_ =	swait.ge @!p0 [sflag:s14], $0x4000  }
0x162: {  	[sflag:s14] =	ssyncset.done @!p0 $0x0  }
0x163: {  	[sflag:s14] =	ssyncadd.s32 @!p0 $0xFFFFC000  }
0x164: {  	_ =	sfence.sel $0x180000  }
0x165: {  	[bflag:$0x0] =	sbarrier.arrive $0xFFFF  }
0x166: {  	_ =	strace $0x9000004A  }
0x167: {  	s0 =	stileid.u32;
	[bflag:$0x2] =	sbarrier.arrive $0xFFFF  }
0x168: {  	p0 =	sne.s32 s0, $0x0;
	s0 =	rddreg [dreg:$0x3]  }
0x169: {  	s0 =	sadd.s32 @!p0 $0x100000, s0  }
0x16a: {  	[sflag:s0] =	ssyncadd.tile.s32 @!p0 $0x1;
	_ =	shalt  }
.Lfunc_end2:
_tile_overlayer_lowered:
.L_overlay_start_2:
0x16b: {  	(tag) =	ssettag $0x2  }
0x16c: {  	s0 =	rddreg [dreg:$0x0];
	s2 =	stileid.u32  }
0x16d: {  	s1 =	rddreg [dreg:$0x1];
	p0 =	sne.s32 s2, $0x0  }
0x16e: {  	s3 =	rddreg [dreg:$0x2];
	[bflag:$0x3] =	sbarrier.arrive $0xFFFF;
	s2 =	simm.s32 @!p0 $0x1C04  }
0x16f: {  	[timem:s3], [sflag:s2] =	dma.local @!p0 [hbm:s0], s1  }
0x170: {  	s0 =	simm.s32 @!p0 $0x4  }
0x171: {  	_ =	swait.ge @!p0 [sflag:s0], s1  }
0x172: {  	s1 =	ssub.s32 @!p0 $0x0, s1;
	[sflag:s0] =	ssyncset.done @!p0 $0x0  }
0x173: {  	[sflag:s0] =	ssyncadd.s32 @!p0 s1  }
0x174: {  	[bflag:$0x3] =	sbarrier.arrive $0xFFFF  }
0x175: {  	_ =	shalt  }

// kernel: kernel.14.cloned.1.call-start
scs
__scs_entry_jumppad:
0x0: {  	(pc) =	sbr.rel $0x88, $3  }
0x1: {  	(tag) =	ssettag $0x0;
	lr =	simm.s32 $0x1  }
0x2: {  	[smem:$0x3F8F] =	sst lr;
	_ =	strace $0xD0000000  }
0x3: {  	_ = 	snop  }
0x4: {  	_ = 	snop  }
0x5: {  	_ = 	snop  }
0x6: {  	_ = 	snop  }
0x7: {  	_ = 	snop  }
__scs_overlays_trampoline_lowered:
0x8: {  	[smem:$0x3F9E] =	sst s0  }
0x9: {  	[smem:$0x3F9F] =	sst s1  }
0xa: {  	[smem:$0x3FA0] =	sst s2  }
0xb: {  	[smem:$0x3FA1] =	sst s3  }
0xc: {  	[smem:$0x3FA2] =	sst s4  }
0xd: {  	[smem:$0x3FA3] =	sst s5  }
0xe: {  	[smem:$0x3FA4] =	sst s6  }
0xf: {  	[smem:$0x3FA5] =	sst s7  }
0x10: {  	[smem:$0x3FA6] =	sst s8  }
0x11: {  	[smem:$0x3FA7] =	sst s9;
	s0 =	simm.s32 @!p0 $0x0  }
0x12: {  	s1 =	sld [smem:$0x3F8D];
	s0 =	simm.s32 @p0 $0x1  }
0x13: {  	[smem:$0x3FA8] =	sst s0;
	s0 =	simm.s32 @!p1 $0x0  }
0x14: {  	s2 =	sld [smem:$0x3F8C];
	s0 =	simm.s32 @p1 $0x1  }
0x15: {  	[smem:$0x3FA9] =	sst s0;
	s0 =	simm.s32 @!p2 $0x0  }
0x16: {  	s3 =	sld [smem:$0x3FDB];
	s0 =	simm.s32 @p2 $0x1  }
0x17: {  	s4 =	simm.s32 $0x1BF5;
	[smem:$0x3FAB] =	sst s0  }
0x18: {  	s0 =	sld [smem:$0x3F8E];
	_ =	swait.ge [sflag:s4], $0x0  }
0x19: {  	s7 =	sld [smem:$0x3F8F]  }
0x1a: {  	s8 =	sadd.s32 $0xFFFFE003, lr  }
0x1b: {  	s9 =	sadd.s32 $0xFFFFFEF7, lr;
	s5 =	simm.s32 $0xFFFFFFFF;
	p2 =	slt.u32 s8, $0xFFFFF086  }
0x1c: {  	p1 =	slt.u32 s9, $0xF7A;
	s5 =	simm.s32 @!p2 $0x0  }
0x1d: {  	s5 =	simm.s32 @p1 $0x1;
	p0 =	seq.s32 s7, s2  }
0x1e: {  	s7 =	smul.u32 @!p0 $0xF7A, s2;
	p2 =	seq.s32 @!p0 s5, $0x0  }
0x1f: {  	s9 =	smul.u32 $0xF7A, s1;
	s8 =	simm.s32 @!p0 $0x1BF5;
	p2 =	por !p2, p0  }
0x20: {  	[sflag:s8] =	ssyncset.s32 @!p0 $0xFFFFF086;
	s6 =	sadd.s32 @!p0 s3, s7;
	s7 =	simm.s32 @!p0 $0x108  }
0x21: {  	s3 =	sadd.s32 s3, s9;
	s6 =	sadd.s32 @!p0 $0x88, s6;
	s7 =	simm.s32 @p2 $0x1082  }
0x22: {  	[simem:s7], [sflag:s8] =	dma.local @!p0 [hbm:s6], $0xF7A  }
0x23: {  	s9 =	sor.u32 $0xD0000000, s2;
	s6 =	simm.s32 $0x108;
	_ =	swait.ge @!p0 [sflag:s8], $0x0  }
0x24: {  	s3 =	sadd.s32 $0x88, s3;
	s6 =	simm.s32 @!p1 $0x1082;
	[sflag:s4] =	ssyncset.s32 $0xFFFFF086  }
0x25: {  	[simem:s6], [sflag:s4] =	dma.local [hbm:s3], $0xF7A  }
0x26: {  	[smem:$0x3F8F] =	sst s1;
	(tag) =	ssettag s2;
	_ =	strace s9  }
0x27: {  	s1 =	sld [smem:$0x3F9F]  }
0x28: {  	s2 =	sld [smem:$0x3FA0]  }
0x29: {  	s4 =	sld [smem:$0x3FA2]  }
0x2a: {  	p0 =	seq.s32 s5, $0x0;
	s5 =	sld [smem:$0x3FA3]  }
0x2b: {  	s6 =	sld [smem:$0x3FA4]  }
0x2c: {  	s7 =	sld [smem:$0x3FA5]  }
0x2d: {  	s3 =	simm.s32 $0x108;
	s8 =	sld [smem:$0x3FA6]  }
0x2e: {  	s3 =	simm.s32 @!p0 $0x1082;
	s9 =	sld [smem:$0x3FA7]  }
0x2f: {  	lr =	sadd.s32 s0, s3;
	s0 =	sld [smem:$0x3F9E]  }
0x30: {  	s3 =	sld [smem:$0x3FA1]  }
0x31: {  	[smem:$0x3FAA] =	sst s10  }
0x32: {  	s10 =	sld [smem:$0x3FA8];
	_ =	sdelay $0x3  }
0x33: {  	p0 =	seq.s32 s10, $0x1;
	s10 =	sld [smem:$0x3FAA];
	_ =	sdelay $0x3  }
0x34: {  	[smem:$0x3FAA] =	sst s10  }
0x35: {  	s10 =	sld [smem:$0x3FA9];
	_ =	sdelay $0x3  }
0x36: {  	p1 =	seq.s32 s10, $0x1;
	s10 =	sld [smem:$0x3FAA];
	_ =	sdelay $0x3  }
0x37: {  	[smem:$0x3FAA] =	sst s10  }
0x38: {  	s10 =	sld [smem:$0x3FAB]  }
0x39: {  	_ = 	snop;
	(pc) =	sbr.ind lr, $3  }
0x3a: {  	_ = 	snop  }
0x3b: {  	_ = 	snop  }
0x3c: {  	p2 =	seq.s32 s10, $0x1;
	s10 =	sld [smem:$0x3FAA]  }
0x3d: {  	_ =	shalt  }
0x3e: {  	_ =	shalt  }
0x3f: {  	_ =	shalt  }
0x40: {  	_ =	shalt  }
0x41: {  	_ =	shalt  }
0x42: {  	_ =	shalt  }
0x43: {  	_ =	shalt  }
0x44: {  	_ =	shalt  }
0x45: {  	_ =	shalt  }
0x46: {  	_ =	shalt  }
0x47: {  	_ =	shalt  }
0x48: {  	_ =	shalt  }
0x49: {  	_ =	shalt  }
0x4a: {  	_ =	shalt  }
0x4b: {  	_ =	shalt  }
0x4c: {  	_ =	shalt  }
0x4d: {  	_ =	shalt  }
0x4e: {  	_ =	shalt  }
0x4f: {  	_ =	shalt  }
0x50: {  	_ =	shalt  }
0x51: {  	_ =	shalt  }
0x52: {  	_ =	shalt  }
0x53: {  	_ =	shalt  }
0x54: {  	_ =	shalt  }
0x55: {  	_ =	shalt  }
0x56: {  	_ =	shalt  }
0x57: {  	_ =	shalt  }
0x58: {  	_ =	shalt  }
0x59: {  	_ =	shalt  }
0x5a: {  	_ =	shalt  }
0x5b: {  	_ =	shalt  }
0x5c: {  	_ =	shalt  }
0x5d: {  	_ =	shalt  }
0x5e: {  	_ =	shalt  }
0x5f: {  	_ =	shalt  }
0x60: {  	_ =	shalt  }
0x61: {  	_ =	shalt  }
0x62: {  	_ =	shalt  }
0x63: {  	_ =	shalt  }
0x64: {  	_ =	shalt  }
0x65: {  	_ =	shalt  }
0x66: {  	_ =	shalt  }
0x67: {  	_ =	shalt  }
0x68: {  	_ =	shalt  }
0x69: {  	_ =	shalt  }
0x6a: {  	_ =	shalt  }
0x6b: {  	_ =	shalt  }
0x6c: {  	_ =	shalt  }
0x6d: {  	_ =	shalt  }
0x6e: {  	_ =	shalt  }
0x6f: {  	_ =	shalt  }
0x70: {  	_ =	shalt  }
0x71: {  	_ =	shalt  }
0x72: {  	_ =	shalt  }
0x73: {  	_ =	shalt  }
0x74: {  	_ =	shalt  }
0x75: {  	_ =	shalt  }
0x76: {  	_ =	shalt  }
0x77: {  	_ =	shalt  }
0x78: {  	_ =	shalt  }
0x79: {  	_ =	shalt  }
0x7a: {  	_ =	shalt  }
0x7b: {  	_ =	shalt  }
0x7c: {  	_ =	shalt  }
0x7d: {  	_ =	shalt  }
0x7e: {  	_ =	shalt  }
0x7f: {  	_ =	shalt  }
0x80: {  	_ =	shalt  }
0x81: {  	_ =	shalt  }
0x82: {  	_ =	shalt  }
0x83: {  	_ =	shalt  }
0x84: {  	_ =	shalt  }
0x85: {  	_ =	shalt  }
0x86: {  	_ =	shalt  }
0x87: {  	_ =	shalt  }
.Lfunc_end0:
.L_simem_size_0:
called_computation.2_lowered:
.L_overlay_start_0:
0x88: {  	s2 =	sld [smem:$0x3FD9]  }
0x89: {  	s3 =	sld [smem:$0x3FFE];
	_ =	sdelay $0x1  }
0x8a: {  	s1 =	srdreg.scid  }
0x8b: {  	s0 =	sand.u32 $0x1, s1  }
0x8c: {  	s17 =	sshll.u32 s0, $0xA;
	s2 =	sadd.s32 s3, s2  }
0x8d: {  	s2 =	sadd.s32 s2, s17  }
0x8e: {  	[smem:$0x3FB6] =	sst s2  }
0x8f: {  	_ = 	snop  }
0x90: {  	s2 =	sld [smem:$0x3FD0];
	(tm) =	ssettm $0x1  }
0x91: {  	s18 =	sld [smem:$0x3FFB];
	_ =	sdelay $0x3  }
0x92: {  	_ =	strace s18  }
0x93: {  	s3 =	sld [smem:$0x3FFC];
	_ =	sdelay $0x3  }
0x94: {  	_ =	strace s3  }
0x95: {  	s3 =	sld [smem:$0x3FFD];
	_ =	sdelay $0x3  }
0x96: {  	_ =	strace s3  }
0x97: {  	_ =	strace $0x8FFFFFFF  }
0x98: {  	s19 =	sld [smem:$0x3FDB];
	_ =	sdelay $0x1  }
0x99: {  	s4 =	simm.s32 $_scs_section_size  }
0x9a: {  	s5 =	simm.s32 $_size__tile_overlayer_lowered;
	s6 =	simm.s32 $_tile_overlayer_lowered  }
0x9b: {  	s22 =	simm.s32 $0x1BFF;
	s21 =	sshll.u32 s6, $0x1;
	s3 =	sadd.s32 s4, s19  }
0x9c: {  	s7 =	simm.s32 $0x0;
	s20 =	sshll.u32 s5, $0x1;
	s5 =	sadd.s32 s21, s3  }
0x9d: {  	[timem:s7], [sflag:s22] =	dma.local [hbm:s5], s20  }
0x9e: {  	_ =	swait.ge [sflag:s22], s20  }
0x9f: {  	s4 =	ssub.s32 $0x0, s20;
	[sflag:s22] =	ssyncset.done $0x0  }
0xa0: {  	[sflag:s22] =	ssyncadd.s32 s4;
	_ =	sdelay $0x1  }
0xa1: {  	s23 =	simm.s32 $0x1B8B  }
0xa2: {  	_ =	swait.ge [sflag:s23], $0x1  }
0xa3: {  	[sflag:s23] =	ssyncset.done $0x0  }
0xa4: {  	s25 =	simm.s32 $0x1B8E;
	s24 =	sld [smem:$0x3FFE];
	[sflag:s23] =	ssyncadd.s32 $0xFFFFFFFF  }
0xa5: {  	s26 =	simm.s32 $execute0_lowered;
	[smem:$0x3FD2] =	sst s25  }
0xa6: {  	s5 =	sshll.u32 s26, $0x1;
	_ =	strace $0x8000004C;
	[dreg:$0x1] =	wrdreg $0xFFFFFFFF  }
0xa7: {  	s28 =	simm.s32 $_size_execute0_lowered;
	s3 =	sadd.s32 s3, s5;
	[dreg:$0x0] =	wrdreg $0x0  }
0xa8: {  	s5 =	sshll.u32 s28, $0x1;
	[dreg:$0x2] =	wrdreg s3  }
0xa9: {  	[dreg:$0x3] =	wrdreg s5  }
0xaa: {  	[dreg:$0x4] =	wrdreg $0xC0  }
0xab: {  	_ =	task [dreg:s7], $0x5FFFF  }
0xac: {  	[dreg:$0x1] =	wrdreg $0xFFFFFFFF  }
0xad: {  	[dreg:$0x0] =	wrdreg $0x60  }
0xae: {  	[dreg:$0x2] =	wrdreg s2  }
0xaf: {  	[dreg:$0x3] =	wrdreg s24  }
0xb0: {  	[dreg:$0x4] =	wrdreg $0x0  }
0xb1: {  	[dreg:$0x5] =	wrdreg $0x9  }
0xb2: {  	_ =	task.clear_ibuf [dreg:s7], $0x6FFFF;
	_ =	strace $0x9000004C  }
0xb3: {  	s29 =	simm.s32 $0x9;
	_ =	strace $0x8000004E  }
0xb4: {  	_ =	swait.ge [sflag:s29], $0x1  }
0xb5: {  	[sflag:s29] =	ssyncadd.s32 $0xFFFFFFFF  }
0xb6: {  	_ =	strace $0x9000004E  }
0xb7: {  	_ =	sfence  }
0xb8: {  	s30 =	sld [smem:$0x0];
	_ =	sdelay $0x2  }
0xb9: {  	s31 =	sshll.u32 s1, $0xD;
	s1 =	sshrl.u32 s1, $0x2  }
0xba: {  	s3 =	sand.u32 $0x4000, s31;
	s1 =	sadd.s32 s1, s30  }
0xbb: {  	s0 =	sor.u32 s3, s0;
	s1 =	sshll.u32 s1, $0x11  }
0xbc: {  	s0 =	sor.u32 s1, s0  }
0xbd: {  	s0 =	sadd.s32 $0x8F2B, s0  }
0xbe: {  	[sflag:s0] =	ssyncadd.remote.s32 $0x1  }
0xbf: {  	_ =	sfence.sel $0xFFFF  }
0xc0: {  	[dreg:$0x0] =	wrdreg $0xFFFFFFFF;
	(pc) =	sbr.abs _section_cstart, $3  }
0xc1: {  	[dreg:$0x1] =	wrdreg $0xFFFFFFFF  }
0xc2: {  	_ =	task.clear_ibuf [dreg:s7], $0x2FFFF;
	_ =	strace $0x9FFFFFFF  }
0xc3: {  	(tm) =	ssettm $0x7FFFFFFF  }
tec
execute0_lowered:
.L_overlay_start_1:
0x0: {  	(tag) =	ssettag $0x1  }
0x1: {  	s1 =	rddreg [dreg:$0x0];
	s0 =	srdreg.scid  }
0x2: {  	s2 =	rddreg [dreg:$0x1];
	s9 =	stileid.u32  }
0x3: {  	s3 =	rddreg [dreg:$0x2];
	s6 =	simm.s32 $0x0;
	s11 =	simm.s32 $0xAA80  }
0x4: {  	s14 =	simm.s32 $0x3;
	s17 =	simm.s32 $0x80;
	s18 =	simm.s32 $0xA280  }
0x5: {  	s28 =	simm.s32 $0xA680;
	s29 =	simm.s32 $0xA700;
	s5 =	smul.u32 $0x5000, s9  }
0x6: {  	s30 =	simm.s32 $0xA780;
	s31 =	simm.s32 $0xA800;
	s8 =	smul.u32 $0x7D0, s9  }
0x7: {  	s15 =	simm.s32 $0xAA00;
	s0 =	sand.u32 $0x1, s0;
	s21 =	smul.u32 $0xA00, s9  }
0x8: {  	s16 =	simm.s32 $0x2;
	[smem:$0x7FF] =	sst s6;
	s4 =	smul.u32 $0x50000, s0  }
0x9: {  	p0 =	sgt.u32 s9, $0x4;
	s19 =	smul.u32 $0x2710, s0;
	s0 =	ssub.s32 $0x2, s0  }
0xa: {  	_ =	strace $0x8000004D;
	s22 =	sshrl.u32 s0, $0x1;
	s6 =	sshrl.u32 s21, $0x2  }
0xb: {  	s24 =	sadd.s32 s8, s3;
	s21 =	simm.s32 $0xA400;
	s4 =	sadd.s32 s5, s4  }
0xc: {  	s20 =	sadd.s32 s8, s19;
	s0 =	ssub.s32 s0, s22;
	s23 =	sadd.s32 s6, s3  }
0xd: {  	[dreg:$0x5] =	wrdreg s24;
	s19 =	simm.s32 $0xA300;
	s22 =	simm.s32 $0xA480  }
0xe: {  	s24 =	simm.s32 $0xA580;
	s8 =	simm.s32 $0x0;
	s4 =	sshrl.u32 s4, $0x3  }
0xf: {  	s5 =	sshrl.u32 s20, $0x3;
	[dreg:$0x4] =	wrdreg s23;
	s12 =	smax.u32 s0, $0x1  }
0x10: {  	s20 =	simm.s32 $0xA380;
	s4 =	sadd.s32 s4, s2;
	s2 =	sadd.s32 s5, s2  }
.Ltmp0:
0x11: {  	s23 =	simm.s32 $0xA500;
	s25 =	sadd.s32 $0x2C00, s2;
	(pc) =	sbr.rel .LBB2_1-.Ltmp0, $4  }
0x12: {  	s0 =	simm.s32 $0xA900;
	s26 =	sadd.s32 $0x3600, s2;
	[dreg:$0x6] =	wrdreg s25  }
0x13: {  	s6 =	sadd.s32 $0x2AC00, s4;
	s2 =	sadd.s32 $0x4000, s2;
	[dreg:$0x7] =	wrdreg s26  }
0x14: {  	s7 =	sadd.s32 $0x3EC00, s4;
	s4 =	simm.s32 $0xA980;
	[dreg:$0x8] =	wrdreg s2  }
0x15: {  	v0 =	vimm.f32 $0.0e+00;
	s25 =	simm.s32 $0xA600;
	s26 =	simm.s32 $0x1;
	s2 =	simm.s32 $0xA880  }
.LBB2_8:
0x16: {  	v2 =	vld [tilespmem:s9+$0xAA80];
	_ =	sdelay $0x1  }
0x17: {  	v3 =	vld [tilespmem:s9+$0xB280];
	_ =	sdelay $0x2  }
0x18: {  	v1 =	vmul.f32 v1, v2;
	_ =	sdelay $0x1  }
0x19: {  	v1 =	vadd.f32 v1, v3;
	_ =	sdelay $0x1  }
0x1a: {  	s5 =	simm.s32 $0x0;
	s13 =	rddreg [dreg:$0x8];
	[tilespmem:s9+$0xAA80] =	vst v1  }
0x1b: {  	[hbm4b:s13+s5] =	stream.linear.scatter [tilespmem:s11], [sflag:$0x3], $0x7D0, $0x38;
	[tilespmem:$0xC280] =	vst v63  }
0x1c: {  	_ =	swait.ge [sflag:s14], $0x7D0  }
0x1d: {  	[sflag:s14] =	ssyncset.done $0x0  }
0x1e: {  	[sflag:s14] =	ssyncadd.s32 $0xFFFFF830  }
.LBB2_9:
0x1f: {  	s8 =	sadd.s32 $0x1, s8  }
0x20: {  	p1 =	sne.s32 s8, s12  }
.Ltmp1:
0x21: {  	_ = 	snop;
	(pc) =	sbr.rel @!p1 .LBB2_10-.Ltmp1, $1  }
0x22: {  	_ =	sdelay $0x3  }
.LBB2_1:
0x23: {  	s9 =	simm.s32 $0x40;
	s10 =	simm.s32 $0x0  }
.LBB2_2:
0x24: {  	p1 =	sne.s32 s9, $0x1F00;
	[tilespmem:s10+$0xAA80] =	vst v0;
	s10 =	smov.u32 s9;
	s9 =	sadd.s32 $0x40, s9  }
.Ltmp2:
0x25: {  	(pc) =	sbr.rel @p1 .LBB2_2-.Ltmp2, $2  }
0x26: {  	_ =	sdelay $0x2  }
0x27: {  	s10 =	sshra.s32 s10, $0x2  }
0x28: {  	[tilespmem:s10+$0xAA80] =	vst v0;
	s5 =	rddreg [dreg:$0x4]  }
0x29: {  	[spmem:s5] =	stream.linear.scatter [tilespmem:s11], [sflag:$0x3], $0x280, $0x38;
	[tilespmem:$0xC280] =	vst v63  }
0x2a: {  	_ =	swait.ge [sflag:s14], $0x280  }
0x2b: {  	[sflag:s14] =	ssyncset.done $0x0  }
0x2c: {  	s9 =	simm.s32 $0x0;
	s11 =	simm.s32 $0x280;
	[sflag:s14] =	ssyncadd.s32 $0xFFFFFD80  }
0x2d: {  	[tilespmem:s11], [sflag:$0x3] =	stream.linear.gather [hbm4b:s6+s9], $0x5000, $0x38;
	[tilespmem:$0xC280] =	vst v63  }
0x2e: {  	_ =	swait.ge [sflag:s14], $0x5000  }
0x2f: {  	[sflag:s14] =	ssyncset.done $0x0  }
0x30: {  	s13 =	simm.s32 $0x5280;
	[sflag:s14] =	ssyncadd.s32 $0xFFFFB000  }
0x31: {  	[tilespmem:s13], [sflag:$0x3] =	stream.linear.gather [hbm4b:s7+s9], $0x5000, $0x38;
	[tilespmem:$0xC280] =	vst v63  }
0x32: {  	_ =	swait.ge [sflag:s14], $0x5000  }
0x33: {  	[sflag:s14] =	ssyncset.done $0x0  }
0x34: {  	[sflag:s14] =	ssyncadd.s32 $0xFFFFB000  }
0x35: {  	s5 =	simm.s32 $0x280;
	[bflag:$0x0] =	sbarrier.arrive $0xFFFF  }
0x36: {  	[tilespmem:s18], [sflag:$0x1] =	stream.indirect.gather [hbm4b:s1+s17], $0x1, s5, s17, $0xb8;
	[tilespmem:$0xC280] =	vst v63  }
0x37: {  	s10 =	simm.s32 $0x300  }
0x38: {  	[tilespmem:s19], [sflag:$0x1] =	stream.indirect.gather [hbm4b:s1+s17], $0x1, s10, s17, $0xb8;
	[tilespmem:$0xC280] =	vst v63  }
0x39: {  	s11 =	simm.s32 $0x380  }
0x3a: {  	[tilespmem:s20], [sflag:$0x1] =	stream.indirect.gather [hbm4b:s1+s17], $0x1, s11, s17, $0xb8;
	[tilespmem:$0xC280] =	vst v63  }
0x3b: {  	s13 =	simm.s32 $0x400  }
0x3c: {  	[tilespmem:s21], [sflag:$0x1] =	stream.indirect.gather [hbm4b:s1+s17], $0x1, s13, s17, $0xb8;
	[tilespmem:$0xC280] =	vst v63  }
0x3d: {  	s5 =	simm.s32 $0x480  }
0x3e: {  	[tilespmem:s22], [sflag:$0x1] =	stream.indirect.gather [hbm4b:s1+s17], $0x1, s5, s17, $0xb8;
	[tilespmem:$0xC280] =	vst v63  }
0x3f: {  	s10 =	simm.s32 $0x500  }
0x40: {  	[tilespmem:s23], [sflag:$0x1] =	stream.indirect.gather [hbm4b:s1+s17], $0x1, s10, s17, $0xb8;
	[tilespmem:$0xC280] =	vst v63  }
0x41: {  	s11 =	simm.s32 $0x580  }
0x42: {  	[tilespmem:s24], [sflag:$0x1] =	stream.indirect.gather [hbm4b:s1+s17], $0x1, s11, s17, $0xb8;
	[tilespmem:$0xC280] =	vst v63  }
0x43: {  	s13 =	simm.s32 $0x600  }
0x44: {  	[tilespmem:s25], [sflag:$0x1] =	stream.indirect.gather [hbm4b:s1+s17], $0x1, s13, s17, $0xb8;
	[tilespmem:$0xC280] =	vst v63  }
0x45: {  	_ =	swait.ge [sflag:s26], $0x80  }
0x46: {  	[sflag:s26] =	ssyncset.done $0x0  }
0x47: {  	[sflag:s26] =	ssyncadd.s32 $0xFFFFFF80  }
0x48: {  	_ =	swait.ge [sflag:s26], $0x80  }
0x49: {  	[sflag:s26] =	ssyncset.done $0x0  }
0x4a: {  	[sflag:s26] =	ssyncadd.s32 $0xFFFFFF80  }
0x4b: {  	_ =	swait.ge [sflag:s26], $0x80  }
0x4c: {  	[sflag:s26] =	ssyncset.done $0x0  }
0x4d: {  	[sflag:s26] =	ssyncadd.s32 $0xFFFFFF80  }
0x4e: {  	_ =	swait.ge [sflag:s26], $0x80  }
0x4f: {  	[sflag:s26] =	ssyncset.done $0x0  }
0x50: {  	[sflag:s26] =	ssyncadd.s32 $0xFFFFFF80  }
0x51: {  	_ =	swait.ge [sflag:s26], $0x80  }
0x52: {  	[sflag:s26] =	ssyncset.done $0x0  }
0x53: {  	[sflag:s26] =	ssyncadd.s32 $0xFFFFFF80  }
0x54: {  	_ =	swait.ge [sflag:s26], $0x80  }
0x55: {  	[sflag:s26] =	ssyncset.done $0x0  }
0x56: {  	[sflag:s26] =	ssyncadd.s32 $0xFFFFFF80  }
0x57: {  	_ =	swait.ge [sflag:s26], $0x80  }
0x58: {  	[sflag:s26] =	ssyncset.done $0x0  }
0x59: {  	[sflag:s26] =	ssyncadd.s32 $0xFFFFFF80  }
0x5a: {  	_ =	swait.ge [sflag:s26], $0x80  }
0x5b: {  	[sflag:s26] =	ssyncset.done $0x0  }
0x5c: {  	s5 =	simm.s32 $0x5280;
	[sflag:s26] =	ssyncadd.s32 $0xFFFFFF80  }
0x5d: {  	[spmem:s3] =	stream.indirect.scatter.add.f32 [tilespmem:s18], [sflag:$0x2], $0x1, s5, s17, $0xb8;
	[tilespmem:$0xC280] =	vst v63  }
0x5e: {  	s10 =	simm.s32 $0x5300  }
0x5f: {  	[spmem:s3] =	stream.indirect.scatter.add.f32 [tilespmem:s19], [sflag:$0x2], $0x1, s10, s17, $0xb8;
	[tilespmem:$0xC280] =	vst v63  }
0x60: {  	s11 =	simm.s32 $0x5380  }
0x61: {  	[spmem:s3] =	stream.indirect.scatter.add.f32 [tilespmem:s20], [sflag:$0x2], $0x1, s11, s17, $0xb8;
	[tilespmem:$0xC280] =	vst v63  }
0x62: {  	s13 =	simm.s32 $0x5400  }
0x63: {  	[spmem:s3] =	stream.indirect.scatter.add.f32 [tilespmem:s21], [sflag:$0x2], $0x1, s13, s17, $0xb8;
	[tilespmem:$0xC280] =	vst v63  }
0x64: {  	s5 =	simm.s32 $0x5480  }
0x65: {  	[spmem:s3] =	stream.indirect.scatter.add.f32 [tilespmem:s22], [sflag:$0x2], $0x1, s5, s17, $0xb8;
	[tilespmem:$0xC280] =	vst v63  }
0x66: {  	s10 =	simm.s32 $0x5500  }
0x67: {  	[spmem:s3] =	stream.indirect.scatter.add.f32 [tilespmem:s23], [sflag:$0x2], $0x1, s10, s17, $0xb8;
	[tilespmem:$0xC280] =	vst v63  }
0x68: {  	s11 =	simm.s32 $0x5580  }
0x69: {  	[spmem:s3] =	stream.indirect.scatter.add.f32 [tilespmem:s24], [sflag:$0x2], $0x1, s11, s17, $0xb8;
	[tilespmem:$0xC280] =	vst v63  }
0x6a: {  	s13 =	simm.s32 $0x5600  }
0x6b: {  	[spmem:s3] =	stream.indirect.scatter.add.f32 [tilespmem:s25], [sflag:$0x2], $0x1, s13, s17, $0xb8;
	[tilespmem:$0xC280] =	vst v63  }
0x6c: {  	s5 =	simm.s32 $0x680  }
0x6d: {  	[tilespmem:s28], [sflag:$0x1] =	stream.indirect.gather [hbm4b:s1+s17], $0x1, s5, s17, $0xb8;
	[tilespmem:$0xC280] =	vst v63  }
0x6e: {  	s10 =	simm.s32 $0x700  }
0x6f: {  	[tilespmem:s29], [sflag:$0x1] =	stream.indirect.gather [hbm4b:s1+s17], $0x1, s10, s17, $0xb8;
	[tilespmem:$0xC280] =	vst v63  }
0x70: {  	s11 =	simm.s32 $0x780  }
0x71: {  	[tilespmem:s30], [sflag:$0x1] =	stream.indirect.gather [hbm4b:s1+s17], $0x1, s11, s17, $0xb8;
	[tilespmem:$0xC280] =	vst v63  }
0x72: {  	s13 =	simm.s32 $0x800  }
0x73: {  	[tilespmem:s31], [sflag:$0x1] =	stream.indirect.gather [hbm4b:s1+s17], $0x1, s13, s17, $0xb8;
	[tilespmem:$0xC280] =	vst v63  }
0x74: {  	s5 =	simm.s32 $0x880  }
0x75: {  	[tilespmem:s2], [sflag:$0x1] =	stream.indirect.gather [hbm4b:s1+s17], $0x1, s5, s17, $0xb8;
	[tilespmem:$0xC280] =	vst v63  }
0x76: {  	s10 =	simm.s32 $0x900  }
0x77: {  	[tilespmem:s0], [sflag:$0x1] =	stream.indirect.gather [hbm4b:s1+s17], $0x1, s10, s17, $0xb8;
	[tilespmem:$0xC280] =	vst v63  }
0x78: {  	s11 =	simm.s32 $0x980  }
0x79: {  	[tilespmem:s4], [sflag:$0x1] =	stream.indirect.gather [hbm4b:s1+s17], $0x1, s11, s17, $0xb8;
	[tilespmem:$0xC280] =	vst v63  }
0x7a: {  	s13 =	simm.s32 $0xA00  }
0x7b: {  	[tilespmem:s15], [sflag:$0x1] =	stream.indirect.gather [hbm4b:s1+s17], $0x1, s13, s17, $0xb8;
	[tilespmem:$0xC280] =	vst v63  }
0x7c: {  	_ =	swait.ge [sflag:s16], $0x80  }
0x7d: {  	[sflag:s16] =	ssyncset.done $0x0  }
0x7e: {  	[sflag:s16] =	ssyncadd.s32 $0xFFFFFF80  }
0x7f: {  	_ =	swait.ge [sflag:s16], $0x80  }
0x80: {  	[sflag:s16] =	ssyncset.done $0x0  }
0x81: {  	[sflag:s16] =	ssyncadd.s32 $0xFFFFFF80  }
0x82: {  	_ =	swait.ge [sflag:s16], $0x80  }
0x83: {  	[sflag:s16] =	ssyncset.done $0x0  }
0x84: {  	[sflag:s16] =	ssyncadd.s32 $0xFFFFFF80  }
0x85: {  	_ =	swait.ge [sflag:s16], $0x80  }
0x86: {  	[sflag:s16] =	ssyncset.done $0x0  }
0x87: {  	[sflag:s16] =	ssyncadd.s32 $0xFFFFFF80  }
0x88: {  	_ =	swait.ge [sflag:s16], $0x80  }
0x89: {  	[sflag:s16] =	ssyncset.done $0x0  }
0x8a: {  	[sflag:s16] =	ssyncadd.s32 $0xFFFFFF80  }
0x8b: {  	_ =	swait.ge [sflag:s16], $0x80  }
0x8c: {  	[sflag:s16] =	ssyncset.done $0x0  }
0x8d: {  	[sflag:s16] =	ssyncadd.s32 $0xFFFFFF80  }
0x8e: {  	_ =	swait.ge [sflag:s16], $0x80  }
0x8f: {  	[sflag:s16] =	ssyncset.done $0x0  }
0x90: {  	[sflag:s16] =	ssyncadd.s32 $0xFFFFFF80  }
0x91: {  	_ =	swait.ge [sflag:s16], $0x80  }
0x92: {  	[sflag:s16] =	ssyncset.done $0x0  }
0x93: {  	[sflag:s16] =	ssyncadd.s32 $0xFFFFFF80  }
0x94: {  	_ =	swait.ge [sflag:s26], $0x80  }
0x95: {  	[sflag:s26] =	ssyncset.done $0x0  }
0x96: {  	[sflag:s26] =	ssyncadd.s32 $0xFFFFFF80  }
0x97: {  	_ =	swait.ge [sflag:s26], $0x80  }
0x98: {  	[sflag:s26] =	ssyncset.done $0x0  }
0x99: {  	[sflag:s26] =	ssyncadd.s32 $0xFFFFFF80  }
0x9a: {  	_ =	swait.ge [sflag:s26], $0x80  }
0x9b: {  	[sflag:s26] =	ssyncset.done $0x0  }
0x9c: {  	[sflag:s26] =	ssyncadd.s32 $0xFFFFFF80  }
0x9d: {  	_ =	swait.ge [sflag:s26], $0x80  }
0x9e: {  	[sflag:s26] =	ssyncset.done $0x0  }
0x9f: {  	[sflag:s26] =	ssyncadd.s32 $0xFFFFFF80  }
0xa0: {  	_ =	swait.ge [sflag:s26], $0x80  }
0xa1: {  	[sflag:s26] =	ssyncset.done $0x0  }
0xa2: {  	[sflag:s26] =	ssyncadd.s32 $0xFFFFFF80  }
0xa3: {  	_ =	swait.ge [sflag:s26], $0x80  }
0xa4: {  	[sflag:s26] =	ssyncset.done $0x0  }
0xa5: {  	[sflag:s26] =	ssyncadd.s32 $0xFFFFFF80  }
0xa6: {  	_ =	swait.ge [sflag:s26], $0x80  }
0xa7: {  	[sflag:s26] =	ssyncset.done $0x0  }
0xa8: {  	[sflag:s26] =	ssyncadd.s32 $0xFFFFFF80  }
0xa9: {  	_ =	swait.ge [sflag:s26], $0x80  }
0xaa: {  	[sflag:s26] =	ssyncset.done $0x0  }
0xab: {  	s5 =	simm.s32 $0x5680;
	[sflag:s26] =	ssyncadd.s32 $0xFFFFFF80  }
0xac: {  	[spmem:s3] =	stream.indirect.scatter.add.f32 [tilespmem:s28], [sflag:$0x2], $0x1, s5, s17, $0xb8;
	[tilespmem:$0xC280] =	vst v63  }
0xad: {  	s10 =	simm.s32 $0x5700  }
0xae: {  	[spmem:s3] =	stream.indirect.scatter.add.f32 [tilespmem:s29], [sflag:$0x2], $0x1, s10, s17, $0xb8;
	[tilespmem:$0xC280] =	vst v63  }
0xaf: {  	s11 =	simm.s32 $0x5780  }
0xb0: {  	[spmem:s3] =	stream.indirect.scatter.add.f32 [tilespmem:s30], [sflag:$0x2], $0x1, s11, s17, $0xb8;
	[tilespmem:$0xC280] =	vst v63  }
0xb1: {  	s13 =	simm.s32 $0x5800  }
0xb2: {  	[spmem:s3] =	stream.indirect.scatter.add.f32 [tilespmem:s31], [sflag:$0x2], $0x1, s13, s17, $0xb8;
	[tilespmem:$0xC280] =	vst v63  }
0xb3: {  	s5 =	simm.s32 $0x5880  }
0xb4: {  	[spmem:s3] =	stream.indirect.scatter.add.f32 [tilespmem:s2], [sflag:$0x2], $0x1, s5, s17, $0xb8;
	[tilespmem:$0xC280] =	vst v63  }
0xb5: {  	s10 =	simm.s32 $0x5900  }
0xb6: {  	[spmem:s3] =	stream.indirect.scatter.add.f32 [tilespmem:s0], [sflag:$0x2], $0x1, s10, s17, $0xb8;
	[tilespmem:$0xC280] =	vst v63  }
0xb7: {  	s11 =	simm.s32 $0x5980  }
0xb8: {  	[spmem:s3] =	stream.indirect.scatter.add.f32 [tilespmem:s4], [sflag:$0x2], $0x1, s11, s17, $0xb8;
	[tilespmem:$0xC280] =	vst v63  }
0xb9: {  	s13 =	simm.s32 $0x5A00  }
0xba: {  	[spmem:s3] =	stream.indirect.scatter.add.f32 [tilespmem:s15], [sflag:$0x2], $0x1, s13, s17, $0xb8;
	[tilespmem:$0xC280] =	vst v63  }
0xbb: {  	_ =	swait.ge [sflag:s16], $0x80  }
0xbc: {  	[sflag:s16] =	ssyncset.done $0x0  }
0xbd: {  	[sflag:s16] =	ssyncadd.s32 $0xFFFFFF80  }
0xbe: {  	_ =	swait.ge [sflag:s16], $0x80  }
0xbf: {  	[sflag:s16] =	ssyncset.done $0x0  }
0xc0: {  	[sflag:s16] =	ssyncadd.s32 $0xFFFFFF80  }
0xc1: {  	_ =	swait.ge [sflag:s16], $0x80  }
0xc2: {  	[sflag:s16] =	ssyncset.done $0x0  }
0xc3: {  	[sflag:s16] =	ssyncadd.s32 $0xFFFFFF80  }
0xc4: {  	_ =	swait.ge [sflag:s16], $0x80  }
0xc5: {  	[sflag:s16] =	ssyncset.done $0x0  }
0xc6: {  	[sflag:s16] =	ssyncadd.s32 $0xFFFFFF80  }
0xc7: {  	_ =	swait.ge [sflag:s16], $0x80  }
0xc8: {  	[sflag:s16] =	ssyncset.done $0x0  }
0xc9: {  	[sflag:s16] =	ssyncadd.s32 $0xFFFFFF80  }
0xca: {  	_ =	swait.ge [sflag:s16], $0x80  }
0xcb: {  	[sflag:s16] =	ssyncset.done $0x0  }
0xcc: {  	[sflag:s16] =	ssyncadd.s32 $0xFFFFFF80  }
0xcd: {  	_ =	swait.ge [sflag:s16], $0x80  }
0xce: {  	[sflag:s16] =	ssyncset.done $0x0  }
0xcf: {  	[sflag:s16] =	ssyncadd.s32 $0xFFFFFF80  }
0xd0: {  	_ =	swait.ge [sflag:s16], $0x80  }
0xd1: {  	s9 =	simm.s32 $0x800;
	s10 =	simm.s32 $0x4000;
	[sflag:s16] =	ssyncset.done $0x0  }
.LBB2_4:
0xd2: {  	s5 =	sadd.s32 $0x280, s9  }
0xd3: {  	[sflag:s16] =	ssyncadd.s32 $0xFFFFFF80;
	s11 =	smov.u32 s10;
	s13 =	sadd.s32 $0x2000, s10  }
0xd4: {  	[tilespmem:s18], [sflag:$0x1] =	stream.indirect.gather [hbm4b:s1+s17], $0x1, s5, s17, $0xb8;
	[tilespmem:$0xC280] =	vst v63  }
0xd5: {  	p1 =	sne.s32 s10, $0x12000;
	s5 =	sadd.s32 $0x300, s9  }
0xd6: {  	[tilespmem:s19], [sflag:$0x1] =	stream.indirect.gather [hbm4b:s1+s17], $0x1, s5, s17, $0xb8;
	[tilespmem:$0xC280] =	vst v63  }
0xd7: {  	s5 =	sadd.s32 $0x380, s9  }
0xd8: {  	[tilespmem:s20], [sflag:$0x1] =	stream.indirect.gather [hbm4b:s1+s17], $0x1, s5, s17, $0xb8;
	[tilespmem:$0xC280] =	vst v63  }
0xd9: {  	s5 =	sadd.s32 $0x400, s9  }
0xda: {  	[tilespmem:s21], [sflag:$0x1] =	stream.indirect.gather [hbm4b:s1+s17], $0x1, s5, s17, $0xb8;
	[tilespmem:$0xC280] =	vst v63  }
0xdb: {  	s5 =	sadd.s32 $0x480, s9  }
0xdc: {  	[tilespmem:s22], [sflag:$0x1] =	stream.indirect.gather [hbm4b:s1+s17], $0x1, s5, s17, $0xb8;
	[tilespmem:$0xC280] =	vst v63  }
0xdd: {  	s5 =	sadd.s32 $0x500, s9  }
0xde: {  	[tilespmem:s23], [sflag:$0x1] =	stream.indirect.gather [hbm4b:s1+s17], $0x1, s5, s17, $0xb8;
	[tilespmem:$0xC280] =	vst v63  }
0xdf: {  	s5 =	sadd.s32 $0x580, s9  }
0xe0: {  	[tilespmem:s24], [sflag:$0x1] =	stream.indirect.gather [hbm4b:s1+s17], $0x1, s5, s17, $0xb8;
	[tilespmem:$0xC280] =	vst v63  }
0xe1: {  	s5 =	sadd.s32 $0x600, s9  }
0xe2: {  	[tilespmem:s25], [sflag:$0x1] =	stream.indirect.gather [hbm4b:s1+s17], $0x1, s5, s17, $0xb8;
	[tilespmem:$0xC280] =	vst v63  }
0xe3: {  	_ =	swait.ge [sflag:s26], $0x80  }
0xe4: {  	[sflag:s26] =	ssyncset.done $0x0  }
0xe5: {  	[sflag:s26] =	ssyncadd.s32 $0xFFFFFF80  }
0xe6: {  	_ =	swait.ge [sflag:s26], $0x80  }
0xe7: {  	[sflag:s26] =	ssyncset.done $0x0  }
0xe8: {  	[sflag:s26] =	ssyncadd.s32 $0xFFFFFF80  }
0xe9: {  	_ =	swait.ge [sflag:s26], $0x80  }
0xea: {  	[sflag:s26] =	ssyncset.done $0x0  }
0xeb: {  	[sflag:s26] =	ssyncadd.s32 $0xFFFFFF80  }
0xec: {  	_ =	swait.ge [sflag:s26], $0x80  }
0xed: {  	[sflag:s26] =	ssyncset.done $0x0  }
0xee: {  	[sflag:s26] =	ssyncadd.s32 $0xFFFFFF80  }
0xef: {  	_ =	swait.ge [sflag:s26], $0x80  }
0xf0: {  	[sflag:s26] =	ssyncset.done $0x0  }
0xf1: {  	[sflag:s26] =	ssyncadd.s32 $0xFFFFFF80  }
0xf2: {  	_ =	swait.ge [sflag:s26], $0x80  }
0xf3: {  	[sflag:s26] =	ssyncset.done $0x0  }
0xf4: {  	[sflag:s26] =	ssyncadd.s32 $0xFFFFFF80  }
0xf5: {  	_ =	swait.ge [sflag:s26], $0x80  }
0xf6: {  	[sflag:s26] =	ssyncset.done $0x0  }
0xf7: {  	[sflag:s26] =	ssyncadd.s32 $0xFFFFFF80  }
0xf8: {  	_ =	swait.ge [sflag:s26], $0x80  }
0xf9: {  	[sflag:s26] =	ssyncset.done $0x0  }
0xfa: {  	s5 =	sadd.s32 $0x5280, s9;
	[sflag:s26] =	ssyncadd.s32 $0xFFFFFF80  }
0xfb: {  	[spmem:s3] =	stream.indirect.scatter.add.f32 [tilespmem:s18], [sflag:$0x2], $0x1, s5, s17, $0xb8;
	[tilespmem:$0xC280] =	vst v63  }
0xfc: {  	s5 =	sadd.s32 $0x5300, s9  }
0xfd: {  	[spmem:s3] =	stream.indirect.scatter.add.f32 [tilespmem:s19], [sflag:$0x2], $0x1, s5, s17, $0xb8;
	[tilespmem:$0xC280] =	vst v63  }
0xfe: {  	s5 =	sadd.s32 $0x5380, s9  }
0xff: {  	[spmem:s3] =	stream.indirect.scatter.add.f32 [tilespmem:s20], [sflag:$0x2], $0x1, s5, s17, $0xb8;
	[tilespmem:$0xC280] =	vst v63  }
0x100: {  	s5 =	sadd.s32 $0x5400, s9  }
0x101: {  	[spmem:s3] =	stream.indirect.scatter.add.f32 [tilespmem:s21], [sflag:$0x2], $0x1, s5, s17, $0xb8;
	[tilespmem:$0xC280] =	vst v63  }
0x102: {  	s5 =	sadd.s32 $0x5480, s9  }
0x103: {  	[spmem:s3] =	stream.indirect.scatter.add.f32 [tilespmem:s22], [sflag:$0x2], $0x1, s5, s17, $0xb8;
	[tilespmem:$0xC280] =	vst v63  }
0x104: {  	s5 =	sadd.s32 $0x5500, s9  }
0x105: {  	[spmem:s3] =	stream.indirect.scatter.add.f32 [tilespmem:s23], [sflag:$0x2], $0x1, s5, s17, $0xb8;
	[tilespmem:$0xC280] =	vst v63  }
0x106: {  	s5 =	sadd.s32 $0x5580, s9  }
0x107: {  	[spmem:s3] =	stream.indirect.scatter.add.f32 [tilespmem:s24], [sflag:$0x2], $0x1, s5, s17, $0xb8;
	[tilespmem:$0xC280] =	vst v63  }
0x108: {  	s5 =	sadd.s32 $0x5600, s9  }
0x109: {  	[spmem:s3] =	stream.indirect.scatter.add.f32 [tilespmem:s25], [sflag:$0x2], $0x1, s5, s17, $0xb8;
	[tilespmem:$0xC280] =	vst v63  }
0x10a: {  	s5 =	sadd.s32 $0x680, s9  }
0x10b: {  	[tilespmem:s28], [sflag:$0x1] =	stream.indirect.gather [hbm4b:s1+s17], $0x1, s5, s17, $0xb8;
	[tilespmem:$0xC280] =	vst v63  }
0x10c: {  	s5 =	sadd.s32 $0x700, s9  }
0x10d: {  	[tilespmem:s29], [sflag:$0x1] =	stream.indirect.gather [hbm4b:s1+s17], $0x1, s5, s17, $0xb8;
	[tilespmem:$0xC280] =	vst v63  }
0x10e: {  	s5 =	sadd.s32 $0x780, s9  }
0x10f: {  	[tilespmem:s30], [sflag:$0x1] =	stream.indirect.gather [hbm4b:s1+s17], $0x1, s5, s17, $0xb8;
	[tilespmem:$0xC280] =	vst v63  }
0x110: {  	s5 =	sadd.s32 $0x800, s9  }
0x111: {  	[tilespmem:s31], [sflag:$0x1] =	stream.indirect.gather [hbm4b:s1+s17], $0x1, s5, s17, $0xb8;
	[tilespmem:$0xC280] =	vst v63  }
0x112: {  	s5 =	sadd.s32 $0x880, s9  }
0x113: {  	[tilespmem:s2], [sflag:$0x1] =	stream.indirect.gather [hbm4b:s1+s17], $0x1, s5, s17, $0xb8;
	[tilespmem:$0xC280] =	vst v63  }
0x114: {  	s5 =	sadd.s32 $0x900, s9  }
0x115: {  	[tilespmem:s0], [sflag:$0x1] =	stream.indirect.gather [hbm4b:s1+s17], $0x1, s5, s17, $0xb8;
	[tilespmem:$0xC280] =	vst v63  }
0x116: {  	s5 =	sadd.s32 $0x980, s9  }
0x117: {  	[tilespmem:s4], [sflag:$0x1] =	stream.indirect.gather [hbm4b:s1+s17], $0x1, s5, s17, $0xb8;
	[tilespmem:$0xC280] =	vst v63  }
0x118: {  	s5 =	sadd.s32 $0xA00, s9  }
0x119: {  	[tilespmem:s15], [sflag:$0x1] =	stream.indirect.gather [hbm4b:s1+s17], $0x1, s5, s17, $0xb8;
	[tilespmem:$0xC280] =	vst v63  }
0x11a: {  	_ =	swait.ge [sflag:s16], $0x80  }
0x11b: {  	[sflag:s16] =	ssyncset.done $0x0  }
0x11c: {  	[sflag:s16] =	ssyncadd.s32 $0xFFFFFF80  }
0x11d: {  	_ =	swait.ge [sflag:s16], $0x80  }
0x11e: {  	[sflag:s16] =	ssyncset.done $0x0  }
0x11f: {  	[sflag:s16] =	ssyncadd.s32 $0xFFFFFF80  }
0x120: {  	_ =	swait.ge [sflag:s16], $0x80  }
0x121: {  	[sflag:s16] =	ssyncset.done $0x0  }
0x122: {  	[sflag:s16] =	ssyncadd.s32 $0xFFFFFF80  }
0x123: {  	_ =	swait.ge [sflag:s16], $0x80  }
0x124: {  	[sflag:s16] =	ssyncset.done $0x0  }
0x125: {  	[sflag:s16] =	ssyncadd.s32 $0xFFFFFF80  }
0x126: {  	_ =	swait.ge [sflag:s16], $0x80  }
0x127: {  	[sflag:s16] =	ssyncset.done $0x0  }
0x128: {  	[sflag:s16] =	ssyncadd.s32 $0xFFFFFF80  }
0x129: {  	_ =	swait.ge [sflag:s16], $0x80  }
0x12a: {  	[sflag:s16] =	ssyncset.done $0x0  }
0x12b: {  	[sflag:s16] =	ssyncadd.s32 $0xFFFFFF80  }
0x12c: {  	_ =	swait.ge [sflag:s16], $0x80  }
0x12d: {  	[sflag:s16] =	ssyncset.done $0x0  }
0x12e: {  	[sflag:s16] =	ssyncadd.s32 $0xFFFFFF80  }
0x12f: {  	_ =	swait.ge [sflag:s16], $0x80  }
0x130: {  	[sflag:s16] =	ssyncset.done $0x0  }
0x131: {  	[sflag:s16] =	ssyncadd.s32 $0xFFFFFF80  }
0x132: {  	_ =	swait.ge [sflag:s26], $0x80  }
0x133: {  	[sflag:s26] =	ssyncset.done $0x0  }
0x134: {  	[sflag:s26] =	ssyncadd.s32 $0xFFFFFF80  }
0x135: {  	_ =	swait.ge [sflag:s26], $0x80  }
0x136: {  	[sflag:s26] =	ssyncset.done $0x0  }
0x137: {  	[sflag:s26] =	ssyncadd.s32 $0xFFFFFF80  }
0x138: {  	_ =	swait.ge [sflag:s26], $0x80  }
0x139: {  	[sflag:s26] =	ssyncset.done $0x0  }
0x13a: {  	[sflag:s26] =	ssyncadd.s32 $0xFFFFFF80  }
0x13b: {  	_ =	swait.ge [sflag:s26], $0x80  }
0x13c: {  	[sflag:s26] =	ssyncset.done $0x0  }
0x13d: {  	[sflag:s26] =	ssyncadd.s32 $0xFFFFFF80  }
0x13e: {  	_ =	swait.ge [sflag:s26], $0x80  }
0x13f: {  	[sflag:s26] =	ssyncset.done $0x0  }
0x140: {  	[sflag:s26] =	ssyncadd.s32 $0xFFFFFF80  }
0x141: {  	_ =	swait.ge [sflag:s26], $0x80  }
0x142: {  	[sflag:s26] =	ssyncset.done $0x0  }
0x143: {  	[sflag:s26] =	ssyncadd.s32 $0xFFFFFF80  }
0x144: {  	_ =	swait.ge [sflag:s26], $0x80  }
0x145: {  	[sflag:s26] =	ssyncset.done $0x0  }
0x146: {  	[sflag:s26] =	ssyncadd.s32 $0xFFFFFF80  }
0x147: {  	_ =	swait.ge [sflag:s26], $0x80  }
0x148: {  	[sflag:s26] =	ssyncset.done $0x0  }
0x149: {  	s5 =	sadd.s32 $0x5680, s9;
	[sflag:s26] =	ssyncadd.s32 $0xFFFFFF80  }
0x14a: {  	[spmem:s3] =	stream.indirect.scatter.add.f32 [tilespmem:s28], [sflag:$0x2], $0x1, s5, s17, $0xb8;
	[tilespmem:$0xC280] =	vst v63  }
0x14b: {  	s5 =	sadd.s32 $0x5700, s9  }
0x14c: {  	[spmem:s3] =	stream.indirect.scatter.add.f32 [tilespmem:s29], [sflag:$0x2], $0x1, s5, s17, $0xb8;
	[tilespmem:$0xC280] =	vst v63  }
0x14d: {  	s5 =	sadd.s32 $0x5780, s9  }
0x14e: {  	[spmem:s3] =	stream.indirect.scatter.add.f32 [tilespmem:s30], [sflag:$0x2], $0x1, s5, s17, $0xb8;
	[tilespmem:$0xC280] =	vst v63  }
0x14f: {  	s5 =	sadd.s32 $0x5800, s9  }
0x150: {  	[spmem:s3] =	stream.indirect.scatter.add.f32 [tilespmem:s31], [sflag:$0x2], $0x1, s5, s17, $0xb8;
	[tilespmem:$0xC280] =	vst v63  }
0x151: {  	s5 =	sadd.s32 $0x5880, s9  }
0x152: {  	[spmem:s3] =	stream.indirect.scatter.add.f32 [tilespmem:s2], [sflag:$0x2], $0x1, s5, s17, $0xb8;
	[tilespmem:$0xC280] =	vst v63  }
0x153: {  	s5 =	sadd.s32 $0x5900, s9  }
0x154: {  	[spmem:s3] =	stream.indirect.scatter.add.f32 [tilespmem:s0], [sflag:$0x2], $0x1, s5, s17, $0xb8;
	[tilespmem:$0xC280] =	vst v63  }
0x155: {  	s5 =	sadd.s32 $0x5980, s9  }
0x156: {  	[spmem:s3] =	stream.indirect.scatter.add.f32 [tilespmem:s4], [sflag:$0x2], $0x1, s5, s17, $0xb8;
	[tilespmem:$0xC280] =	vst v63  }
0x157: {  	s5 =	sadd.s32 $0x5A00, s9  }
0x158: {  	[spmem:s3] =	stream.indirect.scatter.add.f32 [tilespmem:s15], [sflag:$0x2], $0x1, s5, s17, $0xb8;
	[tilespmem:$0xC280] =	vst v63  }
0x159: {  	_ =	swait.ge [sflag:s16], $0x80  }
0x15a: {  	[sflag:s16] =	ssyncset.done $0x0  }
0x15b: {  	[sflag:s16] =	ssyncadd.s32 $0xFFFFFF80  }
0x15c: {  	_ =	swait.ge [sflag:s16], $0x80  }
0x15d: {  	[sflag:s16] =	ssyncset.done $0x0  }
0x15e: {  	[sflag:s16] =	ssyncadd.s32 $0xFFFFFF80  }
0x15f: {  	_ =	swait.ge [sflag:s16], $0x80  }
0x160: {  	[sflag:s16] =	ssyncset.done $0x0  }
0x161: {  	[sflag:s16] =	ssyncadd.s32 $0xFFFFFF80  }
0x162: {  	_ =	swait.ge [sflag:s16], $0x80  }
0x163: {  	[sflag:s16] =	ssyncset.done $0x0  }
0x164: {  	[sflag:s16] =	ssyncadd.s32 $0xFFFFFF80  }
0x165: {  	_ =	swait.ge [sflag:s16], $0x80  }
0x166: {  	[sflag:s16] =	ssyncset.done $0x0  }
0x167: {  	[sflag:s16] =	ssyncadd.s32 $0xFFFFFF80  }
0x168: {  	_ =	swait.ge [sflag:s16], $0x80  }
0x169: {  	[sflag:s16] =	ssyncset.done $0x0  }
0x16a: {  	[sflag:s16] =	ssyncadd.s32 $0xFFFFFF80  }
.Ltmp3:
0x16b: {  	_ =	swait.ge [sflag:s16], $0x80;
	(pc) =	sbr.rel @p1 .LBB2_4-.Ltmp3, $4  }
0x16c: {  	[sflag:s16] =	ssyncset.done $0x0  }
0x16d: {  	[sflag:s16] =	ssyncadd.s32 $0xFFFFFF80  }
0x16e: {  	_ =	swait.ge [sflag:s16], $0x80  }
0x16f: {  	s10 =	smov.u32 s13;
	s9 =	sshra.s32 s11, $0x2;
	[sflag:s16] =	ssyncset.done $0x0  }
0x170: {  	s5 =	sadd.s32 $0x280, s9;
	[sflag:s16] =	ssyncadd.s32 $0xFFFFFF80  }
0x171: {  	[tilespmem:s18], [sflag:$0x1] =	stream.indirect.gather [hbm4b:s1+s17], $0x1, s5, s17, $0xb8;
	[tilespmem:$0xC280] =	vst v63  }
0x172: {  	s13 =	sadd.s32 $0x300, s9  }
0x173: {  	[tilespmem:s19], [sflag:$0x1] =	stream.indirect.gather [hbm4b:s1+s17], $0x1, s13, s17, $0xb8;
	[tilespmem:$0xC280] =	vst v63  }
0x174: {  	s10 =	sadd.s32 $0x380, s9  }
0x175: {  	[tilespmem:s20], [sflag:$0x1] =	stream.indirect.gather [hbm4b:s1+s17], $0x1, s10, s17, $0xb8;
	[tilespmem:$0xC280] =	vst v63  }
0x176: {  	s11 =	sadd.s32 $0x400, s9  }
0x177: {  	[tilespmem:s21], [sflag:$0x1] =	stream.indirect.gather [hbm4b:s1+s17], $0x1, s11, s17, $0xb8;
	[tilespmem:$0xC280] =	vst v63  }
0x178: {  	s13 =	sadd.s32 $0x480, s9  }
0x179: {  	[tilespmem:s22], [sflag:$0x1] =	stream.indirect.gather [hbm4b:s1+s17], $0x1, s13, s17, $0xb8;
	[tilespmem:$0xC280] =	vst v63  }
0x17a: {  	s10 =	sadd.s32 $0x500, s9  }
0x17b: {  	[tilespmem:s23], [sflag:$0x1] =	stream.indirect.gather [hbm4b:s1+s17], $0x1, s10, s17, $0xb8;
	[tilespmem:$0xC280] =	vst v63  }
0x17c: {  	s11 =	sadd.s32 $0x580, s9  }
0x17d: {  	[tilespmem:s24], [sflag:$0x1] =	stream.indirect.gather [hbm4b:s1+s17], $0x1, s11, s17, $0xb8;
	[tilespmem:$0xC280] =	vst v63  }
0x17e: {  	s13 =	sadd.s32 $0x600, s9  }
0x17f: {  	[tilespmem:s25], [sflag:$0x1] =	stream.indirect.gather [hbm4b:s1+s17], $0x1, s13, s17, $0xb8;
	[tilespmem:$0xC280] =	vst v63  }
0x180: {  	_ =	swait.ge [sflag:s26], $0x80  }
0x181: {  	[sflag:s26] =	ssyncset.done $0x0  }
0x182: {  	[sflag:s26] =	ssyncadd.s32 $0xFFFFFF80  }
0x183: {  	_ =	swait.ge [sflag:s26], $0x80  }
0x184: {  	[sflag:s26] =	ssyncset.done $0x0  }
0x185: {  	[sflag:s26] =	ssyncadd.s32 $0xFFFFFF80  }
0x186: {  	_ =	swait.ge [sflag:s26], $0x80  }
0x187: {  	[sflag:s26] =	ssyncset.done $0x0  }
0x188: {  	[sflag:s26] =	ssyncadd.s32 $0xFFFFFF80  }
0x189: {  	_ =	swait.ge [sflag:s26], $0x80  }
0x18a: {  	[sflag:s26] =	ssyncset.done $0x0  }
0x18b: {  	[sflag:s26] =	ssyncadd.s32 $0xFFFFFF80  }
0x18c: {  	_ =	swait.ge [sflag:s26], $0x80  }
0x18d: {  	[sflag:s26] =	ssyncset.done $0x0  }
0x18e: {  	[sflag:s26] =	ssyncadd.s32 $0xFFFFFF80  }
0x18f: {  	_ =	swait.ge [sflag:s26], $0x80  }
0x190: {  	[sflag:s26] =	ssyncset.done $0x0  }
0x191: {  	[sflag:s26] =	ssyncadd.s32 $0xFFFFFF80  }
0x192: {  	_ =	swait.ge [sflag:s26], $0x80  }
0x193: {  	[sflag:s26] =	ssyncset.done $0x0  }
0x194: {  	[sflag:s26] =	ssyncadd.s32 $0xFFFFFF80  }
0x195: {  	_ =	swait.ge [sflag:s26], $0x80  }
0x196: {  	[sflag:s26] =	ssyncset.done $0x0  }
0x197: {  	s10 =	sadd.s32 $0x5280, s9;
	[sflag:s26] =	ssyncadd.s32 $0xFFFFFF80  }
0x198: {  	[spmem:s3] =	stream.indirect.scatter.add.f32 [tilespmem:s18], [sflag:$0x2], $0x1, s10, s17, $0xb8;
	[tilespmem:$0xC280] =	vst v63  }
0x199: {  	s11 =	sadd.s32 $0x5300, s9  }
0x19a: {  	[spmem:s3] =	stream.indirect.scatter.add.f32 [tilespmem:s19], [sflag:$0x2], $0x1, s11, s17, $0xb8;
	[tilespmem:$0xC280] =	vst v63  }
0x19b: {  	s13 =	sadd.s32 $0x5380, s9  }
0x19c: {  	[spmem:s3] =	stream.indirect.scatter.add.f32 [tilespmem:s20], [sflag:$0x2], $0x1, s13, s17, $0xb8;
	[tilespmem:$0xC280] =	vst v63  }
0x19d: {  	s10 =	sadd.s32 $0x5400, s9  }
0x19e: {  	[spmem:s3] =	stream.indirect.scatter.add.f32 [tilespmem:s21], [sflag:$0x2], $0x1, s10, s17, $0xb8;
	[tilespmem:$0xC280] =	vst v63  }
0x19f: {  	s11 =	sadd.s32 $0x5480, s9  }
0x1a0: {  	[spmem:s3] =	stream.indirect.scatter.add.f32 [tilespmem:s22], [sflag:$0x2], $0x1, s11, s17, $0xb8;
	[tilespmem:$0xC280] =	vst v63  }
0x1a1: {  	s13 =	sadd.s32 $0x5500, s9  }
0x1a2: {  	[spmem:s3] =	stream.indirect.scatter.add.f32 [tilespmem:s23], [sflag:$0x2], $0x1, s13, s17, $0xb8;
	[tilespmem:$0xC280] =	vst v63  }
0x1a3: {  	s10 =	sadd.s32 $0x5580, s9  }
0x1a4: {  	[spmem:s3] =	stream.indirect.scatter.add.f32 [tilespmem:s24], [sflag:$0x2], $0x1, s10, s17, $0xb8;
	[tilespmem:$0xC280] =	vst v63  }
0x1a5: {  	s11 =	sadd.s32 $0x5600, s9  }
0x1a6: {  	[spmem:s3] =	stream.indirect.scatter.add.f32 [tilespmem:s25], [sflag:$0x2], $0x1, s11, s17, $0xb8;
	[tilespmem:$0xC280] =	vst v63  }
0x1a7: {  	s13 =	sadd.s32 $0x680, s9  }
0x1a8: {  	[tilespmem:s28], [sflag:$0x1] =	stream.indirect.gather [hbm4b:s1+s17], $0x1, s13, s17, $0xb8;
	[tilespmem:$0xC280] =	vst v63  }
0x1a9: {  	s10 =	sadd.s32 $0x700, s9  }
0x1aa: {  	[tilespmem:s29], [sflag:$0x1] =	stream.indirect.gather [hbm4b:s1+s17], $0x1, s10, s17, $0xb8;
	[tilespmem:$0xC280] =	vst v63  }
0x1ab: {  	s11 =	sadd.s32 $0x780, s9  }
0x1ac: {  	[tilespmem:s30], [sflag:$0x1] =	stream.indirect.gather [hbm4b:s1+s17], $0x1, s11, s17, $0xb8;
	[tilespmem:$0xC280] =	vst v63  }
0x1ad: {  	s13 =	sadd.s32 $0x800, s9  }
0x1ae: {  	[tilespmem:s31], [sflag:$0x1] =	stream.indirect.gather [hbm4b:s1+s17], $0x1, s13, s17, $0xb8;
	[tilespmem:$0xC280] =	vst v63  }
0x1af: {  	s10 =	sadd.s32 $0x880, s9  }
0x1b0: {  	[tilespmem:s2], [sflag:$0x1] =	stream.indirect.gather [hbm4b:s1+s17], $0x1, s10, s17, $0xb8;
	[tilespmem:$0xC280] =	vst v63  }
0x1b1: {  	s11 =	sadd.s32 $0x900, s9  }
0x1b2: {  	[tilespmem:s0], [sflag:$0x1] =	stream.indirect.gather [hbm4b:s1+s17], $0x1, s11, s17, $0xb8;
	[tilespmem:$0xC280] =	vst v63  }
0x1b3: {  	s13 =	sadd.s32 $0x980, s9  }
0x1b4: {  	[tilespmem:s4], [sflag:$0x1] =	stream.indirect.gather [hbm4b:s1+s17], $0x1, s13, s17, $0xb8;
	[tilespmem:$0xC280] =	vst v63  }
0x1b5: {  	s10 =	sadd.s32 $0xA00, s9  }
0x1b6: {  	[tilespmem:s15], [sflag:$0x1] =	stream.indirect.gather [hbm4b:s1+s17], $0x1, s10, s17, $0xb8;
	[tilespmem:$0xC280] =	vst v63  }
0x1b7: {  	_ =	swait.ge [sflag:s16], $0x80  }
0x1b8: {  	[sflag:s16] =	ssyncset.done $0x0  }
0x1b9: {  	[sflag:s16] =	ssyncadd.s32 $0xFFFFFF80  }
0x1ba: {  	_ =	swait.ge [sflag:s16], $0x80  }
0x1bb: {  	[sflag:s16] =	ssyncset.done $0x0  }
0x1bc: {  	[sflag:s16] =	ssyncadd.s32 $0xFFFFFF80  }
0x1bd: {  	_ =	swait.ge [sflag:s16], $0x80  }
0x1be: {  	[sflag:s16] =	ssyncset.done $0x0  }
0x1bf: {  	[sflag:s16] =	ssyncadd.s32 $0xFFFFFF80  }
0x1c0: {  	_ =	swait.ge [sflag:s16], $0x80  }
0x1c1: {  	[sflag:s16] =	ssyncset.done $0x0  }
0x1c2: {  	[sflag:s16] =	ssyncadd.s32 $0xFFFFFF80  }
0x1c3: {  	_ =	swait.ge [sflag:s16], $0x80  }
0x1c4: {  	[sflag:s16] =	ssyncset.done $0x0  }
0x1c5: {  	[sflag:s16] =	ssyncadd.s32 $0xFFFFFF80  }
0x1c6: {  	_ =	swait.ge [sflag:s16], $0x80  }
0x1c7: {  	[sflag:s16] =	ssyncset.done $0x0  }
0x1c8: {  	[sflag:s16] =	ssyncadd.s32 $0xFFFFFF80  }
0x1c9: {  	_ =	swait.ge [sflag:s16], $0x80  }
0x1ca: {  	[sflag:s16] =	ssyncset.done $0x0  }
0x1cb: {  	[sflag:s16] =	ssyncadd.s32 $0xFFFFFF80  }
0x1cc: {  	_ =	swait.ge [sflag:s16], $0x80  }
0x1cd: {  	[sflag:s16] =	ssyncset.done $0x0  }
0x1ce: {  	[sflag:s16] =	ssyncadd.s32 $0xFFFFFF80  }
0x1cf: {  	_ =	swait.ge [sflag:s26], $0x80  }
0x1d0: {  	[sflag:s26] =	ssyncset.done $0x0  }
0x1d1: {  	[sflag:s26] =	ssyncadd.s32 $0xFFFFFF80  }
0x1d2: {  	_ =	swait.ge [sflag:s26], $0x80  }
0x1d3: {  	[sflag:s26] =	ssyncset.done $0x0  }
0x1d4: {  	[sflag:s26] =	ssyncadd.s32 $0xFFFFFF80  }
0x1d5: {  	_ =	swait.ge [sflag:s26], $0x80  }
0x1d6: {  	[sflag:s26] =	ssyncset.done $0x0  }
0x1d7: {  	[sflag:s26] =	ssyncadd.s32 $0xFFFFFF80  }
0x1d8: {  	_ =	swait.ge [sflag:s26], $0x80  }
0x1d9: {  	[sflag:s26] =	ssyncset.done $0x0  }
0x1da: {  	[sflag:s26] =	ssyncadd.s32 $0xFFFFFF80  }
0x1db: {  	_ =	swait.ge [sflag:s26], $0x80  }
0x1dc: {  	[sflag:s26] =	ssyncset.done $0x0  }
0x1dd: {  	[sflag:s26] =	ssyncadd.s32 $0xFFFFFF80  }
0x1de: {  	_ =	swait.ge [sflag:s26], $0x80  }
0x1df: {  	[sflag:s26] =	ssyncset.done $0x0  }
0x1e0: {  	[sflag:s26] =	ssyncadd.s32 $0xFFFFFF80  }
0x1e1: {  	_ =	swait.ge [sflag:s26], $0x80  }
0x1e2: {  	[sflag:s26] =	ssyncset.done $0x0  }
0x1e3: {  	[sflag:s26] =	ssyncadd.s32 $0xFFFFFF80  }
0x1e4: {  	_ =	swait.ge [sflag:s26], $0x80  }
0x1e5: {  	[sflag:s26] =	ssyncset.done $0x0  }
0x1e6: {  	s11 =	sadd.s32 $0x5680, s9;
	[sflag:s26] =	ssyncadd.s32 $0xFFFFFF80  }
0x1e7: {  	[spmem:s3] =	stream.indirect.scatter.add.f32 [tilespmem:s28], [sflag:$0x2], $0x1, s11, s17, $0xb8;
	[tilespmem:$0xC280] =	vst v63  }
0x1e8: {  	s13 =	sadd.s32 $0x5700, s9  }
0x1e9: {  	[spmem:s3] =	stream.indirect.scatter.add.f32 [tilespmem:s29], [sflag:$0x2], $0x1, s13, s17, $0xb8;
	[tilespmem:$0xC280] =	vst v63  }
0x1ea: {  	s10 =	sadd.s32 $0x5780, s9  }
0x1eb: {  	[spmem:s3] =	stream.indirect.scatter.add.f32 [tilespmem:s30], [sflag:$0x2], $0x1, s10, s17, $0xb8;
	[tilespmem:$0xC280] =	vst v63  }
0x1ec: {  	s11 =	sadd.s32 $0x5800, s9  }
0x1ed: {  	[spmem:s3] =	stream.indirect.scatter.add.f32 [tilespmem:s31], [sflag:$0x2], $0x1, s11, s17, $0xb8;
	[tilespmem:$0xC280] =	vst v63  }
0x1ee: {  	s13 =	sadd.s32 $0x5880, s9  }
0x1ef: {  	[spmem:s3] =	stream.indirect.scatter.add.f32 [tilespmem:s2], [sflag:$0x2], $0x1, s13, s17, $0xb8;
	[tilespmem:$0xC280] =	vst v63  }
0x1f0: {  	s10 =	sadd.s32 $0x5900, s9  }
0x1f1: {  	[spmem:s3] =	stream.indirect.scatter.add.f32 [tilespmem:s0], [sflag:$0x2], $0x1, s10, s17, $0xb8;
	[tilespmem:$0xC280] =	vst v63  }
0x1f2: {  	s11 =	sadd.s32 $0x5980, s9  }
0x1f3: {  	[spmem:s3] =	stream.indirect.scatter.add.f32 [tilespmem:s4], [sflag:$0x2], $0x1, s11, s17, $0xb8;
	[tilespmem:$0xC280] =	vst v63  }
0x1f4: {  	s13 =	sadd.s32 $0x5A00, s9  }
0x1f5: {  	[spmem:s3] =	stream.indirect.scatter.add.f32 [tilespmem:s15], [sflag:$0x2], $0x1, s13, s17, $0xb8;
	[tilespmem:$0xC280] =	vst v63  }
0x1f6: {  	_ =	swait.ge [sflag:s16], $0x80  }
0x1f7: {  	[sflag:s16] =	ssyncset.done $0x0  }
0x1f8: {  	[sflag:s16] =	ssyncadd.s32 $0xFFFFFF80  }
0x1f9: {  	_ =	swait.ge [sflag:s16], $0x80  }
0x1fa: {  	[sflag:s16] =	ssyncset.done $0x0  }
0x1fb: {  	[sflag:s16] =	ssyncadd.s32 $0xFFFFFF80  }
0x1fc: {  	_ =	swait.ge [sflag:s16], $0x80  }
0x1fd: {  	[sflag:s16] =	ssyncset.done $0x0  }
0x1fe: {  	[sflag:s16] =	ssyncadd.s32 $0xFFFFFF80  }
0x1ff: {  	_ =	swait.ge [sflag:s16], $0x80  }
0x200: {  	[sflag:s16] =	ssyncset.done $0x0  }
0x201: {  	[sflag:s16] =	ssyncadd.s32 $0xFFFFFF80  }
0x202: {  	_ =	swait.ge [sflag:s16], $0x80  }
0x203: {  	[sflag:s16] =	ssyncset.done $0x0  }
0x204: {  	[sflag:s16] =	ssyncadd.s32 $0xFFFFFF80  }
0x205: {  	_ =	swait.ge [sflag:s16], $0x80  }
0x206: {  	[sflag:s16] =	ssyncset.done $0x0  }
0x207: {  	[sflag:s16] =	ssyncadd.s32 $0xFFFFFF80  }
0x208: {  	_ =	swait.ge [sflag:s16], $0x80  }
0x209: {  	[sflag:s16] =	ssyncset.done $0x0  }
0x20a: {  	[sflag:s16] =	ssyncadd.s32 $0xFFFFFF80  }
.Ltmp4:
0x20b: {  	_ =	swait.ge [sflag:s16], $0x80;
	(pc) =	sbr.rel @p0 .LBB2_9-.Ltmp4, $4  }
0x20c: {  	[sflag:s16] =	ssyncset.done $0x0  }
0x20d: {  	[sflag:s16] =	ssyncadd.s32 $0xFFFFFF80  }
0x20e: {  	[bflag:$0x0] =	sbarrier.arrive $0xFFFF  }
0x20f: {  	s11 =	simm.s32 $0xAA80  }
0x210: {  	s5 =	rddreg [dreg:$0x5]  }
0x211: {  	[tilespmem:s11], [sflag:$0x3] =	stream.linear.gather [spmem:s5], $0x7D0, $0x38;
	[tilespmem:$0xC280] =	vst v63  }
0x212: {  	_ =	swait.ge [sflag:s14], $0x7D0  }
0x213: {  	s10 =	simm.s32 $0xB280;
	[sflag:s14] =	ssyncset.done $0x0  }
0x214: {  	s5 =	simm.s32 $0x0;
	s9 =	rddreg [dreg:$0x6];
	[sflag:s14] =	ssyncadd.s32 $0xFFFFF830  }
0x215: {  	[tilespmem:s10], [sflag:$0x3] =	stream.linear.gather [hbm4b:s9+s5], $0x7D0, $0x38;
	[tilespmem:$0xC280] =	vst v63  }
0x216: {  	_ =	swait.ge [sflag:s14], $0x7D0  }
0x217: {  	[sflag:s14] =	ssyncset.done $0x0  }
0x218: {  	s13 =	simm.s32 $0xBA80;
	s10 =	rddreg [dreg:$0x7];
	[sflag:s14] =	ssyncadd.s32 $0xFFFFF830  }
0x219: {  	[tilespmem:s13], [sflag:$0x3] =	stream.linear.gather [hbm4b:s10+s5], $0x7D0, $0x38;
	[tilespmem:$0xC280] =	vst v63  }
0x21a: {  	_ =	swait.ge [sflag:s14], $0x7D0  }
0x21b: {  	[sflag:s14] =	ssyncset.done $0x0  }
0x21c: {  	s9 =	simm.s32 $0x0;
	[sflag:s14] =	ssyncadd.s32 $0xFFFFF830  }
0x21d: {  	s10 =	simm.s32 $0x40;
	v1 =	vld [tilespmem:s9+$0xBA80]  }
.LBB2_7:
0x21e: {  	p1 =	sne.s32 s10, $0x1F00;
	v2 =	vld [tilespmem:s9+$0xAA80];
	_ =	sdelay $0x1  }
0x21f: {  	v3 =	vld [tilespmem:s9+$0xB280];
	_ =	sdelay $0x2  }
.Ltmp5:
0x220: {  	v1 =	vmul.f32 v1, v2;
	(pc) =	sbr.rel @p1 .LBB2_7-.Ltmp5, $4  }
0x221: {  	_ = 	snop  }
0x222: {  	v2 =	vadd.f32 v1, v3  }
0x223: {  	s5 =	sshra.s32 s10, $0x2  }
0x224: {  	s10 =	sadd.s32 $0x40, s10;
	v1 =	vld [tilespmem:s5+$0xBA80];
	[tilespmem:s9+$0xAA80] =	vst v2;
	s9 =	smov.u32 s5  }
.Ltmp6:
0x225: {  	_ = 	snop;
	(pc) =	sbr.rel .LBB2_8-.Ltmp6, $1  }
0x226: {  	_ =	sdelay $0x3  }
.LBB2_10:
0x227: {  	_ =	sfence.sel $0x180000  }
0x228: {  	[bflag:$0x0] =	sbarrier.arrive $0xFFFF  }
0x229: {  	_ =	strace $0x9000004D  }
0x22a: {  	s0 =	stileid.u32;
	[bflag:$0x2] =	sbarrier.arrive $0xFFFF  }
0x22b: {  	p0 =	sne.s32 s0, $0x0;
	s0 =	rddreg [dreg:$0x3]  }
0x22c: {  	s0 =	sadd.s32 @!p0 $0x100000, s0  }
0x22d: {  	[sflag:s0] =	ssyncadd.tile.s32 @!p0 $0x1;
	_ =	shalt  }
.Lfunc_end2:
_tile_overlayer_lowered:
.L_overlay_start_2:
0x22e: {  	(tag) =	ssettag $0x2  }
0x22f: {  	s0 =	rddreg [dreg:$0x0];
	s2 =	stileid.u32  }
0x230: {  	s1 =	rddreg [dreg:$0x1];
	p0 =	sne.s32 s2, $0x0  }
0x231: {  	s3 =	rddreg [dreg:$0x2];
	[bflag:$0x3] =	sbarrier.arrive $0xFFFF;
	s2 =	simm.s32 @!p0 $0x1C03  }
0x232: {  	[timem:s3], [sflag:s2] =	dma.local @!p0 [hbm:s0], s1  }
0x233: {  	s0 =	simm.s32 @!p0 $0x3  }
0x234: {  	_ =	swait.ge @!p0 [sflag:s0], s1  }
0x235: {  	s1 =	ssub.s32 @!p0 $0x0, s1;
	[sflag:s0] =	ssyncset.done @!p0 $0x0  }
0x236: {  	[sflag:s0] =	ssyncadd.s32 @!p0 s1  }
0x237: {  	[bflag:$0x3] =	sbarrier.arrive $0xFFFF  }
0x238: {  	_ =	shalt  }

// kernel: kernel.17.cloned.1.call-start
scs
__scs_entry_jumppad:
0x0: {  	(pc) =	sbr.rel $0x88, $3  }
0x1: {  	(tag) =	ssettag $0x0;
	lr =	simm.s32 $0x1  }
0x2: {  	[smem:$0x3F8F] =	sst lr;
	_ =	strace $0xD0000000  }
0x3: {  	_ = 	snop  }
0x4: {  	_ = 	snop  }
0x5: {  	_ = 	snop  }
0x6: {  	_ = 	snop  }
0x7: {  	_ = 	snop  }
__scs_overlays_trampoline_lowered:
0x8: {  	[smem:$0x3F9E] =	sst s0  }
0x9: {  	[smem:$0x3F9F] =	sst s1  }
0xa: {  	[smem:$0x3FA0] =	sst s2  }
0xb: {  	[smem:$0x3FA1] =	sst s3  }
0xc: {  	[smem:$0x3FA2] =	sst s4  }
0xd: {  	[smem:$0x3FA3] =	sst s5  }
0xe: {  	[smem:$0x3FA4] =	sst s6  }
0xf: {  	[smem:$0x3FA5] =	sst s7  }
0x10: {  	[smem:$0x3FA6] =	sst s8  }
0x11: {  	[smem:$0x3FA7] =	sst s9;
	s0 =	simm.s32 @!p0 $0x0  }
0x12: {  	s1 =	sld [smem:$0x3F8D];
	s0 =	simm.s32 @p0 $0x1  }
0x13: {  	[smem:$0x3FA8] =	sst s0;
	s0 =	simm.s32 @!p1 $0x0  }
0x14: {  	s2 =	sld [smem:$0x3F8C];
	s0 =	simm.s32 @p1 $0x1  }
0x15: {  	[smem:$0x3FA9] =	sst s0;
	s0 =	simm.s32 @!p2 $0x0  }
0x16: {  	s3 =	sld [smem:$0x3FDB];
	s0 =	simm.s32 @p2 $0x1  }
0x17: {  	s4 =	simm.s32 $0x1BF5;
	[smem:$0x3FAB] =	sst s0  }
0x18: {  	s0 =	sld [smem:$0x3F8E];
	_ =	swait.ge [sflag:s4], $0x0  }
0x19: {  	s7 =	sld [smem:$0x3F8F]  }
0x1a: {  	s8 =	sadd.s32 $0xFFFFE003, lr  }
0x1b: {  	s9 =	sadd.s32 $0xFFFFFEF7, lr;
	s5 =	simm.s32 $0xFFFFFFFF;
	p2 =	slt.u32 s8, $0xFFFFF086  }
0x1c: {  	p1 =	slt.u32 s9, $0xF7A;
	s5 =	simm.s32 @!p2 $0x0  }
0x1d: {  	s5 =	simm.s32 @p1 $0x1;
	p0 =	seq.s32 s7, s2  }
0x1e: {  	s7 =	smul.u32 @!p0 $0xF7A, s2;
	p2 =	seq.s32 @!p0 s5, $0x0  }
0x1f: {  	s9 =	smul.u32 $0xF7A, s1;
	s8 =	simm.s32 @!p0 $0x1BF5;
	p2 =	por !p2, p0  }
0x20: {  	[sflag:s8] =	ssyncset.s32 @!p0 $0xFFFFF086;
	s6 =	sadd.s32 @!p0 s3, s7;
	s7 =	simm.s32 @!p0 $0x108  }
0x21: {  	s3 =	sadd.s32 s3, s9;
	s6 =	sadd.s32 @!p0 $0x88, s6;
	s7 =	simm.s32 @p2 $0x1082  }
0x22: {  	[simem:s7], [sflag:s8] =	dma.local @!p0 [hbm:s6], $0xF7A  }
0x23: {  	s9 =	sor.u32 $0xD0000000, s2;
	s6 =	simm.s32 $0x108;
	_ =	swait.ge @!p0 [sflag:s8], $0x0  }
0x24: {  	s3 =	sadd.s32 $0x88, s3;
	s6 =	simm.s32 @!p1 $0x1082;
	[sflag:s4] =	ssyncset.s32 $0xFFFFF086  }
0x25: {  	[simem:s6], [sflag:s4] =	dma.local [hbm:s3], $0xF7A  }
0x26: {  	[smem:$0x3F8F] =	sst s1;
	(tag) =	ssettag s2;
	_ =	strace s9  }
0x27: {  	s1 =	sld [smem:$0x3F9F]  }
0x28: {  	s2 =	sld [smem:$0x3FA0]  }
0x29: {  	s4 =	sld [smem:$0x3FA2]  }
0x2a: {  	p0 =	seq.s32 s5, $0x0;
	s5 =	sld [smem:$0x3FA3]  }
0x2b: {  	s6 =	sld [smem:$0x3FA4]  }
0x2c: {  	s7 =	sld [smem:$0x3FA5]  }
0x2d: {  	s3 =	simm.s32 $0x108;
	s8 =	sld [smem:$0x3FA6]  }
0x2e: {  	s3 =	simm.s32 @!p0 $0x1082;
	s9 =	sld [smem:$0x3FA7]  }
0x2f: {  	lr =	sadd.s32 s0, s3;
	s0 =	sld [smem:$0x3F9E]  }
0x30: {  	s3 =	sld [smem:$0x3FA1]  }
0x31: {  	[smem:$0x3FAA] =	sst s10  }
0x32: {  	s10 =	sld [smem:$0x3FA8];
	_ =	sdelay $0x3  }
0x33: {  	p0 =	seq.s32 s10, $0x1;
	s10 =	sld [smem:$0x3FAA];
	_ =	sdelay $0x3  }
0x34: {  	[smem:$0x3FAA] =	sst s10  }
0x35: {  	s10 =	sld [smem:$0x3FA9];
	_ =	sdelay $0x3  }
0x36: {  	p1 =	seq.s32 s10, $0x1;
	s10 =	sld [smem:$0x3FAA];
	_ =	sdelay $0x3  }
0x37: {  	[smem:$0x3FAA] =	sst s10  }
0x38: {  	s10 =	sld [smem:$0x3FAB]  }
0x39: {  	_ = 	snop;
	(pc) =	sbr.ind lr, $3  }
0x3a: {  	_ = 	snop  }
0x3b: {  	_ = 	snop  }
0x3c: {  	p2 =	seq.s32 s10, $0x1;
	s10 =	sld [smem:$0x3FAA]  }
0x3d: {  	_ =	shalt  }
0x3e: {  	_ =	shalt  }
0x3f: {  	_ =	shalt  }
0x40: {  	_ =	shalt  }
0x41: {  	_ =	shalt  }
0x42: {  	_ =	shalt  }
0x43: {  	_ =	shalt  }
0x44: {  	_ =	shalt  }
0x45: {  	_ =	shalt  }
0x46: {  	_ =	shalt  }
0x47: {  	_ =	shalt  }
0x48: {  	_ =	shalt  }
0x49: {  	_ =	shalt  }
0x4a: {  	_ =	shalt  }
0x4b: {  	_ =	shalt  }
0x4c: {  	_ =	shalt  }
0x4d: {  	_ =	shalt  }
0x4e: {  	_ =	shalt  }
0x4f: {  	_ =	shalt  }
0x50: {  	_ =	shalt  }
0x51: {  	_ =	shalt  }
0x52: {  	_ =	shalt  }
0x53: {  	_ =	shalt  }
0x54: {  	_ =	shalt  }
0x55: {  	_ =	shalt  }
0x56: {  	_ =	shalt  }
0x57: {  	_ =	shalt  }
0x58: {  	_ =	shalt  }
0x59: {  	_ =	shalt  }
0x5a: {  	_ =	shalt  }
0x5b: {  	_ =	shalt  }
0x5c: {  	_ =	shalt  }
0x5d: {  	_ =	shalt  }
0x5e: {  	_ =	shalt  }
0x5f: {  	_ =	shalt  }
0x60: {  	_ =	shalt  }
0x61: {  	_ =	shalt  }
0x62: {  	_ =	shalt  }
0x63: {  	_ =	shalt  }
0x64: {  	_ =	shalt  }
0x65: {  	_ =	shalt  }
0x66: {  	_ =	shalt  }
0x67: {  	_ =	shalt  }
0x68: {  	_ =	shalt  }
0x69: {  	_ =	shalt  }
0x6a: {  	_ =	shalt  }
0x6b: {  	_ =	shalt  }
0x6c: {  	_ =	shalt  }
0x6d: {  	_ =	shalt  }
0x6e: {  	_ =	shalt  }
0x6f: {  	_ =	shalt  }
0x70: {  	_ =	shalt  }
0x71: {  	_ =	shalt  }
0x72: {  	_ =	shalt  }
0x73: {  	_ =	shalt  }
0x74: {  	_ =	shalt  }
0x75: {  	_ =	shalt  }
0x76: {  	_ =	shalt  }
0x77: {  	_ =	shalt  }
0x78: {  	_ =	shalt  }
0x79: {  	_ =	shalt  }
0x7a: {  	_ =	shalt  }
0x7b: {  	_ =	shalt  }
0x7c: {  	_ =	shalt  }
0x7d: {  	_ =	shalt  }
0x7e: {  	_ =	shalt  }
0x7f: {  	_ =	shalt  }
0x80: {  	_ =	shalt  }
0x81: {  	_ =	shalt  }
0x82: {  	_ =	shalt  }
0x83: {  	_ =	shalt  }
0x84: {  	_ =	shalt  }
0x85: {  	_ =	shalt  }
0x86: {  	_ =	shalt  }
0x87: {  	_ =	shalt  }
.Lfunc_end0:
.L_simem_size_0:
called_computation.3_lowered:
.L_overlay_start_0:
0x88: {  	s2 =	sld [smem:$0x3FD9]  }
0x89: {  	s3 =	sld [smem:$0x3FFE];
	_ =	sdelay $0x1  }
0x8a: {  	s1 =	srdreg.scid  }
0x8b: {  	s0 =	sand.u32 $0x1, s1  }
0x8c: {  	s17 =	sshll.u32 s0, $0xA;
	s2 =	sadd.s32 s3, s2  }
0x8d: {  	s2 =	sadd.s32 s2, s17  }
0x8e: {  	[smem:$0x3FB6] =	sst s2  }
0x8f: {  	_ = 	snop  }
0x90: {  	s2 =	sld [smem:$0x3FC7]  }
0x91: {  	s18 =	sld [smem:$0x3FC6];
	(tm) =	ssettm $0x1  }
0x92: {  	s4 =	sld [smem:$0x3FFB];
	_ =	sdelay $0x3  }
0x93: {  	_ =	strace s4  }
0x94: {  	s4 =	sld [smem:$0x3FFC];
	_ =	sdelay $0x3  }
0x95: {  	_ =	strace s4  }
0x96: {  	s4 =	sld [smem:$0x3FFD];
	_ =	sdelay $0x3  }
0x97: {  	_ =	strace s4  }
0x98: {  	_ =	strace $0x8FFFFFFF  }
0x99: {  	s19 =	sld [smem:$0x3FDB];
	_ =	sdelay $0x1  }
0x9a: {  	s5 =	simm.s32 $_scs_section_size  }
0x9b: {  	s6 =	simm.s32 $_size__tile_overlayer_lowered;
	s7 =	simm.s32 $_tile_overlayer_lowered  }
0x9c: {  	s22 =	simm.s32 $0x1BFF;
	s21 =	sshll.u32 s7, $0x1;
	s4 =	sadd.s32 s5, s19  }
0x9d: {  	s8 =	simm.s32 $0x0;
	s20 =	sshll.u32 s6, $0x1;
	s6 =	sadd.s32 s21, s4  }
0x9e: {  	[timem:s8], [sflag:s22] =	dma.local [hbm:s6], s20  }
0x9f: {  	_ =	swait.ge [sflag:s22], s20  }
0xa0: {  	s5 =	ssub.s32 $0x0, s20;
	[sflag:s22] =	ssyncset.done $0x0  }
0xa1: {  	[sflag:s22] =	ssyncadd.s32 s5;
	_ =	sdelay $0x1  }
0xa2: {  	s23 =	simm.s32 $0x1B8B  }
0xa3: {  	_ =	swait.ge [sflag:s23], $0x1  }
0xa4: {  	[sflag:s23] =	ssyncset.done $0x0  }
0xa5: {  	s25 =	simm.s32 $0x1B8E;
	s24 =	sld [smem:$0x3FFE];
	[sflag:s23] =	ssyncadd.s32 $0xFFFFFFFF  }
0xa6: {  	s26 =	simm.s32 $execute0_lowered;
	[smem:$0x3FD2] =	sst s25  }
0xa7: {  	s6 =	sshll.u32 s26, $0x1;
	_ =	strace $0x8000004F;
	[dreg:$0x1] =	wrdreg $0xFFFFFFFF  }
0xa8: {  	s28 =	simm.s32 $_size_execute0_lowered;
	s4 =	sadd.s32 s4, s6;
	[dreg:$0x0] =	wrdreg $0x0  }
0xa9: {  	s6 =	sshll.u32 s28, $0x1;
	[dreg:$0x2] =	wrdreg s4  }
0xaa: {  	[dreg:$0x3] =	wrdreg s6  }
0xab: {  	[dreg:$0x4] =	wrdreg $0xC0  }
0xac: {  	_ =	task [dreg:s8], $0x5FFFF  }
0xad: {  	[dreg:$0x1] =	wrdreg $0xFFFFFFFF  }
0xae: {  	[dreg:$0x0] =	wrdreg $0x60  }
0xaf: {  	[dreg:$0x2] =	wrdreg s24  }
0xb0: {  	[dreg:$0x3] =	wrdreg s2  }
0xb1: {  	[dreg:$0x4] =	wrdreg s18  }
0xb2: {  	[dreg:$0x5] =	wrdreg $0x9  }
0xb3: {  	_ =	task.clear_ibuf [dreg:s8], $0x6FFFF;
	_ =	strace $0x9000004F  }
0xb4: {  	s29 =	simm.s32 $0x9;
	_ =	strace $0x80000051  }
0xb5: {  	_ =	swait.ge [sflag:s29], $0x1  }
0xb6: {  	[sflag:s29] =	ssyncadd.s32 $0xFFFFFFFF  }
0xb7: {  	_ =	strace $0x90000051  }
0xb8: {  	_ =	sfence  }
0xb9: {  	s30 =	sld [smem:$0x0];
	_ =	sdelay $0x2  }
0xba: {  	s31 =	sshll.u32 s1, $0xD;
	s1 =	sshrl.u32 s1, $0x2  }
0xbb: {  	s3 =	sand.u32 $0x4000, s31;
	s1 =	sadd.s32 s1, s30  }
0xbc: {  	s0 =	sor.u32 s3, s0;
	s1 =	sshll.u32 s1, $0x11  }
0xbd: {  	s0 =	sor.u32 s1, s0  }
0xbe: {  	s0 =	sadd.s32 $0x8F2B, s0  }
0xbf: {  	[sflag:s0] =	ssyncadd.remote.s32 $0x1  }
0xc0: {  	_ =	sfence.sel $0xFFFF  }
0xc1: {  	[dreg:$0x0] =	wrdreg $0xFFFFFFFF;
	(pc) =	sbr.abs _section_cstart, $3  }
0xc2: {  	[dreg:$0x1] =	wrdreg $0xFFFFFFFF  }
0xc3: {  	_ =	task.clear_ibuf [dreg:s8], $0x2FFFF;
	_ =	strace $0x9FFFFFFF  }
0xc4: {  	(tm) =	ssettm $0x7FFFFFFF  }
0xc5: {  	_ =	shalt  }
tec
execute0_lowered:
.L_overlay_start_1:
0x0: {  	(tag) =	ssettag $0x1  }
0x1: {  	s4 =	rddreg [dreg:$0x0]  }
0x2: {  	s5 =	rddreg [dreg:$0x1];
	s1 =	srdreg.scid  }
0x3: {  	s0 =	stileid.u32;
	s6 =	rddreg [dreg:$0x2];
	s2 =	simm.s32 $0x0  }
0x4: {  	s11 =	simm.s32 $0x9D80;
	s3 =	sand.u32 $0x1, s1;
	s7 =	sshll.u32 s0, $0x1  }
0x5: {  	s12 =	simm.s32 $0x0;
	s1 =	rddreg [dreg:$0x3];
	s7 =	sor.u32 s3, s7  }
0x6: {  	[smem:$0x7FF] =	sst s2;
	s8 =	ssub.s32 $0x2, s3;
	s7 =	smul.u32 $0x4E2, s7  }
0x7: {  	_ =	strace $0x80000050;
	s3 =	sadd.s32 $0x4000, s4;
	s9 =	sshrl.u32 s8, $0x1  }
0x8: {  	s8 =	ssub.s32 s8, s9;
	s9 =	simm.s32 $0x4E80;
	s10 =	sadd.s32 s7, s4  }
0x9: {  	s4 =	sadd.s32 s5, s7;
	s5 =	sadd.s32 s6, s7;
	s7 =	smax.u32 s8, $0x1  }
0xa: {  	s8 =	simm.s32 $0x1;
	s6 =	sadd.s32 $0x4A00, s10;
	s10 =	simm.s32 $0x7600  }
.LBB2_1:
0xb: {  	[tilespmem:s2], [sflag:$0x1] =	stream.linear.gather [hbm4b:s3+s2], $0x4E80, $0x38;
	[tilespmem:$0xC500] =	vst v63  }
0xc: {  	_ =	swait.ge [sflag:s8], $0x4E80  }
0xd: {  	[sflag:s8] =	ssyncset.done $0x0  }
0xe: {  	[sflag:s8] =	ssyncadd.s32 $0xFFFFB180  }
0xf: {  	[tilespmem:s9], [sflag:$0x1] =	stream.linear.gather [hbm4b:s4+s2], $0x2710, $0x38;
	[tilespmem:$0xC500] =	vst v63  }
0x10: {  	_ =	swait.ge [sflag:s8], $0x2710  }
0x11: {  	[sflag:s8] =	ssyncset.done $0x0  }
0x12: {  	[sflag:s8] =	ssyncadd.s32 $0xFFFFD8F0  }
0x13: {  	[tilespmem:s10], [sflag:$0x1] =	stream.linear.gather [hbm4b:s5+s2], $0x2710, $0x38;
	[tilespmem:$0xC500] =	vst v63  }
0x14: {  	_ =	swait.ge [sflag:s8], $0x2710  }
0x15: {  	[sflag:s8] =	ssyncset.done $0x0  }
0x16: {  	s13 =	simm.s32 $0x0;
	[sflag:s8] =	ssyncadd.s32 $0xFFFFD8F0  }
0x17: {  	v0 =	vld [tilespmem:s13+$0x7600]  }
0x18: {  	v1 =	vld [tilespmem:s13+$0x4E80];
	_ =	sdelay $0x3  }
0x19: {  	v0 =	vadd.s32 $0x2710, v0;
	_ =	sdelay $0x3  }
0x1a: {  	v1 =	vld.idx.msk [tilespmem:v1+s2+$0x0], $0xffff  }
0x1b: {  	v0 =	vld.idx.msk [tilespmem:v0+s2+$0x0], $0xffff;
	_ =	sdelay $0x4  }
0x1c: {  	v0 =	vadd.f32 v0, v1;
	_ =	sdelay $0x1  }
0x1d: {  	v0 =	vsub.f32 $0.0e+00, v0;
	_ =	sdelay $0x1  }
0x1e: {  	v0 =	vmul.f32 $1.442695020e+00, v0;
	_ =	sdelay $0x1  }
0x1f: {  	(erf) = vpow2.f32 v0;
	_ =	sdelay $0x8  }
0x20: {  	v0 =	vpop (erf)  }
0x21: {  	v0 =	vadd.f32 $1.000000000e+00, v0;
	_ =	sdelay $0x1  }
0x22: {  	s15 =	simm.s32 $0x10;
	(erf) = vrcp.f32 v0  }
0x23: {  	s14 =	simm.s32 $0x80;
	v0 =	vld [tilespmem:s15+$0x7600]  }
.LBB2_2:
0x24: {  	p0 =	sne.s32 s14, $0x9C00;
	_ =	sdelay $0x1  }
0x25: {  	v1 =	vld [tilespmem:s15+$0x4E80];
	_ =	sdelay $0x1  }
0x26: {  	v0 =	vadd.s32 $0x2710, v0;
	_ =	sdelay $0x2  }
0x27: {  	v2 =	vpop (erf)  }
0x28: {  	[tilespmem:s13+$0x9D80] =	vst v2;
	s13 =	smov.u32 s15  }
0x29: {  	v0 =	vld.idx.msk [tilespmem:v0+s2+$0x0], $0xffff  }
0x2a: {  	v1 =	vld.idx.msk [tilespmem:v1+s2+$0x0], $0xffff;
	_ =	sdelay $0x5  }
0x2b: {  	v0 =	vadd.f32 v0, v1;
	_ =	sdelay $0x1  }
0x2c: {  	v0 =	vsub.f32 $0.0e+00, v0;
	_ =	sdelay $0x1  }
0x2d: {  	v0 =	vmul.f32 $1.442695020e+00, v0;
	_ =	sdelay $0x1  }
0x2e: {  	(erf) = vpow2.f32 v0;
	_ =	sdelay $0x8  }
.Ltmp0:
0x2f: {  	v0 =	vpop (erf);
	(pc) =	sbr.rel @p0 .LBB2_2-.Ltmp0, $3  }
0x30: {  	v0 =	vadd.f32 $1.000000000e+00, v0;
	_ =	sdelay $0x1  }
0x31: {  	s15 =	sshra.s32 s14, $0x2;
	(erf) = vrcp.f32 v0  }
0x32: {  	s14 =	sadd.s32 $0x40, s14;
	v0 =	vld [tilespmem:s15+$0x7600]  }
0x33: {  	_ =	sdelay $0x1  }
0x34: {  	v1 =	vld [tilespmem:s15+$0x4E80];
	_ =	sdelay $0x1  }
0x35: {  	v0 =	vadd.s32 $0x2710, v0;
	_ =	sdelay $0x2  }
0x36: {  	v2 =	vpop (erf)  }
0x37: {  	[tilespmem:s13+$0x9D80] =	vst v2  }
0x38: {  	v0 =	vld.idx.msk [tilespmem:v0+s2+$0x0], $0xffff  }
0x39: {  	v1 =	vld.idx.msk [tilespmem:v1+s2+$0x0], $0xffff;
	_ =	sdelay $0x4  }
0x3a: {  	v0 =	vadd.f32 v0, v1;
	_ =	sdelay $0x1  }
0x3b: {  	v0 =	vsub.f32 $0.0e+00, v0;
	_ =	sdelay $0x1  }
0x3c: {  	v0 =	vmul.f32 $1.442695020e+00, v0;
	_ =	sdelay $0x1  }
0x3d: {  	(erf) = vpow2.f32 v0;
	_ =	sdelay $0x8  }
0x3e: {  	v0 =	vpop (erf)  }
0x3f: {  	v0 =	vadd.f32 $1.000000000e+00, v0;
	_ =	sdelay $0x1  }
0x40: {  	(erf) = vrcp.f32 v0;
	_ =	sdelay $0x7  }
0x41: {  	s12 =	sadd.s32 $0x1, s12  }
0x42: {  	p0 =	sne.s32 s12, s7;
	v0 =	vpop (erf)  }
.Ltmp1:
0x43: {  	[tilespmem:s15+$0x9D80] =	vst v0;
	(pc) =	sbr.rel @p0 .LBB2_1-.Ltmp1, $4  }
0x44: {  	[hbm4b:s6+s2] =	stream.linear.scatter [tilespmem:s11], [sflag:$0x1], $0x2710, $0x38;
	[tilespmem:$0xC500] =	vst v63  }
0x45: {  	_ =	swait.ge [sflag:s8], $0x2710  }
0x46: {  	[sflag:s8] =	ssyncset.done $0x0  }
0x47: {  	[sflag:s8] =	ssyncadd.s32 $0xFFFFD8F0  }
0x48: {  	_ =	sfence.sel $0x180000  }
0x49: {  	[bflag:$0x0] =	sbarrier.arrive $0xFFFF  }
0x4a: {  	p0 =	sne.s32 s0, $0x0;
	_ =	strace $0x90000050  }
0x4b: {  	s0 =	sadd.s32 @!p0 $0x100000, s1;
	[bflag:$0x2] =	sbarrier.arrive $0xFFFF  }
0x4c: {  	[sflag:s0] =	ssyncadd.tile.s32 @!p0 $0x1;
	_ =	shalt  }
.Lfunc_end2:
_tile_overlayer_lowered:
.L_overlay_start_2:
0x4d: {  	(tag) =	ssettag $0x2  }
0x4e: {  	s0 =	rddreg [dreg:$0x0];
	s2 =	stileid.u32  }
0x4f: {  	s1 =	rddreg [dreg:$0x1];
	p0 =	sne.s32 s2, $0x0  }
0x50: {  	s3 =	rddreg [dreg:$0x2];
	[bflag:$0x3] =	sbarrier.arrive $0xFFFF;
	s2 =	simm.s32 @!p0 $0x1C01  }
0x51: {  	[timem:s3], [sflag:s2] =	dma.local @!p0 [hbm:s0], s1  }
0x52: {  	s0 =	simm.s32 @!p0 $0x1  }
0x53: {  	_ =	swait.ge @!p0 [sflag:s0], s1  }
0x54: {  	s1 =	ssub.s32 @!p0 $0x0, s1;
	[sflag:s0] =	ssyncset.done @!p0 $0x0  }
0x55: {  	[sflag:s0] =	ssyncadd.s32 @!p0 s1  }
0x56: {  	[bflag:$0x3] =	sbarrier.arrive $0xFFFF  }
0x57: {  	_ =	shalt  }

// kernel: kernel.8.cloned.1.call-start
scs
__scs_entry_jumppad:
0x0: {  	(pc) =	sbr.rel $0x88, $3  }
0x1: {  	(tag) =	ssettag $0x0;
	lr =	simm.s32 $0x1  }
0x2: {  	[smem:$0x3F8F] =	sst lr;
	_ =	strace $0xD0000000  }
0x3: {  	_ = 	snop  }
0x4: {  	_ = 	snop  }
0x5: {  	_ = 	snop  }
0x6: {  	_ = 	snop  }
0x7: {  	_ = 	snop  }
__scs_overlays_trampoline_lowered:
0x8: {  	[smem:$0x3F9E] =	sst s0  }
0x9: {  	[smem:$0x3F9F] =	sst s1  }
0xa: {  	[smem:$0x3FA0] =	sst s2  }
0xb: {  	[smem:$0x3FA1] =	sst s3  }
0xc: {  	[smem:$0x3FA2] =	sst s4  }
0xd: {  	[smem:$0x3FA3] =	sst s5  }
0xe: {  	[smem:$0x3FA4] =	sst s6  }
0xf: {  	[smem:$0x3FA5] =	sst s7  }
0x10: {  	[smem:$0x3FA6] =	sst s8  }
0x11: {  	[smem:$0x3FA7] =	sst s9;
	s0 =	simm.s32 @!p0 $0x0  }
0x12: {  	s1 =	sld [smem:$0x3F8D];
	s0 =	simm.s32 @p0 $0x1  }
0x13: {  	[smem:$0x3FA8] =	sst s0;
	s0 =	simm.s32 @!p1 $0x0  }
0x14: {  	s2 =	sld [smem:$0x3F8C];
	s0 =	simm.s32 @p1 $0x1  }
0x15: {  	[smem:$0x3FA9] =	sst s0;
	s0 =	simm.s32 @!p2 $0x0  }
0x16: {  	s3 =	sld [smem:$0x3FDB];
	s0 =	simm.s32 @p2 $0x1  }
0x17: {  	s4 =	simm.s32 $0x1BF5;
	[smem:$0x3FAB] =	sst s0  }
0x18: {  	s0 =	sld [smem:$0x3F8E];
	_ =	swait.ge [sflag:s4], $0x0  }
0x19: {  	s7 =	sld [smem:$0x3F8F]  }
0x1a: {  	s8 =	sadd.s32 $0xFFFFE003, lr  }
0x1b: {  	s9 =	sadd.s32 $0xFFFFFEF7, lr;
	s5 =	simm.s32 $0xFFFFFFFF;
	p2 =	slt.u32 s8, $0xFFFFF086  }
0x1c: {  	p1 =	slt.u32 s9, $0xF7A;
	s5 =	simm.s32 @!p2 $0x0  }
0x1d: {  	s5 =	simm.s32 @p1 $0x1;
	p0 =	seq.s32 s7, s2  }
0x1e: {  	s7 =	smul.u32 @!p0 $0xF7A, s2;
	p2 =	seq.s32 @!p0 s5, $0x0  }
0x1f: {  	s9 =	smul.u32 $0xF7A, s1;
	s8 =	simm.s32 @!p0 $0x1BF5;
	p2 =	por !p2, p0  }
0x20: {  	[sflag:s8] =	ssyncset.s32 @!p0 $0xFFFFF086;
	s6 =	sadd.s32 @!p0 s3, s7;
	s7 =	simm.s32 @!p0 $0x108  }
0x21: {  	s3 =	sadd.s32 s3, s9;
	s6 =	sadd.s32 @!p0 $0x88, s6;
	s7 =	simm.s32 @p2 $0x1082  }
0x22: {  	[simem:s7], [sflag:s8] =	dma.local @!p0 [hbm:s6], $0xF7A  }
0x23: {  	s9 =	sor.u32 $0xD0000000, s2;
	s6 =	simm.s32 $0x108;
	_ =	swait.ge @!p0 [sflag:s8], $0x0  }
0x24: {  	s3 =	sadd.s32 $0x88, s3;
	s6 =	simm.s32 @!p1 $0x1082;
	[sflag:s4] =	ssyncset.s32 $0xFFFFF086  }
0x25: {  	[simem:s6], [sflag:s4] =	dma.local [hbm:s3], $0xF7A  }
0x26: {  	[smem:$0x3F8F] =	sst s1;
	(tag) =	ssettag s2;
	_ =	strace s9  }
0x27: {  	s1 =	sld [smem:$0x3F9F]  }
0x28: {  	s2 =	sld [smem:$0x3FA0]  }
0x29: {  	s4 =	sld [smem:$0x3FA2]  }
0x2a: {  	p0 =	seq.s32 s5, $0x0;
	s5 =	sld [smem:$0x3FA3]  }
0x2b: {  	s6 =	sld [smem:$0x3FA4]  }
0x2c: {  	s7 =	sld [smem:$0x3FA5]  }
0x2d: {  	s3 =	simm.s32 $0x108;
	s8 =	sld [smem:$0x3FA6]  }
0x2e: {  	s3 =	simm.s32 @!p0 $0x1082;
	s9 =	sld [smem:$0x3FA7]  }
0x2f: {  	lr =	sadd.s32 s0, s3;
	s0 =	sld [smem:$0x3F9E]  }
0x30: {  	s3 =	sld [smem:$0x3FA1]  }
0x31: {  	[smem:$0x3FAA] =	sst s10  }
0x32: {  	s10 =	sld [smem:$0x3FA8];
	_ =	sdelay $0x3  }
0x33: {  	p0 =	seq.s32 s10, $0x1;
	s10 =	sld [smem:$0x3FAA];
	_ =	sdelay $0x3  }
0x34: {  	[smem:$0x3FAA] =	sst s10  }
0x35: {  	s10 =	sld [smem:$0x3FA9];
	_ =	sdelay $0x3  }
0x36: {  	p1 =	seq.s32 s10, $0x1;
	s10 =	sld [smem:$0x3FAA];
	_ =	sdelay $0x3  }
0x37: {  	[smem:$0x3FAA] =	sst s10  }
0x38: {  	s10 =	sld [smem:$0x3FAB]  }
0x39: {  	_ = 	snop;
	(pc) =	sbr.ind lr, $3  }
0x3a: {  	_ = 	snop  }
0x3b: {  	_ = 	snop  }
0x3c: {  	p2 =	seq.s32 s10, $0x1;
	s10 =	sld [smem:$0x3FAA]  }
0x3d: {  	_ =	shalt  }
0x3e: {  	_ =	shalt  }
0x3f: {  	_ =	shalt  }
0x40: {  	_ =	shalt  }
0x41: {  	_ =	shalt  }
0x42: {  	_ =	shalt  }
0x43: {  	_ =	shalt  }
0x44: {  	_ =	shalt  }
0x45: {  	_ =	shalt  }
0x46: {  	_ =	shalt  }
0x47: {  	_ =	shalt  }
0x48: {  	_ =	shalt  }
0x49: {  	_ =	shalt  }
0x4a: {  	_ =	shalt  }
0x4b: {  	_ =	shalt  }
0x4c: {  	_ =	shalt  }
0x4d: {  	_ =	shalt  }
0x4e: {  	_ =	shalt  }
0x4f: {  	_ =	shalt  }
0x50: {  	_ =	shalt  }
0x51: {  	_ =	shalt  }
0x52: {  	_ =	shalt  }
0x53: {  	_ =	shalt  }
0x54: {  	_ =	shalt  }
0x55: {  	_ =	shalt  }
0x56: {  	_ =	shalt  }
0x57: {  	_ =	shalt  }
0x58: {  	_ =	shalt  }
0x59: {  	_ =	shalt  }
0x5a: {  	_ =	shalt  }
0x5b: {  	_ =	shalt  }
0x5c: {  	_ =	shalt  }
0x5d: {  	_ =	shalt  }
0x5e: {  	_ =	shalt  }
0x5f: {  	_ =	shalt  }
0x60: {  	_ =	shalt  }
0x61: {  	_ =	shalt  }
0x62: {  	_ =	shalt  }
0x63: {  	_ =	shalt  }
0x64: {  	_ =	shalt  }
0x65: {  	_ =	shalt  }
0x66: {  	_ =	shalt  }
0x67: {  	_ =	shalt  }
0x68: {  	_ =	shalt  }
0x69: {  	_ =	shalt  }
0x6a: {  	_ =	shalt  }
0x6b: {  	_ =	shalt  }
0x6c: {  	_ =	shalt  }
0x6d: {  	_ =	shalt  }
0x6e: {  	_ =	shalt  }
0x6f: {  	_ =	shalt  }
0x70: {  	_ =	shalt  }
0x71: {  	_ =	shalt  }
0x72: {  	_ =	shalt  }
0x73: {  	_ =	shalt  }
0x74: {  	_ =	shalt  }
0x75: {  	_ =	shalt  }
0x76: {  	_ =	shalt  }
0x77: {  	_ =	shalt  }
0x78: {  	_ =	shalt  }
0x79: {  	_ =	shalt  }
0x7a: {  	_ =	shalt  }
0x7b: {  	_ =	shalt  }
0x7c: {  	_ =	shalt  }
0x7d: {  	_ =	shalt  }
0x7e: {  	_ =	shalt  }
0x7f: {  	_ =	shalt  }
0x80: {  	_ =	shalt  }
0x81: {  	_ =	shalt  }
0x82: {  	_ =	shalt  }
0x83: {  	_ =	shalt  }
0x84: {  	_ =	shalt  }
0x85: {  	_ =	shalt  }
0x86: {  	_ =	shalt  }
0x87: {  	_ =	shalt  }
.Lfunc_end0:
.L_simem_size_0:
called_computation_lowered:
.L_overlay_start_0:
0x88: {  	s2 =	sld [smem:$0x3FD9]  }
0x89: {  	s3 =	sld [smem:$0x3FFE];
	_ =	sdelay $0x1  }
0x8a: {  	s1 =	srdreg.scid  }
0x8b: {  	s0 =	sand.u32 $0x1, s1  }
0x8c: {  	s17 =	sshll.u32 s0, $0xA;
	s2 =	sadd.s32 s3, s2  }
0x8d: {  	s2 =	sadd.s32 s2, s17  }
0x8e: {  	[smem:$0x3FB6] =	sst s2  }
0x8f: {  	_ = 	snop  }
0x90: {  	s2 =	sld [smem:$0x3FD0];
	(tm) =	ssettm $0x1  }
0x91: {  	s18 =	sld [smem:$0x3FFB];
	_ =	sdelay $0x3  }
0x92: {  	_ =	strace s18  }
0x93: {  	s3 =	sld [smem:$0x3FFC];
	_ =	sdelay $0x3  }
0x94: {  	_ =	strace s3  }
0x95: {  	s3 =	sld [smem:$0x3FFD];
	_ =	sdelay $0x3  }
0x96: {  	_ =	strace s3  }
0x97: {  	_ =	strace $0x8FFFFFFF  }
0x98: {  	s19 =	sld [smem:$0x3FDB];
	_ =	sdelay $0x1  }
0x99: {  	s4 =	simm.s32 $_scs_section_size  }
0x9a: {  	s5 =	simm.s32 $_size__tile_overlayer_lowered;
	s6 =	simm.s32 $_tile_overlayer_lowered  }
0x9b: {  	s22 =	simm.s32 $0x1BFF;
	s21 =	sshll.u32 s6, $0x1;
	s3 =	sadd.s32 s4, s19  }
0x9c: {  	s7 =	simm.s32 $0x0;
	s20 =	sshll.u32 s5, $0x1;
	s5 =	sadd.s32 s21, s3  }
0x9d: {  	[timem:s7], [sflag:s22] =	dma.local [hbm:s5], s20  }
0x9e: {  	_ =	swait.ge [sflag:s22], s20  }
0x9f: {  	s4 =	ssub.s32 $0x0, s20;
	[sflag:s22] =	ssyncset.done $0x0  }
0xa0: {  	[sflag:s22] =	ssyncadd.s32 s4;
	_ =	sdelay $0x1  }
0xa1: {  	s23 =	simm.s32 $0x1B8B  }
0xa2: {  	_ =	swait.ge [sflag:s23], $0x1  }
0xa3: {  	[sflag:s23] =	ssyncset.done $0x0  }
0xa4: {  	s25 =	simm.s32 $0x1B8E;
	s24 =	sld [smem:$0x3FFE];
	[sflag:s23] =	ssyncadd.s32 $0xFFFFFFFF  }
0xa5: {  	s26 =	simm.s32 $execute0_lowered;
	[smem:$0x3FD2] =	sst s25  }
0xa6: {  	s5 =	sshll.u32 s26, $0x1;
	_ =	strace $0x80000046;
	[dreg:$0x1] =	wrdreg $0xFFFFFFFF  }
0xa7: {  	s28 =	simm.s32 $_size_execute0_lowered;
	s3 =	sadd.s32 s3, s5;
	[dreg:$0x0] =	wrdreg $0x0  }
0xa8: {  	s5 =	sshll.u32 s28, $0x1;
	[dreg:$0x2] =	wrdreg s3  }
0xa9: {  	[dreg:$0x3] =	wrdreg s5  }
0xaa: {  	[dreg:$0x4] =	wrdreg $0xC0  }
0xab: {  	_ =	task [dreg:s7], $0x5FFFF  }
0xac: {  	[dreg:$0x1] =	wrdreg $0xFFFFFFFF  }
0xad: {  	[dreg:$0x0] =	wrdreg $0x60  }
0xae: {  	[dreg:$0x2] =	wrdreg s24  }
0xaf: {  	[dreg:$0x3] =	wrdreg s2  }
0xb0: {  	[dreg:$0x4] =	wrdreg $0x0  }
0xb1: {  	[dreg:$0x5] =	wrdreg $0x9  }
0xb2: {  	_ =	task.clear_ibuf [dreg:s7], $0x6FFFF;
	_ =	strace $0x90000046  }
0xb3: {  	s29 =	simm.s32 $0x9;
	_ =	strace $0x80000048  }
0xb4: {  	_ =	swait.ge [sflag:s29], $0x1  }
0xb5: {  	[sflag:s29] =	ssyncadd.s32 $0xFFFFFFFF  }
0xb6: {  	_ =	strace $0x90000048  }
0xb7: {  	_ =	sfence  }
0xb8: {  	s30 =	sld [smem:$0x0];
	_ =	sdelay $0x2  }
0xb9: {  	s31 =	sshll.u32 s1, $0xD;
	s1 =	sshrl.u32 s1, $0x2  }
0xba: {  	s3 =	sand.u32 $0x4000, s31;
	s1 =	sadd.s32 s1, s30  }
0xbb: {  	s0 =	sor.u32 s3, s0;
	s1 =	sshll.u32 s1, $0x11  }
0xbc: {  	s0 =	sor.u32 s1, s0  }
0xbd: {  	s0 =	sadd.s32 $0x8F2B, s0  }
0xbe: {  	[sflag:s0] =	ssyncadd.remote.s32 $0x1  }
0xbf: {  	_ =	sfence.sel $0xFFFF  }
0xc0: {  	[dreg:$0x0] =	wrdreg $0xFFFFFFFF;
	(pc) =	sbr.abs _section_cstart, $3  }
0xc1: {  	[dreg:$0x1] =	wrdreg $0xFFFFFFFF  }
0xc2: {  	_ =	task.clear_ibuf [dreg:s7], $0x2FFFF;
	_ =	strace $0x9FFFFFFF  }
0xc3: {  	(tm) =	ssettm $0x7FFFFFFF  }
tec
execute0_lowered:
.L_overlay_start_1:
0x0: {  	(tag) =	ssettag $0x1  }
0x1: {  	s4 =	rddreg [dreg:$0x0]  }
0x2: {  	s8 =	rddreg [dreg:$0x1]  }
0x3: {  	s1 =	srdreg.scid;
	s0 =	stileid.u32  }
0x4: {  	s2 =	rddreg [dreg:$0x2];
	s3 =	simm.s32 $0x0;
	s13 =	simm.s32 $0x80  }
0x5: {  	s14 =	simm.s32 $0x1500;
	s15 =	simm.s32 $0x1;
	s16 =	simm.s32 $0x2  }
0x6: {  	s17 =	simm.s32 $0x100;
	s18 =	simm.s32 $0x0;
	s6 =	smul.u32 $0x1400, s0  }
0x7: {  	s5 =	sand.u32 $0x1, s1;
	s1 =	rddreg [dreg:$0x3];
	s10 =	smul.u32 $0xA000, s0  }
0x8: {  	[smem:$0x7FF] =	sst s3;
	s12 =	smul.u32 $0xA00, s0;
	s4 =	sadd.s32 $0x2C00, s4  }
0x9: {  	s7 =	smul.u32 $0xA0000, s5;
	s9 =	ssub.s32 $0x2, s5;
	_ =	strace $0x80000047  }
0xa: {  	s30 =	sshll.u32 s5, $0x7;
	s11 =	sshrl.u32 s9, $0x1;
	s6 =	sshrl.u32 s6, $0x2  }
0xb: {  	s31 =	sor.u32 s30, s12;
	s12 =	simm.s32 $0x500;
	s9 =	ssub.s32 s9, s11  }
0xc: {  	s5 =	sadd.s32 s10, s7;
	s6 =	sadd.s32 s6, s2;
	s11 =	sshrl.u32 s31, $0x3  }
0xd: {  	s10 =	sshrl.u32 s5, $0x3;
	s8 =	sadd.s32 s8, s11;
	s9 =	smax.u32 s9, $0x1  }
0xe: {  	v0 =	vimm.f32 $1.000000000e+00;
	v1 =	vimm.f32 $0.0e+00;
	s11 =	simm.s32 $0x3;
	s7 =	sadd.s32 s4, s10;
	s10 =	simm.s32 $0x1580  }
.LBB2_1:
0xf: {  	[tilespmem:$0x1500] =	vst v0  }
0x10: {  	[tilespmem:$0x1510] =	vst v0  }
0x11: {  	[tilespmem:$0x1520] =	vst v0  }
0x12: {  	[tilespmem:$0x1530] =	vst v0  }
0x13: {  	[tilespmem:$0x1540] =	vst v0  }
0x14: {  	[tilespmem:$0x1550] =	vst v0  }
0x15: {  	[tilespmem:$0x1560] =	vst v0  }
0x16: {  	[tilespmem:$0x1570] =	vst v0;
	s19 =	simm.s32 $0x40;
	s20 =	simm.s32 $0x0  }
.LBB2_2:
0x17: {  	p0 =	sne.s32 s19, $0x13C0;
	[tilespmem:s20+$0x1580] =	vst v1;
	s20 =	smov.u32 s19;
	s19 =	sadd.s32 $0x40, s19  }
.Ltmp0:
0x18: {  	(pc) =	sbr.rel @p0 .LBB2_2-.Ltmp0, $2  }
0x19: {  	_ =	sdelay $0x2  }
0x1a: {  	s20 =	sshra.s32 s20, $0x2  }
0x1b: {  	[tilespmem:s20+$0x1580] =	vst v1  }
0x1c: {  	[spmem:s6] =	stream.linear.scatter [tilespmem:s10], [sflag:$0x3], $0x500, $0x38;
	[tilespmem:$0x1A80] =	vst v63  }
0x1d: {  	_ =	swait.ge [sflag:s11], $0x500  }
0x1e: {  	s22 =	simm.s32 $0x1;
	[sflag:s11] =	ssyncset.done $0x0  }
0x1f: {  	s20 =	smin.u32 s22, $0x13;
	[sflag:s11] =	ssyncadd.s32 $0xFFFFFB00  }
0x20: {  	s19 =	simm.s32 $0x0;
	s20 =	sshll.u32 s20, $0xB;
	[bflag:$0x0] =	sbarrier.arrive $0xFFFF  }
0x21: {  	[tilespmem:s12], [sflag:$0x3] =	stream.linear.gather [hbm4b:s7+s19], $0x800, $0x38;
	[tilespmem:$0x1A80] =	vst v63  }
0x22: {  	s20 =	sadd.s32 s20, s5;
	_ =	swait.ge [sflag:s11], $0x800  }
0x23: {  	s20 =	sshrl.u32 s20, $0x3;
	s19 =	sand.u32 $0x800, s19;
	[sflag:s11] =	ssyncset.done $0x0  }
0x24: {  	s20 =	sadd.s32 s4, s20;
	s21 =	sxor.u32 $0xD00, s19;
	[sflag:s11] =	ssyncadd.s32 $0xFFFFF800  }
0x25: {  	[tilespmem:s21], [sflag:$0x2] =	stream.linear.gather [hbm4b:s20+s3], $0x800, $0x38;
	[tilespmem:$0x1A80] =	vst v63  }
0x26: {  	s23 =	sor.u32 $0x500, s19  }
0x27: {  	[spmem:s2] =	stream.indirect.scatter.add.f32 [tilespmem:s14], [sflag:$0x1], $0x1, s23, s13, $0xb8;
	[tilespmem:$0x1A80] =	vst v63  }
0x28: {  	s24 =	sor.u32 $0x580, s19  }
0x29: {  	[spmem:s2] =	stream.indirect.scatter.add.f32 [tilespmem:s14], [sflag:$0x1], $0x1, s24, s13, $0xb8;
	[tilespmem:$0x1A80] =	vst v63  }
0x2a: {  	s25 =	sor.u32 $0x600, s19  }
0x2b: {  	[spmem:s2] =	stream.indirect.scatter.add.f32 [tilespmem:s14], [sflag:$0x1], $0x1, s25, s13, $0xb8;
	[tilespmem:$0x1A80] =	vst v63  }
0x2c: {  	s26 =	sor.u32 $0x680, s19  }
0x2d: {  	[spmem:s2] =	stream.indirect.scatter.add.f32 [tilespmem:s14], [sflag:$0x1], $0x1, s26, s13, $0xb8;
	[tilespmem:$0x1A80] =	vst v63  }
0x2e: {  	s28 =	sor.u32 $0x700, s19  }
0x2f: {  	[spmem:s2] =	stream.indirect.scatter.add.f32 [tilespmem:s14], [sflag:$0x1], $0x1, s28, s13, $0xb8;
	[tilespmem:$0x1A80] =	vst v63  }
0x30: {  	s29 =	sor.u32 $0x780, s19  }
0x31: {  	[spmem:s2] =	stream.indirect.scatter.add.f32 [tilespmem:s14], [sflag:$0x1], $0x1, s29, s13, $0xb8;
	[tilespmem:$0x1A80] =	vst v63  }
0x32: {  	s30 =	sadd.s32 $0x800, s19  }
0x33: {  	[spmem:s2] =	stream.indirect.scatter.add.f32 [tilespmem:s14], [sflag:$0x1], $0x1, s30, s13, $0xb8;
	[tilespmem:$0x1A80] =	vst v63  }
0x34: {  	s31 =	sadd.s32 $0x880, s19  }
0x35: {  	[spmem:s2] =	stream.indirect.scatter.add.f32 [tilespmem:s14], [sflag:$0x1], $0x1, s31, s13, $0xb8;
	[tilespmem:$0x1A80] =	vst v63  }
0x36: {  	s21 =	sadd.s32 $0x900, s19  }
0x37: {  	[spmem:s2] =	stream.indirect.scatter.add.f32 [tilespmem:s14], [sflag:$0x1], $0x1, s21, s13, $0xb8;
	[tilespmem:$0x1A80] =	vst v63  }
0x38: {  	s22 =	sadd.s32 $0x980, s19  }
0x39: {  	[spmem:s2] =	stream.indirect.scatter.add.f32 [tilespmem:s14], [sflag:$0x1], $0x1, s22, s13, $0xb8;
	[tilespmem:$0x1A80] =	vst v63  }
0x3a: {  	s23 =	sadd.s32 $0xA00, s19  }
0x3b: {  	[spmem:s2] =	stream.indirect.scatter.add.f32 [tilespmem:s14], [sflag:$0x1], $0x1, s23, s13, $0xb8;
	[tilespmem:$0x1A80] =	vst v63  }
0x3c: {  	s24 =	sadd.s32 $0xA80, s19  }
0x3d: {  	[spmem:s2] =	stream.indirect.scatter.add.f32 [tilespmem:s14], [sflag:$0x1], $0x1, s24, s13, $0xb8;
	[tilespmem:$0x1A80] =	vst v63  }
0x3e: {  	s25 =	sadd.s32 $0xB00, s19  }
0x3f: {  	[spmem:s2] =	stream.indirect.scatter.add.f32 [tilespmem:s14], [sflag:$0x1], $0x1, s25, s13, $0xb8;
	[tilespmem:$0x1A80] =	vst v63  }
0x40: {  	s26 =	sadd.s32 $0xB80, s19  }
0x41: {  	[spmem:s2] =	stream.indirect.scatter.add.f32 [tilespmem:s14], [sflag:$0x1], $0x1, s26, s13, $0xb8;
	[tilespmem:$0x1A80] =	vst v63  }
0x42: {  	s28 =	sadd.s32 $0xC00, s19  }
0x43: {  	[spmem:s2] =	stream.indirect.scatter.add.f32 [tilespmem:s14], [sflag:$0x1], $0x1, s28, s13, $0xb8;
	[tilespmem:$0x1A80] =	vst v63  }
0x44: {  	s19 =	sadd.s32 $0xC80, s19  }
0x45: {  	[spmem:s2] =	stream.indirect.scatter.add.f32 [tilespmem:s14], [sflag:$0x1], $0x1, s19, s13, $0xb8;
	[tilespmem:$0x1A80] =	vst v63  }
0x46: {  	_ =	swait.ge [sflag:s15], $0x80  }
0x47: {  	[sflag:s15] =	ssyncset.done $0x0  }
0x48: {  	[sflag:s15] =	ssyncadd.s32 $0xFFFFFF80  }
0x49: {  	_ =	swait.ge [sflag:s15], $0x80  }
0x4a: {  	[sflag:s15] =	ssyncset.done $0x0  }
0x4b: {  	[sflag:s15] =	ssyncadd.s32 $0xFFFFFF80  }
0x4c: {  	_ =	swait.ge [sflag:s15], $0x80  }
0x4d: {  	[sflag:s15] =	ssyncset.done $0x0  }
0x4e: {  	[sflag:s15] =	ssyncadd.s32 $0xFFFFFF80  }
0x4f: {  	_ =	swait.ge [sflag:s15], $0x80  }
0x50: {  	[sflag:s15] =	ssyncset.done $0x0  }
0x51: {  	[sflag:s15] =	ssyncadd.s32 $0xFFFFFF80  }
0x52: {  	_ =	swait.ge [sflag:s15], $0x80  }
0x53: {  	[sflag:s15] =	ssyncset.done $0x0  }
0x54: {  	[sflag:s15] =	ssyncadd.s32 $0xFFFFFF80  }
0x55: {  	_ =	swait.ge [sflag:s15], $0x80  }
0x56: {  	[sflag:s15] =	ssyncset.done $0x0  }
0x57: {  	[sflag:s15] =	ssyncadd.s32 $0xFFFFFF80  }
0x58: {  	_ =	swait.ge [sflag:s15], $0x80  }
0x59: {  	[sflag:s15] =	ssyncset.done $0x0  }
0x5a: {  	[sflag:s15] =	ssyncadd.s32 $0xFFFFFF80  }
0x5b: {  	_ =	swait.ge [sflag:s15], $0x80  }
0x5c: {  	[sflag:s15] =	ssyncset.done $0x0  }
0x5d: {  	[sflag:s15] =	ssyncadd.s32 $0xFFFFFF80  }
0x5e: {  	_ =	swait.ge [sflag:s15], $0x80  }
0x5f: {  	[sflag:s15] =	ssyncset.done $0x0  }
0x60: {  	[sflag:s15] =	ssyncadd.s32 $0xFFFFFF80  }
0x61: {  	_ =	swait.ge [sflag:s15], $0x80  }
0x62: {  	[sflag:s15] =	ssyncset.done $0x0  }
0x63: {  	[sflag:s15] =	ssyncadd.s32 $0xFFFFFF80  }
0x64: {  	_ =	swait.ge [sflag:s15], $0x80  }
0x65: {  	[sflag:s15] =	ssyncset.done $0x0  }
0x66: {  	[sflag:s15] =	ssyncadd.s32 $0xFFFFFF80  }
0x67: {  	_ =	swait.ge [sflag:s15], $0x80  }
0x68: {  	[sflag:s15] =	ssyncset.done $0x0  }
0x69: {  	[sflag:s15] =	ssyncadd.s32 $0xFFFFFF80  }
0x6a: {  	_ =	swait.ge [sflag:s15], $0x80  }
0x6b: {  	[sflag:s15] =	ssyncset.done $0x0  }
0x6c: {  	[sflag:s15] =	ssyncadd.s32 $0xFFFFFF80  }
0x6d: {  	_ =	swait.ge [sflag:s15], $0x80  }
0x6e: {  	[sflag:s15] =	ssyncset.done $0x0  }
0x6f: {  	[sflag:s15] =	ssyncadd.s32 $0xFFFFFF80  }
0x70: {  	_ =	swait.ge [sflag:s15], $0x80  }
0x71: {  	[sflag:s15] =	ssyncset.done $0x0  }
0x72: {  	s29 =	simm.s32 $0x2;
	[sflag:s15] =	ssyncadd.s32 $0xFFFFFF80  }
0x73: {  	s30 =	smin.u32 s29, $0x13;
	_ =	swait.ge [sflag:s15], $0x80  }
0x74: {  	s20 =	sshll.u32 s30, $0xB;
	[sflag:s15] =	ssyncset.done $0x0  }
0x75: {  	s31 =	sadd.s32 s20, s5;
	[sflag:s15] =	ssyncadd.s32 $0xFFFFFF80  }
0x76: {  	s20 =	simm.s32 $0x800;
	s21 =	sshrl.u32 s31, $0x3;
	_ =	swait.ge [sflag:s16], $0x800  }
0x77: {  	s22 =	sand.u32 $0x800, s20;
	s19 =	simm.s32 $0x3;
	[sflag:s16] =	ssyncset.done $0x0  }
.LBB2_4:
0x78: {  	s23 =	sxor.u32 $0xD00, s22  }
0x79: {  	s24 =	sadd.s32 s4, s21;
	[sflag:s16] =	ssyncadd.s32 $0xFFFFF800;
	s21 =	smov.u32 s19  }
0x7a: {  	[tilespmem:s23], [sflag:$0x2] =	stream.linear.gather [hbm4b:s24+s3], $0x800, $0x38;
	[tilespmem:$0x1A80] =	vst v63  }
0x7b: {  	p0 =	sne.s32 s19, $0x14;
	s19 =	sadd.s32 $0x1, s19;
	s23 =	sor.u32 $0x500, s22  }
0x7c: {  	[spmem:s2] =	stream.indirect.scatter.add.f32 [tilespmem:s14], [sflag:$0x1], $0x1, s23, s13, $0xb8;
	[tilespmem:$0x1A80] =	vst v63  }
0x7d: {  	s23 =	sor.u32 $0x580, s22  }
0x7e: {  	[spmem:s2] =	stream.indirect.scatter.add.f32 [tilespmem:s14], [sflag:$0x1], $0x1, s23, s13, $0xb8;
	[tilespmem:$0x1A80] =	vst v63  }
0x7f: {  	s23 =	sor.u32 $0x600, s22  }
0x80: {  	[spmem:s2] =	stream.indirect.scatter.add.f32 [tilespmem:s14], [sflag:$0x1], $0x1, s23, s13, $0xb8;
	[tilespmem:$0x1A80] =	vst v63  }
0x81: {  	s23 =	sor.u32 $0x680, s22  }
0x82: {  	[spmem:s2] =	stream.indirect.scatter.add.f32 [tilespmem:s14], [sflag:$0x1], $0x1, s23, s13, $0xb8;
	[tilespmem:$0x1A80] =	vst v63  }
0x83: {  	s23 =	sor.u32 $0x700, s22  }
0x84: {  	[spmem:s2] =	stream.indirect.scatter.add.f32 [tilespmem:s14], [sflag:$0x1], $0x1, s23, s13, $0xb8;
	[tilespmem:$0x1A80] =	vst v63  }
0x85: {  	s23 =	sor.u32 $0x780, s22  }
0x86: {  	[spmem:s2] =	stream.indirect.scatter.add.f32 [tilespmem:s14], [sflag:$0x1], $0x1, s23, s13, $0xb8;
	[tilespmem:$0x1A80] =	vst v63  }
0x87: {  	s23 =	sadd.s32 $0x800, s22  }
0x88: {  	[spmem:s2] =	stream.indirect.scatter.add.f32 [tilespmem:s14], [sflag:$0x1], $0x1, s23, s13, $0xb8;
	[tilespmem:$0x1A80] =	vst v63  }
0x89: {  	s23 =	sadd.s32 $0x880, s22  }
0x8a: {  	[spmem:s2] =	stream.indirect.scatter.add.f32 [tilespmem:s14], [sflag:$0x1], $0x1, s23, s13, $0xb8;
	[tilespmem:$0x1A80] =	vst v63  }
0x8b: {  	s23 =	sadd.s32 $0x900, s22  }
0x8c: {  	[spmem:s2] =	stream.indirect.scatter.add.f32 [tilespmem:s14], [sflag:$0x1], $0x1, s23, s13, $0xb8;
	[tilespmem:$0x1A80] =	vst v63  }
0x8d: {  	s23 =	sadd.s32 $0x980, s22  }
0x8e: {  	[spmem:s2] =	stream.indirect.scatter.add.f32 [tilespmem:s14], [sflag:$0x1], $0x1, s23, s13, $0xb8;
	[tilespmem:$0x1A80] =	vst v63  }
0x8f: {  	s23 =	sadd.s32 $0xA00, s22  }
0x90: {  	[spmem:s2] =	stream.indirect.scatter.add.f32 [tilespmem:s14], [sflag:$0x1], $0x1, s23, s13, $0xb8;
	[tilespmem:$0x1A80] =	vst v63  }
0x91: {  	s23 =	sadd.s32 $0xA80, s22  }
0x92: {  	[spmem:s2] =	stream.indirect.scatter.add.f32 [tilespmem:s14], [sflag:$0x1], $0x1, s23, s13, $0xb8;
	[tilespmem:$0x1A80] =	vst v63  }
0x93: {  	s23 =	sadd.s32 $0xB00, s22  }
0x94: {  	[spmem:s2] =	stream.indirect.scatter.add.f32 [tilespmem:s14], [sflag:$0x1], $0x1, s23, s13, $0xb8;
	[tilespmem:$0x1A80] =	vst v63  }
0x95: {  	s23 =	sadd.s32 $0xB80, s22  }
0x96: {  	[spmem:s2] =	stream.indirect.scatter.add.f32 [tilespmem:s14], [sflag:$0x1], $0x1, s23, s13, $0xb8;
	[tilespmem:$0x1A80] =	vst v63  }
0x97: {  	s23 =	sadd.s32 $0xC00, s22  }
0x98: {  	[spmem:s2] =	stream.indirect.scatter.add.f32 [tilespmem:s14], [sflag:$0x1], $0x1, s23, s13, $0xb8;
	[tilespmem:$0x1A80] =	vst v63  }
0x99: {  	s22 =	sadd.s32 $0xC80, s22  }
0x9a: {  	[spmem:s2] =	stream.indirect.scatter.add.f32 [tilespmem:s14], [sflag:$0x1], $0x1, s22, s13, $0xb8;
	[tilespmem:$0x1A80] =	vst v63  }
0x9b: {  	_ =	swait.ge [sflag:s15], $0x80  }
0x9c: {  	[sflag:s15] =	ssyncset.done $0x0  }
0x9d: {  	[sflag:s15] =	ssyncadd.s32 $0xFFFFFF80  }
0x9e: {  	_ =	swait.ge [sflag:s15], $0x80  }
0x9f: {  	[sflag:s15] =	ssyncset.done $0x0  }
0xa0: {  	[sflag:s15] =	ssyncadd.s32 $0xFFFFFF80  }
0xa1: {  	_ =	swait.ge [sflag:s15], $0x80  }
0xa2: {  	[sflag:s15] =	ssyncset.done $0x0  }
0xa3: {  	[sflag:s15] =	ssyncadd.s32 $0xFFFFFF80  }
0xa4: {  	_ =	swait.ge [sflag:s15], $0x80  }
0xa5: {  	[sflag:s15] =	ssyncset.done $0x0  }
0xa6: {  	[sflag:s15] =	ssyncadd.s32 $0xFFFFFF80  }
0xa7: {  	_ =	swait.ge [sflag:s15], $0x80  }
0xa8: {  	[sflag:s15] =	ssyncset.done $0x0  }
0xa9: {  	[sflag:s15] =	ssyncadd.s32 $0xFFFFFF80  }
0xaa: {  	_ =	swait.ge [sflag:s15], $0x80  }
0xab: {  	[sflag:s15] =	ssyncset.done $0x0  }
0xac: {  	[sflag:s15] =	ssyncadd.s32 $0xFFFFFF80  }
0xad: {  	_ =	swait.ge [sflag:s15], $0x80  }
0xae: {  	[sflag:s15] =	ssyncset.done $0x0  }
0xaf: {  	[sflag:s15] =	ssyncadd.s32 $0xFFFFFF80  }
0xb0: {  	_ =	swait.ge [sflag:s15], $0x80  }
0xb1: {  	[sflag:s15] =	ssyncset.done $0x0  }
0xb2: {  	[sflag:s15] =	ssyncadd.s32 $0xFFFFFF80  }
0xb3: {  	_ =	swait.ge [sflag:s15], $0x80  }
0xb4: {  	[sflag:s15] =	ssyncset.done $0x0  }
0xb5: {  	[sflag:s15] =	ssyncadd.s32 $0xFFFFFF80  }
0xb6: {  	_ =	swait.ge [sflag:s15], $0x80  }
0xb7: {  	[sflag:s15] =	ssyncset.done $0x0  }
0xb8: {  	[sflag:s15] =	ssyncadd.s32 $0xFFFFFF80  }
0xb9: {  	_ =	swait.ge [sflag:s15], $0x80  }
0xba: {  	[sflag:s15] =	ssyncset.done $0x0  }
0xbb: {  	[sflag:s15] =	ssyncadd.s32 $0xFFFFFF80  }
0xbc: {  	_ =	swait.ge [sflag:s15], $0x80  }
0xbd: {  	[sflag:s15] =	ssyncset.done $0x0  }
0xbe: {  	[sflag:s15] =	ssyncadd.s32 $0xFFFFFF80  }
0xbf: {  	_ =	swait.ge [sflag:s15], $0x80  }
0xc0: {  	[sflag:s15] =	ssyncset.done $0x0  }
0xc1: {  	[sflag:s15] =	ssyncadd.s32 $0xFFFFFF80  }
0xc2: {  	_ =	swait.ge [sflag:s15], $0x80  }
0xc3: {  	[sflag:s15] =	ssyncset.done $0x0  }
0xc4: {  	[sflag:s15] =	ssyncadd.s32 $0xFFFFFF80  }
0xc5: {  	_ =	swait.ge [sflag:s15], $0x80  }
0xc6: {  	[sflag:s15] =	ssyncset.done $0x0  }
0xc7: {  	[sflag:s15] =	ssyncadd.s32 $0xFFFFFF80  }
.Ltmp1:
0xc8: {  	_ =	swait.ge [sflag:s15], $0x80;
	(pc) =	sbr.rel @p0 .LBB2_4-.Ltmp1, $4  }
0xc9: {  	s21 =	smin.u32 s21, $0x13;
	[sflag:s15] =	ssyncset.done $0x0  }
0xca: {  	s21 =	sshll.u32 s21, $0xB;
	[sflag:s15] =	ssyncadd.s32 $0xFFFFFF80  }
0xcb: {  	s20 =	sadd.s32 $0x800, s20;
	s21 =	sadd.s32 s21, s5;
	_ =	swait.ge [sflag:s16], $0x800  }
0xcc: {  	s21 =	sshrl.u32 s21, $0x3;
	s22 =	sand.u32 $0x800, s20;
	[sflag:s16] =	ssyncset.done $0x0  }
0xcd: {  	s19 =	sxor.u32 $0xD00, s22;
	s20 =	sadd.s32 s4, s21;
	[sflag:s16] =	ssyncadd.s32 $0xFFFFF800  }
0xce: {  	[tilespmem:s19], [sflag:$0x2] =	stream.linear.gather [hbm4b:s20+s3], $0x800, $0x38;
	[tilespmem:$0x1A80] =	vst v63  }
0xcf: {  	s25 =	sor.u32 $0x500, s22  }
0xd0: {  	[spmem:s2] =	stream.indirect.scatter.add.f32 [tilespmem:s14], [sflag:$0x1], $0x1, s25, s13, $0xb8;
	[tilespmem:$0x1A80] =	vst v63  }
0xd1: {  	s26 =	sor.u32 $0x580, s22  }
0xd2: {  	[spmem:s2] =	stream.indirect.scatter.add.f32 [tilespmem:s14], [sflag:$0x1], $0x1, s26, s13, $0xb8;
	[tilespmem:$0x1A80] =	vst v63  }
0xd3: {  	s28 =	sor.u32 $0x600, s22  }
0xd4: {  	[spmem:s2] =	stream.indirect.scatter.add.f32 [tilespmem:s14], [sflag:$0x1], $0x1, s28, s13, $0xb8;
	[tilespmem:$0x1A80] =	vst v63  }
0xd5: {  	s29 =	sor.u32 $0x680, s22  }
0xd6: {  	[spmem:s2] =	stream.indirect.scatter.add.f32 [tilespmem:s14], [sflag:$0x1], $0x1, s29, s13, $0xb8;
	[tilespmem:$0x1A80] =	vst v63  }
0xd7: {  	s30 =	sor.u32 $0x700, s22  }
0xd8: {  	[spmem:s2] =	stream.indirect.scatter.add.f32 [tilespmem:s14], [sflag:$0x1], $0x1, s30, s13, $0xb8;
	[tilespmem:$0x1A80] =	vst v63  }
0xd9: {  	s31 =	sor.u32 $0x780, s22  }
0xda: {  	[spmem:s2] =	stream.indirect.scatter.add.f32 [tilespmem:s14], [sflag:$0x1], $0x1, s31, s13, $0xb8;
	[tilespmem:$0x1A80] =	vst v63  }
0xdb: {  	s20 =	sadd.s32 $0x800, s22  }
0xdc: {  	[spmem:s2] =	stream.indirect.scatter.add.f32 [tilespmem:s14], [sflag:$0x1], $0x1, s20, s13, $0xb8;
	[tilespmem:$0x1A80] =	vst v63  }
0xdd: {  	s21 =	sadd.s32 $0x880, s22  }
0xde: {  	[spmem:s2] =	stream.indirect.scatter.add.f32 [tilespmem:s14], [sflag:$0x1], $0x1, s21, s13, $0xb8;
	[tilespmem:$0x1A80] =	vst v63  }
0xdf: {  	s23 =	sadd.s32 $0x900, s22  }
0xe0: {  	[spmem:s2] =	stream.indirect.scatter.add.f32 [tilespmem:s14], [sflag:$0x1], $0x1, s23, s13, $0xb8;
	[tilespmem:$0x1A80] =	vst v63  }
0xe1: {  	s24 =	sadd.s32 $0x980, s22  }
0xe2: {  	[spmem:s2] =	stream.indirect.scatter.add.f32 [tilespmem:s14], [sflag:$0x1], $0x1, s24, s13, $0xb8;
	[tilespmem:$0x1A80] =	vst v63  }
0xe3: {  	s25 =	sadd.s32 $0xA00, s22  }
0xe4: {  	[spmem:s2] =	stream.indirect.scatter.add.f32 [tilespmem:s14], [sflag:$0x1], $0x1, s25, s13, $0xb8;
	[tilespmem:$0x1A80] =	vst v63  }
0xe5: {  	s26 =	sadd.s32 $0xA80, s22  }
0xe6: {  	[spmem:s2] =	stream.indirect.scatter.add.f32 [tilespmem:s14], [sflag:$0x1], $0x1, s26, s13, $0xb8;
	[tilespmem:$0x1A80] =	vst v63  }
0xe7: {  	s28 =	sadd.s32 $0xB00, s22  }
0xe8: {  	[spmem:s2] =	stream.indirect.scatter.add.f32 [tilespmem:s14], [sflag:$0x1], $0x1, s28, s13, $0xb8;
	[tilespmem:$0x1A80] =	vst v63  }
0xe9: {  	s29 =	sadd.s32 $0xB80, s22  }
0xea: {  	[spmem:s2] =	stream.indirect.scatter.add.f32 [tilespmem:s14], [sflag:$0x1], $0x1, s29, s13, $0xb8;
	[tilespmem:$0x1A80] =	vst v63  }
0xeb: {  	s30 =	sadd.s32 $0xC00, s22  }
0xec: {  	[spmem:s2] =	stream.indirect.scatter.add.f32 [tilespmem:s14], [sflag:$0x1], $0x1, s30, s13, $0xb8;
	[tilespmem:$0x1A80] =	vst v63  }
0xed: {  	s31 =	sadd.s32 $0xC80, s22  }
0xee: {  	[spmem:s2] =	stream.indirect.scatter.add.f32 [tilespmem:s14], [sflag:$0x1], $0x1, s31, s13, $0xb8;
	[tilespmem:$0x1A80] =	vst v63  }
0xef: {  	_ =	swait.ge [sflag:s15], $0x80  }
0xf0: {  	[sflag:s15] =	ssyncset.done $0x0  }
0xf1: {  	[sflag:s15] =	ssyncadd.s32 $0xFFFFFF80  }
0xf2: {  	_ =	swait.ge [sflag:s15], $0x80  }
0xf3: {  	[sflag:s15] =	ssyncset.done $0x0  }
0xf4: {  	[sflag:s15] =	ssyncadd.s32 $0xFFFFFF80  }
0xf5: {  	_ =	swait.ge [sflag:s15], $0x80  }
0xf6: {  	[sflag:s15] =	ssyncset.done $0x0  }
0xf7: {  	[sflag:s15] =	ssyncadd.s32 $0xFFFFFF80  }
0xf8: {  	_ =	swait.ge [sflag:s15], $0x80  }
0xf9: {  	[sflag:s15] =	ssyncset.done $0x0  }
0xfa: {  	[sflag:s15] =	ssyncadd.s32 $0xFFFFFF80  }
0xfb: {  	_ =	swait.ge [sflag:s15], $0x80  }
0xfc: {  	[sflag:s15] =	ssyncset.done $0x0  }
0xfd: {  	[sflag:s15] =	ssyncadd.s32 $0xFFFFFF80  }
0xfe: {  	_ =	swait.ge [sflag:s15], $0x80  }
0xff: {  	[sflag:s15] =	ssyncset.done $0x0  }
0x100: {  	[sflag:s15] =	ssyncadd.s32 $0xFFFFFF80  }
0x101: {  	_ =	swait.ge [sflag:s15], $0x80  }
0x102: {  	[sflag:s15] =	ssyncset.done $0x0  }
0x103: {  	[sflag:s15] =	ssyncadd.s32 $0xFFFFFF80  }
0x104: {  	_ =	swait.ge [sflag:s15], $0x80  }
0x105: {  	[sflag:s15] =	ssyncset.done $0x0  }
0x106: {  	[sflag:s15] =	ssyncadd.s32 $0xFFFFFF80  }
0x107: {  	_ =	swait.ge [sflag:s15], $0x80  }
0x108: {  	[sflag:s15] =	ssyncset.done $0x0  }
0x109: {  	[sflag:s15] =	ssyncadd.s32 $0xFFFFFF80  }
0x10a: {  	_ =	swait.ge [sflag:s15], $0x80  }
0x10b: {  	[sflag:s15] =	ssyncset.done $0x0  }
0x10c: {  	[sflag:s15] =	ssyncadd.s32 $0xFFFFFF80  }
0x10d: {  	_ =	swait.ge [sflag:s15], $0x80  }
0x10e: {  	[sflag:s15] =	ssyncset.done $0x0  }
0x10f: {  	[sflag:s15] =	ssyncadd.s32 $0xFFFFFF80  }
0x110: {  	_ =	swait.ge [sflag:s15], $0x80  }
0x111: {  	[sflag:s15] =	ssyncset.done $0x0  }
0x112: {  	[sflag:s15] =	ssyncadd.s32 $0xFFFFFF80  }
0x113: {  	_ =	swait.ge [sflag:s15], $0x80  }
0x114: {  	[sflag:s15] =	ssyncset.done $0x0  }
0x115: {  	[sflag:s15] =	ssyncadd.s32 $0xFFFFFF80  }
0x116: {  	_ =	swait.ge [sflag:s15], $0x80  }
0x117: {  	[sflag:s15] =	ssyncset.done $0x0  }
0x118: {  	[sflag:s15] =	ssyncadd.s32 $0xFFFFFF80  }
0x119: {  	_ =	swait.ge [sflag:s15], $0x80  }
0x11a: {  	[sflag:s15] =	ssyncset.done $0x0  }
0x11b: {  	[sflag:s15] =	ssyncadd.s32 $0xFFFFFF80  }
0x11c: {  	_ =	swait.ge [sflag:s15], $0x80  }
0x11d: {  	[sflag:s15] =	ssyncset.done $0x0  }
0x11e: {  	[sflag:s15] =	ssyncadd.s32 $0xFFFFFF80  }
0x11f: {  	_ =	swait.ge [sflag:s16], $0x800  }
0x120: {  	[sflag:s16] =	ssyncset.done $0x0  }
0x121: {  	[sflag:s16] =	ssyncadd.s32 $0xFFFFF800  }
0x122: {  	[bflag:$0x0] =	sbarrier.arrive $0xFFFF  }
0x123: {  	[tilespmem:s10], [sflag:$0x3] =	stream.linear.gather [spmem:s6], $0x500, $0x38;
	[tilespmem:$0x1A80] =	vst v63  }
0x124: {  	s18 =	sadd.s32 $0x1, s18;
	_ =	swait.ge [sflag:s11], $0x500  }
0x125: {  	p0 =	sne.s32 s18, s9;
	[sflag:s11] =	ssyncset.done $0x0  }
.Ltmp2:
0x126: {  	[sflag:s11] =	ssyncadd.s32 $0xFFFFFB00;
	(pc) =	sbr.rel @p0 .LBB2_1-.Ltmp2, $4  }
0x127: {  	[hbm4b:s8+s13] =	stream.strided.scatter [tilespmem:s10], [sflag:$0x3], $0x500, s17, s13, $0x38;
	[tilespmem:$0x1A80] =	vst v63  }
0x128: {  	_ =	swait.ge [sflag:s11], $0x500  }
0x129: {  	[sflag:s11] =	ssyncset.done $0x0  }
0x12a: {  	[sflag:s11] =	ssyncadd.s32 $0xFFFFFB00  }
0x12b: {  	_ =	sfence.sel $0x180000  }
0x12c: {  	[bflag:$0x0] =	sbarrier.arrive $0xFFFF  }
0x12d: {  	p0 =	sne.s32 s0, $0x0;
	_ =	strace $0x90000047  }
0x12e: {  	s0 =	sadd.s32 @!p0 $0x100000, s1;
	[bflag:$0x2] =	sbarrier.arrive $0xFFFF  }
0x12f: {  	[sflag:s0] =	ssyncadd.tile.s32 @!p0 $0x1;
	_ =	shalt  }
.Lfunc_end2:
_tile_overlayer_lowered:
.L_overlay_start_2:
0x130: {  	(tag) =	ssettag $0x2  }
0x131: {  	s0 =	rddreg [dreg:$0x0];
	s2 =	stileid.u32  }
0x132: {  	s1 =	rddreg [dreg:$0x1];
	p0 =	sne.s32 s2, $0x0  }
0x133: {  	s3 =	rddreg [dreg:$0x2];
	[bflag:$0x3] =	sbarrier.arrive $0xFFFF;
	s2 =	simm.s32 @!p0 $0x1C03  }
0x134: {  	[timem:s3], [sflag:s2] =	dma.local @!p0 [hbm:s0], s1  }
0x135: {  	s0 =	simm.s32 @!p0 $0x3  }
0x136: {  	_ =	swait.ge @!p0 [sflag:s0], s1  }
0x137: {  	s1 =	ssub.s32 @!p0 $0x0, s1;
	[sflag:s0] =	ssyncset.done @!p0 $0x0  }
0x138: {  	[sflag:s0] =	ssyncadd.s32 @!p0 s1  }
0x139: {  	[bflag:$0x3] =	sbarrier.arrive $0xFFFF  }
0x13a: {  	_ =	shalt  }

</sc_bundles>
